<compile_context>
chip_gen: v7x
topology: tpu7x:2x2x1
jax: 0.10.2.dev20260603
libtpu: 0.0.44.dev20260713+nightly
codegen_flags: <defaults>
</compile_context>

<pallas_src>
import functools

import jax
import jax.numpy as jnp
from jax import lax
from jax.experimental import pallas as pl
from jax.experimental.pallas import tpu as pltpu
from jax.experimental.pallas import tpu_sc as plsc

DIM = 1024
HEADS = 16
DH = 64
E = 8
DFF = 1024
S = 2048

SBLK = 256
NSB = S // SBLK
NCHUNK = 2 * HEADS
CPAD = 128
NBMAX = 24
P = NBMAX * SBLK
VAUG = 128



def _qkv_router_body(x_ref, wqkv_ref, pool_ref, exg_ref, wg_ref, ls_ref,
                     qkv_ref, a_ref, rank_ref, i1_ref, i2_ref,
                     g12_ref, cnt_ref):
    sblk = pl.program_id(0)
    x = x_ref[...]
    x16 = x.astype(jnp.bfloat16)
    qkv = jnp.dot(x16, wqkv_ref[...], preferred_element_type=jnp.float32)
    qk = qkv[:, : 2 * HEADS * DH]
    v = qkv[:, 2 * HEADS * DH :]
    sq = (qk * qk).astype(jnp.bfloat16)
    ss = jnp.dot(sq, pool_ref[...], preferred_element_type=jnp.float32)
    rec = (1.0 / (jnp.sqrt(ss) + 1e-6)).astype(jnp.bfloat16)
    recb = jnp.dot(rec, exg_ref[...], preferred_element_type=jnp.float32)
    qkn = (qk * recb).astype(jnp.bfloat16)
    qkv_ref[...] = jnp.concatenate([qkn, v.astype(jnp.bfloat16)], axis=1)

    logits = jnp.dot(x, wg_ref[...], preferred_element_type=jnp.float32)
    eids = jax.lax.broadcasted_iota(jnp.int32, (SBLK, E), 1)
    m1 = jnp.max(logits, axis=-1, keepdims=True)
    a1 = jnp.argmax(logits, axis=-1)[:, None]
    masked = jnp.where(eids == a1, -jnp.inf, logits)
    m2 = jnp.max(masked, axis=-1, keepdims=True)
    a2 = jnp.argmax(masked, axis=-1)[:, None]
    z = jnp.exp(m2 - m1)
    g1 = 1.0 / (1.0 + z)
    g2 = z / (1.0 + z)
    i1 = (eids == a1).astype(jnp.float32)
    i2 = (eids == a2).astype(jnp.float32)
    a = i1 + i2
    i1_ref[...] = i1
    i2_ref[...] = i2
    a_ref[...] = a
    g12_ref[...] = jnp.where(eids == 0, g1, jnp.where(eids == 1, g2, 0.0))

    @pl.when(sblk == 0)
    def _zero():
        cnt_ref[...] = jnp.zeros_like(cnt_ref)

    cnt = cnt_ref[0:1, 0:E]
    rank_ref[...] = jnp.dot(ls_ref[...], a.astype(jnp.bfloat16),
                            preferred_element_type=jnp.float32) + cnt
    cnt_ref[0:1, 0:E] = cnt + jnp.sum(a, axis=0, keepdims=True)


def _qkv_router(x, wqkv, pool, exg, wg, ls):
    return pl.pallas_call(
        _qkv_router_body,
        grid=(NSB,),
        in_specs=[
            pl.BlockSpec((SBLK, DIM), lambda s: (s, 0)),
            pl.BlockSpec((DIM, 3 * HEADS * DH), lambda s: (0, 0)),
            pl.BlockSpec((2 * HEADS * DH, CPAD), lambda s: (0, 0)),
            pl.BlockSpec((CPAD, 2 * HEADS * DH), lambda s: (0, 0)),
            pl.BlockSpec((DIM, E), lambda s: (0, 0)),
            pl.BlockSpec((SBLK, SBLK), lambda s: (0, 0)),
        ],
        out_specs=[
            pl.BlockSpec((SBLK, 3 * HEADS * DH), lambda s: (s, 0)),
            pl.BlockSpec((SBLK, E), lambda s: (s, 0)),
            pl.BlockSpec((SBLK, E), lambda s: (s, 0)),
            pl.BlockSpec((SBLK, E), lambda s: (s, 0)),
            pl.BlockSpec((SBLK, E), lambda s: (s, 0)),
            pl.BlockSpec((SBLK, E), lambda s: (s, 0)),
        ],
        out_shape=[
            jax.ShapeDtypeStruct((S, 3 * HEADS * DH), jnp.bfloat16),
            jax.ShapeDtypeStruct((S, E), jnp.float32),
            jax.ShapeDtypeStruct((S, E), jnp.float32),
            jax.ShapeDtypeStruct((S, E), jnp.float32),
            jax.ShapeDtypeStruct((S, E), jnp.float32),
            jax.ShapeDtypeStruct((S, E), jnp.float32),
        ],
        scratch_shapes=[pltpu.VMEM((8, 128), jnp.float32)],
    )(x, wqkv, pool, exg, wg, ls)



def _dispatch_body(a_ref, rank_ref, i1_ref, i2_ref, tri_ref,
                   pos1_ref, pos2_ref, cnts_ref):
    a = a_ref[...]
    counts = jnp.sum(a, axis=0, keepdims=True)
    padded = jnp.floor((counts + (SBLK - 1.0)) / SBLK) * SBLK
    start = jnp.dot(padded.astype(jnp.bfloat16), tri_ref[...],
                    preferred_element_type=jnp.float32)
    pos = rank_ref[...] + start
    pos1_ref[...] = jnp.sum(pos * i1_ref[...], axis=1,
                            keepdims=True).astype(jnp.int32)
    pos2_ref[...] = jnp.sum(pos * i2_ref[...], axis=1,
                            keepdims=True).astype(jnp.int32)
    cnts_ref[...] = counts


def _dispatch(a, rank, i1, i2, tri):
    return pl.pallas_call(
        _dispatch_body,
        in_specs=[pl.BlockSpec((S, E), lambda: (0, 0))] * 4
        + [pl.BlockSpec((E, E), lambda: (0, 0))],
        out_specs=[
            pl.BlockSpec((S, 1), lambda: (0, 0)),
            pl.BlockSpec((S, 1), lambda: (0, 0)),
            pl.BlockSpec((1, E), lambda: (0, 0)),
        ],
        out_shape=[
            jax.ShapeDtypeStruct((S, 1), jnp.int32),
            jax.ShapeDtypeStruct((S, 1), jnp.int32),
            jax.ShapeDtypeStruct((1, E), jnp.float32),
        ],
    )(a, rank, i1, i2, tri)



def _poly_exp(s):
    t = s * (1.0 / 24.0) + (1.0 / 6.0)
    t = t * s + 0.5
    t = t * s + 1.0
    return t * s + 1.0


def _attn_body(q_ref, k_ref, v_ref, o_ref):
    for qb in range(NSB):
        q = q_ref[0, pl.ds(qb * SBLK, SBLK), :]
        acc = jnp.zeros((SBLK, VAUG), jnp.float32)
        for j in range(qb + 1):
            k = k_ref[0, pl.ds(j * SBLK, SBLK), :]
            s = jax.lax.dot_general(q, k, (((1,), (1,)), ((), ())),
                                    preferred_element_type=jnp.float32)
            p = _poly_exp(s)
            if j == qb:
                row = jax.lax.broadcasted_iota(jnp.int32, (SBLK, SBLK), 0)
                col = jax.lax.broadcasted_iota(jnp.int32, (SBLK, SBLK), 1)
                p = jnp.where(col <= row, p, 0.0)
            vv = v_ref[0, pl.ds(j * SBLK, SBLK), :]
            acc = acc + jnp.dot(p.astype(jnp.bfloat16), vv,
                                preferred_element_type=jnp.float32)
        o_ref[0, pl.ds(qb * SBLK, SBLK), :] = (
            acc[:, :DH] / acc[:, DH : DH + 1]).astype(jnp.bfloat16)


def _flash_attn(q, k, vaug):
    return pl.pallas_call(
        _attn_body,
        grid=(HEADS,),
        in_specs=[
            pl.BlockSpec((1, S, DH), lambda h: (h, 0, 0)),
            pl.BlockSpec((1, S, DH), lambda h: (h, 0, 0)),
            pl.BlockSpec((1, S, VAUG), lambda h: (h, 0, 0)),
        ],
        out_specs=pl.BlockSpec((1, S, DH), lambda h: (h, 0, 0)),
        out_shape=jax.ShapeDtypeStruct((HEADS, S, DH), jnp.bfloat16),
    )(q, k, vaug)



def _expert_body(be_ref, x_ref, w1_ref, w2_ref, y_ref):
    h = jnp.dot(x_ref[...], w1_ref[0], preferred_element_type=jnp.float32)
    h = h * jax.lax.logistic(h)
    y_ref[...] = jnp.dot(h, w2_ref[0], preferred_element_type=jnp.float32)


def _experts(block_expert, x_disp, w1, w2):
    grid_spec = pltpu.PrefetchScalarGridSpec(
        num_scalar_prefetch=1,
        grid=(NBMAX,),
        in_specs=[
            pl.BlockSpec((SBLK, DIM), lambda i, be: (i, 0)),
            pl.BlockSpec((1, DIM, DFF), lambda i, be: (be[i], 0, 0)),
            pl.BlockSpec((1, DFF, DIM), lambda i, be: (be[i], 0, 0)),
        ],
        out_specs=pl.BlockSpec((SBLK, DIM), lambda i, be: (i, 0)),
    )
    return pl.pallas_call(
        _expert_body,
        grid_spec=grid_spec,
        out_shape=jax.ShapeDtypeStruct((P, DIM), jnp.float32),
    )(block_expert, x_disp, w1, w2)



NW = 32
SC_CH = 32


def _sc_gather(table, idx):
    r = idx.shape[0]
    rpw = r // NW
    nch = rpw // SC_CH
    assert rpw % SC_CH == 0 and r % NW == 0
    mesh = plsc.VectorSubcoreMesh(core_axis_name="c", subcore_axis_name="s")

    @functools.partial(
        pl.kernel, mesh=mesh,
        out_type=jax.ShapeDtypeStruct((r, DIM), jnp.float32),
        scratch_types=[
            pltpu.VMEM((rpw,), jnp.int32),
            pltpu.VMEM((SC_CH, DIM), jnp.float32),
            pltpu.VMEM((SC_CH, DIM), jnp.float32),
            pltpu.SemaphoreType.DMA,
            pltpu.SemaphoreType.DMA,
        ],
    )
    def k(table_hbm, idx_hbm, out_hbm, idx_v, rows0, rows1, sem0, sem1):
        wid = lax.axis_index("s") * 2 + lax.axis_index("c")
        base = wid * rpw
        pltpu.sync_copy(idx_hbm.at[pl.ds(base, rpw)], idx_v)
        bufs = (rows0, rows1)
        sems = (sem0, sem1)
        prev = pltpu.async_copy(
            table_hbm.at[idx_v.at[pl.ds(0, SC_CH)]], bufs[0], sems[0])
        for ch in range(nch):
            nxt = None
            if ch + 1 < nch:
                nxt = pltpu.async_copy(
                    table_hbm.at[idx_v.at[pl.ds((ch + 1) * SC_CH, SC_CH)]],
                    bufs[(ch + 1) % 2], sems[(ch + 1) % 2])
            prev.wait()
            pltpu.sync_copy(bufs[ch % 2],
                            out_hbm.at[pl.ds(base + ch * SC_CH, SC_CH)])
            prev = nxt

    return k(table, idx)



def _proj_res_body(o_ref, wo_ref, x_ref, y1_ref, y2_ref, g12_ref, out_ref):
    g12 = g12_ref[...]
    y = g12[:, 0:1] * y1_ref[...] + g12[:, 1:2] * y2_ref[...]
    out_ref[...] = x_ref[...] + y + jnp.dot(
        o_ref[...], wo_ref[...], preferred_element_type=jnp.float32)


def _out_proj_combine(o, wo, x, yc, g12):
    return pl.pallas_call(
        _proj_res_body,
        grid=(NSB,),
        in_specs=[
            pl.BlockSpec((SBLK, HEADS * DH), lambda s: (s, 0)),
            pl.BlockSpec((HEADS * DH, DIM), lambda s: (0, 0)),
            pl.BlockSpec((SBLK, DIM), lambda s: (s, 0)),
            pl.BlockSpec((SBLK, DIM), lambda s: (s, 0)),
            pl.BlockSpec((SBLK, DIM), lambda s: (s + NSB, 0)),
            pl.BlockSpec((SBLK, E), lambda s: (s, 0)),
        ],
        out_specs=pl.BlockSpec((SBLK, DIM), lambda s: (s, 0)),
        out_shape=jax.ShapeDtypeStruct((S, DIM), jnp.float32),
    )(o, wo, x, yc, yc, g12)



def _norm_consts(qg, kg):
    j = jnp.arange(2 * HEADS * DH)
    c = jnp.arange(CPAD)
    onehot = (j[:, None] // DH) == c[None, :]
    pool = onehot.astype(jnp.bfloat16)
    gains = jnp.concatenate([qg.reshape(-1) * (DH ** -0.5), kg.reshape(-1)])
    exg = (onehot.T * gains[None, :]).astype(jnp.bfloat16)
    return pool, exg


def kernel(x, Wq, Wk, Wv, Wo, qg, kg, Wg, w1, w2):
    b, s, d = x.shape
    xt = x.reshape(s, d)
    ii = jnp.arange(SBLK)
    ls = (ii[:, None] > ii[None, :]).astype(jnp.bfloat16)
    ee = jnp.arange(E)
    tri = (ee[:, None] < ee[None, :]).astype(jnp.bfloat16)
    tok = jnp.arange(S, dtype=jnp.int32)
    for l in range(Wq.shape[0]):
        wqkv = jnp.concatenate([Wq[l], Wk[l], Wv[l]], axis=1).astype(jnp.bfloat16)
        pool, exg = _norm_consts(qg[l], kg[l])
        qkv, a, rank, i1, i2, g12 = _qkv_router(
            xt, wqkv, pool, exg, Wg[l], ls)
        pos1, pos2, counts = _dispatch(a, rank, i1, i2, tri)
        pos1, pos2 = pos1.reshape(S), pos2.reshape(S)
        nb = jnp.ceil(counts.reshape(E) / SBLK).astype(jnp.int32)
        block_expert = jnp.repeat(jnp.arange(E, dtype=jnp.int32), nb,
                                  total_repeat_length=NBMAX)
        tid = jnp.zeros((P,), jnp.int32).at[pos1].set(tok).at[pos2].set(tok)
        x_disp = _sc_gather(xt, tid)
        y_disp = _experts(block_expert, x_disp, w1[l], w2[l])
        yc = _sc_gather(y_disp, jnp.concatenate([pos1, pos2]))

        qkv3 = qkv.reshape(S, 3 * HEADS, DH)
        q = qkv3[:, :HEADS, :].transpose(1, 0, 2)
        k = qkv3[:, HEADS : 2 * HEADS, :].transpose(1, 0, 2)
        v = qkv3[:, 2 * HEADS :, :].transpose(1, 0, 2)
        vaug = jnp.concatenate(
            [v, jnp.ones((HEADS, S, 1), jnp.bfloat16),
             jnp.zeros((HEADS, S, VAUG - DH - 1), jnp.bfloat16)], axis=-1)
        o = _flash_attn(q, k, vaug)
        o2 = o.transpose(1, 0, 2).reshape(S, HEADS * DH)
        xt = _out_proj_combine(o2, Wo[l].astype(jnp.bfloat16), xt, yc, g12)
    return xt.reshape(b, s, d)

# --- scband reference (transcript-rebuilt; emitter-appended) ---
"""Pipeline reference for scband-decoder-llm-14405320311563 (READ-ONLY COPY).

The authoritative reference and input builder live on the scoring server;
editing this copy changes nothing except your own understanding.
"""

import jax, jax.numpy as jnp
import numpy as np

DIM = 1024
DEPTH = 2
HEADS = 16
DH = 64
E = 8
TOPK = 2
DFF = 1024
B = 1
S = 2048


def setup_inputs(seed: int = 0) -> dict:
    key = jax.random.key(seed)
    ks = jax.random.split(key, 10)
    sc = 0.02
    x = jax.random.normal(ks[0], (B, S, DIM), dtype=jnp.float32)
    Wq = jax.random.normal(ks[1], (DEPTH, DIM, HEADS * DH), dtype=jnp.float32) * sc
    Wk = jax.random.normal(ks[2], (DEPTH, DIM, HEADS * DH), dtype=jnp.float32) * sc
    Wv = jax.random.normal(ks[3], (DEPTH, DIM, HEADS * DH), dtype=jnp.float32) * sc
    Wo = jax.random.normal(ks[4], (DEPTH, HEADS * DH, DIM), dtype=jnp.float32) * sc
    qg = jnp.ones((DEPTH, HEADS, DH), dtype=jnp.float32)
    kg = jnp.ones((DEPTH, HEADS, DH), dtype=jnp.float32)
    Wg = jax.random.normal(ks[5], (DEPTH, DIM, E), dtype=jnp.float32) * sc
    w1 = jax.random.normal(ks[6], (DEPTH, E, DIM, DFF), dtype=jnp.float32) * sc
    w2 = jax.random.normal(ks[7], (DEPTH, E, DFF, DIM), dtype=jnp.float32) * sc
    return {"x": x, "Wq": Wq, "Wk": Wk, "Wv": Wv, "Wo": Wo, "qg": qg, "kg": kg, "Wg": Wg, "w1": w1, "w2": w2}


def _attention(x, Wq, Wk, Wv, Wo, qg, kg):
    b, s, d = x.shape
    q = (x @ Wq).reshape(b, s, HEADS, DH).transpose(0, 2, 1, 3)
    k = (x @ Wk).reshape(b, s, HEADS, DH).transpose(0, 2, 1, 3)
    v = (x @ Wv).reshape(b, s, HEADS, DH).transpose(0, 2, 1, 3)
    # qk_norm: l2-normalize q and k per head with learned per-head-dim scales
    q = q / (jnp.linalg.norm(q, axis=-1, keepdims=True) + 1e-6) * qg[None, :, None, :]
    k = k / (jnp.linalg.norm(k, axis=-1, keepdims=True) + 1e-6) * kg[None, :, None, :]
    scores = jnp.einsum('bhqd,bhkd->bhqk', q, k) * (DH ** -0.5)
    mask = jnp.tril(jnp.ones((s, s), dtype=bool))
    scores = jnp.where(mask[None, None, :, :], scores, jnp.float32(-1e9))
    a = jax.nn.softmax(scores, axis=-1)
    o = jnp.einsum('bhqk,bhkd->bhqd', a, v)
    o = o.transpose(0, 2, 1, 3).reshape(b, s, HEADS * DH)
    return o @ Wo


def _moe(x, Wg, w1, w2):
    b, s, d = x.shape
    xt = x.reshape(b * s, d)
    t = xt.shape[0]
    logits = xt @ Wg                        # [T, E] router
    vals, idx = jax.lax.top_k(logits, TOPK)  # top-k expert selection per token
    gw = jax.nn.softmax(vals, axis=-1)       # renormalized gate weights
    combine = jnp.zeros((t, E), dtype=xt.dtype).at[jnp.arange(t)[:, None], idx].add(gw)
    y = jnp.zeros_like(xt)
    for e in range(E):
        h = jax.nn.silu(xt @ w1[e]) @ w2[e]
        y = y + combine[:, e][:, None] * h
    return y.reshape(b, s, d)


def reference(x, Wq, Wk, Wv, Wo, qg, kg, Wg, w1, w2):
    for l in range(DEPTH):
        attn = _attention(x, Wq[l], Wk[l], Wv[l], Wo[l], qg[l], kg[l])
        attn = attn + x
        expert = _moe(x, Wg[l], w1[l], w2[l])
        x = attn + expert
    return x

if __name__ == "__main__":
    import jax
    _d = setup_inputs()
    print(jax.jit(kernel)(*tuple(_d.values())))

</pallas_src>

<mosaic_0001>
#map = affine_map<(d0, d1) -> (0, 0)>
#map1 = affine_map<(d0, d1) -> (0)>
module attributes {stable_mosaic.version = 14 : i64} {
  func.func @k(%arg0: i32, %arg1: i32, %arg2: memref<2048x1024xf32, #tpu.memory_space<hbm>>, %arg3: memref<6144xi32, #tpu.memory_space<hbm>>, %arg4: memref<6144x1024xf32, #tpu.memory_space<hbm>>, %arg5: memref<192xi32, #tpu.memory_space<vmem>>, %arg6: memref<32x1024xf32, #tpu.memory_space<vmem>>, %arg7: memref<32x1024xf32, #tpu.memory_space<vmem>>, %arg8: memref<!tpu.dma_semaphore, #tpu.memory_space<semaphore_mem>>, %arg9: memref<!tpu.dma_semaphore, #tpu.memory_space<semaphore_mem>>) attributes {dimension_semantics = [#tpu.dimension_semantics<core_parallel>, #tpu.dimension_semantics<subcore_parallel>], iteration_bounds = array<i64: 2, 16>, scalar_prefetch = 0 : i64, scratch_operands = 5 : i64, tpu.core_type = #tpu.core_type<sc_vector_subcore>, window_params = [{transform_indices = #map}, {transform_indices = #map1}, {transform_indices = #map}]} {
    %mul3A = arith.constant 2 : i32
    %mul3A_0 = arith.muli %arg1, %mul3A : i32
    %add3A = arith.addi %mul3A_0, %arg0 : i32
    %mul3A_1 = arith.constant 192 : i32
    %mul3A_2 = arith.muli %add3A, %mul3A_1 : i32
    "tpu.region"() ({
      %run_scoped3A = tpu.sem_alloc : memref<!tpu.dma_semaphore, #tpu.memory_space<semaphore_mem>>
      %dma_start3A_73 = tpu.memref_slice %arg3[%mul3A_2] : memref<6144xi32, #tpu.memory_space<hbm>> -> memref<192xi32, #tpu.memory_space<hbm>>
      %dma_start3A_74 = tpu.memref_slice %arg3[%mul3A_2] : memref<6144xi32, #tpu.memory_space<hbm>> -> memref<192xi32, #tpu.memory_space<hbm>>
      tpu.enqueue_dma source(%dma_start3A_74 : memref<192xi32, #tpu.memory_space<hbm>>) target(%arg5 : memref<192xi32, #tpu.memory_space<vmem>>) target_semaphore(%run_scoped3A : memref<!tpu.dma_semaphore, #tpu.memory_space<semaphore_mem>>)
      %dma_wait3A_75 = tpu.memref_slice %arg3[%mul3A_2] : memref<6144xi32, #tpu.memory_space<hbm>> -> memref<192xi32, #tpu.memory_space<hbm>>
      %dma_wait3A_76 = tpu.memref_slice %arg3[%mul3A_2] : memref<6144xi32, #tpu.memory_space<hbm>> -> memref<192xi32, #tpu.memory_space<hbm>>
      tpu.wait_dma2 semaphore(%run_scoped3A : memref<!tpu.dma_semaphore, #tpu.memory_space<semaphore_mem>>) src(%dma_wait3A_76 : memref<192xi32, #tpu.memory_space<hbm>>) dst(%arg5 : memref<192xi32, #tpu.memory_space<vmem>>)
      tpu.yield
    }) : () -> ()
    %dma_start3A = arith.constant 0 : i32
    %dma_start3A_3 = tpu.memref_slice %arg5[%dma_start3A] : memref<192xi32, #tpu.memory_space<vmem>> -> memref<32xi32, #tpu.memory_space<vmem>>
    %dma_start3A_4 = arith.constant 0 : i32
    %dma_start3A_5 = arith.constant 0 : i32
    %dma_start3A_6 = tpu.memref_slice %arg2[%dma_start3A_4, %dma_start3A_5] : memref<2048x1024xf32, #tpu.memory_space<hbm>> -> memref<2048x1024xf32, #tpu.memory_space<hbm>>
    tpu.enqueue_indirect_dma source(%dma_start3A_6 : memref<2048x1024xf32, #tpu.memory_space<hbm>>) target(%arg6 : memref<32x1024xf32, #tpu.memory_space<vmem>>) offsets(%dma_start3A_3 : memref<32xi32, #tpu.memory_space<vmem>>) semaphore(%arg8 : memref<!tpu.dma_semaphore, #tpu.memory_space<semaphore_mem>>)
    %dma_start3A_7 = arith.constant 32 : i32
    %dma_start3A_8 = tpu.memref_slice %arg5[%dma_start3A_7] : memref<192xi32, #tpu.memory_space<vmem>> -> memref<32xi32, #tpu.memory_space<vmem>>
    %dma_start3A_9 = arith.constant 0 : i32
    %dma_start3A_10 = arith.constant 0 : i32
    %dma_start3A_11 = tpu.memref_slice %arg2[%dma_start3A_9, %dma_start3A_10] : memref<2048x1024xf32, #tpu.memory_space<hbm>> -> memref<2048x1024xf32, #tpu.memory_space<hbm>>
    tpu.enqueue_indirect_dma source(%dma_start3A_11 : memref<2048x1024xf32, #tpu.memory_space<hbm>>) target(%arg7 : memref<32x1024xf32, #tpu.memory_space<vmem>>) offsets(%dma_start3A_8 : memref<32xi32, #tpu.memory_space<vmem>>) semaphore(%arg9 : memref<!tpu.dma_semaphore, #tpu.memory_space<semaphore_mem>>)
    %dma_wait3A = arith.constant 0 : i32
    %dma_wait3A_12 = tpu.memref_slice %arg5[%dma_wait3A] : memref<192xi32, #tpu.memory_space<vmem>> -> memref<32xi32, #tpu.memory_space<vmem>>
    %dma_wait3A_13 = arith.constant 0 : i32
    %dma_wait3A_14 = arith.constant 0 : i32
    %dma_wait3A_15 = tpu.memref_slice %arg2[%dma_wait3A_13, %dma_wait3A_14] : memref<2048x1024xf32, #tpu.memory_space<hbm>> -> memref<2048x1024xf32, #tpu.memory_space<hbm>>
    tpu.wait_indirect_dma semaphore(%arg8 : memref<!tpu.dma_semaphore, #tpu.memory_space<semaphore_mem>>) src(%dma_wait3A_15 : memref<2048x1024xf32, #tpu.memory_space<hbm>>) dst(%arg6 : memref<32x1024xf32, #tpu.memory_space<vmem>>)
    %add3A_16 = arith.constant 0 : i32
    %add3A_17 = arith.addi %mul3A_2, %add3A_16 : i32
    "tpu.region"() ({
      %run_scoped3A = tpu.sem_alloc : memref<!tpu.dma_semaphore, #tpu.memory_space<semaphore_mem>>
      %dma_start3A_73 = arith.constant 0 : i32
      %dma_start3A_74 = tpu.memref_slice %arg4[%add3A_17, %dma_start3A_73] : memref<6144x1024xf32, #tpu.memory_space<hbm>> -> memref<32x1024xf32, #tpu.memory_space<hbm>>
      %dma_start3A_75 = arith.constant 0 : i32
      %dma_start3A_76 = tpu.memref_slice %arg4[%add3A_17, %dma_start3A_75] : memref<6144x1024xf32, #tpu.memory_space<hbm>> -> memref<32x1024xf32, #tpu.memory_space<hbm>>
      tpu.enqueue_dma source(%arg6 : memref<32x1024xf32, #tpu.memory_space<vmem>>) target(%dma_start3A_76 : memref<32x1024xf32, #tpu.memory_space<hbm>>) target_semaphore(%run_scoped3A : memref<!tpu.dma_semaphore, #tpu.memory_space<semaphore_mem>>)
      %dma_wait3A_77 = arith.constant 0 : i32
      %dma_wait3A_78 = tpu.memref_slice %arg4[%add3A_17, %dma_wait3A_77] : memref<6144x1024xf32, #tpu.memory_space<hbm>> -> memref<32x1024xf32, #tpu.memory_space<hbm>>
      %dma_wait3A_79 = arith.constant 0 : i32
      %dma_wait3A_80 = tpu.memref_slice %arg4[%add3A_17, %dma_wait3A_79] : memref<6144x1024xf32, #tpu.memory_space<hbm>> -> memref<32x1024xf32, #tpu.memory_space<hbm>>
      tpu.wait_dma2 semaphore(%run_scoped3A : memref<!tpu.dma_semaphore, #tpu.memory_space<semaphore_mem>>) src(%arg6 : memref<32x1024xf32, #tpu.memory_space<vmem>>) dst(%dma_wait3A_80 : memref<32x1024xf32, #tpu.memory_space<hbm>>)
      tpu.yield
    }) : () -> ()
    %dma_start3A_18 = arith.constant 64 : i32
    %dma_start3A_19 = tpu.memref_slice %arg5[%dma_start3A_18] : memref<192xi32, #tpu.memory_space<vmem>> -> memref<32xi32, #tpu.memory_space<vmem>>
    %dma_start3A_20 = arith.constant 0 : i32
    %dma_start3A_21 = arith.constant 0 : i32
    %dma_start3A_22 = tpu.memref_slice %arg2[%dma_start3A_20, %dma_start3A_21] : memref<2048x1024xf32, #tpu.memory_space<hbm>> -> memref<2048x1024xf32, #tpu.memory_space<hbm>>
    tpu.enqueue_indirect_dma source(%dma_start3A_22 : memref<2048x1024xf32, #tpu.memory_space<hbm>>) target(%arg6 : memref<32x1024xf32, #tpu.memory_space<vmem>>) offsets(%dma_start3A_19 : memref<32xi32, #tpu.memory_space<vmem>>) semaphore(%arg8 : memref<!tpu.dma_semaphore, #tpu.memory_space<semaphore_mem>>)
    %dma_wait3A_23 = arith.constant 32 : i32
    %dma_wait3A_24 = tpu.memref_slice %arg5[%dma_wait3A_23] : memref<192xi32, #tpu.memory_space<vmem>> -> memref<32xi32, #tpu.memory_space<vmem>>
    %dma_wait3A_25 = arith.constant 0 : i32
    %dma_wait3A_26 = arith.constant 0 : i32
    %dma_wait3A_27 = tpu.memref_slice %arg2[%dma_wait3A_25, %dma_wait3A_26] : memref<2048x1024xf32, #tpu.memory_space<hbm>> -> memref<2048x1024xf32, #tpu.memory_space<hbm>>
    tpu.wait_indirect_dma semaphore(%arg9 : memref<!tpu.dma_semaphore, #tpu.memory_space<semaphore_mem>>) src(%dma_wait3A_27 : memref<2048x1024xf32, #tpu.memory_space<hbm>>) dst(%arg7 : memref<32x1024xf32, #tpu.memory_space<vmem>>)
    %add3A_28 = arith.constant 32 : i32
    %add3A_29 = arith.addi %mul3A_2, %add3A_28 : i32
    "tpu.region"() ({
      %run_scoped3A = tpu.sem_alloc : memref<!tpu.dma_semaphore, #tpu.memory_space<semaphore_mem>>
      %dma_start3A_73 = arith.constant 0 : i32
      %dma_start3A_74 = tpu.memref_slice %arg4[%add3A_29, %dma_start3A_73] : memref<6144x1024xf32, #tpu.memory_space<hbm>> -> memref<32x1024xf32, #tpu.memory_space<hbm>>
      %dma_start3A_75 = arith.constant 0 : i32
      %dma_start3A_76 = tpu.memref_slice %arg4[%add3A_29, %dma_start3A_75] : memref<6144x1024xf32, #tpu.memory_space<hbm>> -> memref<32x1024xf32, #tpu.memory_space<hbm>>
      tpu.enqueue_dma source(%arg7 : memref<32x1024xf32, #tpu.memory_space<vmem>>) target(%dma_start3A_76 : memref<32x1024xf32, #tpu.memory_space<hbm>>) target_semaphore(%run_scoped3A : memref<!tpu.dma_semaphore, #tpu.memory_space<semaphore_mem>>)
      %dma_wait3A_77 = arith.constant 0 : i32
      %dma_wait3A_78 = tpu.memref_slice %arg4[%add3A_29, %dma_wait3A_77] : memref<6144x1024xf32, #tpu.memory_space<hbm>> -> memref<32x1024xf32, #tpu.memory_space<hbm>>
      %dma_wait3A_79 = arith.constant 0 : i32
      %dma_wait3A_80 = tpu.memref_slice %arg4[%add3A_29, %dma_wait3A_79] : memref<6144x1024xf32, #tpu.memory_space<hbm>> -> memref<32x1024xf32, #tpu.memory_space<hbm>>
      tpu.wait_dma2 semaphore(%run_scoped3A : memref<!tpu.dma_semaphore, #tpu.memory_space<semaphore_mem>>) src(%arg7 : memref<32x1024xf32, #tpu.memory_space<vmem>>) dst(%dma_wait3A_80 : memref<32x1024xf32, #tpu.memory_space<hbm>>)
      tpu.yield
    }) : () -> ()
    %dma_start3A_30 = arith.constant 96 : i32
    %dma_start3A_31 = tpu.memref_slice %arg5[%dma_start3A_30] : memref<192xi32, #tpu.memory_space<vmem>> -> memref<32xi32, #tpu.memory_space<vmem>>
    %dma_start3A_32 = arith.constant 0 : i32
    %dma_start3A_33 = arith.constant 0 : i32
    %dma_start3A_34 = tpu.memref_slice %arg2[%dma_start3A_32, %dma_start3A_33] : memref<2048x1024xf32, #tpu.memory_space<hbm>> -> memref<2048x1024xf32, #tpu.memory_space<hbm>>
    tpu.enqueue_indirect_dma source(%dma_start3A_34 : memref<2048x1024xf32, #tpu.memory_space<hbm>>) target(%arg7 : memref<32x1024xf32, #tpu.memory_space<vmem>>) offsets(%dma_start3A_31 : memref<32xi32, #tpu.memory_space<vmem>>) semaphore(%arg9 : memref<!tpu.dma_semaphore, #tpu.memory_space<semaphore_mem>>)
    %dma_wait3A_35 = arith.constant 64 : i32
    %dma_wait3A_36 = tpu.memref_slice %arg5[%dma_wait3A_35] : memref<192xi32, #tpu.memory_space<vmem>> -> memref<32xi32, #tpu.memory_space<vmem>>
    %dma_wait3A_37 = arith.constant 0 : i32
    %dma_wait3A_38 = arith.constant 0 : i32
    %dma_wait3A_39 = tpu.memref_slice %arg2[%dma_wait3A_37, %dma_wait3A_38] : memref<2048x1024xf32, #tpu.memory_space<hbm>> -> memref<2048x1024xf32, #tpu.memory_space<hbm>>
    tpu.wait_indirect_dma semaphore(%arg8 : memref<!tpu.dma_semaphore, #tpu.memory_space<semaphore_mem>>) src(%dma_wait3A_39 : memref<2048x1024xf32, #tpu.memory_space<hbm>>) dst(%arg6 : memref<32x1024xf32, #tpu.memory_space<vmem>>)
    %add3A_40 = arith.constant 64 : i32
    %add3A_41 = arith.addi %mul3A_2, %add3A_40 : i32
    "tpu.region"() ({
      %run_scoped3A = tpu.sem_alloc : memref<!tpu.dma_semaphore, #tpu.memory_space<semaphore_mem>>
      %dma_start3A_73 = arith.constant 0 : i32
      %dma_start3A_74 = tpu.memref_slice %arg4[%add3A_41, %dma_start3A_73] : memref<6144x1024xf32, #tpu.memory_space<hbm>> -> memref<32x1024xf32, #tpu.memory_space<hbm>>
      %dma_start3A_75 = arith.constant 0 : i32
      %dma_start3A_76 = tpu.memref_slice %arg4[%add3A_41, %dma_start3A_75] : memref<6144x1024xf32, #tpu.memory_space<hbm>> -> memref<32x1024xf32, #tpu.memory_space<hbm>>
      tpu.enqueue_dma source(%arg6 : memref<32x1024xf32, #tpu.memory_space<vmem>>) target(%dma_start3A_76 : memref<32x1024xf32, #tpu.memory_space<hbm>>) target_semaphore(%run_scoped3A : memref<!tpu.dma_semaphore, #tpu.memory_space<semaphore_mem>>)
      %dma_wait3A_77 = arith.constant 0 : i32
      %dma_wait3A_78 = tpu.memref_slice %arg4[%add3A_41, %dma_wait3A_77] : memref<6144x1024xf32, #tpu.memory_space<hbm>> -> memref<32x1024xf32, #tpu.memory_space<hbm>>
      %dma_wait3A_79 = arith.constant 0 : i32
      %dma_wait3A_80 = tpu.memref_slice %arg4[%add3A_41, %dma_wait3A_79] : memref<6144x1024xf32, #tpu.memory_space<hbm>> -> memref<32x1024xf32, #tpu.memory_space<hbm>>
      tpu.wait_dma2 semaphore(%run_scoped3A : memref<!tpu.dma_semaphore, #tpu.memory_space<semaphore_mem>>) src(%arg6 : memref<32x1024xf32, #tpu.memory_space<vmem>>) dst(%dma_wait3A_80 : memref<32x1024xf32, #tpu.memory_space<hbm>>)
      tpu.yield
    }) : () -> ()
    %dma_start3A_42 = arith.constant 128 : i32
    %dma_start3A_43 = tpu.memref_slice %arg5[%dma_start3A_42] : memref<192xi32, #tpu.memory_space<vmem>> -> memref<32xi32, #tpu.memory_space<vmem>>
    %dma_start3A_44 = arith.constant 0 : i32
    %dma_start3A_45 = arith.constant 0 : i32
    %dma_start3A_46 = tpu.memref_slice %arg2[%dma_start3A_44, %dma_start3A_45] : memref<2048x1024xf32, #tpu.memory_space<hbm>> -> memref<2048x1024xf32, #tpu.memory_space<hbm>>
    tpu.enqueue_indirect_dma source(%dma_start3A_46 : memref<2048x1024xf32, #tpu.memory_space<hbm>>) target(%arg6 : memref<32x1024xf32, #tpu.memory_space<vmem>>) offsets(%dma_start3A_43 : memref<32xi32, #tpu.memory_space<vmem>>) semaphore(%arg8 : memref<!tpu.dma_semaphore, #tpu.memory_space<semaphore_mem>>)
    %dma_wait3A_47 = arith.constant 96 : i32
    %dma_wait3A_48 = tpu.memref_slice %arg5[%dma_wait3A_47] : memref<192xi32, #tpu.memory_space<vmem>> -> memref<32xi32, #tpu.memory_space<vmem>>
    %dma_wait3A_49 = arith.constant 0 : i32
    %dma_wait3A_50 = arith.constant 0 : i32
    %dma_wait3A_51 = tpu.memref_slice %arg2[%dma_wait3A_49, %dma_wait3A_50] : memref<2048x1024xf32, #tpu.memory_space<hbm>> -> memref<2048x1024xf32, #tpu.memory_space<hbm>>
    tpu.wait_indirect_dma semaphore(%arg9 : memref<!tpu.dma_semaphore, #tpu.memory_space<semaphore_mem>>) src(%dma_wait3A_51 : memref<2048x1024xf32, #tpu.memory_space<hbm>>) dst(%arg7 : memref<32x1024xf32, #tpu.memory_space<vmem>>)
    %add3A_52 = arith.constant 96 : i32
    %add3A_53 = arith.addi %mul3A_2, %add3A_52 : i32
    "tpu.region"() ({
      %run_scoped3A = tpu.sem_alloc : memref<!tpu.dma_semaphore, #tpu.memory_space<semaphore_mem>>
      %dma_start3A_73 = arith.constant 0 : i32
      %dma_start3A_74 = tpu.memref_slice %arg4[%add3A_53, %dma_start3A_73] : memref<6144x1024xf32, #tpu.memory_space<hbm>> -> memref<32x1024xf32, #tpu.memory_space<hbm>>
      %dma_start3A_75 = arith.constant 0 : i32
      %dma_start3A_76 = tpu.memref_slice %arg4[%add3A_53, %dma_start3A_75] : memref<6144x1024xf32, #tpu.memory_space<hbm>> -> memref<32x1024xf32, #tpu.memory_space<hbm>>
      tpu.enqueue_dma source(%arg7 : memref<32x1024xf32, #tpu.memory_space<vmem>>) target(%dma_start3A_76 : memref<32x1024xf32, #tpu.memory_space<hbm>>) target_semaphore(%run_scoped3A : memref<!tpu.dma_semaphore, #tpu.memory_space<semaphore_mem>>)
      %dma_wait3A_77 = arith.constant 0 : i32
      %dma_wait3A_78 = tpu.memref_slice %arg4[%add3A_53, %dma_wait3A_77] : memref<6144x1024xf32, #tpu.memory_space<hbm>> -> memref<32x1024xf32, #tpu.memory_space<hbm>>
      %dma_wait3A_79 = arith.constant 0 : i32
      %dma_wait3A_80 = tpu.memref_slice %arg4[%add3A_53, %dma_wait3A_79] : memref<6144x1024xf32, #tpu.memory_space<hbm>> -> memref<32x1024xf32, #tpu.memory_space<hbm>>
      tpu.wait_dma2 semaphore(%run_scoped3A : memref<!tpu.dma_semaphore, #tpu.memory_space<semaphore_mem>>) src(%arg7 : memref<32x1024xf32, #tpu.memory_space<vmem>>) dst(%dma_wait3A_80 : memref<32x1024xf32, #tpu.memory_space<hbm>>)
      tpu.yield
    }) : () -> ()
    %dma_start3A_54 = arith.constant 160 : i32
    %dma_start3A_55 = tpu.memref_slice %arg5[%dma_start3A_54] : memref<192xi32, #tpu.memory_space<vmem>> -> memref<32xi32, #tpu.memory_space<vmem>>
    %dma_start3A_56 = arith.constant 0 : i32
    %dma_start3A_57 = arith.constant 0 : i32
    %dma_start3A_58 = tpu.memref_slice %arg2[%dma_start3A_56, %dma_start3A_57] : memref<2048x1024xf32, #tpu.memory_space<hbm>> -> memref<2048x1024xf32, #tpu.memory_space<hbm>>
    tpu.enqueue_indirect_dma source(%dma_start3A_58 : memref<2048x1024xf32, #tpu.memory_space<hbm>>) target(%arg7 : memref<32x1024xf32, #tpu.memory_space<vmem>>) offsets(%dma_start3A_55 : memref<32xi32, #tpu.memory_space<vmem>>) semaphore(%arg9 : memref<!tpu.dma_semaphore, #tpu.memory_space<semaphore_mem>>)
    %dma_wait3A_59 = arith.constant 128 : i32
    %dma_wait3A_60 = tpu.memref_slice %arg5[%dma_wait3A_59] : memref<192xi32, #tpu.memory_space<vmem>> -> memref<32xi32, #tpu.memory_space<vmem>>
    %dma_wait3A_61 = arith.constant 0 : i32
    %dma_wait3A_62 = arith.constant 0 : i32
    %dma_wait3A_63 = tpu.memref_slice %arg2[%dma_wait3A_61, %dma_wait3A_62] : memref<2048x1024xf32, #tpu.memory_space<hbm>> -> memref<2048x1024xf32, #tpu.memory_space<hbm>>
    tpu.wait_indirect_dma semaphore(%arg8 : memref<!tpu.dma_semaphore, #tpu.memory_space<semaphore_mem>>) src(%dma_wait3A_63 : memref<2048x1024xf32, #tpu.memory_space<hbm>>) dst(%arg6 : memref<32x1024xf32, #tpu.memory_space<vmem>>)
    %add3A_64 = arith.constant 128 : i32
    %add3A_65 = arith.addi %mul3A_2, %add3A_64 : i32
    "tpu.region"() ({
      %run_scoped3A = tpu.sem_alloc : memref<!tpu.dma_semaphore, #tpu.memory_space<semaphore_mem>>
      %dma_start3A_73 = arith.constant 0 : i32
      %dma_start3A_74 = tpu.memref_slice %arg4[%add3A_65, %dma_start3A_73] : memref<6144x1024xf32, #tpu.memory_space<hbm>> -> memref<32x1024xf32, #tpu.memory_space<hbm>>
      %dma_start3A_75 = arith.constant 0 : i32
      %dma_start3A_76 = tpu.memref_slice %arg4[%add3A_65, %dma_start3A_75] : memref<6144x1024xf32, #tpu.memory_space<hbm>> -> memref<32x1024xf32, #tpu.memory_space<hbm>>
      tpu.enqueue_dma source(%arg6 : memref<32x1024xf32, #tpu.memory_space<vmem>>) target(%dma_start3A_76 : memref<32x1024xf32, #tpu.memory_space<hbm>>) target_semaphore(%run_scoped3A : memref<!tpu.dma_semaphore, #tpu.memory_space<semaphore_mem>>)
      %dma_wait3A_77 = arith.constant 0 : i32
      %dma_wait3A_78 = tpu.memref_slice %arg4[%add3A_65, %dma_wait3A_77] : memref<6144x1024xf32, #tpu.memory_space<hbm>> -> memref<32x1024xf32, #tpu.memory_space<hbm>>
      %dma_wait3A_79 = arith.constant 0 : i32
      %dma_wait3A_80 = tpu.memref_slice %arg4[%add3A_65, %dma_wait3A_79] : memref<6144x1024xf32, #tpu.memory_space<hbm>> -> memref<32x1024xf32, #tpu.memory_space<hbm>>
      tpu.wait_dma2 semaphore(%run_scoped3A : memref<!tpu.dma_semaphore, #tpu.memory_space<semaphore_mem>>) src(%arg6 : memref<32x1024xf32, #tpu.memory_space<vmem>>) dst(%dma_wait3A_80 : memref<32x1024xf32, #tpu.memory_space<hbm>>)
      tpu.yield
    }) : () -> ()
    %dma_wait3A_66 = arith.constant 160 : i32
    %dma_wait3A_67 = tpu.memref_slice %arg5[%dma_wait3A_66] : memref<192xi32, #tpu.memory_space<vmem>> -> memref<32xi32, #tpu.memory_space<vmem>>
    %dma_wait3A_68 = arith.constant 0 : i32
    %dma_wait3A_69 = arith.constant 0 : i32
    %dma_wait3A_70 = tpu.memref_slice %arg2[%dma_wait3A_68, %dma_wait3A_69] : memref<2048x1024xf32, #tpu.memory_space<hbm>> -> memref<2048x1024xf32, #tpu.memory_space<hbm>>
    tpu.wait_indirect_dma semaphore(%arg9 : memref<!tpu.dma_semaphore, #tpu.memory_space<semaphore_mem>>) src(%dma_wait3A_70 : memref<2048x1024xf32, #tpu.memory_space<hbm>>) dst(%arg7 : memref<32x1024xf32, #tpu.memory_space<vmem>>)
    %add3A_71 = arith.constant 160 : i32
    %add3A_72 = arith.addi %mul3A_2, %add3A_71 : i32
    "tpu.region"() ({
      %run_scoped3A = tpu.sem_alloc : memref<!tpu.dma_semaphore, #tpu.memory_space<semaphore_mem>>
      %dma_start3A_73 = arith.constant 0 : i32
      %dma_start3A_74 = tpu.memref_slice %arg4[%add3A_72, %dma_start3A_73] : memref<6144x1024xf32, #tpu.memory_space<hbm>> -> memref<32x1024xf32, #tpu.memory_space<hbm>>
      %dma_start3A_75 = arith.constant 0 : i32
      %dma_start3A_76 = tpu.memref_slice %arg4[%add3A_72, %dma_start3A_75] : memref<6144x1024xf32, #tpu.memory_space<hbm>> -> memref<32x1024xf32, #tpu.memory_space<hbm>>
      tpu.enqueue_dma source(%arg7 : memref<32x1024xf32, #tpu.memory_space<vmem>>) target(%dma_start3A_76 : memref<32x1024xf32, #tpu.memory_space<hbm>>) target_semaphore(%run_scoped3A : memref<!tpu.dma_semaphore, #tpu.memory_space<semaphore_mem>>)
      %dma_wait3A_77 = arith.constant 0 : i32
      %dma_wait3A_78 = tpu.memref_slice %arg4[%add3A_72, %dma_wait3A_77] : memref<6144x1024xf32, #tpu.memory_space<hbm>> -> memref<32x1024xf32, #tpu.memory_space<hbm>>
      %dma_wait3A_79 = arith.constant 0 : i32
      %dma_wait3A_80 = tpu.memref_slice %arg4[%add3A_72, %dma_wait3A_79] : memref<6144x1024xf32, #tpu.memory_space<hbm>> -> memref<32x1024xf32, #tpu.memory_space<hbm>>
      tpu.wait_dma2 semaphore(%run_scoped3A : memref<!tpu.dma_semaphore, #tpu.memory_space<semaphore_mem>>) src(%arg7 : memref<32x1024xf32, #tpu.memory_space<vmem>>) dst(%dma_wait3A_80 : memref<32x1024xf32, #tpu.memory_space<hbm>>)
      tpu.yield
    }) : () -> ()
    return
  }
}

#map = affine_map<(d0, d1) -> (0, 0)>
#map1 = affine_map<(d0, d1) -> (0)>
module attributes {stable_mosaic.version = 14 : i64} {
  func.func @k(%arg0: i32, %arg1: i32, %arg2: memref<6144x1024xf32, #tpu.memory_space<hbm>>, %arg3: memref<4096xi32, #tpu.memory_space<hbm>>, %arg4: memref<4096x1024xf32, #tpu.memory_space<hbm>>, %arg5: memref<128xi32, #tpu.memory_space<vmem>>, %arg6: memref<32x1024xf32, #tpu.memory_space<vmem>>, %arg7: memref<32x1024xf32, #tpu.memory_space<vmem>>, %arg8: memref<!tpu.dma_semaphore, #tpu.memory_space<semaphore_mem>>, %arg9: memref<!tpu.dma_semaphore, #tpu.memory_space<semaphore_mem>>) attributes {dimension_semantics = [#tpu.dimension_semantics<core_parallel>, #tpu.dimension_semantics<subcore_parallel>], iteration_bounds = array<i64: 2, 16>, scalar_prefetch = 0 : i64, scratch_operands = 5 : i64, tpu.core_type = #tpu.core_type<sc_vector_subcore>, window_params = [{transform_indices = #map}, {transform_indices = #map1}, {transform_indices = #map}]} {
    %mul3A = arith.constant 2 : i32
    %mul3A_0 = arith.muli %arg1, %mul3A : i32
    %add3A = arith.addi %mul3A_0, %arg0 : i32
    %mul3A_1 = arith.constant 128 : i32
    %mul3A_2 = arith.muli %add3A, %mul3A_1 : i32
    "tpu.region"() ({
      %run_scoped3A = tpu.sem_alloc : memref<!tpu.dma_semaphore, #tpu.memory_space<semaphore_mem>>
      %dma_start3A_49 = tpu.memref_slice %arg3[%mul3A_2] : memref<4096xi32, #tpu.memory_space<hbm>> -> memref<128xi32, #tpu.memory_space<hbm>>
      %dma_start3A_50 = tpu.memref_slice %arg3[%mul3A_2] : memref<4096xi32, #tpu.memory_space<hbm>> -> memref<128xi32, #tpu.memory_space<hbm>>
      tpu.enqueue_dma source(%dma_start3A_50 : memref<128xi32, #tpu.memory_space<hbm>>) target(%arg5 : memref<128xi32, #tpu.memory_space<vmem>>) target_semaphore(%run_scoped3A : memref<!tpu.dma_semaphore, #tpu.memory_space<semaphore_mem>>)
      %dma_wait3A_51 = tpu.memref_slice %arg3[%mul3A_2] : memref<4096xi32, #tpu.memory_space<hbm>> -> memref<128xi32, #tpu.memory_space<hbm>>
      %dma_wait3A_52 = tpu.memref_slice %arg3[%mul3A_2] : memref<4096xi32, #tpu.memory_space<hbm>> -> memref<128xi32, #tpu.memory_space<hbm>>
      tpu.wait_dma2 semaphore(%run_scoped3A : memref<!tpu.dma_semaphore, #tpu.memory_space<semaphore_mem>>) src(%dma_wait3A_52 : memref<128xi32, #tpu.memory_space<hbm>>) dst(%arg5 : memref<128xi32, #tpu.memory_space<vmem>>)
      tpu.yield
    }) : () -> ()
    %dma_start3A = arith.constant 0 : i32
    %dma_start3A_3 = tpu.memref_slice %arg5[%dma_start3A] : memref<128xi32, #tpu.memory_space<vmem>> -> memref<32xi32, #tpu.memory_space<vmem>>
    %dma_start3A_4 = arith.constant 0 : i32
    %dma_start3A_5 = arith.constant 0 : i32
    %dma_start3A_6 = tpu.memref_slice %arg2[%dma_start3A_4, %dma_start3A_5] : memref<6144x1024xf32, #tpu.memory_space<hbm>> -> memref<6144x1024xf32, #tpu.memory_space<hbm>>
    tpu.enqueue_indirect_dma source(%dma_start3A_6 : memref<6144x1024xf32, #tpu.memory_space<hbm>>) target(%arg6 : memref<32x1024xf32, #tpu.memory_space<vmem>>) offsets(%dma_start3A_3 : memref<32xi32, #tpu.memory_space<vmem>>) semaphore(%arg8 : memref<!tpu.dma_semaphore, #tpu.memory_space<semaphore_mem>>)
    %dma_start3A_7 = arith.constant 32 : i32
    %dma_start3A_8 = tpu.memref_slice %arg5[%dma_start3A_7] : memref<128xi32, #tpu.memory_space<vmem>> -> memref<32xi32, #tpu.memory_space<vmem>>
    %dma_start3A_9 = arith.constant 0 : i32
    %dma_start3A_10 = arith.constant 0 : i32
    %dma_start3A_11 = tpu.memref_slice %arg2[%dma_start3A_9, %dma_start3A_10] : memref<6144x1024xf32, #tpu.memory_space<hbm>> -> memref<6144x1024xf32, #tpu.memory_space<hbm>>
    tpu.enqueue_indirect_dma source(%dma_start3A_11 : memref<6144x1024xf32, #tpu.memory_space<hbm>>) target(%arg7 : memref<32x1024xf32, #tpu.memory_space<vmem>>) offsets(%dma_start3A_8 : memref<32xi32, #tpu.memory_space<vmem>>) semaphore(%arg9 : memref<!tpu.dma_semaphore, #tpu.memory_space<semaphore_mem>>)
    %dma_wait3A = arith.constant 0 : i32
    %dma_wait3A_12 = tpu.memref_slice %arg5[%dma_wait3A] : memref<128xi32, #tpu.memory_space<vmem>> -> memref<32xi32, #tpu.memory_space<vmem>>
    %dma_wait3A_13 = arith.constant 0 : i32
    %dma_wait3A_14 = arith.constant 0 : i32
    %dma_wait3A_15 = tpu.memref_slice %arg2[%dma_wait3A_13, %dma_wait3A_14] : memref<6144x1024xf32, #tpu.memory_space<hbm>> -> memref<6144x1024xf32, #tpu.memory_space<hbm>>
    tpu.wait_indirect_dma semaphore(%arg8 : memref<!tpu.dma_semaphore, #tpu.memory_space<semaphore_mem>>) src(%dma_wait3A_15 : memref<6144x1024xf32, #tpu.memory_space<hbm>>) dst(%arg6 : memref<32x1024xf32, #tpu.memory_space<vmem>>)
    %add3A_16 = arith.constant 0 : i32
    %add3A_17 = arith.addi %mul3A_2, %add3A_16 : i32
    "tpu.region"() ({
      %run_scoped3A = tpu.sem_alloc : memref<!tpu.dma_semaphore, #tpu.memory_space<semaphore_mem>>
      %dma_start3A_49 = arith.constant 0 : i32
      %dma_start3A_50 = tpu.memref_slice %arg4[%add3A_17, %dma_start3A_49] : memref<4096x1024xf32, #tpu.memory_space<hbm>> -> memref<32x1024xf32, #tpu.memory_space<hbm>>
      %dma_start3A_51 = arith.constant 0 : i32
      %dma_start3A_52 = tpu.memref_slice %arg4[%add3A_17, %dma_start3A_51] : memref<4096x1024xf32, #tpu.memory_space<hbm>> -> memref<32x1024xf32, #tpu.memory_space<hbm>>
      tpu.enqueue_dma source(%arg6 : memref<32x1024xf32, #tpu.memory_space<vmem>>) target(%dma_start3A_52 : memref<32x1024xf32, #tpu.memory_space<hbm>>) target_semaphore(%run_scoped3A : memref<!tpu.dma_semaphore, #tpu.memory_space<semaphore_mem>>)
      %dma_wait3A_53 = arith.constant 0 : i32
      %dma_wait3A_54 = tpu.memref_slice %arg4[%add3A_17, %dma_wait3A_53] : memref<4096x1024xf32, #tpu.memory_space<hbm>> -> memref<32x1024xf32, #tpu.memory_space<hbm>>
      %dma_wait3A_55 = arith.constant 0 : i32
      %dma_wait3A_56 = tpu.memref_slice %arg4[%add3A_17, %dma_wait3A_55] : memref<4096x1024xf32, #tpu.memory_space<hbm>> -> memref<32x1024xf32, #tpu.memory_space<hbm>>
      tpu.wait_dma2 semaphore(%run_scoped3A : memref<!tpu.dma_semaphore, #tpu.memory_space<semaphore_mem>>) src(%arg6 : memref<32x1024xf32, #tpu.memory_space<vmem>>) dst(%dma_wait3A_56 : memref<32x1024xf32, #tpu.memory_space<hbm>>)
      tpu.yield
    }) : () -> ()
    %dma_start3A_18 = arith.constant 64 : i32
    %dma_start3A_19 = tpu.memref_slice %arg5[%dma_start3A_18] : memref<128xi32, #tpu.memory_space<vmem>> -> memref<32xi32, #tpu.memory_space<vmem>>
    %dma_start3A_20 = arith.constant 0 : i32
    %dma_start3A_21 = arith.constant 0 : i32
    %dma_start3A_22 = tpu.memref_slice %arg2[%dma_start3A_20, %dma_start3A_21] : memref<6144x1024xf32, #tpu.memory_space<hbm>> -> memref<6144x1024xf32, #tpu.memory_space<hbm>>
    tpu.enqueue_indirect_dma source(%dma_start3A_22 : memref<6144x1024xf32, #tpu.memory_space<hbm>>) target(%arg6 : memref<32x1024xf32, #tpu.memory_space<vmem>>) offsets(%dma_start3A_19 : memref<32xi32, #tpu.memory_space<vmem>>) semaphore(%arg8 : memref<!tpu.dma_semaphore, #tpu.memory_space<semaphore_mem>>)
    %dma_wait3A_23 = arith.constant 32 : i32
    %dma_wait3A_24 = tpu.memref_slice %arg5[%dma_wait3A_23] : memref<128xi32, #tpu.memory_space<vmem>> -> memref<32xi32, #tpu.memory_space<vmem>>
    %dma_wait3A_25 = arith.constant 0 : i32
    %dma_wait3A_26 = arith.constant 0 : i32
    %dma_wait3A_27 = tpu.memref_slice %arg2[%dma_wait3A_25, %dma_wait3A_26] : memref<6144x1024xf32, #tpu.memory_space<hbm>> -> memref<6144x1024xf32, #tpu.memory_space<hbm>>
    tpu.wait_indirect_dma semaphore(%arg9 : memref<!tpu.dma_semaphore, #tpu.memory_space<semaphore_mem>>) src(%dma_wait3A_27 : memref<6144x1024xf32, #tpu.memory_space<hbm>>) dst(%arg7 : memref<32x1024xf32, #tpu.memory_space<vmem>>)
    %add3A_28 = arith.constant 32 : i32
    %add3A_29 = arith.addi %mul3A_2, %add3A_28 : i32
    "tpu.region"() ({
      %run_scoped3A = tpu.sem_alloc : memref<!tpu.dma_semaphore, #tpu.memory_space<semaphore_mem>>
      %dma_start3A_49 = arith.constant 0 : i32
      %dma_start3A_50 = tpu.memref_slice %arg4[%add3A_29, %dma_start3A_49] : memref<4096x1024xf32, #tpu.memory_space<hbm>> -> memref<32x1024xf32, #tpu.memory_space<hbm>>
      %dma_start3A_51 = arith.constant 0 : i32
      %dma_start3A_52 = tpu.memref_slice %arg4[%add3A_29, %dma_start3A_51] : memref<4096x1024xf32, #tpu.memory_space<hbm>> -> memref<32x1024xf32, #tpu.memory_space<hbm>>
      tpu.enqueue_dma source(%arg7 : memref<32x1024xf32, #tpu.memory_space<vmem>>) target(%dma_start3A_52 : memref<32x1024xf32, #tpu.memory_space<hbm>>) target_semaphore(%run_scoped3A : memref<!tpu.dma_semaphore, #tpu.memory_space<semaphore_mem>>)
      %dma_wait3A_53 = arith.constant 0 : i32
      %dma_wait3A_54 = tpu.memref_slice %arg4[%add3A_29, %dma_wait3A_53] : memref<4096x1024xf32, #tpu.memory_space<hbm>> -> memref<32x1024xf32, #tpu.memory_space<hbm>>
      %dma_wait3A_55 = arith.constant 0 : i32
      %dma_wait3A_56 = tpu.memref_slice %arg4[%add3A_29, %dma_wait3A_55] : memref<4096x1024xf32, #tpu.memory_space<hbm>> -> memref<32x1024xf32, #tpu.memory_space<hbm>>
      tpu.wait_dma2 semaphore(%run_scoped3A : memref<!tpu.dma_semaphore, #tpu.memory_space<semaphore_mem>>) src(%arg7 : memref<32x1024xf32, #tpu.memory_space<vmem>>) dst(%dma_wait3A_56 : memref<32x1024xf32, #tpu.memory_space<hbm>>)
      tpu.yield
    }) : () -> ()
    %dma_start3A_30 = arith.constant 96 : i32
    %dma_start3A_31 = tpu.memref_slice %arg5[%dma_start3A_30] : memref<128xi32, #tpu.memory_space<vmem>> -> memref<32xi32, #tpu.memory_space<vmem>>
    %dma_start3A_32 = arith.constant 0 : i32
    %dma_start3A_33 = arith.constant 0 : i32
    %dma_start3A_34 = tpu.memref_slice %arg2[%dma_start3A_32, %dma_start3A_33] : memref<6144x1024xf32, #tpu.memory_space<hbm>> -> memref<6144x1024xf32, #tpu.memory_space<hbm>>
    tpu.enqueue_indirect_dma source(%dma_start3A_34 : memref<6144x1024xf32, #tpu.memory_space<hbm>>) target(%arg7 : memref<32x1024xf32, #tpu.memory_space<vmem>>) offsets(%dma_start3A_31 : memref<32xi32, #tpu.memory_space<vmem>>) semaphore(%arg9 : memref<!tpu.dma_semaphore, #tpu.memory_space<semaphore_mem>>)
    %dma_wait3A_35 = arith.constant 64 : i32
    %dma_wait3A_36 = tpu.memref_slice %arg5[%dma_wait3A_35] : memref<128xi32, #tpu.memory_space<vmem>> -> memref<32xi32, #tpu.memory_space<vmem>>
    %dma_wait3A_37 = arith.constant 0 : i32
    %dma_wait3A_38 = arith.constant 0 : i32
    %dma_wait3A_39 = tpu.memref_slice %arg2[%dma_wait3A_37, %dma_wait3A_38] : memref<6144x1024xf32, #tpu.memory_space<hbm>> -> memref<6144x1024xf32, #tpu.memory_space<hbm>>
    tpu.wait_indirect_dma semaphore(%arg8 : memref<!tpu.dma_semaphore, #tpu.memory_space<semaphore_mem>>) src(%dma_wait3A_39 : memref<6144x1024xf32, #tpu.memory_space<hbm>>) dst(%arg6 : memref<32x1024xf32, #tpu.memory_space<vmem>>)
    %add3A_40 = arith.constant 64 : i32
    %add3A_41 = arith.addi %mul3A_2, %add3A_40 : i32
    "tpu.region"() ({
      %run_scoped3A = tpu.sem_alloc : memref<!tpu.dma_semaphore, #tpu.memory_space<semaphore_mem>>
      %dma_start3A_49 = arith.constant 0 : i32
      %dma_start3A_50 = tpu.memref_slice %arg4[%add3A_41, %dma_start3A_49] : memref<4096x1024xf32, #tpu.memory_space<hbm>> -> memref<32x1024xf32, #tpu.memory_space<hbm>>
      %dma_start3A_51 = arith.constant 0 : i32
      %dma_start3A_52 = tpu.memref_slice %arg4[%add3A_41, %dma_start3A_51] : memref<4096x1024xf32, #tpu.memory_space<hbm>> -> memref<32x1024xf32, #tpu.memory_space<hbm>>
      tpu.enqueue_dma source(%arg6 : memref<32x1024xf32, #tpu.memory_space<vmem>>) target(%dma_start3A_52 : memref<32x1024xf32, #tpu.memory_space<hbm>>) target_semaphore(%run_scoped3A : memref<!tpu.dma_semaphore, #tpu.memory_space<semaphore_mem>>)
      %dma_wait3A_53 = arith.constant 0 : i32
      %dma_wait3A_54 = tpu.memref_slice %arg4[%add3A_41, %dma_wait3A_53] : memref<4096x1024xf32, #tpu.memory_space<hbm>> -> memref<32x1024xf32, #tpu.memory_space<hbm>>
      %dma_wait3A_55 = arith.constant 0 : i32
      %dma_wait3A_56 = tpu.memref_slice %arg4[%add3A_41, %dma_wait3A_55] : memref<4096x1024xf32, #tpu.memory_space<hbm>> -> memref<32x1024xf32, #tpu.memory_space<hbm>>
      tpu.wait_dma2 semaphore(%run_scoped3A : memref<!tpu.dma_semaphore, #tpu.memory_space<semaphore_mem>>) src(%arg6 : memref<32x1024xf32, #tpu.memory_space<vmem>>) dst(%dma_wait3A_56 : memref<32x1024xf32, #tpu.memory_space<hbm>>)
      tpu.yield
    }) : () -> ()
    %dma_wait3A_42 = arith.constant 96 : i32
    %dma_wait3A_43 = tpu.memref_slice %arg5[%dma_wait3A_42] : memref<128xi32, #tpu.memory_space<vmem>> -> memref<32xi32, #tpu.memory_space<vmem>>
    %dma_wait3A_44 = arith.constant 0 : i32
    %dma_wait3A_45 = arith.constant 0 : i32
    %dma_wait3A_46 = tpu.memref_slice %arg2[%dma_wait3A_44, %dma_wait3A_45] : memref<6144x1024xf32, #tpu.memory_space<hbm>> -> memref<6144x1024xf32, #tpu.memory_space<hbm>>
    tpu.wait_indirect_dma semaphore(%arg9 : memref<!tpu.dma_semaphore, #tpu.memory_space<semaphore_mem>>) src(%dma_wait3A_46 : memref<6144x1024xf32, #tpu.memory_space<hbm>>) dst(%arg7 : memref<32x1024xf32, #tpu.memory_space<vmem>>)
    %add3A_47 = arith.constant 96 : i32
    %add3A_48 = arith.addi %mul3A_2, %add3A_47 : i32
    "tpu.region"() ({
      %run_scoped3A = tpu.sem_alloc : memref<!tpu.dma_semaphore, #tpu.memory_space<semaphore_mem>>
      %dma_start3A_49 = arith.constant 0 : i32
      %dma_start3A_50 = tpu.memref_slice %arg4[%add3A_48, %dma_start3A_49] : memref<4096x1024xf32, #tpu.memory_space<hbm>> -> memref<32x1024xf32, #tpu.memory_space<hbm>>
      %dma_start3A_51 = arith.constant 0 : i32
      %dma_start3A_52 = tpu.memref_slice %arg4[%add3A_48, %dma_start3A_51] : memref<4096x1024xf32, #tpu.memory_space<hbm>> -> memref<32x1024xf32, #tpu.memory_space<hbm>>
      tpu.enqueue_dma source(%arg7 : memref<32x1024xf32, #tpu.memory_space<vmem>>) target(%dma_start3A_52 : memref<32x1024xf32, #tpu.memory_space<hbm>>) target_semaphore(%run_scoped3A : memref<!tpu.dma_semaphore, #tpu.memory_space<semaphore_mem>>)
      %dma_wait3A_53 = arith.constant 0 : i32
      %dma_wait3A_54 = tpu.memref_slice %arg4[%add3A_48, %dma_wait3A_53] : memref<4096x1024xf32, #tpu.memory_space<hbm>> -> memref<32x1024xf32, #tpu.memory_space<hbm>>
      %dma_wait3A_55 = arith.constant 0 : i32
      %dma_wait3A_56 = tpu.memref_slice %arg4[%add3A_48, %dma_wait3A_55] : memref<4096x1024xf32, #tpu.memory_space<hbm>> -> memref<32x1024xf32, #tpu.memory_space<hbm>>
      tpu.wait_dma2 semaphore(%run_scoped3A : memref<!tpu.dma_semaphore, #tpu.memory_space<semaphore_mem>>) src(%arg7 : memref<32x1024xf32, #tpu.memory_space<vmem>>) dst(%dma_wait3A_56 : memref<32x1024xf32, #tpu.memory_space<hbm>>)
      tpu.yield
    }) : () -> ()
    return
  }
}

#map = affine_map<(d0, d1) -> (0, 0)>
#map1 = affine_map<(d0, d1) -> (0)>
module attributes {stable_mosaic.version = 14 : i64} {
  func.func @k(%arg0: i32, %arg1: i32, %arg2: memref<2048x1024xf32, #tpu.memory_space<hbm>>, %arg3: memref<6144xi32, #tpu.memory_space<hbm>>, %arg4: memref<6144x1024xf32, #tpu.memory_space<hbm>>, %arg5: memref<192xi32, #tpu.memory_space<vmem>>, %arg6: memref<32x1024xf32, #tpu.memory_space<vmem>>, %arg7: memref<32x1024xf32, #tpu.memory_space<vmem>>, %arg8: memref<!tpu.dma_semaphore, #tpu.memory_space<semaphore_mem>>, %arg9: memref<!tpu.dma_semaphore, #tpu.memory_space<semaphore_mem>>) attributes {dimension_semantics = [#tpu.dimension_semantics<core_parallel>, #tpu.dimension_semantics<subcore_parallel>], iteration_bounds = array<i64: 2, 16>, scalar_prefetch = 0 : i64, scratch_operands = 5 : i64, tpu.core_type = #tpu.core_type<sc_vector_subcore>, window_params = [{transform_indices = #map}, {transform_indices = #map1}, {transform_indices = #map}]} {
    %mul3A = arith.constant 2 : i32
    %mul3A_0 = arith.muli %arg1, %mul3A : i32
    %add3A = arith.addi %mul3A_0, %arg0 : i32
    %mul3A_1 = arith.constant 192 : i32
    %mul3A_2 = arith.muli %add3A, %mul3A_1 : i32
    "tpu.region"() ({
      %run_scoped3A = tpu.sem_alloc : memref<!tpu.dma_semaphore, #tpu.memory_space<semaphore_mem>>
      %dma_start3A_73 = tpu.memref_slice %arg3[%mul3A_2] : memref<6144xi32, #tpu.memory_space<hbm>> -> memref<192xi32, #tpu.memory_space<hbm>>
      %dma_start3A_74 = tpu.memref_slice %arg3[%mul3A_2] : memref<6144xi32, #tpu.memory_space<hbm>> -> memref<192xi32, #tpu.memory_space<hbm>>
      tpu.enqueue_dma source(%dma_start3A_74 : memref<192xi32, #tpu.memory_space<hbm>>) target(%arg5 : memref<192xi32, #tpu.memory_space<vmem>>) target_semaphore(%run_scoped3A : memref<!tpu.dma_semaphore, #tpu.memory_space<semaphore_mem>>)
      %dma_wait3A_75 = tpu.memref_slice %arg3[%mul3A_2] : memref<6144xi32, #tpu.memory_space<hbm>> -> memref<192xi32, #tpu.memory_space<hbm>>
      %dma_wait3A_76 = tpu.memref_slice %arg3[%mul3A_2] : memref<6144xi32, #tpu.memory_space<hbm>> -> memref<192xi32, #tpu.memory_space<hbm>>
      tpu.wait_dma2 semaphore(%run_scoped3A : memref<!tpu.dma_semaphore, #tpu.memory_space<semaphore_mem>>) src(%dma_wait3A_76 : memref<192xi32, #tpu.memory_space<hbm>>) dst(%arg5 : memref<192xi32, #tpu.memory_space<vmem>>)
      tpu.yield
    }) : () -> ()
    %dma_start3A = arith.constant 0 : i32
    %dma_start3A_3 = tpu.memref_slice %arg5[%dma_start3A] : memref<192xi32, #tpu.memory_space<vmem>> -> memref<32xi32, #tpu.memory_space<vmem>>
    %dma_start3A_4 = arith.constant 0 : i32
    %dma_start3A_5 = arith.constant 0 : i32
    %dma_start3A_6 = tpu.memref_slice %arg2[%dma_start3A_4, %dma_start3A_5] : memref<2048x1024xf32, #tpu.memory_space<hbm>> -> memref<2048x1024xf32, #tpu.memory_space<hbm>>
    tpu.enqueue_indirect_dma source(%dma_start3A_6 : memref<2048x1024xf32, #tpu.memory_space<hbm>>) target(%arg6 : memref<32x1024xf32, #tpu.memory_space<vmem>>) offsets(%dma_start3A_3 : memref<32xi32, #tpu.memory_space<vmem>>) semaphore(%arg8 : memref<!tpu.dma_semaphore, #tpu.memory_space<semaphore_mem>>)
    %dma_start3A_7 = arith.constant 32 : i32
    %dma_start3A_8 = tpu.memref_slice %arg5[%dma_start3A_7] : memref<192xi32, #tpu.memory_space<vmem>> -> memref<32xi32, #tpu.memory_space<vmem>>
    %dma_start3A_9 = arith.constant 0 : i32
    %dma_start3A_10 = arith.constant 0 : i32
    %dma_start3A_11 = tpu.memref_slice %arg2[%dma_start3A_9, %dma_start3A_10] : memref<2048x1024xf32, #tpu.memory_space<hbm>> -> memref<2048x1024xf32, #tpu.memory_space<hbm>>
    tpu.enqueue_indirect_dma source(%dma_start3A_11 : memref<2048x1024xf32, #tpu.memory_space<hbm>>) target(%arg7 : memref<32x1024xf32, #tpu.memory_space<vmem>>) offsets(%dma_start3A_8 : memref<32xi32, #tpu.memory_space<vmem>>) semaphore(%arg9 : memref<!tpu.dma_semaphore, #tpu.memory_space<semaphore_mem>>)
    %dma_wait3A = arith.constant 0 : i32
    %dma_wait3A_12 = tpu.memref_slice %arg5[%dma_wait3A] : memref<192xi32, #tpu.memory_space<vmem>> -> memref<32xi32, #tpu.memory_space<vmem>>
    %dma_wait3A_13 = arith.constant 0 : i32
    %dma_wait3A_14 = arith.constant 0 : i32
    %dma_wait3A_15 = tpu.memref_slice %arg2[%dma_wait3A_13, %dma_wait3A_14] : memref<2048x1024xf32, #tpu.memory_space<hbm>> -> memref<2048x1024xf32, #tpu.memory_space<hbm>>
    tpu.wait_indirect_dma semaphore(%arg8 : memref<!tpu.dma_semaphore, #tpu.memory_space<semaphore_mem>>) src(%dma_wait3A_15 : memref<2048x1024xf32, #tpu.memory_space<hbm>>) dst(%arg6 : memref<32x1024xf32, #tpu.memory_space<vmem>>)
    %add3A_16 = arith.constant 0 : i32
    %add3A_17 = arith.addi %mul3A_2, %add3A_16 : i32
    "tpu.region"() ({
      %run_scoped3A = tpu.sem_alloc : memref<!tpu.dma_semaphore, #tpu.memory_space<semaphore_mem>>
      %dma_start3A_73 = arith.constant 0 : i32
      %dma_start3A_74 = tpu.memref_slice %arg4[%add3A_17, %dma_start3A_73] : memref<6144x1024xf32, #tpu.memory_space<hbm>> -> memref<32x1024xf32, #tpu.memory_space<hbm>>
      %dma_start3A_75 = arith.constant 0 : i32
      %dma_start3A_76 = tpu.memref_slice %arg4[%add3A_17, %dma_start3A_75] : memref<6144x1024xf32, #tpu.memory_space<hbm>> -> memref<32x1024xf32, #tpu.memory_space<hbm>>
      tpu.enqueue_dma source(%arg6 : memref<32x1024xf32, #tpu.memory_space<vmem>>) target(%dma_start3A_76 : memref<32x1024xf32, #tpu.memory_space<hbm>>) target_semaphore(%run_scoped3A : memref<!tpu.dma_semaphore, #tpu.memory_space<semaphore_mem>>)
      %dma_wait3A_77 = arith.constant 0 : i32
      %dma_wait3A_78 = tpu.memref_slice %arg4[%add3A_17, %dma_wait3A_77] : memref<6144x1024xf32, #tpu.memory_space<hbm>> -> memref<32x1024xf32, #tpu.memory_space<hbm>>
      %dma_wait3A_79 = arith.constant 0 : i32
      %dma_wait3A_80 = tpu.memref_slice %arg4[%add3A_17, %dma_wait3A_79] : memref<6144x1024xf32, #tpu.memory_space<hbm>> -> memref<32x1024xf32, #tpu.memory_space<hbm>>
      tpu.wait_dma2 semaphore(%run_scoped3A : memref<!tpu.dma_semaphore, #tpu.memory_space<semaphore_mem>>) src(%arg6 : memref<32x1024xf32, #tpu.memory_space<vmem>>) dst(%dma_wait3A_80 : memref<32x1024xf32, #tpu.memory_space<hbm>>)
      tpu.yield
    }) : () -> ()
    %dma_start3A_18 = arith.constant 64 : i32
    %dma_start3A_19 = tpu.memref_slice %arg5[%dma_start3A_18] : memref<192xi32, #tpu.memory_space<vmem>> -> memref<32xi32, #tpu.memory_space<vmem>>
    %dma_start3A_20 = arith.constant 0 : i32
    %dma_start3A_21 = arith.constant 0 : i32
    %dma_start3A_22 = tpu.memref_slice %arg2[%dma_start3A_20, %dma_start3A_21] : memref<2048x1024xf32, #tpu.memory_space<hbm>> -> memref<2048x1024xf32, #tpu.memory_space<hbm>>
    tpu.enqueue_indirect_dma source(%dma_start3A_22 : memref<2048x1024xf32, #tpu.memory_space<hbm>>) target(%arg6 : memref<32x1024xf32, #tpu.memory_space<vmem>>) offsets(%dma_start3A_19 : memref<32xi32, #tpu.memory_space<vmem>>) semaphore(%arg8 : memref<!tpu.dma_semaphore, #tpu.memory_space<semaphore_mem>>)
    %dma_wait3A_23 = arith.constant 32 : i32
    %dma_wait3A_24 = tpu.memref_slice %arg5[%dma_wait3A_23] : memref<192xi32, #tpu.memory_space<vmem>> -> memref<32xi32, #tpu.memory_space<vmem>>
    %dma_wait3A_25 = arith.constant 0 : i32
    %dma_wait3A_26 = arith.constant 0 : i32
    %dma_wait3A_27 = tpu.memref_slice %arg2[%dma_wait3A_25, %dma_wait3A_26] : memref<2048x1024xf32, #tpu.memory_space<hbm>> -> memref<2048x1024xf32, #tpu.memory_space<hbm>>
    tpu.wait_indirect_dma semaphore(%arg9 : memref<!tpu.dma_semaphore, #tpu.memory_space<semaphore_mem>>) src(%dma_wait3A_27 : memref<2048x1024xf32, #tpu.memory_space<hbm>>) dst(%arg7 : memref<32x1024xf32, #tpu.memory_space<vmem>>)
    %add3A_28 = arith.constant 32 : i32
    %add3A_29 = arith.addi %mul3A_2, %add3A_28 : i32
    "tpu.region"() ({
      %run_scoped3A = tpu.sem_alloc : memref<!tpu.dma_semaphore, #tpu.memory_space<semaphore_mem>>
      %dma_start3A_73 = arith.constant 0 : i32
      %dma_start3A_74 = tpu.memref_slice %arg4[%add3A_29, %dma_start3A_73] : memref<6144x1024xf32, #tpu.memory_space<hbm>> -> memref<32x1024xf32, #tpu.memory_space<hbm>>
      %dma_start3A_75 = arith.constant 0 : i32
      %dma_start3A_76 = tpu.memref_slice %arg4[%add3A_29, %dma_start3A_75] : memref<6144x1024xf32, #tpu.memory_space<hbm>> -> memref<32x1024xf32, #tpu.memory_space<hbm>>
      tpu.enqueue_dma source(%arg7 : memref<32x1024xf32, #tpu.memory_space<vmem>>) target(%dma_start3A_76 : memref<32x1024xf32, #tpu.memory_space<hbm>>) target_semaphore(%run_scoped3A : memref<!tpu.dma_semaphore, #tpu.memory_space<semaphore_mem>>)
      %dma_wait3A_77 = arith.constant 0 : i32
      %dma_wait3A_78 = tpu.memref_slice %arg4[%add3A_29, %dma_wait3A_77] : memref<6144x1024xf32, #tpu.memory_space<hbm>> -> memref<32x1024xf32, #tpu.memory_space<hbm>>
      %dma_wait3A_79 = arith.constant 0 : i32
      %dma_wait3A_80 = tpu.memref_slice %arg4[%add3A_29, %dma_wait3A_79] : memref<6144x1024xf32, #tpu.memory_space<hbm>> -> memref<32x1024xf32, #tpu.memory_space<hbm>>
      tpu.wait_dma2 semaphore(%run_scoped3A : memref<!tpu.dma_semaphore, #tpu.memory_space<semaphore_mem>>) src(%arg7 : memref<32x1024xf32, #tpu.memory_space<vmem>>) dst(%dma_wait3A_80 : memref<32x1024xf32, #tpu.memory_space<hbm>>)
      tpu.yield
    }) : () -> ()
    %dma_start3A_30 = arith.constant 96 : i32
    %dma_start3A_31 = tpu.memref_slice %arg5[%dma_start3A_30] : memref<192xi32, #tpu.memory_space<vmem>> -> memref<32xi32, #tpu.memory_space<vmem>>
    %dma_start3A_32 = arith.constant 0 : i32
    %dma_start3A_33 = arith.constant 0 : i32
    %dma_start3A_34 = tpu.memref_slice %arg2[%dma_start3A_32, %dma_start3A_33] : memref<2048x1024xf32, #tpu.memory_space<hbm>> -> memref<2048x1024xf32, #tpu.memory_space<hbm>>
    tpu.enqueue_indirect_dma source(%dma_start3A_34 : memref<2048x1024xf32, #tpu.memory_space<hbm>>) target(%arg7 : memref<32x1024xf32, #tpu.memory_space<vmem>>) offsets(%dma_start3A_31 : memref<32xi32, #tpu.memory_space<vmem>>) semaphore(%arg9 : memref<!tpu.dma_semaphore, #tpu.memory_space<semaphore_mem>>)
    %dma_wait3A_35 = arith.constant 64 : i32
    %dma_wait3A_36 = tpu.memref_slice %arg5[%dma_wait3A_35] : memref<192xi32, #tpu.memory_space<vmem>> -> memref<32xi32, #tpu.memory_space<vmem>>
    %dma_wait3A_37 = arith.constant 0 : i32
    %dma_wait3A_38 = arith.constant 0 : i32
    %dma_wait3A_39 = tpu.memref_slice %arg2[%dma_wait3A_37, %dma_wait3A_38] : memref<2048x1024xf32, #tpu.memory_space<hbm>> -> memref<2048x1024xf32, #tpu.memory_space<hbm>>
    tpu.wait_indirect_dma semaphore(%arg8 : memref<!tpu.dma_semaphore, #tpu.memory_space<semaphore_mem>>) src(%dma_wait3A_39 : memref<2048x1024xf32, #tpu.memory_space<hbm>>) dst(%arg6 : memref<32x1024xf32, #tpu.memory_space<vmem>>)
    %add3A_40 = arith.constant 64 : i32
    %add3A_41 = arith.addi %mul3A_2, %add3A_40 : i32
    "tpu.region"() ({
      %run_scoped3A = tpu.sem_alloc : memref<!tpu.dma_semaphore, #tpu.memory_space<semaphore_mem>>
      %dma_start3A_73 = arith.constant 0 : i32
      %dma_start3A_74 = tpu.memref_slice %arg4[%add3A_41, %dma_start3A_73] : memref<6144x1024xf32, #tpu.memory_space<hbm>> -> memref<32x1024xf32, #tpu.memory_space<hbm>>
      %dma_start3A_75 = arith.constant 0 : i32
      %dma_start3A_76 = tpu.memref_slice %arg4[%add3A_41, %dma_start3A_75] : memref<6144x1024xf32, #tpu.memory_space<hbm>> -> memref<32x1024xf32, #tpu.memory_space<hbm>>
      tpu.enqueue_dma source(%arg6 : memref<32x1024xf32, #tpu.memory_space<vmem>>) target(%dma_start3A_76 : memref<32x1024xf32, #tpu.memory_space<hbm>>) target_semaphore(%run_scoped3A : memref<!tpu.dma_semaphore, #tpu.memory_space<semaphore_mem>>)
      %dma_wait3A_77 = arith.constant 0 : i32
      %dma_wait3A_78 = tpu.memref_slice %arg4[%add3A_41, %dma_wait3A_77] : memref<6144x1024xf32, #tpu.memory_space<hbm>> -> memref<32x1024xf32, #tpu.memory_space<hbm>>
      %dma_wait3A_79 = arith.constant 0 : i32
      %dma_wait3A_80 = tpu.memref_slice %arg4[%add3A_41, %dma_wait3A_79] : memref<6144x1024xf32, #tpu.memory_space<hbm>> -> memref<32x1024xf32, #tpu.memory_space<hbm>>
      tpu.wait_dma2 semaphore(%run_scoped3A : memref<!tpu.dma_semaphore, #tpu.memory_space<semaphore_mem>>) src(%arg6 : memref<32x1024xf32, #tpu.memory_space<vmem>>) dst(%dma_wait3A_80 : memref<32x1024xf32, #tpu.memory_space<hbm>>)
      tpu.yield
    }) : () -> ()
    %dma_start3A_42 = arith.constant 128 : i32
    %dma_start3A_43 = tpu.memref_slice %arg5[%dma_start3A_42] : memref<192xi32, #tpu.memory_space<vmem>> -> memref<32xi32, #tpu.memory_space<vmem>>
    %dma_start3A_44 = arith.constant 0 : i32
    %dma_start3A_45 = arith.constant 0 : i32
    %dma_start3A_46 = tpu.memref_slice %arg2[%dma_start3A_44, %dma_start3A_45] : memref<2048x1024xf32, #tpu.memory_space<hbm>> -> memref<2048x1024xf32, #tpu.memory_space<hbm>>
    tpu.enqueue_indirect_dma source(%dma_start3A_46 : memref<2048x1024xf32, #tpu.memory_space<hbm>>) target(%arg6 : memref<32x1024xf32, #tpu.memory_space<vmem>>) offsets(%dma_start3A_43 : memref<32xi32, #tpu.memory_space<vmem>>) semaphore(%arg8 : memref<!tpu.dma_semaphore, #tpu.memory_space<semaphore_mem>>)
    %dma_wait3A_47 = arith.constant 96 : i32
    %dma_wait3A_48 = tpu.memref_slice %arg5[%dma_wait3A_47] : memref<192xi32, #tpu.memory_space<vmem>> -> memref<32xi32, #tpu.memory_space<vmem>>
    %dma_wait3A_49 = arith.constant 0 : i32
    %dma_wait3A_50 = arith.constant 0 : i32
    %dma_wait3A_51 = tpu.memref_slice %arg2[%dma_wait3A_49, %dma_wait3A_50] : memref<2048x1024xf32, #tpu.memory_space<hbm>> -> memref<2048x1024xf32, #tpu.memory_space<hbm>>
    tpu.wait_indirect_dma semaphore(%arg9 : memref<!tpu.dma_semaphore, #tpu.memory_space<semaphore_mem>>) src(%dma_wait3A_51 : memref<2048x1024xf32, #tpu.memory_space<hbm>>) dst(%arg7 : memref<32x1024xf32, #tpu.memory_space<vmem>>)
    %add3A_52 = arith.constant 96 : i32
    %add3A_53 = arith.addi %mul3A_2, %add3A_52 : i32
    "tpu.region"() ({
      %run_scoped3A = tpu.sem_alloc : memref<!tpu.dma_semaphore, #tpu.memory_space<semaphore_mem>>
      %dma_start3A_73 = arith.constant 0 : i32
      %dma_start3A_74 = tpu.memref_slice %arg4[%add3A_53, %dma_start3A_73] : memref<6144x1024xf32, #tpu.memory_space<hbm>> -> memref<32x1024xf32, #tpu.memory_space<hbm>>
      %dma_start3A_75 = arith.constant 0 : i32
      %dma_start3A_76 = tpu.memref_slice %arg4[%add3A_53, %dma_start3A_75] : memref<6144x1024xf32, #tpu.memory_space<hbm>> -> memref<32x1024xf32, #tpu.memory_space<hbm>>
      tpu.enqueue_dma source(%arg7 : memref<32x1024xf32, #tpu.memory_space<vmem>>) target(%dma_start3A_76 : memref<32x1024xf32, #tpu.memory_space<hbm>>) target_semaphore(%run_scoped3A : memref<!tpu.dma_semaphore, #tpu.memory_space<semaphore_mem>>)
      %dma_wait3A_77 = arith.constant 0 : i32
      %dma_wait3A_78 = tpu.memref_slice %arg4[%add3A_53, %dma_wait3A_77] : memref<6144x1024xf32, #tpu.memory_space<hbm>> -> memref<32x1024xf32, #tpu.memory_space<hbm>>
      %dma_wait3A_79 = arith.constant 0 : i32
      %dma_wait3A_80 = tpu.memref_slice %arg4[%add3A_53, %dma_wait3A_79] : memref<6144x1024xf32, #tpu.memory_space<hbm>> -> memref<32x1024xf32, #tpu.memory_space<hbm>>
      tpu.wait_dma2 semaphore(%run_scoped3A : memref<!tpu.dma_semaphore, #tpu.memory_space<semaphore_mem>>) src(%arg7 : memref<32x1024xf32, #tpu.memory_space<vmem>>) dst(%dma_wait3A_80 : memref<32x1024xf32, #tpu.memory_space<hbm>>)
      tpu.yield
    }) : () -> ()
    %dma_start3A_54 = arith.constant 160 : i32
    %dma_start3A_55 = tpu.memref_slice %arg5[%dma_start3A_54] : memref<192xi32, #tpu.memory_space<vmem>> -> memref<32xi32, #tpu.memory_space<vmem>>
    %dma_start3A_56 = arith.constant 0 : i32
    %dma_start3A_57 = arith.constant 0 : i32
    %dma_start3A_58 = tpu.memref_slice %arg2[%dma_start3A_56, %dma_start3A_57] : memref<2048x1024xf32, #tpu.memory_space<hbm>> -> memref<2048x1024xf32, #tpu.memory_space<hbm>>
    tpu.enqueue_indirect_dma source(%dma_start3A_58 : memref<2048x1024xf32, #tpu.memory_space<hbm>>) target(%arg7 : memref<32x1024xf32, #tpu.memory_space<vmem>>) offsets(%dma_start3A_55 : memref<32xi32, #tpu.memory_space<vmem>>) semaphore(%arg9 : memref<!tpu.dma_semaphore, #tpu.memory_space<semaphore_mem>>)
    %dma_wait3A_59 = arith.constant 128 : i32
    %dma_wait3A_60 = tpu.memref_slice %arg5[%dma_wait3A_59] : memref<192xi32, #tpu.memory_space<vmem>> -> memref<32xi32, #tpu.memory_space<vmem>>
    %dma_wait3A_61 = arith.constant 0 : i32
    %dma_wait3A_62 = arith.constant 0 : i32
    %dma_wait3A_63 = tpu.memref_slice %arg2[%dma_wait3A_61, %dma_wait3A_62] : memref<2048x1024xf32, #tpu.memory_space<hbm>> -> memref<2048x1024xf32, #tpu.memory_space<hbm>>
    tpu.wait_indirect_dma semaphore(%arg8 : memref<!tpu.dma_semaphore, #tpu.memory_space<semaphore_mem>>) src(%dma_wait3A_63 : memref<2048x1024xf32, #tpu.memory_space<hbm>>) dst(%arg6 : memref<32x1024xf32, #tpu.memory_space<vmem>>)
    %add3A_64 = arith.constant 128 : i32
    %add3A_65 = arith.addi %mul3A_2, %add3A_64 : i32
    "tpu.region"() ({
      %run_scoped3A = tpu.sem_alloc : memref<!tpu.dma_semaphore, #tpu.memory_space<semaphore_mem>>
      %dma_start3A_73 = arith.constant 0 : i32
      %dma_start3A_74 = tpu.memref_slice %arg4[%add3A_65, %dma_start3A_73] : memref<6144x1024xf32, #tpu.memory_space<hbm>> -> memref<32x1024xf32, #tpu.memory_space<hbm>>
      %dma_start3A_75 = arith.constant 0 : i32
      %dma_start3A_76 = tpu.memref_slice %arg4[%add3A_65, %dma_start3A_75] : memref<6144x1024xf32, #tpu.memory_space<hbm>> -> memref<32x1024xf32, #tpu.memory_space<hbm>>
      tpu.enqueue_dma source(%arg6 : memref<32x1024xf32, #tpu.memory_space<vmem>>) target(%dma_start3A_76 : memref<32x1024xf32, #tpu.memory_space<hbm>>) target_semaphore(%run_scoped3A : memref<!tpu.dma_semaphore, #tpu.memory_space<semaphore_mem>>)
      %dma_wait3A_77 = arith.constant 0 : i32
      %dma_wait3A_78 = tpu.memref_slice %arg4[%add3A_65, %dma_wait3A_77] : memref<6144x1024xf32, #tpu.memory_space<hbm>> -> memref<32x1024xf32, #tpu.memory_space<hbm>>
      %dma_wait3A_79 = arith.constant 0 : i32
      %dma_wait3A_80 = tpu.memref_slice %arg4[%add3A_65, %dma_wait3A_79] : memref<6144x1024xf32, #tpu.memory_space<hbm>> -> memref<32x1024xf32, #tpu.memory_space<hbm>>
      tpu.wait_dma2 semaphore(%run_scoped3A : memref<!tpu.dma_semaphore, #tpu.memory_space<semaphore_mem>>) src(%arg6 : memref<32x1024xf32, #tpu.memory_space<vmem>>) dst(%dma_wait3A_80 : memref<32x1024xf32, #tpu.memory_space<hbm>>)
      tpu.yield
    }) : () -> ()
    %dma_wait3A_66 = arith.constant 160 : i32
    %dma_wait3A_67 = tpu.memref_slice %arg5[%dma_wait3A_66] : memref<192xi32, #tpu.memory_space<vmem>> -> memref<32xi32, #tpu.memory_space<vmem>>
    %dma_wait3A_68 = arith.constant 0 : i32
    %dma_wait3A_69 = arith.constant 0 : i32
    %dma_wait3A_70 = tpu.memref_slice %arg2[%dma_wait3A_68, %dma_wait3A_69] : memref<2048x1024xf32, #tpu.memory_space<hbm>> -> memref<2048x1024xf32, #tpu.memory_space<hbm>>
    tpu.wait_indirect_dma semaphore(%arg9 : memref<!tpu.dma_semaphore, #tpu.memory_space<semaphore_mem>>) src(%dma_wait3A_70 : memref<2048x1024xf32, #tpu.memory_space<hbm>>) dst(%arg7 : memref<32x1024xf32, #tpu.memory_space<vmem>>)
    %add3A_71 = arith.constant 160 : i32
    %add3A_72 = arith.addi %mul3A_2, %add3A_71 : i32
    "tpu.region"() ({
      %run_scoped3A = tpu.sem_alloc : memref<!tpu.dma_semaphore, #tpu.memory_space<semaphore_mem>>
      %dma_start3A_73 = arith.constant 0 : i32
      %dma_start3A_74 = tpu.memref_slice %arg4[%add3A_72, %dma_start3A_73] : memref<6144x1024xf32, #tpu.memory_space<hbm>> -> memref<32x1024xf32, #tpu.memory_space<hbm>>
      %dma_start3A_75 = arith.constant 0 : i32
      %dma_start3A_76 = tpu.memref_slice %arg4[%add3A_72, %dma_start3A_75] : memref<6144x1024xf32, #tpu.memory_space<hbm>> -> memref<32x1024xf32, #tpu.memory_space<hbm>>
      tpu.enqueue_dma source(%arg7 : memref<32x1024xf32, #tpu.memory_space<vmem>>) target(%dma_start3A_76 : memref<32x1024xf32, #tpu.memory_space<hbm>>) target_semaphore(%run_scoped3A : memref<!tpu.dma_semaphore, #tpu.memory_space<semaphore_mem>>)
      %dma_wait3A_77 = arith.constant 0 : i32
      %dma_wait3A_78 = tpu.memref_slice %arg4[%add3A_72, %dma_wait3A_77] : memref<6144x1024xf32, #tpu.memory_space<hbm>> -> memref<32x1024xf32, #tpu.memory_space<hbm>>
      %dma_wait3A_79 = arith.constant 0 : i32
      %dma_wait3A_80 = tpu.memref_slice %arg4[%add3A_72, %dma_wait3A_79] : memref<6144x1024xf32, #tpu.memory_space<hbm>> -> memref<32x1024xf32, #tpu.memory_space<hbm>>
      tpu.wait_dma2 semaphore(%run_scoped3A : memref<!tpu.dma_semaphore, #tpu.memory_space<semaphore_mem>>) src(%arg7 : memref<32x1024xf32, #tpu.memory_space<vmem>>) dst(%dma_wait3A_80 : memref<32x1024xf32, #tpu.memory_space<hbm>>)
      tpu.yield
    }) : () -> ()
    return
  }
}

#map = affine_map<(d0, d1) -> (0, 0)>
#map1 = affine_map<(d0, d1) -> (0)>
module attributes {stable_mosaic.version = 14 : i64} {
  func.func @k(%arg0: i32, %arg1: i32, %arg2: memref<6144x1024xf32, #tpu.memory_space<hbm>>, %arg3: memref<4096xi32, #tpu.memory_space<hbm>>, %arg4: memref<4096x1024xf32, #tpu.memory_space<hbm>>, %arg5: memref<128xi32, #tpu.memory_space<vmem>>, %arg6: memref<32x1024xf32, #tpu.memory_space<vmem>>, %arg7: memref<32x1024xf32, #tpu.memory_space<vmem>>, %arg8: memref<!tpu.dma_semaphore, #tpu.memory_space<semaphore_mem>>, %arg9: memref<!tpu.dma_semaphore, #tpu.memory_space<semaphore_mem>>) attributes {dimension_semantics = [#tpu.dimension_semantics<core_parallel>, #tpu.dimension_semantics<subcore_parallel>], iteration_bounds = array<i64: 2, 16>, scalar_prefetch = 0 : i64, scratch_operands = 5 : i64, tpu.core_type = #tpu.core_type<sc_vector_subcore>, window_params = [{transform_indices = #map}, {transform_indices = #map1}, {transform_indices = #map}]} {
    %mul3A = arith.constant 2 : i32
    %mul3A_0 = arith.muli %arg1, %mul3A : i32
    %add3A = arith.addi %mul3A_0, %arg0 : i32
    %mul3A_1 = arith.constant 128 : i32
    %mul3A_2 = arith.muli %add3A, %mul3A_1 : i32
    "tpu.region"() ({
      %run_scoped3A = tpu.sem_alloc : memref<!tpu.dma_semaphore, #tpu.memory_space<semaphore_mem>>
      %dma_start3A_49 = tpu.memref_slice %arg3[%mul3A_2] : memref<4096xi32, #tpu.memory_space<hbm>> -> memref<128xi32, #tpu.memory_space<hbm>>
      %dma_start3A_50 = tpu.memref_slice %arg3[%mul3A_2] : memref<4096xi32, #tpu.memory_space<hbm>> -> memref<128xi32, #tpu.memory_space<hbm>>
      tpu.enqueue_dma source(%dma_start3A_50 : memref<128xi32, #tpu.memory_space<hbm>>) target(%arg5 : memref<128xi32, #tpu.memory_space<vmem>>) target_semaphore(%run_scoped3A : memref<!tpu.dma_semaphore, #tpu.memory_space<semaphore_mem>>)
      %dma_wait3A_51 = tpu.memref_slice %arg3[%mul3A_2] : memref<4096xi32, #tpu.memory_space<hbm>> -> memref<128xi32, #tpu.memory_space<hbm>>
      %dma_wait3A_52 = tpu.memref_slice %arg3[%mul3A_2] : memref<4096xi32, #tpu.memory_space<hbm>> -> memref<128xi32, #tpu.memory_space<hbm>>
      tpu.wait_dma2 semaphore(%run_scoped3A : memref<!tpu.dma_semaphore, #tpu.memory_space<semaphore_mem>>) src(%dma_wait3A_52 : memref<128xi32, #tpu.memory_space<hbm>>) dst(%arg5 : memref<128xi32, #tpu.memory_space<vmem>>)
      tpu.yield
    }) : () -> ()
    %dma_start3A = arith.constant 0 : i32
    %dma_start3A_3 = tpu.memref_slice %arg5[%dma_start3A] : memref<128xi32, #tpu.memory_space<vmem>> -> memref<32xi32, #tpu.memory_space<vmem>>
    %dma_start3A_4 = arith.constant 0 : i32
    %dma_start3A_5 = arith.constant 0 : i32
    %dma_start3A_6 = tpu.memref_slice %arg2[%dma_start3A_4, %dma_start3A_5] : memref<6144x1024xf32, #tpu.memory_space<hbm>> -> memref<6144x1024xf32, #tpu.memory_space<hbm>>
    tpu.enqueue_indirect_dma source(%dma_start3A_6 : memref<6144x1024xf32, #tpu.memory_space<hbm>>) target(%arg6 : memref<32x1024xf32, #tpu.memory_space<vmem>>) offsets(%dma_start3A_3 : memref<32xi32, #tpu.memory_space<vmem>>) semaphore(%arg8 : memref<!tpu.dma_semaphore, #tpu.memory_space<semaphore_mem>>)
    %dma_start3A_7 = arith.constant 32 : i32
    %dma_start3A_8 = tpu.memref_slice %arg5[%dma_start3A_7] : memref<128xi32, #tpu.memory_space<vmem>> -> memref<32xi32, #tpu.memory_space<vmem>>
    %dma_start3A_9 = arith.constant 0 : i32
    %dma_start3A_10 = arith.constant 0 : i32
    %dma_start3A_11 = tpu.memref_slice %arg2[%dma_start3A_9, %dma_start3A_10] : memref<6144x1024xf32, #tpu.memory_space<hbm>> -> memref<6144x1024xf32, #tpu.memory_space<hbm>>
    tpu.enqueue_indirect_dma source(%dma_start3A_11 : memref<6144x1024xf32, #tpu.memory_space<hbm>>) target(%arg7 : memref<32x1024xf32, #tpu.memory_space<vmem>>) offsets(%dma_start3A_8 : memref<32xi32, #tpu.memory_space<vmem>>) semaphore(%arg9 : memref<!tpu.dma_semaphore, #tpu.memory_space<semaphore_mem>>)
    %dma_wait3A = arith.constant 0 : i32
    %dma_wait3A_12 = tpu.memref_slice %arg5[%dma_wait3A] : memref<128xi32, #tpu.memory_space<vmem>> -> memref<32xi32, #tpu.memory_space<vmem>>
    %dma_wait3A_13 = arith.constant 0 : i32
    %dma_wait3A_14 = arith.constant 0 : i32
    %dma_wait3A_15 = tpu.memref_slice %arg2[%dma_wait3A_13, %dma_wait3A_14] : memref<6144x1024xf32, #tpu.memory_space<hbm>> -> memref<6144x1024xf32, #tpu.memory_space<hbm>>
    tpu.wait_indirect_dma semaphore(%arg8 : memref<!tpu.dma_semaphore, #tpu.memory_space<semaphore_mem>>) src(%dma_wait3A_15 : memref<6144x1024xf32, #tpu.memory_space<hbm>>) dst(%arg6 : memref<32x1024xf32, #tpu.memory_space<vmem>>)
    %add3A_16 = arith.constant 0 : i32
    %add3A_17 = arith.addi %mul3A_2, %add3A_16 : i32
    "tpu.region"() ({
      %run_scoped3A = tpu.sem_alloc : memref<!tpu.dma_semaphore, #tpu.memory_space<semaphore_mem>>
      %dma_start3A_49 = arith.constant 0 : i32
      %dma_start3A_50 = tpu.memref_slice %arg4[%add3A_17, %dma_start3A_49] : memref<4096x1024xf32, #tpu.memory_space<hbm>> -> memref<32x1024xf32, #tpu.memory_space<hbm>>
      %dma_start3A_51 = arith.constant 0 : i32
      %dma_start3A_52 = tpu.memref_slice %arg4[%add3A_17, %dma_start3A_51] : memref<4096x1024xf32, #tpu.memory_space<hbm>> -> memref<32x1024xf32, #tpu.memory_space<hbm>>
      tpu.enqueue_dma source(%arg6 : memref<32x1024xf32, #tpu.memory_space<vmem>>) target(%dma_start3A_52 : memref<32x1024xf32, #tpu.memory_space<hbm>>) target_semaphore(%run_scoped3A : memref<!tpu.dma_semaphore, #tpu.memory_space<semaphore_mem>>)
      %dma_wait3A_53 = arith.constant 0 : i32
      %dma_wait3A_54 = tpu.memref_slice %arg4[%add3A_17, %dma_wait3A_53] : memref<4096x1024xf32, #tpu.memory_space<hbm>> -> memref<32x1024xf32, #tpu.memory_space<hbm>>
      %dma_wait3A_55 = arith.constant 0 : i32
      %dma_wait3A_56 = tpu.memref_slice %arg4[%add3A_17, %dma_wait3A_55] : memref<4096x1024xf32, #tpu.memory_space<hbm>> -> memref<32x1024xf32, #tpu.memory_space<hbm>>
      tpu.wait_dma2 semaphore(%run_scoped3A : memref<!tpu.dma_semaphore, #tpu.memory_space<semaphore_mem>>) src(%arg6 : memref<32x1024xf32, #tpu.memory_space<vmem>>) dst(%dma_wait3A_56 : memref<32x1024xf32, #tpu.memory_space<hbm>>)
      tpu.yield
    }) : () -> ()
    %dma_start3A_18 = arith.constant 64 : i32
    %dma_start3A_19 = tpu.memref_slice %arg5[%dma_start3A_18] : memref<128xi32, #tpu.memory_space<vmem>> -> memref<32xi32, #tpu.memory_space<vmem>>
    %dma_start3A_20 = arith.constant 0 : i32
    %dma_start3A_21 = arith.constant 0 : i32
    %dma_start3A_22 = tpu.memref_slice %arg2[%dma_start3A_20, %dma_start3A_21] : memref<6144x1024xf32, #tpu.memory_space<hbm>> -> memref<6144x1024xf32, #tpu.memory_space<hbm>>
    tpu.enqueue_indirect_dma source(%dma_start3A_22 : memref<6144x1024xf32, #tpu.memory_space<hbm>>) target(%arg6 : memref<32x1024xf32, #tpu.memory_space<vmem>>) offsets(%dma_start3A_19 : memref<32xi32, #tpu.memory_space<vmem>>) semaphore(%arg8 : memref<!tpu.dma_semaphore, #tpu.memory_space<semaphore_mem>>)
    %dma_wait3A_23 = arith.constant 32 : i32
    %dma_wait3A_24 = tpu.memref_slice %arg5[%dma_wait3A_23] : memref<128xi32, #tpu.memory_space<vmem>> -> memref<32xi32, #tpu.memory_space<vmem>>
    %dma_wait3A_25 = arith.constant 0 : i32
    %dma_wait3A_26 = arith.constant 0 : i32
    %dma_wait3A_27 = tpu.memref_slice %arg2[%dma_wait3A_25, %dma_wait3A_26] : memref<6144x1024xf32, #tpu.memory_space<hbm>> -> memref<6144x1024xf32, #tpu.memory_space<hbm>>
    tpu.wait_indirect_dma semaphore(%arg9 : memref<!tpu.dma_semaphore, #tpu.memory_space<semaphore_mem>>) src(%dma_wait3A_27 : memref<6144x1024xf32, #tpu.memory_space<hbm>>) dst(%arg7 : memref<32x1024xf32, #tpu.memory_space<vmem>>)
    %add3A_28 = arith.constant 32 : i32
    %add3A_29 = arith.addi %mul3A_2, %add3A_28 : i32
    "tpu.region"() ({
      %run_scoped3A = tpu.sem_alloc : memref<!tpu.dma_semaphore, #tpu.memory_space<semaphore_mem>>
      %dma_start3A_49 = arith.constant 0 : i32
      %dma_start3A_50 = tpu.memref_slice %arg4[%add3A_29, %dma_start3A_49] : memref<4096x1024xf32, #tpu.memory_space<hbm>> -> memref<32x1024xf32, #tpu.memory_space<hbm>>
      %dma_start3A_51 = arith.constant 0 : i32
      %dma_start3A_52 = tpu.memref_slice %arg4[%add3A_29, %dma_start3A_51] : memref<4096x1024xf32, #tpu.memory_space<hbm>> -> memref<32x1024xf32, #tpu.memory_space<hbm>>
      tpu.enqueue_dma source(%arg7 : memref<32x1024xf32, #tpu.memory_space<vmem>>) target(%dma_start3A_52 : memref<32x1024xf32, #tpu.memory_space<hbm>>) target_semaphore(%run_scoped3A : memref<!tpu.dma_semaphore, #tpu.memory_space<semaphore_mem>>)
      %dma_wait3A_53 = arith.constant 0 : i32
      %dma_wait3A_54 = tpu.memref_slice %arg4[%add3A_29, %dma_wait3A_53] : memref<4096x1024xf32, #tpu.memory_space<hbm>> -> memref<32x1024xf32, #tpu.memory_space<hbm>>
      %dma_wait3A_55 = arith.constant 0 : i32
      %dma_wait3A_56 = tpu.memref_slice %arg4[%add3A_29, %dma_wait3A_55] : memref<4096x1024xf32, #tpu.memory_space<hbm>> -> memref<32x1024xf32, #tpu.memory_space<hbm>>
      tpu.wait_dma2 semaphore(%run_scoped3A : memref<!tpu.dma_semaphore, #tpu.memory_space<semaphore_mem>>) src(%arg7 : memref<32x1024xf32, #tpu.memory_space<vmem>>) dst(%dma_wait3A_56 : memref<32x1024xf32, #tpu.memory_space<hbm>>)
      tpu.yield
    }) : () -> ()
    %dma_start3A_30 = arith.constant 96 : i32
    %dma_start3A_31 = tpu.memref_slice %arg5[%dma_start3A_30] : memref<128xi32, #tpu.memory_space<vmem>> -> memref<32xi32, #tpu.memory_space<vmem>>
    %dma_start3A_32 = arith.constant 0 : i32
    %dma_start3A_33 = arith.constant 0 : i32
    %dma_start3A_34 = tpu.memref_slice %arg2[%dma_start3A_32, %dma_start3A_33] : memref<6144x1024xf32, #tpu.memory_space<hbm>> -> memref<6144x1024xf32, #tpu.memory_space<hbm>>
    tpu.enqueue_indirect_dma source(%dma_start3A_34 : memref<6144x1024xf32, #tpu.memory_space<hbm>>) target(%arg7 : memref<32x1024xf32, #tpu.memory_space<vmem>>) offsets(%dma_start3A_31 : memref<32xi32, #tpu.memory_space<vmem>>) semaphore(%arg9 : memref<!tpu.dma_semaphore, #tpu.memory_space<semaphore_mem>>)
    %dma_wait3A_35 = arith.constant 64 : i32
    %dma_wait3A_36 = tpu.memref_slice %arg5[%dma_wait3A_35] : memref<128xi32, #tpu.memory_space<vmem>> -> memref<32xi32, #tpu.memory_space<vmem>>
    %dma_wait3A_37 = arith.constant 0 : i32
    %dma_wait3A_38 = arith.constant 0 : i32
    %dma_wait3A_39 = tpu.memref_slice %arg2[%dma_wait3A_37, %dma_wait3A_38] : memref<6144x1024xf32, #tpu.memory_space<hbm>> -> memref<6144x1024xf32, #tpu.memory_space<hbm>>
    tpu.wait_indirect_dma semaphore(%arg8 : memref<!tpu.dma_semaphore, #tpu.memory_space<semaphore_mem>>) src(%dma_wait3A_39 : memref<6144x1024xf32, #tpu.memory_space<hbm>>) dst(%arg6 : memref<32x1024xf32, #tpu.memory_space<vmem>>)
    %add3A_40 = arith.constant 64 : i32
    %add3A_41 = arith.addi %mul3A_2, %add3A_40 : i32
    "tpu.region"() ({
      %run_scoped3A = tpu.sem_alloc : memref<!tpu.dma_semaphore, #tpu.memory_space<semaphore_mem>>
      %dma_start3A_49 = arith.constant 0 : i32
      %dma_start3A_50 = tpu.memref_slice %arg4[%add3A_41, %dma_start3A_49] : memref<4096x1024xf32, #tpu.memory_space<hbm>> -> memref<32x1024xf32, #tpu.memory_space<hbm>>
      %dma_start3A_51 = arith.constant 0 : i32
      %dma_start3A_52 = tpu.memref_slice %arg4[%add3A_41, %dma_start3A_51] : memref<4096x1024xf32, #tpu.memory_space<hbm>> -> memref<32x1024xf32, #tpu.memory_space<hbm>>
      tpu.enqueue_dma source(%arg6 : memref<32x1024xf32, #tpu.memory_space<vmem>>) target(%dma_start3A_52 : memref<32x1024xf32, #tpu.memory_space<hbm>>) target_semaphore(%run_scoped3A : memref<!tpu.dma_semaphore, #tpu.memory_space<semaphore_mem>>)
      %dma_wait3A_53 = arith.constant 0 : i32
      %dma_wait3A_54 = tpu.memref_slice %arg4[%add3A_41, %dma_wait3A_53] : memref<4096x1024xf32, #tpu.memory_space<hbm>> -> memref<32x1024xf32, #tpu.memory_space<hbm>>
      %dma_wait3A_55 = arith.constant 0 : i32
      %dma_wait3A_56 = tpu.memref_slice %arg4[%add3A_41, %dma_wait3A_55] : memref<4096x1024xf32, #tpu.memory_space<hbm>> -> memref<32x1024xf32, #tpu.memory_space<hbm>>
      tpu.wait_dma2 semaphore(%run_scoped3A : memref<!tpu.dma_semaphore, #tpu.memory_space<semaphore_mem>>) src(%arg6 : memref<32x1024xf32, #tpu.memory_space<vmem>>) dst(%dma_wait3A_56 : memref<32x1024xf32, #tpu.memory_space<hbm>>)
      tpu.yield
    }) : () -> ()
    %dma_wait3A_42 = arith.constant 96 : i32
    %dma_wait3A_43 = tpu.memref_slice %arg5[%dma_wait3A_42] : memref<128xi32, #tpu.memory_space<vmem>> -> memref<32xi32, #tpu.memory_space<vmem>>
    %dma_wait3A_44 = arith.constant 0 : i32
    %dma_wait3A_45 = arith.constant 0 : i32
    %dma_wait3A_46 = tpu.memref_slice %arg2[%dma_wait3A_44, %dma_wait3A_45] : memref<6144x1024xf32, #tpu.memory_space<hbm>> -> memref<6144x1024xf32, #tpu.memory_space<hbm>>
    tpu.wait_indirect_dma semaphore(%arg9 : memref<!tpu.dma_semaphore, #tpu.memory_space<semaphore_mem>>) src(%dma_wait3A_46 : memref<6144x1024xf32, #tpu.memory_space<hbm>>) dst(%arg7 : memref<32x1024xf32, #tpu.memory_space<vmem>>)
    %add3A_47 = arith.constant 96 : i32
    %add3A_48 = arith.addi %mul3A_2, %add3A_47 : i32
    "tpu.region"() ({
      %run_scoped3A = tpu.sem_alloc : memref<!tpu.dma_semaphore, #tpu.memory_space<semaphore_mem>>
      %dma_start3A_49 = arith.constant 0 : i32
      %dma_start3A_50 = tpu.memref_slice %arg4[%add3A_48, %dma_start3A_49] : memref<4096x1024xf32, #tpu.memory_space<hbm>> -> memref<32x1024xf32, #tpu.memory_space<hbm>>
      %dma_start3A_51 = arith.constant 0 : i32
      %dma_start3A_52 = tpu.memref_slice %arg4[%add3A_48, %dma_start3A_51] : memref<4096x1024xf32, #tpu.memory_space<hbm>> -> memref<32x1024xf32, #tpu.memory_space<hbm>>
      tpu.enqueue_dma source(%arg7 : memref<32x1024xf32, #tpu.memory_space<vmem>>) target(%dma_start3A_52 : memref<32x1024xf32, #tpu.memory_space<hbm>>) target_semaphore(%run_scoped3A : memref<!tpu.dma_semaphore, #tpu.memory_space<semaphore_mem>>)
      %dma_wait3A_53 = arith.constant 0 : i32
      %dma_wait3A_54 = tpu.memref_slice %arg4[%add3A_48, %dma_wait3A_53] : memref<4096x1024xf32, #tpu.memory_space<hbm>> -> memref<32x1024xf32, #tpu.memory_space<hbm>>
      %dma_wait3A_55 = arith.constant 0 : i32
      %dma_wait3A_56 = tpu.memref_slice %arg4[%add3A_48, %dma_wait3A_55] : memref<4096x1024xf32, #tpu.memory_space<hbm>> -> memref<32x1024xf32, #tpu.memory_space<hbm>>
      tpu.wait_dma2 semaphore(%run_scoped3A : memref<!tpu.dma_semaphore, #tpu.memory_space<semaphore_mem>>) src(%arg7 : memref<32x1024xf32, #tpu.memory_space<vmem>>) dst(%dma_wait3A_56 : memref<32x1024xf32, #tpu.memory_space<hbm>>)
      tpu.yield
    }) : () -> ()
    return
  }
}

module attributes {stable_mosaic.version = 14 : i64} {
  func.func @_qkv_router_body(%arg0: i32, %arg1: memref<256x1024xf32, #tpu.memory_space<vmem>>, %arg2: memref<1024x3072xbf16, #tpu.memory_space<vmem>>, %arg3: memref<2048x128xbf16, #tpu.memory_space<vmem>>, %arg4: memref<128x2048xbf16, #tpu.memory_space<vmem>>, %arg5: memref<1024x8xf32, #tpu.memory_space<vmem>>, %arg6: memref<256x256xbf16, #tpu.memory_space<vmem>>, %arg7: memref<256x3072xbf16, #tpu.memory_space<vmem>>, %arg8: memref<256x8xf32, #tpu.memory_space<vmem>>, %arg9: memref<256x8xf32, #tpu.memory_space<vmem>>, %arg10: memref<256x8xf32, #tpu.memory_space<vmem>>, %arg11: memref<256x8xf32, #tpu.memory_space<vmem>>, %arg12: memref<256x8xf32, #tpu.memory_space<vmem>>, %arg13: memref<8x128xf32, #tpu.memory_space<vmem>>) attributes {dimension_semantics = [#tpu.dimension_semantics<arbitrary>], iteration_bounds = array<i64: 8>, scalar_prefetch = 0 : i64, scratch_operands = 1 : i64, tpu.core_type = #tpu.core_type<tc>, window_params = [{transform_indices = @transform_0, window_bounds = array<i64: 256, 1024>}, {pipeline_mode = #tpu.pipeline_mode<synchronous>, transform_indices = @transform_1, window_bounds = array<i64: 1024, 3072>}, {pipeline_mode = #tpu.pipeline_mode<synchronous>, transform_indices = @transform_2, window_bounds = array<i64: 2048, 128>}, {pipeline_mode = #tpu.pipeline_mode<synchronous>, transform_indices = @transform_3, window_bounds = array<i64: 128, 2048>}, {pipeline_mode = #tpu.pipeline_mode<synchronous>, transform_indices = @transform_4, window_bounds = array<i64: 1024, 8>}, {pipeline_mode = #tpu.pipeline_mode<synchronous>, transform_indices = @transform_5, window_bounds = array<i64: 256, 256>}, {transform_indices = @transform_6, window_bounds = array<i64: 256, 3072>}, {transform_indices = @transform_7, window_bounds = array<i64: 256, 8>}, {transform_indices = @transform_8, window_bounds = array<i64: 256, 8>}, {transform_indices = @transform_9, window_bounds = array<i64: 256, 8>}, {transform_indices = @transform_10, window_bounds = array<i64: 256, 8>}, {transform_indices = @transform_11, window_bounds = array<i64: 256, 8>}]} {
    %get3A = arith.constant 0 : index
    %get3A_0 = arith.constant 0 : index
    %get3A_1 = vector.load %arg1[%get3A, %get3A_0] : memref<256x1024xf32, #tpu.memory_space<vmem>>, vector<256x1024xf32>
    %convert_element_type3A = arith.truncf %get3A_1 : vector<256x1024xf32> to vector<256x1024xbf16>
    %get3A_2 = arith.constant 0 : index
    %get3A_3 = arith.constant 0 : index
    %get3A_4 = vector.load %arg2[%get3A_2, %get3A_3] : memref<1024x3072xbf16, #tpu.memory_space<vmem>>, vector<1024x3072xbf16>
    %dot_general3A = arith.constant dense<0.000000e+00> : vector<256x3072xf32>
    %dot_general3A_5 = tpu.matmul %convert_element_type3A, %get3A_4, %dot_general3A {dimension_numbers = #tpu.dot_dimension_numbers<[1], [0], [0], [1], [0, 0, 1, 1], [], []>, transpose_lhs_hint = false} : vector<256x1024xbf16>, vector<1024x3072xbf16>, vector<256x3072xf32> -> vector<256x3072xf32>
    %slice3A = vector.extract_strided_slice %dot_general3A_5 {offsets = [0, 0], sizes = [256, 2048], strides = [1, 1]} : vector<256x3072xf32> to vector<256x2048xf32>
    %slice3A_6 = vector.extract_strided_slice %dot_general3A_5 {offsets = [0, 2048], sizes = [256, 1024], strides = [1, 1]} : vector<256x3072xf32> to vector<256x1024xf32>
    %mul3A = arith.mulf %slice3A, %slice3A : vector<256x2048xf32>
    %convert_element_type3A_7 = arith.truncf %mul3A : vector<256x2048xf32> to vector<256x2048xbf16>
    %get3A_8 = arith.constant 0 : index
    %get3A_9 = arith.constant 0 : index
    %get3A_10 = vector.load %arg3[%get3A_8, %get3A_9] : memref<2048x128xbf16, #tpu.memory_space<vmem>>, vector<2048x128xbf16>
    %dot_general3A_11 = arith.constant dense<0.000000e+00> : vector<256x128xf32>
    %dot_general3A_12 = tpu.matmul %convert_element_type3A_7, %get3A_10, %dot_general3A_11 {dimension_numbers = #tpu.dot_dimension_numbers<[1], [0], [0], [1], [0, 0, 1, 1], [], []>, transpose_lhs_hint = false} : vector<256x2048xbf16>, vector<2048x128xbf16>, vector<256x128xf32> -> vector<256x128xf32>
    %sqrt3A = math.sqrt %dot_general3A_12 : vector<256x128xf32>
    %add3A = arith.constant 9.99999997E-7 : f32
    %add3A_13 = vector.broadcast %add3A : f32 to vector<256x128xf32>
    %add3A_14 = arith.addf %sqrt3A, %add3A_13 : vector<256x128xf32>
    %div3A = arith.constant 1.000000e+00 : f32
    %div3A_15 = vector.broadcast %div3A : f32 to vector<256x128xf32>
    %div3A_16 = arith.divf %div3A_15, %add3A_14 : vector<256x128xf32>
    %convert_element_type3A_17 = arith.truncf %div3A_16 : vector<256x128xf32> to vector<256x128xbf16>
    %get3A_18 = arith.constant 0 : index
    %get3A_19 = arith.constant 0 : index
    %get3A_20 = vector.load %arg4[%get3A_18, %get3A_19] : memref<128x2048xbf16, #tpu.memory_space<vmem>>, vector<128x2048xbf16>
    %dot_general3A_21 = arith.constant dense<0.000000e+00> : vector<256x2048xf32>
    %dot_general3A_22 = tpu.matmul %convert_element_type3A_17, %get3A_20, %dot_general3A_21 {dimension_numbers = #tpu.dot_dimension_numbers<[1], [0], [0], [1], [0, 0, 1, 1], [], []>, transpose_lhs_hint = false} : vector<256x128xbf16>, vector<128x2048xbf16>, vector<256x2048xf32> -> vector<256x2048xf32>
    %mul3A_23 = arith.mulf %slice3A, %dot_general3A_22 : vector<256x2048xf32>
    %convert_element_type3A_24 = arith.truncf %mul3A_23 : vector<256x2048xf32> to vector<256x2048xbf16>
    %convert_element_type3A_25 = arith.truncf %slice3A_6 : vector<256x1024xf32> to vector<256x1024xbf16>
    %concatenate3A = tpu.concatenate %convert_element_type3A_24, %convert_element_type3A_25 in 1 : vector<256x2048xbf16>, vector<256x1024xbf16> -> vector<256x3072xbf16>
    %swap3A = arith.constant 0 : index
    %swap3A_26 = arith.constant 0 : index
    %swap3A_27 = vector.load %arg7[%swap3A, %swap3A_26] : memref<256x3072xbf16, #tpu.memory_space<vmem>>, vector<256x3072xbf16>
    tpu.vector_store %arg7[%swap3A, %swap3A_26], %concatenate3A {strides = array<i32>} : memref<256x3072xbf16, #tpu.memory_space<vmem>>, vector<256x3072xbf16>,
    %get3A_28 = arith.constant 0 : index
    %get3A_29 = arith.constant 0 : index
    %get3A_30 = vector.load %arg5[%get3A_28, %get3A_29] : memref<1024x8xf32, #tpu.memory_space<vmem>>, vector<1024x8xf32>
    %dot_general3A_31 = arith.constant dense<0.000000e+00> : vector<256x8xf32>
    %dot_general3A_32 = tpu.matmul %get3A_1, %get3A_30, %dot_general3A_31 {dimension_numbers = #tpu.dot_dimension_numbers<[1], [0], [0], [1], [0, 0, 1, 1], [], []>, transpose_lhs_hint = false} : vector<256x1024xf32>, vector<1024x8xf32>, vector<256x8xf32> -> vector<256x8xf32>
    %iota3A = tpu.iota {dimensions = array<i32: 1>} : vector<256x8xi32>
    %reduce_max3A = arith.constant dense<0xFF800000> : vector<256xf32>
    %reduce_max3A_33 = vector.multi_reduction <maximumf>, %dot_general3A_32, %reduce_max3A [1] : vector<256x8xf32> to vector<256xf32>
    %broadcast_in_dim3A = vector.shape_cast %reduce_max3A_33 : vector<256xf32> to vector<256x1xf32>
    %argmax3A = tpu.reduce_index %dot_general3A_32 {axis = 1 : i32, kind = #tpu.reduction_kind<arg_max>} : vector<256x8xf32> -> vector<256xi32>
    %broadcast_in_dim3A_34 = vector.shape_cast %argmax3A : vector<256xi32> to vector<256x1xi32>
    %eq3A = vector.broadcast %broadcast_in_dim3A_34 : vector<256x1xi32> to vector<256x8xi32>
    %eq3A_35 = arith.cmpi eq, %iota3A, %eq3A : vector<256x8xi32>
    %jit3A = arith.constant 0xFF800000 : f32
    %broadcast_in_dim3A_36 = vector.broadcast %jit3A : f32 to vector<256x8xf32>
    %select_n3A = arith.select %eq3A_35, %broadcast_in_dim3A_36, %dot_general3A_32 : vector<256x8xi1>, vector<256x8xf32>
    %reduce_max3A_37 = arith.constant dense<0xFF800000> : vector<256xf32>
    %reduce_max3A_38 = vector.multi_reduction <maximumf>, %select_n3A, %reduce_max3A_37 [1] : vector<256x8xf32> to vector<256xf32>
    %broadcast_in_dim3A_39 = vector.shape_cast %reduce_max3A_38 : vector<256xf32> to vector<256x1xf32>
    %argmax3A_40 = tpu.reduce_index %select_n3A {axis = 1 : i32, kind = #tpu.reduction_kind<arg_max>} : vector<256x8xf32> -> vector<256xi32>
    %broadcast_in_dim3A_41 = vector.shape_cast %argmax3A_40 : vector<256xi32> to vector<256x1xi32>
    %sub3A = arith.subf %broadcast_in_dim3A_39, %broadcast_in_dim3A : vector<256x1xf32>
    %exp3A = math.exp %sub3A : vector<256x1xf32>
    %add3A_42 = arith.constant 1.000000e+00 : f32
    %add3A_43 = vector.broadcast %add3A_42 : f32 to vector<256x1xf32>
    %add3A_44 = arith.addf %add3A_43, %exp3A : vector<256x1xf32>
    %div3A_45 = arith.constant 1.000000e+00 : f32
    %div3A_46 = vector.broadcast %div3A_45 : f32 to vector<256x1xf32>
    %div3A_47 = arith.divf %div3A_46, %add3A_44 : vector<256x1xf32>
    %add3A_48 = arith.constant 1.000000e+00 : f32
    %add3A_49 = vector.broadcast %add3A_48 : f32 to vector<256x1xf32>
    %add3A_50 = arith.addf %add3A_49, %exp3A : vector<256x1xf32>
    %div3A_51 = arith.divf %exp3A, %add3A_50 : vector<256x1xf32>
    %eq3A_52 = vector.broadcast %broadcast_in_dim3A_34 : vector<256x1xi32> to vector<256x8xi32>
    %eq3A_53 = arith.cmpi eq, %iota3A, %eq3A_52 : vector<256x8xi32>
    %convert_element_type3A_54 = arith.extui %eq3A_53 : vector<256x8xi1> to vector<256x8xi32>
    %convert_element_type3A_55 = arith.sitofp %convert_element_type3A_54 : vector<256x8xi32> to vector<256x8xf32>
    %eq3A_56 = vector.broadcast %broadcast_in_dim3A_41 : vector<256x1xi32> to vector<256x8xi32>
    %eq3A_57 = arith.cmpi eq, %iota3A, %eq3A_56 : vector<256x8xi32>
    %convert_element_type3A_58 = arith.extui %eq3A_57 : vector<256x8xi1> to vector<256x8xi32>
    %convert_element_type3A_59 = arith.sitofp %convert_element_type3A_58 : vector<256x8xi32> to vector<256x8xf32>
    %add3A_60 = arith.addf %convert_element_type3A_55, %convert_element_type3A_59 : vector<256x8xf32>
    %swap3A_61 = arith.constant 0 : index
    %swap3A_62 = arith.constant 0 : index
    %swap3A_63 = vector.load %arg10[%swap3A_61, %swap3A_62] : memref<256x8xf32, #tpu.memory_space<vmem>>, vector<256x8xf32>
    tpu.vector_store %arg10[%swap3A_61, %swap3A_62], %convert_element_type3A_55 {strides = array<i32>} : memref<256x8xf32, #tpu.memory_space<vmem>>, vector<256x8xf32>,
    %swap3A_64 = arith.constant 0 : index
    %swap3A_65 = arith.constant 0 : index
    %swap3A_66 = vector.load %arg11[%swap3A_64, %swap3A_65] : memref<256x8xf32, #tpu.memory_space<vmem>>, vector<256x8xf32>
    tpu.vector_store %arg11[%swap3A_64, %swap3A_65], %convert_element_type3A_59 {strides = array<i32>} : memref<256x8xf32, #tpu.memory_space<vmem>>, vector<256x8xf32>,
    %swap3A_67 = arith.constant 0 : index
    %swap3A_68 = arith.constant 0 : index
    %swap3A_69 = vector.load %arg8[%swap3A_67, %swap3A_68] : memref<256x8xf32, #tpu.memory_space<vmem>>, vector<256x8xf32>
    tpu.vector_store %arg8[%swap3A_67, %swap3A_68], %add3A_60 {strides = array<i32>} : memref<256x8xf32, #tpu.memory_space<vmem>>, vector<256x8xf32>,
    %eq3A_70 = arith.constant 0 : i32
    %eq3A_71 = vector.broadcast %eq3A_70 : i32 to vector<256x8xi32>
    %eq3A_72 = arith.cmpi eq, %iota3A, %eq3A_71 : vector<256x8xi32>
    %eq3A_73 = arith.constant 1 : i32
    %eq3A_74 = vector.broadcast %eq3A_73 : i32 to vector<256x8xi32>
    %eq3A_75 = arith.cmpi eq, %iota3A, %eq3A_74 : vector<256x8xi32>
    %jit3A_76 = arith.constant 0.000000e+00 : f32
    %broadcast_in_dim3A_77 = vector.shape_cast %div3A_51 : vector<256x1xf32> to vector<256x1xf32>
    %broadcast_in_dim3A_78 = vector.broadcast %broadcast_in_dim3A_77 : vector<256x1xf32> to vector<256x8xf32>
    %broadcast_in_dim3A_79 = vector.broadcast %jit3A_76 : f32 to vector<256x8xf32>
    %select_n3A_80 = arith.select %eq3A_75, %broadcast_in_dim3A_78, %broadcast_in_dim3A_79 : vector<256x8xi1>, vector<256x8xf32>
    %broadcast_in_dim3A_81 = vector.shape_cast %div3A_47 : vector<256x1xf32> to vector<256x1xf32>
    %broadcast_in_dim3A_82 = vector.broadcast %broadcast_in_dim3A_81 : vector<256x1xf32> to vector<256x8xf32>
    %select_n3A_83 = arith.select %eq3A_72, %broadcast_in_dim3A_82, %select_n3A_80 : vector<256x8xi1>, vector<256x8xf32>
    %swap3A_84 = arith.constant 0 : index
    %swap3A_85 = arith.constant 0 : index
    %swap3A_86 = vector.load %arg12[%swap3A_84, %swap3A_85] : memref<256x8xf32, #tpu.memory_space<vmem>>, vector<256x8xf32>
    tpu.vector_store %arg12[%swap3A_84, %swap3A_85], %select_n3A_83 {strides = array<i32>} : memref<256x8xf32, #tpu.memory_space<vmem>>, vector<256x8xf32>,
    %eq3A_87 = arith.constant 0 : i32
    %eq3A_88 = arith.cmpi eq, %arg0, %eq3A_87 : i32
    %convert_element_type3A_89 = arith.extui %eq3A_88 : i1 to i32
    %cond3A = arith.constant 0 : i32
    %cond3A_90 = arith.cmpi ne, %convert_element_type3A_89, %cond3A : i32
    scf.if %cond3A_90 {
      %broadcast_in_dim3A_111 = arith.constant 0.000000e+00 : f32
      %broadcast_in_dim3A_112 = vector.broadcast %broadcast_in_dim3A_111 : f32 to vector<8x128xf32>
      %swap3A_113 = arith.constant 0 : index
      %swap3A_114 = arith.constant 0 : index
      %swap3A_115 = vector.load %arg13[%swap3A_113, %swap3A_114] : memref<8x128xf32, #tpu.memory_space<vmem>>, vector<8x128xf32>
      tpu.vector_store %arg13[%swap3A_113, %swap3A_114], %broadcast_in_dim3A_112 {strides = array<i32>} : memref<8x128xf32, #tpu.memory_space<vmem>>, vector<8x128xf32>,
    } else {
    }
    %get3A_91 = arith.constant 0 : index
    %get3A_92 = arith.constant 0 : index
    %get3A_93 = vector.load %arg13[%get3A_91, %get3A_92] : memref<8x128xf32, #tpu.memory_space<vmem>>, vector<1x8xf32>
    %get3A_94 = arith.constant 0 : index
    %get3A_95 = arith.constant 0 : index
    %get3A_96 = vector.load %arg6[%get3A_94, %get3A_95] : memref<256x256xbf16, #tpu.memory_space<vmem>>, vector<256x256xbf16>
    %convert_element_type3A_97 = arith.truncf %add3A_60 : vector<256x8xf32> to vector<256x8xbf16>
    %dot_general3A_98 = arith.constant dense<0.000000e+00> : vector<256x8xf32>
    %dot_general3A_99 = tpu.matmul %get3A_96, %convert_element_type3A_97, %dot_general3A_98 {dimension_numbers = #tpu.dot_dimension_numbers<[1], [0], [0], [1], [0, 0, 1, 1], [], []>, transpose_lhs_hint = false} : vector<256x256xbf16>, vector<256x8xbf16>, vector<256x8xf32> -> vector<256x8xf32>
    %add3A_100 = vector.broadcast %get3A_93 : vector<1x8xf32> to vector<256x8xf32>
    %add3A_101 = arith.addf %dot_general3A_99, %add3A_100 : vector<256x8xf32>
    %swap3A_102 = arith.constant 0 : index
    %swap3A_103 = arith.constant 0 : index
    %swap3A_104 = vector.load %arg9[%swap3A_102, %swap3A_103] : memref<256x8xf32, #tpu.memory_space<vmem>>, vector<256x8xf32>
    tpu.vector_store %arg9[%swap3A_102, %swap3A_103], %add3A_101 {strides = array<i32>} : memref<256x8xf32, #tpu.memory_space<vmem>>, vector<256x8xf32>,
    %reduce_sum3A = arith.constant dense<0.000000e+00> : vector<8xf32>
    %reduce_sum3A_105 = vector.multi_reduction <add>, %add3A_60, %reduce_sum3A [0] : vector<256x8xf32> to vector<8xf32>
    %broadcast_in_dim3A_106 = vector.shape_cast %reduce_sum3A_105 : vector<8xf32> to vector<1x8xf32>
    %add3A_107 = arith.addf %get3A_93, %broadcast_in_dim3A_106 : vector<1x8xf32>
    %swap3A_108 = arith.constant 0 : index
    %swap3A_109 = arith.constant 0 : index
    %swap3A_110 = vector.load %arg13[%swap3A_108, %swap3A_109] : memref<8x128xf32, #tpu.memory_space<vmem>>, vector<1x8xf32>
    tpu.vector_store %arg13[%swap3A_108, %swap3A_109], %add3A_107 {strides = array<i32>} : memref<8x128xf32, #tpu.memory_space<vmem>>, vector<1x8xf32>,
    return
  }
  func.func @transform_0(%arg0: i32) -> (i32, i32) {
    %c0_i32 = arith.constant 0 : i32
    %c0_i32_0 = arith.constant 0 : i32
    return %arg0, %c0_i32 : i32, i32
  }
  func.func @transform_1(%arg0: i32) -> (i32, i32) {
    %c0_i32 = arith.constant 0 : i32
    %c0_i32_0 = arith.constant 0 : i32
    %c0_i32_1 = arith.constant 0 : i32
    return %c0_i32, %c0_i32_0 : i32, i32
  }
  func.func @transform_2(%arg0: i32) -> (i32, i32) {
    %c0_i32 = arith.constant 0 : i32
    %c0_i32_0 = arith.constant 0 : i32
    %c0_i32_1 = arith.constant 0 : i32
    return %c0_i32, %c0_i32_0 : i32, i32
  }
  func.func @transform_3(%arg0: i32) -> (i32, i32) {
    %c0_i32 = arith.constant 0 : i32
    %c0_i32_0 = arith.constant 0 : i32
    %c0_i32_1 = arith.constant 0 : i32
    return %c0_i32, %c0_i32_0 : i32, i32
  }
  func.func @transform_4(%arg0: i32) -> (i32, i32) {
    %c0_i32 = arith.constant 0 : i32
    %c0_i32_0 = arith.constant 0 : i32
    %c0_i32_1 = arith.constant 0 : i32
    return %c0_i32, %c0_i32_0 : i32, i32
  }
  func.func @transform_5(%arg0: i32) -> (i32, i32) {
    %c0_i32 = arith.constant 0 : i32
    %c0_i32_0 = arith.constant 0 : i32
    %c0_i32_1 = arith.constant 0 : i32
    return %c0_i32, %c0_i32_0 : i32, i32
  }
  func.func @transform_6(%arg0: i32) -> (i32, i32) {
    %c0_i32 = arith.constant 0 : i32
    %c0_i32_0 = arith.constant 0 : i32
    return %arg0, %c0_i32 : i32, i32
  }
  func.func @transform_7(%arg0: i32) -> (i32, i32) {
    %c0_i32 = arith.constant 0 : i32
    %c0_i32_0 = arith.constant 0 : i32
    return %arg0, %c0_i32 : i32, i32
  }
  func.func @transform_8(%arg0: i32) -> (i32, i32) {
    %c0_i32 = arith.constant 0 : i32
    %c0_i32_0 = arith.constant 0 : i32
    return %arg0, %c0_i32 : i32, i32
  }
  func.func @transform_9(%arg0: i32) -> (i32, i32) {
    %c0_i32 = arith.constant 0 : i32
    %c0_i32_0 = arith.constant 0 : i32
    return %arg0, %c0_i32 : i32, i32
  }
  func.func @transform_10(%arg0: i32) -> (i32, i32) {
    %c0_i32 = arith.constant 0 : i32
    %c0_i32_0 = arith.constant 0 : i32
    return %arg0, %c0_i32 : i32, i32
  }
  func.func @transform_11(%arg0: i32) -> (i32, i32) {
    %c0_i32 = arith.constant 0 : i32
    %c0_i32_0 = arith.constant 0 : i32
    return %arg0, %c0_i32 : i32, i32
  }
}

module attributes {stable_mosaic.version = 14 : i64} {
  func.func @_dispatch_body(%arg0: memref<2048x8xf32, #tpu.memory_space<vmem>>, %arg1: memref<2048x8xf32, #tpu.memory_space<vmem>>, %arg2: memref<2048x8xf32, #tpu.memory_space<vmem>>, %arg3: memref<2048x8xf32, #tpu.memory_space<vmem>>, %arg4: memref<8x8xbf16, #tpu.memory_space<vmem>>, %arg5: memref<2048x1xi32, #tpu.memory_space<vmem>>, %arg6: memref<2048x1xi32, #tpu.memory_space<vmem>>, %arg7: memref<1x8xf32, #tpu.memory_space<vmem>>) attributes {dimension_semantics = [], scalar_prefetch = 0 : i64, scratch_operands = 0 : i64, tpu.core_type = #tpu.core_type<tc>} {
    %get3A = arith.constant 0 : index
    %get3A_0 = arith.constant 0 : index
    %get3A_1 = vector.load %arg0[%get3A, %get3A_0] : memref<2048x8xf32, #tpu.memory_space<vmem>>, vector<2048x8xf32>
    %reduce_sum3A = arith.constant dense<0.000000e+00> : vector<8xf32>
    %reduce_sum3A_2 = vector.multi_reduction <add>, %get3A_1, %reduce_sum3A [0] : vector<2048x8xf32> to vector<8xf32>
    %broadcast_in_dim3A = vector.shape_cast %reduce_sum3A_2 : vector<8xf32> to vector<1x8xf32>
    %add3A = arith.constant 2.550000e+02 : f32
    %add3A_3 = vector.broadcast %add3A : f32 to vector<1x8xf32>
    %add3A_4 = arith.addf %broadcast_in_dim3A, %add3A_3 : vector<1x8xf32>
    %div3A = arith.constant 2.560000e+02 : f32
    %div3A_5 = vector.broadcast %div3A : f32 to vector<1x8xf32>
    %div3A_6 = arith.divf %add3A_4, %div3A_5 : vector<1x8xf32>
    %floor3A = math.floor %div3A_6 : vector<1x8xf32>
    %mul3A = arith.constant 2.560000e+02 : f32
    %mul3A_7 = vector.broadcast %mul3A : f32 to vector<1x8xf32>
    %mul3A_8 = arith.mulf %floor3A, %mul3A_7 : vector<1x8xf32>
    %convert_element_type3A = arith.truncf %mul3A_8 : vector<1x8xf32> to vector<1x8xbf16>
    %get3A_9 = arith.constant 0 : index
    %get3A_10 = arith.constant 0 : index
    %get3A_11 = vector.load %arg4[%get3A_9, %get3A_10] : memref<8x8xbf16, #tpu.memory_space<vmem>>, vector<8x8xbf16>
    %dot_general3A = arith.constant dense<0.000000e+00> : vector<1x8xf32>
    %dot_general3A_12 = tpu.matmul %convert_element_type3A, %get3A_11, %dot_general3A {dimension_numbers = #tpu.dot_dimension_numbers<[1], [0], [0], [1], [0, 0, 1, 1], [], []>, transpose_lhs_hint = false} : vector<1x8xbf16>, vector<8x8xbf16>, vector<1x8xf32> -> vector<1x8xf32>
    %get3A_13 = arith.constant 0 : index
    %get3A_14 = arith.constant 0 : index
    %get3A_15 = vector.load %arg1[%get3A_13, %get3A_14] : memref<2048x8xf32, #tpu.memory_space<vmem>>, vector<2048x8xf32>
    %add3A_16 = vector.broadcast %dot_general3A_12 : vector<1x8xf32> to vector<2048x8xf32>
    %add3A_17 = arith.addf %get3A_15, %add3A_16 : vector<2048x8xf32>
    %get3A_18 = arith.constant 0 : index
    %get3A_19 = arith.constant 0 : index
    %get3A_20 = vector.load %arg2[%get3A_18, %get3A_19] : memref<2048x8xf32, #tpu.memory_space<vmem>>, vector<2048x8xf32>
    %mul3A_21 = arith.mulf %add3A_17, %get3A_20 : vector<2048x8xf32>
    %reduce_sum3A_22 = arith.constant dense<0.000000e+00> : vector<2048xf32>
    %reduce_sum3A_23 = vector.multi_reduction <add>, %mul3A_21, %reduce_sum3A_22 [1] : vector<2048x8xf32> to vector<2048xf32>
    %broadcast_in_dim3A_24 = vector.shape_cast %reduce_sum3A_23 : vector<2048xf32> to vector<2048x1xf32>
    %convert_element_type3A_25 = arith.fptosi %broadcast_in_dim3A_24 : vector<2048x1xf32> to vector<2048x1xi32>
    %swap3A = arith.constant 0 : index
    %swap3A_26 = arith.constant 0 : index
    %swap3A_27 = vector.load %arg5[%swap3A, %swap3A_26] : memref<2048x1xi32, #tpu.memory_space<vmem>>, vector<2048x1xi32>
    tpu.vector_store %arg5[%swap3A, %swap3A_26], %convert_element_type3A_25 {strides = array<i32>} : memref<2048x1xi32, #tpu.memory_space<vmem>>, vector<2048x1xi32>,
    %get3A_28 = arith.constant 0 : index
    %get3A_29 = arith.constant 0 : index
    %get3A_30 = vector.load %arg3[%get3A_28, %get3A_29] : memref<2048x8xf32, #tpu.memory_space<vmem>>, vector<2048x8xf32>
    %mul3A_31 = arith.mulf %add3A_17, %get3A_30 : vector<2048x8xf32>
    %reduce_sum3A_32 = arith.constant dense<0.000000e+00> : vector<2048xf32>
    %reduce_sum3A_33 = vector.multi_reduction <add>, %mul3A_31, %reduce_sum3A_32 [1] : vector<2048x8xf32> to vector<2048xf32>
    %broadcast_in_dim3A_34 = vector.shape_cast %reduce_sum3A_33 : vector<2048xf32> to vector<2048x1xf32>
    %convert_element_type3A_35 = arith.fptosi %broadcast_in_dim3A_34 : vector<2048x1xf32> to vector<2048x1xi32>
    %swap3A_36 = arith.constant 0 : index
    %swap3A_37 = arith.constant 0 : index
    %swap3A_38 = vector.load %arg6[%swap3A_36, %swap3A_37] : memref<2048x1xi32, #tpu.memory_space<vmem>>, vector<2048x1xi32>
    tpu.vector_store %arg6[%swap3A_36, %swap3A_37], %convert_element_type3A_35 {strides = array<i32>} : memref<2048x1xi32, #tpu.memory_space<vmem>>, vector<2048x1xi32>,
    %swap3A_39 = arith.constant 0 : index
    %swap3A_40 = arith.constant 0 : index
    %swap3A_41 = vector.load %arg7[%swap3A_39, %swap3A_40] : memref<1x8xf32, #tpu.memory_space<vmem>>, vector<1x8xf32>
    tpu.vector_store %arg7[%swap3A_39, %swap3A_40], %broadcast_in_dim3A {strides = array<i32>} : memref<1x8xf32, #tpu.memory_space<vmem>>, vector<1x8xf32>,
    return
  }
}

module attributes {stable_mosaic.version = 14 : i64} {
  func.func @_expert_body(%arg0: i32, %arg1: memref<24xi32, #tpu.memory_space<smem>>, %arg2: memref<256x1024xf32, #tpu.memory_space<vmem>>, %arg3: memref<1x1024x1024xf32, #tpu.memory_space<vmem>>, %arg4: memref<1x1024x1024xf32, #tpu.memory_space<vmem>>, %arg5: memref<256x1024xf32, #tpu.memory_space<vmem>>) attributes {dimension_semantics = [#tpu.dimension_semantics<arbitrary>], iteration_bounds = array<i64: 24>, scalar_prefetch = 1 : i64, scratch_operands = 0 : i64, tpu.core_type = #tpu.core_type<tc>, window_params = [{transform_indices = @transform_0, window_bounds = array<i64: 256, 1024>}, {transform_indices = @transform_1, window_bounds = array<i64: 1, 1024, 1024>}, {transform_indices = @transform_2, window_bounds = array<i64: 1, 1024, 1024>}, {transform_indices = @transform_3, window_bounds = array<i64: 256, 1024>}]} {
    %get3A = arith.constant 0 : index
    %get3A_0 = arith.constant 0 : index
    %get3A_1 = vector.load %arg2[%get3A, %get3A_0] : memref<256x1024xf32, #tpu.memory_space<vmem>>, vector<256x1024xf32>
    %get3A_2 = arith.constant 0 : index
    %get3A_3 = arith.constant 0 : index
    %get3A_4 = arith.constant 0 : index
    %get3A_5 = vector.load %arg3[%get3A_2, %get3A_3, %get3A_4] : memref<1x1024x1024xf32, #tpu.memory_space<vmem>>, vector<1x1024x1024xf32>
    %get3A_6 = vector.shape_cast %get3A_5 : vector<1x1024x1024xf32> to vector<1024x1024xf32>
    %dot_general3A = arith.constant dense<0.000000e+00> : vector<256x1024xf32>
    %dot_general3A_7 = tpu.matmul %get3A_1, %get3A_6, %dot_general3A {dimension_numbers = #tpu.dot_dimension_numbers<[1], [0], [0], [1], [0, 0, 1, 1], [], []>, transpose_lhs_hint = false} : vector<256x1024xf32>, vector<1024x1024xf32>, vector<256x1024xf32> -> vector<256x1024xf32>
    %logistic3A = arith.negf %dot_general3A_7 : vector<256x1024xf32>
    %logistic3A_8 = math.exp %logistic3A : vector<256x1024xf32>
    %logistic3A_9 = arith.constant 1.000000e+00 : f32
    %logistic3A_10 = vector.broadcast %logistic3A_9 : f32 to vector<256x1024xf32>
    %logistic3A_11 = arith.addf %logistic3A_10, %logistic3A_8 : vector<256x1024xf32>
    %logistic3A_12 = arith.divf %logistic3A_10, %logistic3A_11 : vector<256x1024xf32>
    %mul3A = arith.mulf %dot_general3A_7, %logistic3A_12 : vector<256x1024xf32>
    %get3A_13 = arith.constant 0 : index
    %get3A_14 = arith.constant 0 : index
    %get3A_15 = arith.constant 0 : index
    %get3A_16 = vector.load %arg4[%get3A_13, %get3A_14, %get3A_15] : memref<1x1024x1024xf32, #tpu.memory_space<vmem>>, vector<1x1024x1024xf32>
    %get3A_17 = vector.shape_cast %get3A_16 : vector<1x1024x1024xf32> to vector<1024x1024xf32>
    %dot_general3A_18 = arith.constant dense<0.000000e+00> : vector<256x1024xf32>
    %dot_general3A_19 = tpu.matmul %mul3A, %get3A_17, %dot_general3A_18 {dimension_numbers = #tpu.dot_dimension_numbers<[1], [0], [0], [1], [0, 0, 1, 1], [], []>, transpose_lhs_hint = false} : vector<256x1024xf32>, vector<1024x1024xf32>, vector<256x1024xf32> -> vector<256x1024xf32>
    %swap3A = arith.constant 0 : index
    %swap3A_20 = arith.constant 0 : index
    %swap3A_21 = vector.load %arg5[%swap3A, %swap3A_20] : memref<256x1024xf32, #tpu.memory_space<vmem>>, vector<256x1024xf32>
    tpu.vector_store %arg5[%swap3A, %swap3A_20], %dot_general3A_19 {strides = array<i32>} : memref<256x1024xf32, #tpu.memory_space<vmem>>, vector<256x1024xf32>,
    return
  }
  func.func @transform_0(%arg0: i32, %arg1: memref<24xi32, #tpu.memory_space<smem>>) -> (i32, i32) {
    %c0_i32 = arith.constant 0 : i32
    %c0_i32_0 = arith.constant 0 : i32
    return %arg0, %c0_i32 : i32, i32
  }
  func.func @transform_1(%arg0: i32, %arg1: memref<24xi32, #tpu.memory_space<smem>>) -> (i32, i32, i32) {
    %get3A = arith.index_cast %arg0 : i32 to index
    %get3A_0 = memref.load %arg1[%get3A] : memref<24xi32, #tpu.memory_space<smem>>
    %c0_i32 = arith.constant 0 : i32
    %c0_i32_1 = arith.constant 0 : i32
    %c0_i32_2 = arith.constant 0 : i32
    return %get3A_0, %c0_i32, %c0_i32_1 : i32, i32, i32
  }
  func.func @transform_2(%arg0: i32, %arg1: memref<24xi32, #tpu.memory_space<smem>>) -> (i32, i32, i32) {
    %get3A = arith.index_cast %arg0 : i32 to index
    %get3A_0 = memref.load %arg1[%get3A] : memref<24xi32, #tpu.memory_space<smem>>
    %c0_i32 = arith.constant 0 : i32
    %c0_i32_1 = arith.constant 0 : i32
    %c0_i32_2 = arith.constant 0 : i32
    return %get3A_0, %c0_i32, %c0_i32_1 : i32, i32, i32
  }
  func.func @transform_3(%arg0: i32, %arg1: memref<24xi32, #tpu.memory_space<smem>>) -> (i32, i32) {
    %c0_i32 = arith.constant 0 : i32
    %c0_i32_0 = arith.constant 0 : i32
    return %arg0, %c0_i32 : i32, i32
  }
}

module attributes {stable_mosaic.version = 14 : i64} {
  func.func @_attn_body(%arg0: i32, %arg1: memref<1x2048x64xbf16, #tpu.memory_space<vmem>>, %arg2: memref<1x2048x64xbf16, #tpu.memory_space<vmem>>, %arg3: memref<1x2048x128xbf16, #tpu.memory_space<vmem>>, %arg4: memref<1x2048x64xbf16, #tpu.memory_space<vmem>>) attributes {dimension_semantics = [#tpu.dimension_semantics<arbitrary>], iteration_bounds = array<i64: 16>, scalar_prefetch = 0 : i64, scratch_operands = 0 : i64, tpu.core_type = #tpu.core_type<tc>, window_params = [{transform_indices = @transform_0, window_bounds = array<i64: 1, 2048, 64>}, {transform_indices = @transform_1, window_bounds = array<i64: 1, 2048, 64>}, {transform_indices = @transform_2, window_bounds = array<i64: 1, 2048, 128>}, {transform_indices = @transform_3, window_bounds = array<i64: 1, 2048, 64>}]} {
    %get3A = arith.constant 0 : index
    %get3A_0 = arith.constant 0 : index
    %get3A_1 = arith.constant 0 : index
    %get3A_2 = vector.load %arg1[%get3A, %get3A_0, %get3A_1] : memref<1x2048x64xbf16, #tpu.memory_space<vmem>>, vector<1x256x64xbf16>
    %get3A_3 = vector.shape_cast %get3A_2 : vector<1x256x64xbf16> to vector<256x64xbf16>
    %broadcast_in_dim3A = arith.constant 0.000000e+00 : f32
    %broadcast_in_dim3A_4 = vector.broadcast %broadcast_in_dim3A : f32 to vector<256x128xf32>
    %get3A_5 = arith.constant 0 : index
    %get3A_6 = arith.constant 0 : index
    %get3A_7 = arith.constant 0 : index
    %get3A_8 = vector.load %arg2[%get3A_5, %get3A_6, %get3A_7] : memref<1x2048x64xbf16, #tpu.memory_space<vmem>>, vector<1x256x64xbf16>
    %get3A_9 = vector.shape_cast %get3A_8 : vector<1x256x64xbf16> to vector<256x64xbf16>
    %dot_general3A = arith.constant dense<0.000000e+00> : vector<256x256xf32>
    %dot_general3A_10 = tpu.matmul %get3A_3, %get3A_9, %dot_general3A {dimension_numbers = #tpu.dot_dimension_numbers<[1], [1], [0], [0], [0, 0, 1, 0], [], []>, transpose_lhs_hint = false} : vector<256x64xbf16>, vector<256x64xbf16>, vector<256x256xf32> -> vector<256x256xf32>
    %mul3A = arith.constant 0.0416666679 : f32
    %mul3A_11 = vector.broadcast %mul3A : f32 to vector<256x256xf32>
    %mul3A_12 = arith.mulf %dot_general3A_10, %mul3A_11 : vector<256x256xf32>
    %add3A = arith.constant 0.166666672 : f32
    %add3A_13 = vector.broadcast %add3A : f32 to vector<256x256xf32>
    %add3A_14 = arith.addf %mul3A_12, %add3A_13 : vector<256x256xf32>
    %mul3A_15 = arith.mulf %add3A_14, %dot_general3A_10 : vector<256x256xf32>
    %add3A_16 = arith.constant 5.000000e-01 : f32
    %add3A_17 = vector.broadcast %add3A_16 : f32 to vector<256x256xf32>
    %add3A_18 = arith.addf %mul3A_15, %add3A_17 : vector<256x256xf32>
    %mul3A_19 = arith.mulf %add3A_18, %dot_general3A_10 : vector<256x256xf32>
    %add3A_20 = arith.constant 1.000000e+00 : f32
    %add3A_21 = vector.broadcast %add3A_20 : f32 to vector<256x256xf32>
    %add3A_22 = arith.addf %mul3A_19, %add3A_21 : vector<256x256xf32>
    %mul3A_23 = arith.mulf %add3A_22, %dot_general3A_10 : vector<256x256xf32>
    %add3A_24 = arith.constant 1.000000e+00 : f32
    %add3A_25 = vector.broadcast %add3A_24 : f32 to vector<256x256xf32>
    %add3A_26 = arith.addf %mul3A_23, %add3A_25 : vector<256x256xf32>
    %iota3A = tpu.iota {dimensions = array<i32: 0>} : vector<256x256xi32>
    %iota3A_27 = tpu.iota {dimensions = array<i32: 1>} : vector<256x256xi32>
    %le3A = arith.cmpi sle, %iota3A_27, %iota3A : vector<256x256xi32>
    %jit3A = arith.constant 0.000000e+00 : f32
    %broadcast_in_dim3A_28 = vector.broadcast %jit3A : f32 to vector<256x256xf32>
    %select_n3A = arith.select %le3A, %add3A_26, %broadcast_in_dim3A_28 : vector<256x256xi1>, vector<256x256xf32>
    %get3A_29 = arith.constant 0 : index
    %get3A_30 = arith.constant 0 : index
    %get3A_31 = arith.constant 0 : index
    %get3A_32 = vector.load %arg3[%get3A_29, %get3A_30, %get3A_31] : memref<1x2048x128xbf16, #tpu.memory_space<vmem>>, vector<1x256x128xbf16>
    %get3A_33 = vector.shape_cast %get3A_32 : vector<1x256x128xbf16> to vector<256x128xbf16>
    %convert_element_type3A = arith.truncf %select_n3A : vector<256x256xf32> to vector<256x256xbf16>
    %dot_general3A_34 = arith.constant dense<0.000000e+00> : vector<256x128xf32>
    %dot_general3A_35 = tpu.matmul %convert_element_type3A, %get3A_33, %dot_general3A_34 {dimension_numbers = #tpu.dot_dimension_numbers<[1], [0], [0], [1], [0, 0, 1, 1], [], []>, transpose_lhs_hint = false} : vector<256x256xbf16>, vector<256x128xbf16>, vector<256x128xf32> -> vector<256x128xf32>
    %add3A_36 = arith.addf %broadcast_in_dim3A_4, %dot_general3A_35 : vector<256x128xf32>
    %slice3A = vector.extract_strided_slice %add3A_36 {offsets = [0, 0], sizes = [256, 64], strides = [1, 1]} : vector<256x128xf32> to vector<256x64xf32>
    %slice3A_37 = vector.extract_strided_slice %add3A_36 {offsets = [0, 64], sizes = [256, 1], strides = [1, 1]} : vector<256x128xf32> to vector<256x1xf32>
    %div3A = vector.broadcast %slice3A_37 : vector<256x1xf32> to vector<256x64xf32>
    %div3A_38 = arith.divf %slice3A, %div3A : vector<256x64xf32>
    %convert_element_type3A_39 = arith.truncf %div3A_38 : vector<256x64xf32> to vector<256x64xbf16>
    %swap3A = arith.constant 0 : index
    %swap3A_40 = arith.constant 0 : index
    %swap3A_41 = arith.constant 0 : index
    %swap3A_42 = vector.load %arg4[%swap3A, %swap3A_40, %swap3A_41] : memref<1x2048x64xbf16, #tpu.memory_space<vmem>>, vector<1x256x64xbf16>
    %swap3A_43 = vector.shape_cast %swap3A_42 : vector<1x256x64xbf16> to vector<256x64xbf16>
    %swap3A_44 = vector.shape_cast %convert_element_type3A_39 : vector<256x64xbf16> to vector<1x256x64xbf16>
    tpu.vector_store %arg4[%swap3A, %swap3A_40, %swap3A_41], %swap3A_44 {strides = array<i32>} : memref<1x2048x64xbf16, #tpu.memory_space<vmem>>, vector<1x256x64xbf16>,
    %get3A_45 = arith.constant 0 : index
    %get3A_46 = arith.constant 256 : index
    %get3A_47 = arith.constant 0 : index
    %get3A_48 = vector.load %arg1[%get3A_45, %get3A_46, %get3A_47] : memref<1x2048x64xbf16, #tpu.memory_space<vmem>>, vector<1x256x64xbf16>
    %get3A_49 = vector.shape_cast %get3A_48 : vector<1x256x64xbf16> to vector<256x64xbf16>
    %broadcast_in_dim3A_50 = arith.constant 0.000000e+00 : f32
    %broadcast_in_dim3A_51 = vector.broadcast %broadcast_in_dim3A_50 : f32 to vector<256x128xf32>
    %get3A_52 = arith.constant 0 : index
    %get3A_53 = arith.constant 0 : index
    %get3A_54 = arith.constant 0 : index
    %get3A_55 = vector.load %arg2[%get3A_52, %get3A_53, %get3A_54] : memref<1x2048x64xbf16, #tpu.memory_space<vmem>>, vector<1x256x64xbf16>
    %get3A_56 = vector.shape_cast %get3A_55 : vector<1x256x64xbf16> to vector<256x64xbf16>
    %dot_general3A_57 = arith.constant dense<0.000000e+00> : vector<256x256xf32>
    %dot_general3A_58 = tpu.matmul %get3A_49, %get3A_56, %dot_general3A_57 {dimension_numbers = #tpu.dot_dimension_numbers<[1], [1], [0], [0], [0, 0, 1, 0], [], []>, transpose_lhs_hint = false} : vector<256x64xbf16>, vector<256x64xbf16>, vector<256x256xf32> -> vector<256x256xf32>
    %mul3A_59 = arith.constant 0.0416666679 : f32
    %mul3A_60 = vector.broadcast %mul3A_59 : f32 to vector<256x256xf32>
    %mul3A_61 = arith.mulf %dot_general3A_58, %mul3A_60 : vector<256x256xf32>
    %add3A_62 = arith.constant 0.166666672 : f32
    %add3A_63 = vector.broadcast %add3A_62 : f32 to vector<256x256xf32>
    %add3A_64 = arith.addf %mul3A_61, %add3A_63 : vector<256x256xf32>
    %mul3A_65 = arith.mulf %add3A_64, %dot_general3A_58 : vector<256x256xf32>
    %add3A_66 = arith.constant 5.000000e-01 : f32
    %add3A_67 = vector.broadcast %add3A_66 : f32 to vector<256x256xf32>
    %add3A_68 = arith.addf %mul3A_65, %add3A_67 : vector<256x256xf32>
    %mul3A_69 = arith.mulf %add3A_68, %dot_general3A_58 : vector<256x256xf32>
    %add3A_70 = arith.constant 1.000000e+00 : f32
    %add3A_71 = vector.broadcast %add3A_70 : f32 to vector<256x256xf32>
    %add3A_72 = arith.addf %mul3A_69, %add3A_71 : vector<256x256xf32>
    %mul3A_73 = arith.mulf %add3A_72, %dot_general3A_58 : vector<256x256xf32>
    %add3A_74 = arith.constant 1.000000e+00 : f32
    %add3A_75 = vector.broadcast %add3A_74 : f32 to vector<256x256xf32>
    %add3A_76 = arith.addf %mul3A_73, %add3A_75 : vector<256x256xf32>
    %get3A_77 = arith.constant 0 : index
    %get3A_78 = arith.constant 0 : index
    %get3A_79 = arith.constant 0 : index
    %get3A_80 = vector.load %arg3[%get3A_77, %get3A_78, %get3A_79] : memref<1x2048x128xbf16, #tpu.memory_space<vmem>>, vector<1x256x128xbf16>
    %get3A_81 = vector.shape_cast %get3A_80 : vector<1x256x128xbf16> to vector<256x128xbf16>
    %convert_element_type3A_82 = arith.truncf %add3A_76 : vector<256x256xf32> to vector<256x256xbf16>
    %dot_general3A_83 = arith.constant dense<0.000000e+00> : vector<256x128xf32>
    %dot_general3A_84 = tpu.matmul %convert_element_type3A_82, %get3A_81, %dot_general3A_83 {dimension_numbers = #tpu.dot_dimension_numbers<[1], [0], [0], [1], [0, 0, 1, 1], [], []>, transpose_lhs_hint = false} : vector<256x256xbf16>, vector<256x128xbf16>, vector<256x128xf32> -> vector<256x128xf32>
    %add3A_85 = arith.addf %broadcast_in_dim3A_51, %dot_general3A_84 : vector<256x128xf32>
    %get3A_86 = arith.constant 0 : index
    %get3A_87 = arith.constant 256 : index
    %get3A_88 = arith.constant 0 : index
    %get3A_89 = vector.load %arg2[%get3A_86, %get3A_87, %get3A_88] : memref<1x2048x64xbf16, #tpu.memory_space<vmem>>, vector<1x256x64xbf16>
    %get3A_90 = vector.shape_cast %get3A_89 : vector<1x256x64xbf16> to vector<256x64xbf16>
    %dot_general3A_91 = arith.constant dense<0.000000e+00> : vector<256x256xf32>
    %dot_general3A_92 = tpu.matmul %get3A_49, %get3A_90, %dot_general3A_91 {dimension_numbers = #tpu.dot_dimension_numbers<[1], [1], [0], [0], [0, 0, 1, 0], [], []>, transpose_lhs_hint = false} : vector<256x64xbf16>, vector<256x64xbf16>, vector<256x256xf32> -> vector<256x256xf32>
    %mul3A_93 = arith.constant 0.0416666679 : f32
    %mul3A_94 = vector.broadcast %mul3A_93 : f32 to vector<256x256xf32>
    %mul3A_95 = arith.mulf %dot_general3A_92, %mul3A_94 : vector<256x256xf32>
    %add3A_96 = arith.constant 0.166666672 : f32
    %add3A_97 = vector.broadcast %add3A_96 : f32 to vector<256x256xf32>
    %add3A_98 = arith.addf %mul3A_95, %add3A_97 : vector<256x256xf32>
    %mul3A_99 = arith.mulf %add3A_98, %dot_general3A_92 : vector<256x256xf32>
    %add3A_100 = arith.constant 5.000000e-01 : f32
    %add3A_101 = vector.broadcast %add3A_100 : f32 to vector<256x256xf32>
    %add3A_102 = arith.addf %mul3A_99, %add3A_101 : vector<256x256xf32>
    %mul3A_103 = arith.mulf %add3A_102, %dot_general3A_92 : vector<256x256xf32>
    %add3A_104 = arith.constant 1.000000e+00 : f32
    %add3A_105 = vector.broadcast %add3A_104 : f32 to vector<256x256xf32>
    %add3A_106 = arith.addf %mul3A_103, %add3A_105 : vector<256x256xf32>
    %mul3A_107 = arith.mulf %add3A_106, %dot_general3A_92 : vector<256x256xf32>
    %add3A_108 = arith.constant 1.000000e+00 : f32
    %add3A_109 = vector.broadcast %add3A_108 : f32 to vector<256x256xf32>
    %add3A_110 = arith.addf %mul3A_107, %add3A_109 : vector<256x256xf32>
    %iota3A_111 = tpu.iota {dimensions = array<i32: 0>} : vector<256x256xi32>
    %iota3A_112 = tpu.iota {dimensions = array<i32: 1>} : vector<256x256xi32>
    %le3A_113 = arith.cmpi sle, %iota3A_112, %iota3A_111 : vector<256x256xi32>
    %jit3A_114 = arith.constant 0.000000e+00 : f32
    %broadcast_in_dim3A_115 = vector.broadcast %jit3A_114 : f32 to vector<256x256xf32>
    %select_n3A_116 = arith.select %le3A_113, %add3A_110, %broadcast_in_dim3A_115 : vector<256x256xi1>, vector<256x256xf32>
    %get3A_117 = arith.constant 0 : index
    %get3A_118 = arith.constant 256 : index
    %get3A_119 = arith.constant 0 : index
    %get3A_120 = vector.load %arg3[%get3A_117, %get3A_118, %get3A_119] : memref<1x2048x128xbf16, #tpu.memory_space<vmem>>, vector<1x256x128xbf16>
    %get3A_121 = vector.shape_cast %get3A_120 : vector<1x256x128xbf16> to vector<256x128xbf16>
    %convert_element_type3A_122 = arith.truncf %select_n3A_116 : vector<256x256xf32> to vector<256x256xbf16>
    %dot_general3A_123 = arith.constant dense<0.000000e+00> : vector<256x128xf32>
    %dot_general3A_124 = tpu.matmul %convert_element_type3A_122, %get3A_121, %dot_general3A_123 {dimension_numbers = #tpu.dot_dimension_numbers<[1], [0], [0], [1], [0, 0, 1, 1], [], []>, transpose_lhs_hint = false} : vector<256x256xbf16>, vector<256x128xbf16>, vector<256x128xf32> -> vector<256x128xf32>
    %add3A_125 = arith.addf %add3A_85, %dot_general3A_124 : vector<256x128xf32>
    %slice3A_126 = vector.extract_strided_slice %add3A_125 {offsets = [0, 0], sizes = [256, 64], strides = [1, 1]} : vector<256x128xf32> to vector<256x64xf32>
    %slice3A_127 = vector.extract_strided_slice %add3A_125 {offsets = [0, 64], sizes = [256, 1], strides = [1, 1]} : vector<256x128xf32> to vector<256x1xf32>
    %div3A_128 = vector.broadcast %slice3A_127 : vector<256x1xf32> to vector<256x64xf32>
    %div3A_129 = arith.divf %slice3A_126, %div3A_128 : vector<256x64xf32>
    %convert_element_type3A_130 = arith.truncf %div3A_129 : vector<256x64xf32> to vector<256x64xbf16>
    %swap3A_131 = arith.constant 0 : index
    %swap3A_132 = arith.constant 256 : index
    %swap3A_133 = arith.constant 0 : index
    %swap3A_134 = vector.load %arg4[%swap3A_131, %swap3A_132, %swap3A_133] : memref<1x2048x64xbf16, #tpu.memory_space<vmem>>, vector<1x256x64xbf16>
    %swap3A_135 = vector.shape_cast %swap3A_134 : vector<1x256x64xbf16> to vector<256x64xbf16>
    %swap3A_136 = vector.shape_cast %convert_element_type3A_130 : vector<256x64xbf16> to vector<1x256x64xbf16>
    tpu.vector_store %arg4[%swap3A_131, %swap3A_132, %swap3A_133], %swap3A_136 {strides = array<i32>} : memref<1x2048x64xbf16, #tpu.memory_space<vmem>>, vector<1x256x64xbf16>,
    %get3A_137 = arith.constant 0 : index
    %get3A_138 = arith.constant 512 : index
    %get3A_139 = arith.constant 0 : index
    %get3A_140 = vector.load %arg1[%get3A_137, %get3A_138, %get3A_139] : memref<1x2048x64xbf16, #tpu.memory_space<vmem>>, vector<1x256x64xbf16>
    %get3A_141 = vector.shape_cast %get3A_140 : vector<1x256x64xbf16> to vector<256x64xbf16>
    %broadcast_in_dim3A_142 = arith.constant 0.000000e+00 : f32
    %broadcast_in_dim3A_143 = vector.broadcast %broadcast_in_dim3A_142 : f32 to vector<256x128xf32>
    %get3A_144 = arith.constant 0 : index
    %get3A_145 = arith.constant 0 : index
    %get3A_146 = arith.constant 0 : index
    %get3A_147 = vector.load %arg2[%get3A_144, %get3A_145, %get3A_146] : memref<1x2048x64xbf16, #tpu.memory_space<vmem>>, vector<1x256x64xbf16>
    %get3A_148 = vector.shape_cast %get3A_147 : vector<1x256x64xbf16> to vector<256x64xbf16>
    %dot_general3A_149 = arith.constant dense<0.000000e+00> : vector<256x256xf32>
    %dot_general3A_150 = tpu.matmul %get3A_141, %get3A_148, %dot_general3A_149 {dimension_numbers = #tpu.dot_dimension_numbers<[1], [1], [0], [0], [0, 0, 1, 0], [], []>, transpose_lhs_hint = false} : vector<256x64xbf16>, vector<256x64xbf16>, vector<256x256xf32> -> vector<256x256xf32>
    %mul3A_151 = arith.constant 0.0416666679 : f32
    %mul3A_152 = vector.broadcast %mul3A_151 : f32 to vector<256x256xf32>
    %mul3A_153 = arith.mulf %dot_general3A_150, %mul3A_152 : vector<256x256xf32>
    %add3A_154 = arith.constant 0.166666672 : f32
    %add3A_155 = vector.broadcast %add3A_154 : f32 to vector<256x256xf32>
    %add3A_156 = arith.addf %mul3A_153, %add3A_155 : vector<256x256xf32>
    %mul3A_157 = arith.mulf %add3A_156, %dot_general3A_150 : vector<256x256xf32>
    %add3A_158 = arith.constant 5.000000e-01 : f32
    %add3A_159 = vector.broadcast %add3A_158 : f32 to vector<256x256xf32>
    %add3A_160 = arith.addf %mul3A_157, %add3A_159 : vector<256x256xf32>
    %mul3A_161 = arith.mulf %add3A_160, %dot_general3A_150 : vector<256x256xf32>
    %add3A_162 = arith.constant 1.000000e+00 : f32
    %add3A_163 = vector.broadcast %add3A_162 : f32 to vector<256x256xf32>
    %add3A_164 = arith.addf %mul3A_161, %add3A_163 : vector<256x256xf32>
    %mul3A_165 = arith.mulf %add3A_164, %dot_general3A_150 : vector<256x256xf32>
    %add3A_166 = arith.constant 1.000000e+00 : f32
    %add3A_167 = vector.broadcast %add3A_166 : f32 to vector<256x256xf32>
    %add3A_168 = arith.addf %mul3A_165, %add3A_167 : vector<256x256xf32>
    %get3A_169 = arith.constant 0 : index
    %get3A_170 = arith.constant 0 : index
    %get3A_171 = arith.constant 0 : index
    %get3A_172 = vector.load %arg3[%get3A_169, %get3A_170, %get3A_171] : memref<1x2048x128xbf16, #tpu.memory_space<vmem>>, vector<1x256x128xbf16>
    %get3A_173 = vector.shape_cast %get3A_172 : vector<1x256x128xbf16> to vector<256x128xbf16>
    %convert_element_type3A_174 = arith.truncf %add3A_168 : vector<256x256xf32> to vector<256x256xbf16>
    %dot_general3A_175 = arith.constant dense<0.000000e+00> : vector<256x128xf32>
    %dot_general3A_176 = tpu.matmul %convert_element_type3A_174, %get3A_173, %dot_general3A_175 {dimension_numbers = #tpu.dot_dimension_numbers<[1], [0], [0], [1], [0, 0, 1, 1], [], []>, transpose_lhs_hint = false} : vector<256x256xbf16>, vector<256x128xbf16>, vector<256x128xf32> -> vector<256x128xf32>
    %add3A_177 = arith.addf %broadcast_in_dim3A_143, %dot_general3A_176 : vector<256x128xf32>
    %get3A_178 = arith.constant 0 : index
    %get3A_179 = arith.constant 256 : index
    %get3A_180 = arith.constant 0 : index
    %get3A_181 = vector.load %arg2[%get3A_178, %get3A_179, %get3A_180] : memref<1x2048x64xbf16, #tpu.memory_space<vmem>>, vector<1x256x64xbf16>
    %get3A_182 = vector.shape_cast %get3A_181 : vector<1x256x64xbf16> to vector<256x64xbf16>
    %dot_general3A_183 = arith.constant dense<0.000000e+00> : vector<256x256xf32>
    %dot_general3A_184 = tpu.matmul %get3A_141, %get3A_182, %dot_general3A_183 {dimension_numbers = #tpu.dot_dimension_numbers<[1], [1], [0], [0], [0, 0, 1, 0], [], []>, transpose_lhs_hint = false} : vector<256x64xbf16>, vector<256x64xbf16>, vector<256x256xf32> -> vector<256x256xf32>
    %mul3A_185 = arith.constant 0.0416666679 : f32
    %mul3A_186 = vector.broadcast %mul3A_185 : f32 to vector<256x256xf32>
    %mul3A_187 = arith.mulf %dot_general3A_184, %mul3A_186 : vector<256x256xf32>
    %add3A_188 = arith.constant 0.166666672 : f32
    %add3A_189 = vector.broadcast %add3A_188 : f32 to vector<256x256xf32>
    %add3A_190 = arith.addf %mul3A_187, %add3A_189 : vector<256x256xf32>
    %mul3A_191 = arith.mulf %add3A_190, %dot_general3A_184 : vector<256x256xf32>
    %add3A_192 = arith.constant 5.000000e-01 : f32
    %add3A_193 = vector.broadcast %add3A_192 : f32 to vector<256x256xf32>
    %add3A_194 = arith.addf %mul3A_191, %add3A_193 : vector<256x256xf32>
    %mul3A_195 = arith.mulf %add3A_194, %dot_general3A_184 : vector<256x256xf32>
    %add3A_196 = arith.constant 1.000000e+00 : f32
    %add3A_197 = vector.broadcast %add3A_196 : f32 to vector<256x256xf32>
    %add3A_198 = arith.addf %mul3A_195, %add3A_197 : vector<256x256xf32>
    %mul3A_199 = arith.mulf %add3A_198, %dot_general3A_184 : vector<256x256xf32>
    %add3A_200 = arith.constant 1.000000e+00 : f32
    %add3A_201 = vector.broadcast %add3A_200 : f32 to vector<256x256xf32>
    %add3A_202 = arith.addf %mul3A_199, %add3A_201 : vector<256x256xf32>
    %get3A_203 = arith.constant 0 : index
    %get3A_204 = arith.constant 256 : index
    %get3A_205 = arith.constant 0 : index
    %get3A_206 = vector.load %arg3[%get3A_203, %get3A_204, %get3A_205] : memref<1x2048x128xbf16, #tpu.memory_space<vmem>>, vector<1x256x128xbf16>
    %get3A_207 = vector.shape_cast %get3A_206 : vector<1x256x128xbf16> to vector<256x128xbf16>
    %convert_element_type3A_208 = arith.truncf %add3A_202 : vector<256x256xf32> to vector<256x256xbf16>
    %dot_general3A_209 = arith.constant dense<0.000000e+00> : vector<256x128xf32>
    %dot_general3A_210 = tpu.matmul %convert_element_type3A_208, %get3A_207, %dot_general3A_209 {dimension_numbers = #tpu.dot_dimension_numbers<[1], [0], [0], [1], [0, 0, 1, 1], [], []>, transpose_lhs_hint = false} : vector<256x256xbf16>, vector<256x128xbf16>, vector<256x128xf32> -> vector<256x128xf32>
    %add3A_211 = arith.addf %add3A_177, %dot_general3A_210 : vector<256x128xf32>
    %get3A_212 = arith.constant 0 : index
    %get3A_213 = arith.constant 512 : index
    %get3A_214 = arith.constant 0 : index
    %get3A_215 = vector.load %arg2[%get3A_212, %get3A_213, %get3A_214] : memref<1x2048x64xbf16, #tpu.memory_space<vmem>>, vector<1x256x64xbf16>
    %get3A_216 = vector.shape_cast %get3A_215 : vector<1x256x64xbf16> to vector<256x64xbf16>
    %dot_general3A_217 = arith.constant dense<0.000000e+00> : vector<256x256xf32>
    %dot_general3A_218 = tpu.matmul %get3A_141, %get3A_216, %dot_general3A_217 {dimension_numbers = #tpu.dot_dimension_numbers<[1], [1], [0], [0], [0, 0, 1, 0], [], []>, transpose_lhs_hint = false} : vector<256x64xbf16>, vector<256x64xbf16>, vector<256x256xf32> -> vector<256x256xf32>
    %mul3A_219 = arith.constant 0.0416666679 : f32
    %mul3A_220 = vector.broadcast %mul3A_219 : f32 to vector<256x256xf32>
    %mul3A_221 = arith.mulf %dot_general3A_218, %mul3A_220 : vector<256x256xf32>
    %add3A_222 = arith.constant 0.166666672 : f32
    %add3A_223 = vector.broadcast %add3A_222 : f32 to vector<256x256xf32>
    %add3A_224 = arith.addf %mul3A_221, %add3A_223 : vector<256x256xf32>
    %mul3A_225 = arith.mulf %add3A_224, %dot_general3A_218 : vector<256x256xf32>
    %add3A_226 = arith.constant 5.000000e-01 : f32
    %add3A_227 = vector.broadcast %add3A_226 : f32 to vector<256x256xf32>
    %add3A_228 = arith.addf %mul3A_225, %add3A_227 : vector<256x256xf32>
    %mul3A_229 = arith.mulf %add3A_228, %dot_general3A_218 : vector<256x256xf32>
    %add3A_230 = arith.constant 1.000000e+00 : f32
    %add3A_231 = vector.broadcast %add3A_230 : f32 to vector<256x256xf32>
    %add3A_232 = arith.addf %mul3A_229, %add3A_231 : vector<256x256xf32>
    %mul3A_233 = arith.mulf %add3A_232, %dot_general3A_218 : vector<256x256xf32>
    %add3A_234 = arith.constant 1.000000e+00 : f32
    %add3A_235 = vector.broadcast %add3A_234 : f32 to vector<256x256xf32>
    %add3A_236 = arith.addf %mul3A_233, %add3A_235 : vector<256x256xf32>
    %iota3A_237 = tpu.iota {dimensions = array<i32: 0>} : vector<256x256xi32>
    %iota3A_238 = tpu.iota {dimensions = array<i32: 1>} : vector<256x256xi32>
    %le3A_239 = arith.cmpi sle, %iota3A_238, %iota3A_237 : vector<256x256xi32>
    %jit3A_240 = arith.constant 0.000000e+00 : f32
    %broadcast_in_dim3A_241 = vector.broadcast %jit3A_240 : f32 to vector<256x256xf32>
    %select_n3A_242 = arith.select %le3A_239, %add3A_236, %broadcast_in_dim3A_241 : vector<256x256xi1>, vector<256x256xf32>
    %get3A_243 = arith.constant 0 : index
    %get3A_244 = arith.constant 512 : index
    %get3A_245 = arith.constant 0 : index
    %get3A_246 = vector.load %arg3[%get3A_243, %get3A_244, %get3A_245] : memref<1x2048x128xbf16, #tpu.memory_space<vmem>>, vector<1x256x128xbf16>
    %get3A_247 = vector.shape_cast %get3A_246 : vector<1x256x128xbf16> to vector<256x128xbf16>
    %convert_element_type3A_248 = arith.truncf %select_n3A_242 : vector<256x256xf32> to vector<256x256xbf16>
    %dot_general3A_249 = arith.constant dense<0.000000e+00> : vector<256x128xf32>
    %dot_general3A_250 = tpu.matmul %convert_element_type3A_248, %get3A_247, %dot_general3A_249 {dimension_numbers = #tpu.dot_dimension_numbers<[1], [0], [0], [1], [0, 0, 1, 1], [], []>, transpose_lhs_hint = false} : vector<256x256xbf16>, vector<256x128xbf16>, vector<256x128xf32> -> vector<256x128xf32>
    %add3A_251 = arith.addf %add3A_211, %dot_general3A_250 : vector<256x128xf32>
    %slice3A_252 = vector.extract_strided_slice %add3A_251 {offsets = [0, 0], sizes = [256, 64], strides = [1, 1]} : vector<256x128xf32> to vector<256x64xf32>
    %slice3A_253 = vector.extract_strided_slice %add3A_251 {offsets = [0, 64], sizes = [256, 1], strides = [1, 1]} : vector<256x128xf32> to vector<256x1xf32>
    %div3A_254 = vector.broadcast %slice3A_253 : vector<256x1xf32> to vector<256x64xf32>
    %div3A_255 = arith.divf %slice3A_252, %div3A_254 : vector<256x64xf32>
    %convert_element_type3A_256 = arith.truncf %div3A_255 : vector<256x64xf32> to vector<256x64xbf16>
    %swap3A_257 = arith.constant 0 : index
    %swap3A_258 = arith.constant 512 : index
    %swap3A_259 = arith.constant 0 : index
    %swap3A_260 = vector.load %arg4[%swap3A_257, %swap3A_258, %swap3A_259] : memref<1x2048x64xbf16, #tpu.memory_space<vmem>>, vector<1x256x64xbf16>
    %swap3A_261 = vector.shape_cast %swap3A_260 : vector<1x256x64xbf16> to vector<256x64xbf16>
    %swap3A_262 = vector.shape_cast %convert_element_type3A_256 : vector<256x64xbf16> to vector<1x256x64xbf16>
    tpu.vector_store %arg4[%swap3A_257, %swap3A_258, %swap3A_259], %swap3A_262 {strides = array<i32>} : memref<1x2048x64xbf16, #tpu.memory_space<vmem>>, vector<1x256x64xbf16>,
    %get3A_263 = arith.constant 0 : index
    %get3A_264 = arith.constant 768 : index
    %get3A_265 = arith.constant 0 : index
    %get3A_266 = vector.load %arg1[%get3A_263, %get3A_264, %get3A_265] : memref<1x2048x64xbf16, #tpu.memory_space<vmem>>, vector<1x256x64xbf16>
    %get3A_267 = vector.shape_cast %get3A_266 : vector<1x256x64xbf16> to vector<256x64xbf16>
    %broadcast_in_dim3A_268 = arith.constant 0.000000e+00 : f32
    %broadcast_in_dim3A_269 = vector.broadcast %broadcast_in_dim3A_268 : f32 to vector<256x128xf32>
    %get3A_270 = arith.constant 0 : index
    %get3A_271 = arith.constant 0 : index
    %get3A_272 = arith.constant 0 : index
    %get3A_273 = vector.load %arg2[%get3A_270, %get3A_271, %get3A_272] : memref<1x2048x64xbf16, #tpu.memory_space<vmem>>, vector<1x256x64xbf16>
    %get3A_274 = vector.shape_cast %get3A_273 : vector<1x256x64xbf16> to vector<256x64xbf16>
    %dot_general3A_275 = arith.constant dense<0.000000e+00> : vector<256x256xf32>
    %dot_general3A_276 = tpu.matmul %get3A_267, %get3A_274, %dot_general3A_275 {dimension_numbers = #tpu.dot_dimension_numbers<[1], [1], [0], [0], [0, 0, 1, 0], [], []>, transpose_lhs_hint = false} : vector<256x64xbf16>, vector<256x64xbf16>, vector<256x256xf32> -> vector<256x256xf32>
    %mul3A_277 = arith.constant 0.0416666679 : f32
    %mul3A_278 = vector.broadcast %mul3A_277 : f32 to vector<256x256xf32>
    %mul3A_279 = arith.mulf %dot_general3A_276, %mul3A_278 : vector<256x256xf32>
    %add3A_280 = arith.constant 0.166666672 : f32
    %add3A_281 = vector.broadcast %add3A_280 : f32 to vector<256x256xf32>
    %add3A_282 = arith.addf %mul3A_279, %add3A_281 : vector<256x256xf32>
    %mul3A_283 = arith.mulf %add3A_282, %dot_general3A_276 : vector<256x256xf32>
    %add3A_284 = arith.constant 5.000000e-01 : f32
    %add3A_285 = vector.broadcast %add3A_284 : f32 to vector<256x256xf32>
    %add3A_286 = arith.addf %mul3A_283, %add3A_285 : vector<256x256xf32>
    %mul3A_287 = arith.mulf %add3A_286, %dot_general3A_276 : vector<256x256xf32>
    %add3A_288 = arith.constant 1.000000e+00 : f32
    %add3A_289 = vector.broadcast %add3A_288 : f32 to vector<256x256xf32>
    %add3A_290 = arith.addf %mul3A_287, %add3A_289 : vector<256x256xf32>
    %mul3A_291 = arith.mulf %add3A_290, %dot_general3A_276 : vector<256x256xf32>
    %add3A_292 = arith.constant 1.000000e+00 : f32
    %add3A_293 = vector.broadcast %add3A_292 : f32 to vector<256x256xf32>
    %add3A_294 = arith.addf %mul3A_291, %add3A_293 : vector<256x256xf32>
    %get3A_295 = arith.constant 0 : index
    %get3A_296 = arith.constant 0 : index
    %get3A_297 = arith.constant 0 : index
    %get3A_298 = vector.load %arg3[%get3A_295, %get3A_296, %get3A_297] : memref<1x2048x128xbf16, #tpu.memory_space<vmem>>, vector<1x256x128xbf16>
    %get3A_299 = vector.shape_cast %get3A_298 : vector<1x256x128xbf16> to vector<256x128xbf16>
    %convert_element_type3A_300 = arith.truncf %add3A_294 : vector<256x256xf32> to vector<256x256xbf16>
    %dot_general3A_301 = arith.constant dense<0.000000e+00> : vector<256x128xf32>
    %dot_general3A_302 = tpu.matmul %convert_element_type3A_300, %get3A_299, %dot_general3A_301 {dimension_numbers = #tpu.dot_dimension_numbers<[1], [0], [0], [1], [0, 0, 1, 1], [], []>, transpose_lhs_hint = false} : vector<256x256xbf16>, vector<256x128xbf16>, vector<256x128xf32> -> vector<256x128xf32>
    %add3A_303 = arith.addf %broadcast_in_dim3A_269, %dot_general3A_302 : vector<256x128xf32>
    %get3A_304 = arith.constant 0 : index
    %get3A_305 = arith.constant 256 : index
    %get3A_306 = arith.constant 0 : index
    %get3A_307 = vector.load %arg2[%get3A_304, %get3A_305, %get3A_306] : memref<1x2048x64xbf16, #tpu.memory_space<vmem>>, vector<1x256x64xbf16>
    %get3A_308 = vector.shape_cast %get3A_307 : vector<1x256x64xbf16> to vector<256x64xbf16>
    %dot_general3A_309 = arith.constant dense<0.000000e+00> : vector<256x256xf32>
    %dot_general3A_310 = tpu.matmul %get3A_267, %get3A_308, %dot_general3A_309 {dimension_numbers = #tpu.dot_dimension_numbers<[1], [1], [0], [0], [0, 0, 1, 0], [], []>, transpose_lhs_hint = false} : vector<256x64xbf16>, vector<256x64xbf16>, vector<256x256xf32> -> vector<256x256xf32>
    %mul3A_311 = arith.constant 0.0416666679 : f32
    %mul3A_312 = vector.broadcast %mul3A_311 : f32 to vector<256x256xf32>
    %mul3A_313 = arith.mulf %dot_general3A_310, %mul3A_312 : vector<256x256xf32>
    %add3A_314 = arith.constant 0.166666672 : f32
    %add3A_315 = vector.broadcast %add3A_314 : f32 to vector<256x256xf32>
    %add3A_316 = arith.addf %mul3A_313, %add3A_315 : vector<256x256xf32>
    %mul3A_317 = arith.mulf %add3A_316, %dot_general3A_310 : vector<256x256xf32>
    %add3A_318 = arith.constant 5.000000e-01 : f32
    %add3A_319 = vector.broadcast %add3A_318 : f32 to vector<256x256xf32>
    %add3A_320 = arith.addf %mul3A_317, %add3A_319 : vector<256x256xf32>
    %mul3A_321 = arith.mulf %add3A_320, %dot_general3A_310 : vector<256x256xf32>
    %add3A_322 = arith.constant 1.000000e+00 : f32
    %add3A_323 = vector.broadcast %add3A_322 : f32 to vector<256x256xf32>
    %add3A_324 = arith.addf %mul3A_321, %add3A_323 : vector<256x256xf32>
    %mul3A_325 = arith.mulf %add3A_324, %dot_general3A_310 : vector<256x256xf32>
    %add3A_326 = arith.constant 1.000000e+00 : f32
    %add3A_327 = vector.broadcast %add3A_326 : f32 to vector<256x256xf32>
    %add3A_328 = arith.addf %mul3A_325, %add3A_327 : vector<256x256xf32>
    %get3A_329 = arith.constant 0 : index
    %get3A_330 = arith.constant 256 : index
    %get3A_331 = arith.constant 0 : index
    %get3A_332 = vector.load %arg3[%get3A_329, %get3A_330, %get3A_331] : memref<1x2048x128xbf16, #tpu.memory_space<vmem>>, vector<1x256x128xbf16>
    %get3A_333 = vector.shape_cast %get3A_332 : vector<1x256x128xbf16> to vector<256x128xbf16>
    %convert_element_type3A_334 = arith.truncf %add3A_328 : vector<256x256xf32> to vector<256x256xbf16>
    %dot_general3A_335 = arith.constant dense<0.000000e+00> : vector<256x128xf32>
    %dot_general3A_336 = tpu.matmul %convert_element_type3A_334, %get3A_333, %dot_general3A_335 {dimension_numbers = #tpu.dot_dimension_numbers<[1], [0], [0], [1], [0, 0, 1, 1], [], []>, transpose_lhs_hint = false} : vector<256x256xbf16>, vector<256x128xbf16>, vector<256x128xf32> -> vector<256x128xf32>
    %add3A_337 = arith.addf %add3A_303, %dot_general3A_336 : vector<256x128xf32>
    %get3A_338 = arith.constant 0 : index
    %get3A_339 = arith.constant 512 : index
    %get3A_340 = arith.constant 0 : index
    %get3A_341 = vector.load %arg2[%get3A_338, %get3A_339, %get3A_340] : memref<1x2048x64xbf16, #tpu.memory_space<vmem>>, vector<1x256x64xbf16>
    %get3A_342 = vector.shape_cast %get3A_341 : vector<1x256x64xbf16> to vector<256x64xbf16>
    %dot_general3A_343 = arith.constant dense<0.000000e+00> : vector<256x256xf32>
    %dot_general3A_344 = tpu.matmul %get3A_267, %get3A_342, %dot_general3A_343 {dimension_numbers = #tpu.dot_dimension_numbers<[1], [1], [0], [0], [0, 0, 1, 0], [], []>, transpose_lhs_hint = false} : vector<256x64xbf16>, vector<256x64xbf16>, vector<256x256xf32> -> vector<256x256xf32>
    %mul3A_345 = arith.constant 0.0416666679 : f32
    %mul3A_346 = vector.broadcast %mul3A_345 : f32 to vector<256x256xf32>
    %mul3A_347 = arith.mulf %dot_general3A_344, %mul3A_346 : vector<256x256xf32>
    %add3A_348 = arith.constant 0.166666672 : f32
    %add3A_349 = vector.broadcast %add3A_348 : f32 to vector<256x256xf32>
    %add3A_350 = arith.addf %mul3A_347, %add3A_349 : vector<256x256xf32>
    %mul3A_351 = arith.mulf %add3A_350, %dot_general3A_344 : vector<256x256xf32>
    %add3A_352 = arith.constant 5.000000e-01 : f32
    %add3A_353 = vector.broadcast %add3A_352 : f32 to vector<256x256xf32>
    %add3A_354 = arith.addf %mul3A_351, %add3A_353 : vector<256x256xf32>
    %mul3A_355 = arith.mulf %add3A_354, %dot_general3A_344 : vector<256x256xf32>
    %add3A_356 = arith.constant 1.000000e+00 : f32
    %add3A_357 = vector.broadcast %add3A_356 : f32 to vector<256x256xf32>
    %add3A_358 = arith.addf %mul3A_355, %add3A_357 : vector<256x256xf32>
    %mul3A_359 = arith.mulf %add3A_358, %dot_general3A_344 : vector<256x256xf32>
    %add3A_360 = arith.constant 1.000000e+00 : f32
    %add3A_361 = vector.broadcast %add3A_360 : f32 to vector<256x256xf32>
    %add3A_362 = arith.addf %mul3A_359, %add3A_361 : vector<256x256xf32>
    %get3A_363 = arith.constant 0 : index
    %get3A_364 = arith.constant 512 : index
    %get3A_365 = arith.constant 0 : index
    %get3A_366 = vector.load %arg3[%get3A_363, %get3A_364, %get3A_365] : memref<1x2048x128xbf16, #tpu.memory_space<vmem>>, vector<1x256x128xbf16>
    %get3A_367 = vector.shape_cast %get3A_366 : vector<1x256x128xbf16> to vector<256x128xbf16>
    %convert_element_type3A_368 = arith.truncf %add3A_362 : vector<256x256xf32> to vector<256x256xbf16>
    %dot_general3A_369 = arith.constant dense<0.000000e+00> : vector<256x128xf32>
    %dot_general3A_370 = tpu.matmul %convert_element_type3A_368, %get3A_367, %dot_general3A_369 {dimension_numbers = #tpu.dot_dimension_numbers<[1], [0], [0], [1], [0, 0, 1, 1], [], []>, transpose_lhs_hint = false} : vector<256x256xbf16>, vector<256x128xbf16>, vector<256x128xf32> -> vector<256x128xf32>
    %add3A_371 = arith.addf %add3A_337, %dot_general3A_370 : vector<256x128xf32>
    %get3A_372 = arith.constant 0 : index
    %get3A_373 = arith.constant 768 : index
    %get3A_374 = arith.constant 0 : index
    %get3A_375 = vector.load %arg2[%get3A_372, %get3A_373, %get3A_374] : memref<1x2048x64xbf16, #tpu.memory_space<vmem>>, vector<1x256x64xbf16>
    %get3A_376 = vector.shape_cast %get3A_375 : vector<1x256x64xbf16> to vector<256x64xbf16>
    %dot_general3A_377 = arith.constant dense<0.000000e+00> : vector<256x256xf32>
    %dot_general3A_378 = tpu.matmul %get3A_267, %get3A_376, %dot_general3A_377 {dimension_numbers = #tpu.dot_dimension_numbers<[1], [1], [0], [0], [0, 0, 1, 0], [], []>, transpose_lhs_hint = false} : vector<256x64xbf16>, vector<256x64xbf16>, vector<256x256xf32> -> vector<256x256xf32>
    %mul3A_379 = arith.constant 0.0416666679 : f32
    %mul3A_380 = vector.broadcast %mul3A_379 : f32 to vector<256x256xf32>
    %mul3A_381 = arith.mulf %dot_general3A_378, %mul3A_380 : vector<256x256xf32>
    %add3A_382 = arith.constant 0.166666672 : f32
    %add3A_383 = vector.broadcast %add3A_382 : f32 to vector<256x256xf32>
    %add3A_384 = arith.addf %mul3A_381, %add3A_383 : vector<256x256xf32>
    %mul3A_385 = arith.mulf %add3A_384, %dot_general3A_378 : vector<256x256xf32>
    %add3A_386 = arith.constant 5.000000e-01 : f32
    %add3A_387 = vector.broadcast %add3A_386 : f32 to vector<256x256xf32>
    %add3A_388 = arith.addf %mul3A_385, %add3A_387 : vector<256x256xf32>
    %mul3A_389 = arith.mulf %add3A_388, %dot_general3A_378 : vector<256x256xf32>
    %add3A_390 = arith.constant 1.000000e+00 : f32
    %add3A_391 = vector.broadcast %add3A_390 : f32 to vector<256x256xf32>
    %add3A_392 = arith.addf %mul3A_389, %add3A_391 : vector<256x256xf32>
    %mul3A_393 = arith.mulf %add3A_392, %dot_general3A_378 : vector<256x256xf32>
    %add3A_394 = arith.constant 1.000000e+00 : f32
    %add3A_395 = vector.broadcast %add3A_394 : f32 to vector<256x256xf32>
    %add3A_396 = arith.addf %mul3A_393, %add3A_395 : vector<256x256xf32>
    %iota3A_397 = tpu.iota {dimensions = array<i32: 0>} : vector<256x256xi32>
    %iota3A_398 = tpu.iota {dimensions = array<i32: 1>} : vector<256x256xi32>
    %le3A_399 = arith.cmpi sle, %iota3A_398, %iota3A_397 : vector<256x256xi32>
    %jit3A_400 = arith.constant 0.000000e+00 : f32
    %broadcast_in_dim3A_401 = vector.broadcast %jit3A_400 : f32 to vector<256x256xf32>
    %select_n3A_402 = arith.select %le3A_399, %add3A_396, %broadcast_in_dim3A_401 : vector<256x256xi1>, vector<256x256xf32>
    %get3A_403 = arith.constant 0 : index
    %get3A_404 = arith.constant 768 : index
    %get3A_405 = arith.constant 0 : index
    %get3A_406 = vector.load %arg3[%get3A_403, %get3A_404, %get3A_405] : memref<1x2048x128xbf16, #tpu.memory_space<vmem>>, vector<1x256x128xbf16>
    %get3A_407 = vector.shape_cast %get3A_406 : vector<1x256x128xbf16> to vector<256x128xbf16>
    %convert_element_type3A_408 = arith.truncf %select_n3A_402 : vector<256x256xf32> to vector<256x256xbf16>
    %dot_general3A_409 = arith.constant dense<0.000000e+00> : vector<256x128xf32>
    %dot_general3A_410 = tpu.matmul %convert_element_type3A_408, %get3A_407, %dot_general3A_409 {dimension_numbers = #tpu.dot_dimension_numbers<[1], [0], [0], [1], [0, 0, 1, 1], [], []>, transpose_lhs_hint = false} : vector<256x256xbf16>, vector<256x128xbf16>, vector<256x128xf32> -> vector<256x128xf32>
    %add3A_411 = arith.addf %add3A_371, %dot_general3A_410 : vector<256x128xf32>
    %slice3A_412 = vector.extract_strided_slice %add3A_411 {offsets = [0, 0], sizes = [256, 64], strides = [1, 1]} : vector<256x128xf32> to vector<256x64xf32>
    %slice3A_413 = vector.extract_strided_slice %add3A_411 {offsets = [0, 64], sizes = [256, 1], strides = [1, 1]} : vector<256x128xf32> to vector<256x1xf32>
    %div3A_414 = vector.broadcast %slice3A_413 : vector<256x1xf32> to vector<256x64xf32>
    %div3A_415 = arith.divf %slice3A_412, %div3A_414 : vector<256x64xf32>
    %convert_element_type3A_416 = arith.truncf %div3A_415 : vector<256x64xf32> to vector<256x64xbf16>
    %swap3A_417 = arith.constant 0 : index
    %swap3A_418 = arith.constant 768 : index
    %swap3A_419 = arith.constant 0 : index
    %swap3A_420 = vector.load %arg4[%swap3A_417, %swap3A_418, %swap3A_419] : memref<1x2048x64xbf16, #tpu.memory_space<vmem>>, vector<1x256x64xbf16>
    %swap3A_421 = vector.shape_cast %swap3A_420 : vector<1x256x64xbf16> to vector<256x64xbf16>
    %swap3A_422 = vector.shape_cast %convert_element_type3A_416 : vector<256x64xbf16> to vector<1x256x64xbf16>
    tpu.vector_store %arg4[%swap3A_417, %swap3A_418, %swap3A_419], %swap3A_422 {strides = array<i32>} : memref<1x2048x64xbf16, #tpu.memory_space<vmem>>, vector<1x256x64xbf16>,
    %get3A_423 = arith.constant 0 : index
    %get3A_424 = arith.constant 1024 : index
    %get3A_425 = arith.constant 0 : index
    %get3A_426 = vector.load %arg1[%get3A_423, %get3A_424, %get3A_425] : memref<1x2048x64xbf16, #tpu.memory_space<vmem>>, vector<1x256x64xbf16>
    %get3A_427 = vector.shape_cast %get3A_426 : vector<1x256x64xbf16> to vector<256x64xbf16>
    %broadcast_in_dim3A_428 = arith.constant 0.000000e+00 : f32
    %broadcast_in_dim3A_429 = vector.broadcast %broadcast_in_dim3A_428 : f32 to vector<256x128xf32>
    %get3A_430 = arith.constant 0 : index
    %get3A_431 = arith.constant 0 : index
    %get3A_432 = arith.constant 0 : index
    %get3A_433 = vector.load %arg2[%get3A_430, %get3A_431, %get3A_432] : memref<1x2048x64xbf16, #tpu.memory_space<vmem>>, vector<1x256x64xbf16>
    %get3A_434 = vector.shape_cast %get3A_433 : vector<1x256x64xbf16> to vector<256x64xbf16>
    %dot_general3A_435 = arith.constant dense<0.000000e+00> : vector<256x256xf32>
    %dot_general3A_436 = tpu.matmul %get3A_427, %get3A_434, %dot_general3A_435 {dimension_numbers = #tpu.dot_dimension_numbers<[1], [1], [0], [0], [0, 0, 1, 0], [], []>, transpose_lhs_hint = false} : vector<256x64xbf16>, vector<256x64xbf16>, vector<256x256xf32> -> vector<256x256xf32>
    %mul3A_437 = arith.constant 0.0416666679 : f32
    %mul3A_438 = vector.broadcast %mul3A_437 : f32 to vector<256x256xf32>
    %mul3A_439 = arith.mulf %dot_general3A_436, %mul3A_438 : vector<256x256xf32>
    %add3A_440 = arith.constant 0.166666672 : f32
    %add3A_441 = vector.broadcast %add3A_440 : f32 to vector<256x256xf32>
    %add3A_442 = arith.addf %mul3A_439, %add3A_441 : vector<256x256xf32>
    %mul3A_443 = arith.mulf %add3A_442, %dot_general3A_436 : vector<256x256xf32>
    %add3A_444 = arith.constant 5.000000e-01 : f32
    %add3A_445 = vector.broadcast %add3A_444 : f32 to vector<256x256xf32>
    %add3A_446 = arith.addf %mul3A_443, %add3A_445 : vector<256x256xf32>
    %mul3A_447 = arith.mulf %add3A_446, %dot_general3A_436 : vector<256x256xf32>
    %add3A_448 = arith.constant 1.000000e+00 : f32
    %add3A_449 = vector.broadcast %add3A_448 : f32 to vector<256x256xf32>
    %add3A_450 = arith.addf %mul3A_447, %add3A_449 : vector<256x256xf32>
    %mul3A_451 = arith.mulf %add3A_450, %dot_general3A_436 : vector<256x256xf32>
    %add3A_452 = arith.constant 1.000000e+00 : f32
    %add3A_453 = vector.broadcast %add3A_452 : f32 to vector<256x256xf32>
    %add3A_454 = arith.addf %mul3A_451, %add3A_453 : vector<256x256xf32>
    %get3A_455 = arith.constant 0 : index
    %get3A_456 = arith.constant 0 : index
    %get3A_457 = arith.constant 0 : index
    %get3A_458 = vector.load %arg3[%get3A_455, %get3A_456, %get3A_457] : memref<1x2048x128xbf16, #tpu.memory_space<vmem>>, vector<1x256x128xbf16>
    %get3A_459 = vector.shape_cast %get3A_458 : vector<1x256x128xbf16> to vector<256x128xbf16>
    %convert_element_type3A_460 = arith.truncf %add3A_454 : vector<256x256xf32> to vector<256x256xbf16>
    %dot_general3A_461 = arith.constant dense<0.000000e+00> : vector<256x128xf32>
    %dot_general3A_462 = tpu.matmul %convert_element_type3A_460, %get3A_459, %dot_general3A_461 {dimension_numbers = #tpu.dot_dimension_numbers<[1], [0], [0], [1], [0, 0, 1, 1], [], []>, transpose_lhs_hint = false} : vector<256x256xbf16>, vector<256x128xbf16>, vector<256x128xf32> -> vector<256x128xf32>
    %add3A_463 = arith.addf %broadcast_in_dim3A_429, %dot_general3A_462 : vector<256x128xf32>
    %get3A_464 = arith.constant 0 : index
    %get3A_465 = arith.constant 256 : index
    %get3A_466 = arith.constant 0 : index
    %get3A_467 = vector.load %arg2[%get3A_464, %get3A_465, %get3A_466] : memref<1x2048x64xbf16, #tpu.memory_space<vmem>>, vector<1x256x64xbf16>
    %get3A_468 = vector.shape_cast %get3A_467 : vector<1x256x64xbf16> to vector<256x64xbf16>
    %dot_general3A_469 = arith.constant dense<0.000000e+00> : vector<256x256xf32>
    %dot_general3A_470 = tpu.matmul %get3A_427, %get3A_468, %dot_general3A_469 {dimension_numbers = #tpu.dot_dimension_numbers<[1], [1], [0], [0], [0, 0, 1, 0], [], []>, transpose_lhs_hint = false} : vector<256x64xbf16>, vector<256x64xbf16>, vector<256x256xf32> -> vector<256x256xf32>
    %mul3A_471 = arith.constant 0.0416666679 : f32
    %mul3A_472 = vector.broadcast %mul3A_471 : f32 to vector<256x256xf32>
    %mul3A_473 = arith.mulf %dot_general3A_470, %mul3A_472 : vector<256x256xf32>
    %add3A_474 = arith.constant 0.166666672 : f32
    %add3A_475 = vector.broadcast %add3A_474 : f32 to vector<256x256xf32>
    %add3A_476 = arith.addf %mul3A_473, %add3A_475 : vector<256x256xf32>
    %mul3A_477 = arith.mulf %add3A_476, %dot_general3A_470 : vector<256x256xf32>
    %add3A_478 = arith.constant 5.000000e-01 : f32
    %add3A_479 = vector.broadcast %add3A_478 : f32 to vector<256x256xf32>
    %add3A_480 = arith.addf %mul3A_477, %add3A_479 : vector<256x256xf32>
    %mul3A_481 = arith.mulf %add3A_480, %dot_general3A_470 : vector<256x256xf32>
    %add3A_482 = arith.constant 1.000000e+00 : f32
    %add3A_483 = vector.broadcast %add3A_482 : f32 to vector<256x256xf32>
    %add3A_484 = arith.addf %mul3A_481, %add3A_483 : vector<256x256xf32>
    %mul3A_485 = arith.mulf %add3A_484, %dot_general3A_470 : vector<256x256xf32>
    %add3A_486 = arith.constant 1.000000e+00 : f32
    %add3A_487 = vector.broadcast %add3A_486 : f32 to vector<256x256xf32>
    %add3A_488 = arith.addf %mul3A_485, %add3A_487 : vector<256x256xf32>
    %get3A_489 = arith.constant 0 : index
    %get3A_490 = arith.constant 256 : index
    %get3A_491 = arith.constant 0 : index
    %get3A_492 = vector.load %arg3[%get3A_489, %get3A_490, %get3A_491] : memref<1x2048x128xbf16, #tpu.memory_space<vmem>>, vector<1x256x128xbf16>
    %get3A_493 = vector.shape_cast %get3A_492 : vector<1x256x128xbf16> to vector<256x128xbf16>
    %convert_element_type3A_494 = arith.truncf %add3A_488 : vector<256x256xf32> to vector<256x256xbf16>
    %dot_general3A_495 = arith.constant dense<0.000000e+00> : vector<256x128xf32>
    %dot_general3A_496 = tpu.matmul %convert_element_type3A_494, %get3A_493, %dot_general3A_495 {dimension_numbers = #tpu.dot_dimension_numbers<[1], [0], [0], [1], [0, 0, 1, 1], [], []>, transpose_lhs_hint = false} : vector<256x256xbf16>, vector<256x128xbf16>, vector<256x128xf32> -> vector<256x128xf32>
    %add3A_497 = arith.addf %add3A_463, %dot_general3A_496 : vector<256x128xf32>
    %get3A_498 = arith.constant 0 : index
    %get3A_499 = arith.constant 512 : index
    %get3A_500 = arith.constant 0 : index
    %get3A_501 = vector.load %arg2[%get3A_498, %get3A_499, %get3A_500] : memref<1x2048x64xbf16, #tpu.memory_space<vmem>>, vector<1x256x64xbf16>
    %get3A_502 = vector.shape_cast %get3A_501 : vector<1x256x64xbf16> to vector<256x64xbf16>
    %dot_general3A_503 = arith.constant dense<0.000000e+00> : vector<256x256xf32>
    %dot_general3A_504 = tpu.matmul %get3A_427, %get3A_502, %dot_general3A_503 {dimension_numbers = #tpu.dot_dimension_numbers<[1], [1], [0], [0], [0, 0, 1, 0], [], []>, transpose_lhs_hint = false} : vector<256x64xbf16>, vector<256x64xbf16>, vector<256x256xf32> -> vector<256x256xf32>
    %mul3A_505 = arith.constant 0.0416666679 : f32
    %mul3A_506 = vector.broadcast %mul3A_505 : f32 to vector<256x256xf32>
    %mul3A_507 = arith.mulf %dot_general3A_504, %mul3A_506 : vector<256x256xf32>
    %add3A_508 = arith.constant 0.166666672 : f32
    %add3A_509 = vector.broadcast %add3A_508 : f32 to vector<256x256xf32>
    %add3A_510 = arith.addf %mul3A_507, %add3A_509 : vector<256x256xf32>
    %mul3A_511 = arith.mulf %add3A_510, %dot_general3A_504 : vector<256x256xf32>
    %add3A_512 = arith.constant 5.000000e-01 : f32
    %add3A_513 = vector.broadcast %add3A_512 : f32 to vector<256x256xf32>
    %add3A_514 = arith.addf %mul3A_511, %add3A_513 : vector<256x256xf32>
    %mul3A_515 = arith.mulf %add3A_514, %dot_general3A_504 : vector<256x256xf32>
    %add3A_516 = arith.constant 1.000000e+00 : f32
    %add3A_517 = vector.broadcast %add3A_516 : f32 to vector<256x256xf32>
    %add3A_518 = arith.addf %mul3A_515, %add3A_517 : vector<256x256xf32>
    %mul3A_519 = arith.mulf %add3A_518, %dot_general3A_504 : vector<256x256xf32>
    %add3A_520 = arith.constant 1.000000e+00 : f32
    %add3A_521 = vector.broadcast %add3A_520 : f32 to vector<256x256xf32>
    %add3A_522 = arith.addf %mul3A_519, %add3A_521 : vector<256x256xf32>
    %get3A_523 = arith.constant 0 : index
    %get3A_524 = arith.constant 512 : index
    %get3A_525 = arith.constant 0 : index
    %get3A_526 = vector.load %arg3[%get3A_523, %get3A_524, %get3A_525] : memref<1x2048x128xbf16, #tpu.memory_space<vmem>>, vector<1x256x128xbf16>
    %get3A_527 = vector.shape_cast %get3A_526 : vector<1x256x128xbf16> to vector<256x128xbf16>
    %convert_element_type3A_528 = arith.truncf %add3A_522 : vector<256x256xf32> to vector<256x256xbf16>
    %dot_general3A_529 = arith.constant dense<0.000000e+00> : vector<256x128xf32>
    %dot_general3A_530 = tpu.matmul %convert_element_type3A_528, %get3A_527, %dot_general3A_529 {dimension_numbers = #tpu.dot_dimension_numbers<[1], [0], [0], [1], [0, 0, 1, 1], [], []>, transpose_lhs_hint = false} : vector<256x256xbf16>, vector<256x128xbf16>, vector<256x128xf32> -> vector<256x128xf32>
    %add3A_531 = arith.addf %add3A_497, %dot_general3A_530 : vector<256x128xf32>
    %get3A_532 = arith.constant 0 : index
    %get3A_533 = arith.constant 768 : index
    %get3A_534 = arith.constant 0 : index
    %get3A_535 = vector.load %arg2[%get3A_532, %get3A_533, %get3A_534] : memref<1x2048x64xbf16, #tpu.memory_space<vmem>>, vector<1x256x64xbf16>
    %get3A_536 = vector.shape_cast %get3A_535 : vector<1x256x64xbf16> to vector<256x64xbf16>
    %dot_general3A_537 = arith.constant dense<0.000000e+00> : vector<256x256xf32>
    %dot_general3A_538 = tpu.matmul %get3A_427, %get3A_536, %dot_general3A_537 {dimension_numbers = #tpu.dot_dimension_numbers<[1], [1], [0], [0], [0, 0, 1, 0], [], []>, transpose_lhs_hint = false} : vector<256x64xbf16>, vector<256x64xbf16>, vector<256x256xf32> -> vector<256x256xf32>
    %mul3A_539 = arith.constant 0.0416666679 : f32
    %mul3A_540 = vector.broadcast %mul3A_539 : f32 to vector<256x256xf32>
    %mul3A_541 = arith.mulf %dot_general3A_538, %mul3A_540 : vector<256x256xf32>
    %add3A_542 = arith.constant 0.166666672 : f32
    %add3A_543 = vector.broadcast %add3A_542 : f32 to vector<256x256xf32>
    %add3A_544 = arith.addf %mul3A_541, %add3A_543 : vector<256x256xf32>
    %mul3A_545 = arith.mulf %add3A_544, %dot_general3A_538 : vector<256x256xf32>
    %add3A_546 = arith.constant 5.000000e-01 : f32
    %add3A_547 = vector.broadcast %add3A_546 : f32 to vector<256x256xf32>
    %add3A_548 = arith.addf %mul3A_545, %add3A_547 : vector<256x256xf32>
    %mul3A_549 = arith.mulf %add3A_548, %dot_general3A_538 : vector<256x256xf32>
    %add3A_550 = arith.constant 1.000000e+00 : f32
    %add3A_551 = vector.broadcast %add3A_550 : f32 to vector<256x256xf32>
    %add3A_552 = arith.addf %mul3A_549, %add3A_551 : vector<256x256xf32>
    %mul3A_553 = arith.mulf %add3A_552, %dot_general3A_538 : vector<256x256xf32>
    %add3A_554 = arith.constant 1.000000e+00 : f32
    %add3A_555 = vector.broadcast %add3A_554 : f32 to vector<256x256xf32>
    %add3A_556 = arith.addf %mul3A_553, %add3A_555 : vector<256x256xf32>
    %get3A_557 = arith.constant 0 : index
    %get3A_558 = arith.constant 768 : index
    %get3A_559 = arith.constant 0 : index
    %get3A_560 = vector.load %arg3[%get3A_557, %get3A_558, %get3A_559] : memref<1x2048x128xbf16, #tpu.memory_space<vmem>>, vector<1x256x128xbf16>
    %get3A_561 = vector.shape_cast %get3A_560 : vector<1x256x128xbf16> to vector<256x128xbf16>
    %convert_element_type3A_562 = arith.truncf %add3A_556 : vector<256x256xf32> to vector<256x256xbf16>
    %dot_general3A_563 = arith.constant dense<0.000000e+00> : vector<256x128xf32>
    %dot_general3A_564 = tpu.matmul %convert_element_type3A_562, %get3A_561, %dot_general3A_563 {dimension_numbers = #tpu.dot_dimension_numbers<[1], [0], [0], [1], [0, 0, 1, 1], [], []>, transpose_lhs_hint = false} : vector<256x256xbf16>, vector<256x128xbf16>, vector<256x128xf32> -> vector<256x128xf32>
    %add3A_565 = arith.addf %add3A_531, %dot_general3A_564 : vector<256x128xf32>
    %get3A_566 = arith.constant 0 : index
    %get3A_567 = arith.constant 1024 : index
    %get3A_568 = arith.constant 0 : index
    %get3A_569 = vector.load %arg2[%get3A_566, %get3A_567, %get3A_568] : memref<1x2048x64xbf16, #tpu.memory_space<vmem>>, vector<1x256x64xbf16>
    %get3A_570 = vector.shape_cast %get3A_569 : vector<1x256x64xbf16> to vector<256x64xbf16>
    %dot_general3A_571 = arith.constant dense<0.000000e+00> : vector<256x256xf32>
    %dot_general3A_572 = tpu.matmul %get3A_427, %get3A_570, %dot_general3A_571 {dimension_numbers = #tpu.dot_dimension_numbers<[1], [1], [0], [0], [0, 0, 1, 0], [], []>, transpose_lhs_hint = false} : vector<256x64xbf16>, vector<256x64xbf16>, vector<256x256xf32> -> vector<256x256xf32>
    %mul3A_573 = arith.constant 0.0416666679 : f32
    %mul3A_574 = vector.broadcast %mul3A_573 : f32 to vector<256x256xf32>
    %mul3A_575 = arith.mulf %dot_general3A_572, %mul3A_574 : vector<256x256xf32>
    %add3A_576 = arith.constant 0.166666672 : f32
    %add3A_577 = vector.broadcast %add3A_576 : f32 to vector<256x256xf32>
    %add3A_578 = arith.addf %mul3A_575, %add3A_577 : vector<256x256xf32>
    %mul3A_579 = arith.mulf %add3A_578, %dot_general3A_572 : vector<256x256xf32>
    %add3A_580 = arith.constant 5.000000e-01 : f32
    %add3A_581 = vector.broadcast %add3A_580 : f32 to vector<256x256xf32>
    %add3A_582 = arith.addf %mul3A_579, %add3A_581 : vector<256x256xf32>
    %mul3A_583 = arith.mulf %add3A_582, %dot_general3A_572 : vector<256x256xf32>
    %add3A_584 = arith.constant 1.000000e+00 : f32
    %add3A_585 = vector.broadcast %add3A_584 : f32 to vector<256x256xf32>
    %add3A_586 = arith.addf %mul3A_583, %add3A_585 : vector<256x256xf32>
    %mul3A_587 = arith.mulf %add3A_586, %dot_general3A_572 : vector<256x256xf32>
    %add3A_588 = arith.constant 1.000000e+00 : f32
    %add3A_589 = vector.broadcast %add3A_588 : f32 to vector<256x256xf32>
    %add3A_590 = arith.addf %mul3A_587, %add3A_589 : vector<256x256xf32>
    %iota3A_591 = tpu.iota {dimensions = array<i32: 0>} : vector<256x256xi32>
    %iota3A_592 = tpu.iota {dimensions = array<i32: 1>} : vector<256x256xi32>
    %le3A_593 = arith.cmpi sle, %iota3A_592, %iota3A_591 : vector<256x256xi32>
    %jit3A_594 = arith.constant 0.000000e+00 : f32
    %broadcast_in_dim3A_595 = vector.broadcast %jit3A_594 : f32 to vector<256x256xf32>
    %select_n3A_596 = arith.select %le3A_593, %add3A_590, %broadcast_in_dim3A_595 : vector<256x256xi1>, vector<256x256xf32>
    %get3A_597 = arith.constant 0 : index
    %get3A_598 = arith.constant 1024 : index
    %get3A_599 = arith.constant 0 : index
    %get3A_600 = vector.load %arg3[%get3A_597, %get3A_598, %get3A_599] : memref<1x2048x128xbf16, #tpu.memory_space<vmem>>, vector<1x256x128xbf16>
    %get3A_601 = vector.shape_cast %get3A_600 : vector<1x256x128xbf16> to vector<256x128xbf16>
    %convert_element_type3A_602 = arith.truncf %select_n3A_596 : vector<256x256xf32> to vector<256x256xbf16>
    %dot_general3A_603 = arith.constant dense<0.000000e+00> : vector<256x128xf32>
    %dot_general3A_604 = tpu.matmul %convert_element_type3A_602, %get3A_601, %dot_general3A_603 {dimension_numbers = #tpu.dot_dimension_numbers<[1], [0], [0], [1], [0, 0, 1, 1], [], []>, transpose_lhs_hint = false} : vector<256x256xbf16>, vector<256x128xbf16>, vector<256x128xf32> -> vector<256x128xf32>
    %add3A_605 = arith.addf %add3A_565, %dot_general3A_604 : vector<256x128xf32>
    %slice3A_606 = vector.extract_strided_slice %add3A_605 {offsets = [0, 0], sizes = [256, 64], strides = [1, 1]} : vector<256x128xf32> to vector<256x64xf32>
    %slice3A_607 = vector.extract_strided_slice %add3A_605 {offsets = [0, 64], sizes = [256, 1], strides = [1, 1]} : vector<256x128xf32> to vector<256x1xf32>
    %div3A_608 = vector.broadcast %slice3A_607 : vector<256x1xf32> to vector<256x64xf32>
    %div3A_609 = arith.divf %slice3A_606, %div3A_608 : vector<256x64xf32>
    %convert_element_type3A_610 = arith.truncf %div3A_609 : vector<256x64xf32> to vector<256x64xbf16>
    %swap3A_611 = arith.constant 0 : index
    %swap3A_612 = arith.constant 1024 : index
    %swap3A_613 = arith.constant 0 : index
    %swap3A_614 = vector.load %arg4[%swap3A_611, %swap3A_612, %swap3A_613] : memref<1x2048x64xbf16, #tpu.memory_space<vmem>>, vector<1x256x64xbf16>
    %swap3A_615 = vector.shape_cast %swap3A_614 : vector<1x256x64xbf16> to vector<256x64xbf16>
    %swap3A_616 = vector.shape_cast %convert_element_type3A_610 : vector<256x64xbf16> to vector<1x256x64xbf16>
    tpu.vector_store %arg4[%swap3A_611, %swap3A_612, %swap3A_613], %swap3A_616 {strides = array<i32>} : memref<1x2048x64xbf16, #tpu.memory_space<vmem>>, vector<1x256x64xbf16>,
    %get3A_617 = arith.constant 0 : index
    %get3A_618 = arith.constant 1280 : index
    %get3A_619 = arith.constant 0 : index
    %get3A_620 = vector.load %arg1[%get3A_617, %get3A_618, %get3A_619] : memref<1x2048x64xbf16, #tpu.memory_space<vmem>>, vector<1x256x64xbf16>
    %get3A_621 = vector.shape_cast %get3A_620 : vector<1x256x64xbf16> to vector<256x64xbf16>
    %broadcast_in_dim3A_622 = arith.constant 0.000000e+00 : f32
    %broadcast_in_dim3A_623 = vector.broadcast %broadcast_in_dim3A_622 : f32 to vector<256x128xf32>
    %get3A_624 = arith.constant 0 : index
    %get3A_625 = arith.constant 0 : index
    %get3A_626 = arith.constant 0 : index
    %get3A_627 = vector.load %arg2[%get3A_624, %get3A_625, %get3A_626] : memref<1x2048x64xbf16, #tpu.memory_space<vmem>>, vector<1x256x64xbf16>
    %get3A_628 = vector.shape_cast %get3A_627 : vector<1x256x64xbf16> to vector<256x64xbf16>
    %dot_general3A_629 = arith.constant dense<0.000000e+00> : vector<256x256xf32>
    %dot_general3A_630 = tpu.matmul %get3A_621, %get3A_628, %dot_general3A_629 {dimension_numbers = #tpu.dot_dimension_numbers<[1], [1], [0], [0], [0, 0, 1, 0], [], []>, transpose_lhs_hint = false} : vector<256x64xbf16>, vector<256x64xbf16>, vector<256x256xf32> -> vector<256x256xf32>
    %mul3A_631 = arith.constant 0.0416666679 : f32
    %mul3A_632 = vector.broadcast %mul3A_631 : f32 to vector<256x256xf32>
    %mul3A_633 = arith.mulf %dot_general3A_630, %mul3A_632 : vector<256x256xf32>
    %add3A_634 = arith.constant 0.166666672 : f32
    %add3A_635 = vector.broadcast %add3A_634 : f32 to vector<256x256xf32>
    %add3A_636 = arith.addf %mul3A_633, %add3A_635 : vector<256x256xf32>
    %mul3A_637 = arith.mulf %add3A_636, %dot_general3A_630 : vector<256x256xf32>
    %add3A_638 = arith.constant 5.000000e-01 : f32
    %add3A_639 = vector.broadcast %add3A_638 : f32 to vector<256x256xf32>
    %add3A_640 = arith.addf %mul3A_637, %add3A_639 : vector<256x256xf32>
    %mul3A_641 = arith.mulf %add3A_640, %dot_general3A_630 : vector<256x256xf32>
    %add3A_642 = arith.constant 1.000000e+00 : f32
    %add3A_643 = vector.broadcast %add3A_642 : f32 to vector<256x256xf32>
    %add3A_644 = arith.addf %mul3A_641, %add3A_643 : vector<256x256xf32>
    %mul3A_645 = arith.mulf %add3A_644, %dot_general3A_630 : vector<256x256xf32>
    %add3A_646 = arith.constant 1.000000e+00 : f32
    %add3A_647 = vector.broadcast %add3A_646 : f32 to vector<256x256xf32>
    %add3A_648 = arith.addf %mul3A_645, %add3A_647 : vector<256x256xf32>
    %get3A_649 = arith.constant 0 : index
    %get3A_650 = arith.constant 0 : index
    %get3A_651 = arith.constant 0 : index
    %get3A_652 = vector.load %arg3[%get3A_649, %get3A_650, %get3A_651] : memref<1x2048x128xbf16, #tpu.memory_space<vmem>>, vector<1x256x128xbf16>
    %get3A_653 = vector.shape_cast %get3A_652 : vector<1x256x128xbf16> to vector<256x128xbf16>
    %convert_element_type3A_654 = arith.truncf %add3A_648 : vector<256x256xf32> to vector<256x256xbf16>
    %dot_general3A_655 = arith.constant dense<0.000000e+00> : vector<256x128xf32>
    %dot_general3A_656 = tpu.matmul %convert_element_type3A_654, %get3A_653, %dot_general3A_655 {dimension_numbers = #tpu.dot_dimension_numbers<[1], [0], [0], [1], [0, 0, 1, 1], [], []>, transpose_lhs_hint = false} : vector<256x256xbf16>, vector<256x128xbf16>, vector<256x128xf32> -> vector<256x128xf32>
    %add3A_657 = arith.addf %broadcast_in_dim3A_623, %dot_general3A_656 : vector<256x128xf32>
    %get3A_658 = arith.constant 0 : index
    %get3A_659 = arith.constant 256 : index
    %get3A_660 = arith.constant 0 : index
    %get3A_661 = vector.load %arg2[%get3A_658, %get3A_659, %get3A_660] : memref<1x2048x64xbf16, #tpu.memory_space<vmem>>, vector<1x256x64xbf16>
    %get3A_662 = vector.shape_cast %get3A_661 : vector<1x256x64xbf16> to vector<256x64xbf16>
    %dot_general3A_663 = arith.constant dense<0.000000e+00> : vector<256x256xf32>
    %dot_general3A_664 = tpu.matmul %get3A_621, %get3A_662, %dot_general3A_663 {dimension_numbers = #tpu.dot_dimension_numbers<[1], [1], [0], [0], [0, 0, 1, 0], [], []>, transpose_lhs_hint = false} : vector<256x64xbf16>, vector<256x64xbf16>, vector<256x256xf32> -> vector<256x256xf32>
    %mul3A_665 = arith.constant 0.0416666679 : f32
    %mul3A_666 = vector.broadcast %mul3A_665 : f32 to vector<256x256xf32>
    %mul3A_667 = arith.mulf %dot_general3A_664, %mul3A_666 : vector<256x256xf32>
    %add3A_668 = arith.constant 0.166666672 : f32
    %add3A_669 = vector.broadcast %add3A_668 : f32 to vector<256x256xf32>
    %add3A_670 = arith.addf %mul3A_667, %add3A_669 : vector<256x256xf32>
    %mul3A_671 = arith.mulf %add3A_670, %dot_general3A_664 : vector<256x256xf32>
    %add3A_672 = arith.constant 5.000000e-01 : f32
    %add3A_673 = vector.broadcast %add3A_672 : f32 to vector<256x256xf32>
    %add3A_674 = arith.addf %mul3A_671, %add3A_673 : vector<256x256xf32>
    %mul3A_675 = arith.mulf %add3A_674, %dot_general3A_664 : vector<256x256xf32>
    %add3A_676 = arith.constant 1.000000e+00 : f32
    %add3A_677 = vector.broadcast %add3A_676 : f32 to vector<256x256xf32>
    %add3A_678 = arith.addf %mul3A_675, %add3A_677 : vector<256x256xf32>
    %mul3A_679 = arith.mulf %add3A_678, %dot_general3A_664 : vector<256x256xf32>
    %add3A_680 = arith.constant 1.000000e+00 : f32
    %add3A_681 = vector.broadcast %add3A_680 : f32 to vector<256x256xf32>
    %add3A_682 = arith.addf %mul3A_679, %add3A_681 : vector<256x256xf32>
    %get3A_683 = arith.constant 0 : index
    %get3A_684 = arith.constant 256 : index
    %get3A_685 = arith.constant 0 : index
    %get3A_686 = vector.load %arg3[%get3A_683, %get3A_684, %get3A_685] : memref<1x2048x128xbf16, #tpu.memory_space<vmem>>, vector<1x256x128xbf16>
    %get3A_687 = vector.shape_cast %get3A_686 : vector<1x256x128xbf16> to vector<256x128xbf16>
    %convert_element_type3A_688 = arith.truncf %add3A_682 : vector<256x256xf32> to vector<256x256xbf16>
    %dot_general3A_689 = arith.constant dense<0.000000e+00> : vector<256x128xf32>
    %dot_general3A_690 = tpu.matmul %convert_element_type3A_688, %get3A_687, %dot_general3A_689 {dimension_numbers = #tpu.dot_dimension_numbers<[1], [0], [0], [1], [0, 0, 1, 1], [], []>, transpose_lhs_hint = false} : vector<256x256xbf16>, vector<256x128xbf16>, vector<256x128xf32> -> vector<256x128xf32>
    %add3A_691 = arith.addf %add3A_657, %dot_general3A_690 : vector<256x128xf32>
    %get3A_692 = arith.constant 0 : index
    %get3A_693 = arith.constant 512 : index
    %get3A_694 = arith.constant 0 : index
    %get3A_695 = vector.load %arg2[%get3A_692, %get3A_693, %get3A_694] : memref<1x2048x64xbf16, #tpu.memory_space<vmem>>, vector<1x256x64xbf16>
    %get3A_696 = vector.shape_cast %get3A_695 : vector<1x256x64xbf16> to vector<256x64xbf16>
    %dot_general3A_697 = arith.constant dense<0.000000e+00> : vector<256x256xf32>
    %dot_general3A_698 = tpu.matmul %get3A_621, %get3A_696, %dot_general3A_697 {dimension_numbers = #tpu.dot_dimension_numbers<[1], [1], [0], [0], [0, 0, 1, 0], [], []>, transpose_lhs_hint = false} : vector<256x64xbf16>, vector<256x64xbf16>, vector<256x256xf32> -> vector<256x256xf32>
    %mul3A_699 = arith.constant 0.0416666679 : f32
    %mul3A_700 = vector.broadcast %mul3A_699 : f32 to vector<256x256xf32>
    %mul3A_701 = arith.mulf %dot_general3A_698, %mul3A_700 : vector<256x256xf32>
    %add3A_702 = arith.constant 0.166666672 : f32
    %add3A_703 = vector.broadcast %add3A_702 : f32 to vector<256x256xf32>
    %add3A_704 = arith.addf %mul3A_701, %add3A_703 : vector<256x256xf32>
    %mul3A_705 = arith.mulf %add3A_704, %dot_general3A_698 : vector<256x256xf32>
    %add3A_706 = arith.constant 5.000000e-01 : f32
    %add3A_707 = vector.broadcast %add3A_706 : f32 to vector<256x256xf32>
    %add3A_708 = arith.addf %mul3A_705, %add3A_707 : vector<256x256xf32>
    %mul3A_709 = arith.mulf %add3A_708, %dot_general3A_698 : vector<256x256xf32>
    %add3A_710 = arith.constant 1.000000e+00 : f32
    %add3A_711 = vector.broadcast %add3A_710 : f32 to vector<256x256xf32>
    %add3A_712 = arith.addf %mul3A_709, %add3A_711 : vector<256x256xf32>
    %mul3A_713 = arith.mulf %add3A_712, %dot_general3A_698 : vector<256x256xf32>
    %add3A_714 = arith.constant 1.000000e+00 : f32
    %add3A_715 = vector.broadcast %add3A_714 : f32 to vector<256x256xf32>
    %add3A_716 = arith.addf %mul3A_713, %add3A_715 : vector<256x256xf32>
    %get3A_717 = arith.constant 0 : index
    %get3A_718 = arith.constant 512 : index
    %get3A_719 = arith.constant 0 : index
    %get3A_720 = vector.load %arg3[%get3A_717, %get3A_718, %get3A_719] : memref<1x2048x128xbf16, #tpu.memory_space<vmem>>, vector<1x256x128xbf16>
    %get3A_721 = vector.shape_cast %get3A_720 : vector<1x256x128xbf16> to vector<256x128xbf16>
    %convert_element_type3A_722 = arith.truncf %add3A_716 : vector<256x256xf32> to vector<256x256xbf16>
    %dot_general3A_723 = arith.constant dense<0.000000e+00> : vector<256x128xf32>
    %dot_general3A_724 = tpu.matmul %convert_element_type3A_722, %get3A_721, %dot_general3A_723 {dimension_numbers = #tpu.dot_dimension_numbers<[1], [0], [0], [1], [0, 0, 1, 1], [], []>, transpose_lhs_hint = false} : vector<256x256xbf16>, vector<256x128xbf16>, vector<256x128xf32> -> vector<256x128xf32>
    %add3A_725 = arith.addf %add3A_691, %dot_general3A_724 : vector<256x128xf32>
    %get3A_726 = arith.constant 0 : index
    %get3A_727 = arith.constant 768 : index
    %get3A_728 = arith.constant 0 : index
    %get3A_729 = vector.load %arg2[%get3A_726, %get3A_727, %get3A_728] : memref<1x2048x64xbf16, #tpu.memory_space<vmem>>, vector<1x256x64xbf16>
    %get3A_730 = vector.shape_cast %get3A_729 : vector<1x256x64xbf16> to vector<256x64xbf16>
    %dot_general3A_731 = arith.constant dense<0.000000e+00> : vector<256x256xf32>
    %dot_general3A_732 = tpu.matmul %get3A_621, %get3A_730, %dot_general3A_731 {dimension_numbers = #tpu.dot_dimension_numbers<[1], [1], [0], [0], [0, 0, 1, 0], [], []>, transpose_lhs_hint = false} : vector<256x64xbf16>, vector<256x64xbf16>, vector<256x256xf32> -> vector<256x256xf32>
    %mul3A_733 = arith.constant 0.0416666679 : f32
    %mul3A_734 = vector.broadcast %mul3A_733 : f32 to vector<256x256xf32>
    %mul3A_735 = arith.mulf %dot_general3A_732, %mul3A_734 : vector<256x256xf32>
    %add3A_736 = arith.constant 0.166666672 : f32
    %add3A_737 = vector.broadcast %add3A_736 : f32 to vector<256x256xf32>
    %add3A_738 = arith.addf %mul3A_735, %add3A_737 : vector<256x256xf32>
    %mul3A_739 = arith.mulf %add3A_738, %dot_general3A_732 : vector<256x256xf32>
    %add3A_740 = arith.constant 5.000000e-01 : f32
    %add3A_741 = vector.broadcast %add3A_740 : f32 to vector<256x256xf32>
    %add3A_742 = arith.addf %mul3A_739, %add3A_741 : vector<256x256xf32>
    %mul3A_743 = arith.mulf %add3A_742, %dot_general3A_732 : vector<256x256xf32>
    %add3A_744 = arith.constant 1.000000e+00 : f32
    %add3A_745 = vector.broadcast %add3A_744 : f32 to vector<256x256xf32>
    %add3A_746 = arith.addf %mul3A_743, %add3A_745 : vector<256x256xf32>
    %mul3A_747 = arith.mulf %add3A_746, %dot_general3A_732 : vector<256x256xf32>
    %add3A_748 = arith.constant 1.000000e+00 : f32
    %add3A_749 = vector.broadcast %add3A_748 : f32 to vector<256x256xf32>
    %add3A_750 = arith.addf %mul3A_747, %add3A_749 : vector<256x256xf32>
    %get3A_751 = arith.constant 0 : index
    %get3A_752 = arith.constant 768 : index
    %get3A_753 = arith.constant 0 : index
    %get3A_754 = vector.load %arg3[%get3A_751, %get3A_752, %get3A_753] : memref<1x2048x128xbf16, #tpu.memory_space<vmem>>, vector<1x256x128xbf16>
    %get3A_755 = vector.shape_cast %get3A_754 : vector<1x256x128xbf16> to vector<256x128xbf16>
    %convert_element_type3A_756 = arith.truncf %add3A_750 : vector<256x256xf32> to vector<256x256xbf16>
    %dot_general3A_757 = arith.constant dense<0.000000e+00> : vector<256x128xf32>
    %dot_general3A_758 = tpu.matmul %convert_element_type3A_756, %get3A_755, %dot_general3A_757 {dimension_numbers = #tpu.dot_dimension_numbers<[1], [0], [0], [1], [0, 0, 1, 1], [], []>, transpose_lhs_hint = false} : vector<256x256xbf16>, vector<256x128xbf16>, vector<256x128xf32> -> vector<256x128xf32>
    %add3A_759 = arith.addf %add3A_725, %dot_general3A_758 : vector<256x128xf32>
    %get3A_760 = arith.constant 0 : index
    %get3A_761 = arith.constant 1024 : index
    %get3A_762 = arith.constant 0 : index
    %get3A_763 = vector.load %arg2[%get3A_760, %get3A_761, %get3A_762] : memref<1x2048x64xbf16, #tpu.memory_space<vmem>>, vector<1x256x64xbf16>
    %get3A_764 = vector.shape_cast %get3A_763 : vector<1x256x64xbf16> to vector<256x64xbf16>
    %dot_general3A_765 = arith.constant dense<0.000000e+00> : vector<256x256xf32>
    %dot_general3A_766 = tpu.matmul %get3A_621, %get3A_764, %dot_general3A_765 {dimension_numbers = #tpu.dot_dimension_numbers<[1], [1], [0], [0], [0, 0, 1, 0], [], []>, transpose_lhs_hint = false} : vector<256x64xbf16>, vector<256x64xbf16>, vector<256x256xf32> -> vector<256x256xf32>
    %mul3A_767 = arith.constant 0.0416666679 : f32
    %mul3A_768 = vector.broadcast %mul3A_767 : f32 to vector<256x256xf32>
    %mul3A_769 = arith.mulf %dot_general3A_766, %mul3A_768 : vector<256x256xf32>
    %add3A_770 = arith.constant 0.166666672 : f32
    %add3A_771 = vector.broadcast %add3A_770 : f32 to vector<256x256xf32>
    %add3A_772 = arith.addf %mul3A_769, %add3A_771 : vector<256x256xf32>
    %mul3A_773 = arith.mulf %add3A_772, %dot_general3A_766 : vector<256x256xf32>
    %add3A_774 = arith.constant 5.000000e-01 : f32
    %add3A_775 = vector.broadcast %add3A_774 : f32 to vector<256x256xf32>
    %add3A_776 = arith.addf %mul3A_773, %add3A_775 : vector<256x256xf32>
    %mul3A_777 = arith.mulf %add3A_776, %dot_general3A_766 : vector<256x256xf32>
    %add3A_778 = arith.constant 1.000000e+00 : f32
    %add3A_779 = vector.broadcast %add3A_778 : f32 to vector<256x256xf32>
    %add3A_780 = arith.addf %mul3A_777, %add3A_779 : vector<256x256xf32>
    %mul3A_781 = arith.mulf %add3A_780, %dot_general3A_766 : vector<256x256xf32>
    %add3A_782 = arith.constant 1.000000e+00 : f32
    %add3A_783 = vector.broadcast %add3A_782 : f32 to vector<256x256xf32>
    %add3A_784 = arith.addf %mul3A_781, %add3A_783 : vector<256x256xf32>
    %get3A_785 = arith.constant 0 : index
    %get3A_786 = arith.constant 1024 : index
    %get3A_787 = arith.constant 0 : index
    %get3A_788 = vector.load %arg3[%get3A_785, %get3A_786, %get3A_787] : memref<1x2048x128xbf16, #tpu.memory_space<vmem>>, vector<1x256x128xbf16>
    %get3A_789 = vector.shape_cast %get3A_788 : vector<1x256x128xbf16> to vector<256x128xbf16>
    %convert_element_type3A_790 = arith.truncf %add3A_784 : vector<256x256xf32> to vector<256x256xbf16>
    %dot_general3A_791 = arith.constant dense<0.000000e+00> : vector<256x128xf32>
    %dot_general3A_792 = tpu.matmul %convert_element_type3A_790, %get3A_789, %dot_general3A_791 {dimension_numbers = #tpu.dot_dimension_numbers<[1], [0], [0], [1], [0, 0, 1, 1], [], []>, transpose_lhs_hint = false} : vector<256x256xbf16>, vector<256x128xbf16>, vector<256x128xf32> -> vector<256x128xf32>
    %add3A_793 = arith.addf %add3A_759, %dot_general3A_792 : vector<256x128xf32>
    %get3A_794 = arith.constant 0 : index
    %get3A_795 = arith.constant 1280 : index
    %get3A_796 = arith.constant 0 : index
    %get3A_797 = vector.load %arg2[%get3A_794, %get3A_795, %get3A_796] : memref<1x2048x64xbf16, #tpu.memory_space<vmem>>, vector<1x256x64xbf16>
    %get3A_798 = vector.shape_cast %get3A_797 : vector<1x256x64xbf16> to vector<256x64xbf16>
    %dot_general3A_799 = arith.constant dense<0.000000e+00> : vector<256x256xf32>
    %dot_general3A_800 = tpu.matmul %get3A_621, %get3A_798, %dot_general3A_799 {dimension_numbers = #tpu.dot_dimension_numbers<[1], [1], [0], [0], [0, 0, 1, 0], [], []>, transpose_lhs_hint = false} : vector<256x64xbf16>, vector<256x64xbf16>, vector<256x256xf32> -> vector<256x256xf32>
    %mul3A_801 = arith.constant 0.0416666679 : f32
    %mul3A_802 = vector.broadcast %mul3A_801 : f32 to vector<256x256xf32>
    %mul3A_803 = arith.mulf %dot_general3A_800, %mul3A_802 : vector<256x256xf32>
    %add3A_804 = arith.constant 0.166666672 : f32
    %add3A_805 = vector.broadcast %add3A_804 : f32 to vector<256x256xf32>
    %add3A_806 = arith.addf %mul3A_803, %add3A_805 : vector<256x256xf32>
    %mul3A_807 = arith.mulf %add3A_806, %dot_general3A_800 : vector<256x256xf32>
    %add3A_808 = arith.constant 5.000000e-01 : f32
    %add3A_809 = vector.broadcast %add3A_808 : f32 to vector<256x256xf32>
    %add3A_810 = arith.addf %mul3A_807, %add3A_809 : vector<256x256xf32>
    %mul3A_811 = arith.mulf %add3A_810, %dot_general3A_800 : vector<256x256xf32>
    %add3A_812 = arith.constant 1.000000e+00 : f32
    %add3A_813 = vector.broadcast %add3A_812 : f32 to vector<256x256xf32>
    %add3A_814 = arith.addf %mul3A_811, %add3A_813 : vector<256x256xf32>
    %mul3A_815 = arith.mulf %add3A_814, %dot_general3A_800 : vector<256x256xf32>
    %add3A_816 = arith.constant 1.000000e+00 : f32
    %add3A_817 = vector.broadcast %add3A_816 : f32 to vector<256x256xf32>
    %add3A_818 = arith.addf %mul3A_815, %add3A_817 : vector<256x256xf32>
    %iota3A_819 = tpu.iota {dimensions = array<i32: 0>} : vector<256x256xi32>
    %iota3A_820 = tpu.iota {dimensions = array<i32: 1>} : vector<256x256xi32>
    %le3A_821 = arith.cmpi sle, %iota3A_820, %iota3A_819 : vector<256x256xi32>
    %jit3A_822 = arith.constant 0.000000e+00 : f32
    %broadcast_in_dim3A_823 = vector.broadcast %jit3A_822 : f32 to vector<256x256xf32>
    %select_n3A_824 = arith.select %le3A_821, %add3A_818, %broadcast_in_dim3A_823 : vector<256x256xi1>, vector<256x256xf32>
    %get3A_825 = arith.constant 0 : index
    %get3A_826 = arith.constant 1280 : index
    %get3A_827 = arith.constant 0 : index
    %get3A_828 = vector.load %arg3[%get3A_825, %get3A_826, %get3A_827] : memref<1x2048x128xbf16, #tpu.memory_space<vmem>>, vector<1x256x128xbf16>
    %get3A_829 = vector.shape_cast %get3A_828 : vector<1x256x128xbf16> to vector<256x128xbf16>
    %convert_element_type3A_830 = arith.truncf %select_n3A_824 : vector<256x256xf32> to vector<256x256xbf16>
    %dot_general3A_831 = arith.constant dense<0.000000e+00> : vector<256x128xf32>
    %dot_general3A_832 = tpu.matmul %convert_element_type3A_830, %get3A_829, %dot_general3A_831 {dimension_numbers = #tpu.dot_dimension_numbers<[1], [0], [0], [1], [0, 0, 1, 1], [], []>, transpose_lhs_hint = false} : vector<256x256xbf16>, vector<256x128xbf16>, vector<256x128xf32> -> vector<256x128xf32>
    %add3A_833 = arith.addf %add3A_793, %dot_general3A_832 : vector<256x128xf32>
    %slice3A_834 = vector.extract_strided_slice %add3A_833 {offsets = [0, 0], sizes = [256, 64], strides = [1, 1]} : vector<256x128xf32> to vector<256x64xf32>
    %slice3A_835 = vector.extract_strided_slice %add3A_833 {offsets = [0, 64], sizes = [256, 1], strides = [1, 1]} : vector<256x128xf32> to vector<256x1xf32>
    %div3A_836 = vector.broadcast %slice3A_835 : vector<256x1xf32> to vector<256x64xf32>
    %div3A_837 = arith.divf %slice3A_834, %div3A_836 : vector<256x64xf32>
    %convert_element_type3A_838 = arith.truncf %div3A_837 : vector<256x64xf32> to vector<256x64xbf16>
    %swap3A_839 = arith.constant 0 : index
    %swap3A_840 = arith.constant 1280 : index
    %swap3A_841 = arith.constant 0 : index
    %swap3A_842 = vector.load %arg4[%swap3A_839, %swap3A_840, %swap3A_841] : memref<1x2048x64xbf16, #tpu.memory_space<vmem>>, vector<1x256x64xbf16>
    %swap3A_843 = vector.shape_cast %swap3A_842 : vector<1x256x64xbf16> to vector<256x64xbf16>
    %swap3A_844 = vector.shape_cast %convert_element_type3A_838 : vector<256x64xbf16> to vector<1x256x64xbf16>
    tpu.vector_store %arg4[%swap3A_839, %swap3A_840, %swap3A_841], %swap3A_844 {strides = array<i32>} : memref<1x2048x64xbf16, #tpu.memory_space<vmem>>, vector<1x256x64xbf16>,
    %get3A_845 = arith.constant 0 : index
    %get3A_846 = arith.constant 1536 : index
    %get3A_847 = arith.constant 0 : index
    %get3A_848 = vector.load %arg1[%get3A_845, %get3A_846, %get3A_847] : memref<1x2048x64xbf16, #tpu.memory_space<vmem>>, vector<1x256x64xbf16>
    %get3A_849 = vector.shape_cast %get3A_848 : vector<1x256x64xbf16> to vector<256x64xbf16>
    %broadcast_in_dim3A_850 = arith.constant 0.000000e+00 : f32
    %broadcast_in_dim3A_851 = vector.broadcast %broadcast_in_dim3A_850 : f32 to vector<256x128xf32>
    %get3A_852 = arith.constant 0 : index
    %get3A_853 = arith.constant 0 : index
    %get3A_854 = arith.constant 0 : index
    %get3A_855 = vector.load %arg2[%get3A_852, %get3A_853, %get3A_854] : memref<1x2048x64xbf16, #tpu.memory_space<vmem>>, vector<1x256x64xbf16>
    %get3A_856 = vector.shape_cast %get3A_855 : vector<1x256x64xbf16> to vector<256x64xbf16>
    %dot_general3A_857 = arith.constant dense<0.000000e+00> : vector<256x256xf32>
    %dot_general3A_858 = tpu.matmul %get3A_849, %get3A_856, %dot_general3A_857 {dimension_numbers = #tpu.dot_dimension_numbers<[1], [1], [0], [0], [0, 0, 1, 0], [], []>, transpose_lhs_hint = false} : vector<256x64xbf16>, vector<256x64xbf16>, vector<256x256xf32> -> vector<256x256xf32>
    %mul3A_859 = arith.constant 0.0416666679 : f32
    %mul3A_860 = vector.broadcast %mul3A_859 : f32 to vector<256x256xf32>
    %mul3A_861 = arith.mulf %dot_general3A_858, %mul3A_860 : vector<256x256xf32>
    %add3A_862 = arith.constant 0.166666672 : f32
    %add3A_863 = vector.broadcast %add3A_862 : f32 to vector<256x256xf32>
    %add3A_864 = arith.addf %mul3A_861, %add3A_863 : vector<256x256xf32>
    %mul3A_865 = arith.mulf %add3A_864, %dot_general3A_858 : vector<256x256xf32>
    %add3A_866 = arith.constant 5.000000e-01 : f32
    %add3A_867 = vector.broadcast %add3A_866 : f32 to vector<256x256xf32>
    %add3A_868 = arith.addf %mul3A_865, %add3A_867 : vector<256x256xf32>
    %mul3A_869 = arith.mulf %add3A_868, %dot_general3A_858 : vector<256x256xf32>
    %add3A_870 = arith.constant 1.000000e+00 : f32
    %add3A_871 = vector.broadcast %add3A_870 : f32 to vector<256x256xf32>
    %add3A_872 = arith.addf %mul3A_869, %add3A_871 : vector<256x256xf32>
    %mul3A_873 = arith.mulf %add3A_872, %dot_general3A_858 : vector<256x256xf32>
    %add3A_874 = arith.constant 1.000000e+00 : f32
    %add3A_875 = vector.broadcast %add3A_874 : f32 to vector<256x256xf32>
    %add3A_876 = arith.addf %mul3A_873, %add3A_875 : vector<256x256xf32>
    %get3A_877 = arith.constant 0 : index
    %get3A_878 = arith.constant 0 : index
    %get3A_879 = arith.constant 0 : index
    %get3A_880 = vector.load %arg3[%get3A_877, %get3A_878, %get3A_879] : memref<1x2048x128xbf16, #tpu.memory_space<vmem>>, vector<1x256x128xbf16>
    %get3A_881 = vector.shape_cast %get3A_880 : vector<1x256x128xbf16> to vector<256x128xbf16>
    %convert_element_type3A_882 = arith.truncf %add3A_876 : vector<256x256xf32> to vector<256x256xbf16>
    %dot_general3A_883 = arith.constant dense<0.000000e+00> : vector<256x128xf32>
    %dot_general3A_884 = tpu.matmul %convert_element_type3A_882, %get3A_881, %dot_general3A_883 {dimension_numbers = #tpu.dot_dimension_numbers<[1], [0], [0], [1], [0, 0, 1, 1], [], []>, transpose_lhs_hint = false} : vector<256x256xbf16>, vector<256x128xbf16>, vector<256x128xf32> -> vector<256x128xf32>
    %add3A_885 = arith.addf %broadcast_in_dim3A_851, %dot_general3A_884 : vector<256x128xf32>
    %get3A_886 = arith.constant 0 : index
    %get3A_887 = arith.constant 256 : index
    %get3A_888 = arith.constant 0 : index
    %get3A_889 = vector.load %arg2[%get3A_886, %get3A_887, %get3A_888] : memref<1x2048x64xbf16, #tpu.memory_space<vmem>>, vector<1x256x64xbf16>
    %get3A_890 = vector.shape_cast %get3A_889 : vector<1x256x64xbf16> to vector<256x64xbf16>
    %dot_general3A_891 = arith.constant dense<0.000000e+00> : vector<256x256xf32>
    %dot_general3A_892 = tpu.matmul %get3A_849, %get3A_890, %dot_general3A_891 {dimension_numbers = #tpu.dot_dimension_numbers<[1], [1], [0], [0], [0, 0, 1, 0], [], []>, transpose_lhs_hint = false} : vector<256x64xbf16>, vector<256x64xbf16>, vector<256x256xf32> -> vector<256x256xf32>
    %mul3A_893 = arith.constant 0.0416666679 : f32
    %mul3A_894 = vector.broadcast %mul3A_893 : f32 to vector<256x256xf32>
    %mul3A_895 = arith.mulf %dot_general3A_892, %mul3A_894 : vector<256x256xf32>
    %add3A_896 = arith.constant 0.166666672 : f32
    %add3A_897 = vector.broadcast %add3A_896 : f32 to vector<256x256xf32>
    %add3A_898 = arith.addf %mul3A_895, %add3A_897 : vector<256x256xf32>
    %mul3A_899 = arith.mulf %add3A_898, %dot_general3A_892 : vector<256x256xf32>
    %add3A_900 = arith.constant 5.000000e-01 : f32
    %add3A_901 = vector.broadcast %add3A_900 : f32 to vector<256x256xf32>
    %add3A_902 = arith.addf %mul3A_899, %add3A_901 : vector<256x256xf32>
    %mul3A_903 = arith.mulf %add3A_902, %dot_general3A_892 : vector<256x256xf32>
    %add3A_904 = arith.constant 1.000000e+00 : f32
    %add3A_905 = vector.broadcast %add3A_904 : f32 to vector<256x256xf32>
    %add3A_906 = arith.addf %mul3A_903, %add3A_905 : vector<256x256xf32>
    %mul3A_907 = arith.mulf %add3A_906, %dot_general3A_892 : vector<256x256xf32>
    %add3A_908 = arith.constant 1.000000e+00 : f32
    %add3A_909 = vector.broadcast %add3A_908 : f32 to vector<256x256xf32>
    %add3A_910 = arith.addf %mul3A_907, %add3A_909 : vector<256x256xf32>
    %get3A_911 = arith.constant 0 : index
    %get3A_912 = arith.constant 256 : index
    %get3A_913 = arith.constant 0 : index
    %get3A_914 = vector.load %arg3[%get3A_911, %get3A_912, %get3A_913] : memref<1x2048x128xbf16, #tpu.memory_space<vmem>>, vector<1x256x128xbf16>
    %get3A_915 = vector.shape_cast %get3A_914 : vector<1x256x128xbf16> to vector<256x128xbf16>
    %convert_element_type3A_916 = arith.truncf %add3A_910 : vector<256x256xf32> to vector<256x256xbf16>
    %dot_general3A_917 = arith.constant dense<0.000000e+00> : vector<256x128xf32>
    %dot_general3A_918 = tpu.matmul %convert_element_type3A_916, %get3A_915, %dot_general3A_917 {dimension_numbers = #tpu.dot_dimension_numbers<[1], [0], [0], [1], [0, 0, 1, 1], [], []>, transpose_lhs_hint = false} : vector<256x256xbf16>, vector<256x128xbf16>, vector<256x128xf32> -> vector<256x128xf32>
    %add3A_919 = arith.addf %add3A_885, %dot_general3A_918 : vector<256x128xf32>
    %get3A_920 = arith.constant 0 : index
    %get3A_921 = arith.constant 512 : index
    %get3A_922 = arith.constant 0 : index
    %get3A_923 = vector.load %arg2[%get3A_920, %get3A_921, %get3A_922] : memref<1x2048x64xbf16, #tpu.memory_space<vmem>>, vector<1x256x64xbf16>
    %get3A_924 = vector.shape_cast %get3A_923 : vector<1x256x64xbf16> to vector<256x64xbf16>
    %dot_general3A_925 = arith.constant dense<0.000000e+00> : vector<256x256xf32>
    %dot_general3A_926 = tpu.matmul %get3A_849, %get3A_924, %dot_general3A_925 {dimension_numbers = #tpu.dot_dimension_numbers<[1], [1], [0], [0], [0, 0, 1, 0], [], []>, transpose_lhs_hint = false} : vector<256x64xbf16>, vector<256x64xbf16>, vector<256x256xf32> -> vector<256x256xf32>
    %mul3A_927 = arith.constant 0.0416666679 : f32
    %mul3A_928 = vector.broadcast %mul3A_927 : f32 to vector<256x256xf32>
    %mul3A_929 = arith.mulf %dot_general3A_926, %mul3A_928 : vector<256x256xf32>
    %add3A_930 = arith.constant 0.166666672 : f32
    %add3A_931 = vector.broadcast %add3A_930 : f32 to vector<256x256xf32>
    %add3A_932 = arith.addf %mul3A_929, %add3A_931 : vector<256x256xf32>
    %mul3A_933 = arith.mulf %add3A_932, %dot_general3A_926 : vector<256x256xf32>
    %add3A_934 = arith.constant 5.000000e-01 : f32
    %add3A_935 = vector.broadcast %add3A_934 : f32 to vector<256x256xf32>
    %add3A_936 = arith.addf %mul3A_933, %add3A_935 : vector<256x256xf32>
    %mul3A_937 = arith.mulf %add3A_936, %dot_general3A_926 : vector<256x256xf32>
    %add3A_938 = arith.constant 1.000000e+00 : f32
    %add3A_939 = vector.broadcast %add3A_938 : f32 to vector<256x256xf32>
    %add3A_940 = arith.addf %mul3A_937, %add3A_939 : vector<256x256xf32>
    %mul3A_941 = arith.mulf %add3A_940, %dot_general3A_926 : vector<256x256xf32>
    %add3A_942 = arith.constant 1.000000e+00 : f32
    %add3A_943 = vector.broadcast %add3A_942 : f32 to vector<256x256xf32>
    %add3A_944 = arith.addf %mul3A_941, %add3A_943 : vector<256x256xf32>
    %get3A_945 = arith.constant 0 : index
    %get3A_946 = arith.constant 512 : index
    %get3A_947 = arith.constant 0 : index
    %get3A_948 = vector.load %arg3[%get3A_945, %get3A_946, %get3A_947] : memref<1x2048x128xbf16, #tpu.memory_space<vmem>>, vector<1x256x128xbf16>
    %get3A_949 = vector.shape_cast %get3A_948 : vector<1x256x128xbf16> to vector<256x128xbf16>
    %convert_element_type3A_950 = arith.truncf %add3A_944 : vector<256x256xf32> to vector<256x256xbf16>
    %dot_general3A_951 = arith.constant dense<0.000000e+00> : vector<256x128xf32>
    %dot_general3A_952 = tpu.matmul %convert_element_type3A_950, %get3A_949, %dot_general3A_951 {dimension_numbers = #tpu.dot_dimension_numbers<[1], [0], [0], [1], [0, 0, 1, 1], [], []>, transpose_lhs_hint = false} : vector<256x256xbf16>, vector<256x128xbf16>, vector<256x128xf32> -> vector<256x128xf32>
    %add3A_953 = arith.addf %add3A_919, %dot_general3A_952 : vector<256x128xf32>
    %get3A_954 = arith.constant 0 : index
    %get3A_955 = arith.constant 768 : index
    %get3A_956 = arith.constant 0 : index
    %get3A_957 = vector.load %arg2[%get3A_954, %get3A_955, %get3A_956] : memref<1x2048x64xbf16, #tpu.memory_space<vmem>>, vector<1x256x64xbf16>
    %get3A_958 = vector.shape_cast %get3A_957 : vector<1x256x64xbf16> to vector<256x64xbf16>
    %dot_general3A_959 = arith.constant dense<0.000000e+00> : vector<256x256xf32>
    %dot_general3A_960 = tpu.matmul %get3A_849, %get3A_958, %dot_general3A_959 {dimension_numbers = #tpu.dot_dimension_numbers<[1], [1], [0], [0], [0, 0, 1, 0], [], []>, transpose_lhs_hint = false} : vector<256x64xbf16>, vector<256x64xbf16>, vector<256x256xf32> -> vector<256x256xf32>
    %mul3A_961 = arith.constant 0.0416666679 : f32
    %mul3A_962 = vector.broadcast %mul3A_961 : f32 to vector<256x256xf32>
    %mul3A_963 = arith.mulf %dot_general3A_960, %mul3A_962 : vector<256x256xf32>
    %add3A_964 = arith.constant 0.166666672 : f32
    %add3A_965 = vector.broadcast %add3A_964 : f32 to vector<256x256xf32>
    %add3A_966 = arith.addf %mul3A_963, %add3A_965 : vector<256x256xf32>
    %mul3A_967 = arith.mulf %add3A_966, %dot_general3A_960 : vector<256x256xf32>
    %add3A_968 = arith.constant 5.000000e-01 : f32
    %add3A_969 = vector.broadcast %add3A_968 : f32 to vector<256x256xf32>
    %add3A_970 = arith.addf %mul3A_967, %add3A_969 : vector<256x256xf32>
    %mul3A_971 = arith.mulf %add3A_970, %dot_general3A_960 : vector<256x256xf32>
    %add3A_972 = arith.constant 1.000000e+00 : f32
    %add3A_973 = vector.broadcast %add3A_972 : f32 to vector<256x256xf32>
    %add3A_974 = arith.addf %mul3A_971, %add3A_973 : vector<256x256xf32>
    %mul3A_975 = arith.mulf %add3A_974, %dot_general3A_960 : vector<256x256xf32>
    %add3A_976 = arith.constant 1.000000e+00 : f32
    %add3A_977 = vector.broadcast %add3A_976 : f32 to vector<256x256xf32>
    %add3A_978 = arith.addf %mul3A_975, %add3A_977 : vector<256x256xf32>
    %get3A_979 = arith.constant 0 : index
    %get3A_980 = arith.constant 768 : index
    %get3A_981 = arith.constant 0 : index
    %get3A_982 = vector.load %arg3[%get3A_979, %get3A_980, %get3A_981] : memref<1x2048x128xbf16, #tpu.memory_space<vmem>>, vector<1x256x128xbf16>
    %get3A_983 = vector.shape_cast %get3A_982 : vector<1x256x128xbf16> to vector<256x128xbf16>
    %convert_element_type3A_984 = arith.truncf %add3A_978 : vector<256x256xf32> to vector<256x256xbf16>
    %dot_general3A_985 = arith.constant dense<0.000000e+00> : vector<256x128xf32>
    %dot_general3A_986 = tpu.matmul %convert_element_type3A_984, %get3A_983, %dot_general3A_985 {dimension_numbers = #tpu.dot_dimension_numbers<[1], [0], [0], [1], [0, 0, 1, 1], [], []>, transpose_lhs_hint = false} : vector<256x256xbf16>, vector<256x128xbf16>, vector<256x128xf32> -> vector<256x128xf32>
    %add3A_987 = arith.addf %add3A_953, %dot_general3A_986 : vector<256x128xf32>
    %get3A_988 = arith.constant 0 : index
    %get3A_989 = arith.constant 1024 : index
    %get3A_990 = arith.constant 0 : index
    %get3A_991 = vector.load %arg2[%get3A_988, %get3A_989, %get3A_990] : memref<1x2048x64xbf16, #tpu.memory_space<vmem>>, vector<1x256x64xbf16>
    %get3A_992 = vector.shape_cast %get3A_991 : vector<1x256x64xbf16> to vector<256x64xbf16>
    %dot_general3A_993 = arith.constant dense<0.000000e+00> : vector<256x256xf32>
    %dot_general3A_994 = tpu.matmul %get3A_849, %get3A_992, %dot_general3A_993 {dimension_numbers = #tpu.dot_dimension_numbers<[1], [1], [0], [0], [0, 0, 1, 0], [], []>, transpose_lhs_hint = false} : vector<256x64xbf16>, vector<256x64xbf16>, vector<256x256xf32> -> vector<256x256xf32>
    %mul3A_995 = arith.constant 0.0416666679 : f32
    %mul3A_996 = vector.broadcast %mul3A_995 : f32 to vector<256x256xf32>
    %mul3A_997 = arith.mulf %dot_general3A_994, %mul3A_996 : vector<256x256xf32>
    %add3A_998 = arith.constant 0.166666672 : f32
    %add3A_999 = vector.broadcast %add3A_998 : f32 to vector<256x256xf32>
    %add3A_1000 = arith.addf %mul3A_997, %add3A_999 : vector<256x256xf32>
    %mul3A_1001 = arith.mulf %add3A_1000, %dot_general3A_994 : vector<256x256xf32>
    %add3A_1002 = arith.constant 5.000000e-01 : f32
    %add3A_1003 = vector.broadcast %add3A_1002 : f32 to vector<256x256xf32>
    %add3A_1004 = arith.addf %mul3A_1001, %add3A_1003 : vector<256x256xf32>
    %mul3A_1005 = arith.mulf %add3A_1004, %dot_general3A_994 : vector<256x256xf32>
    %add3A_1006 = arith.constant 1.000000e+00 : f32
    %add3A_1007 = vector.broadcast %add3A_1006 : f32 to vector<256x256xf32>
    %add3A_1008 = arith.addf %mul3A_1005, %add3A_1007 : vector<256x256xf32>
    %mul3A_1009 = arith.mulf %add3A_1008, %dot_general3A_994 : vector<256x256xf32>
    %add3A_1010 = arith.constant 1.000000e+00 : f32
    %add3A_1011 = vector.broadcast %add3A_1010 : f32 to vector<256x256xf32>
    %add3A_1012 = arith.addf %mul3A_1009, %add3A_1011 : vector<256x256xf32>
    %get3A_1013 = arith.constant 0 : index
    %get3A_1014 = arith.constant 1024 : index
    %get3A_1015 = arith.constant 0 : index
    %get3A_1016 = vector.load %arg3[%get3A_1013, %get3A_1014, %get3A_1015] : memref<1x2048x128xbf16, #tpu.memory_space<vmem>>, vector<1x256x128xbf16>
    %get3A_1017 = vector.shape_cast %get3A_1016 : vector<1x256x128xbf16> to vector<256x128xbf16>
    %convert_element_type3A_1018 = arith.truncf %add3A_1012 : vector<256x256xf32> to vector<256x256xbf16>
    %dot_general3A_1019 = arith.constant dense<0.000000e+00> : vector<256x128xf32>
    %dot_general3A_1020 = tpu.matmul %convert_element_type3A_1018, %get3A_1017, %dot_general3A_1019 {dimension_numbers = #tpu.dot_dimension_numbers<[1], [0], [0], [1], [0, 0, 1, 1], [], []>, transpose_lhs_hint = false} : vector<256x256xbf16>, vector<256x128xbf16>, vector<256x128xf32> -> vector<256x128xf32>
    %add3A_1021 = arith.addf %add3A_987, %dot_general3A_1020 : vector<256x128xf32>
    %get3A_1022 = arith.constant 0 : index
    %get3A_1023 = arith.constant 1280 : index
    %get3A_1024 = arith.constant 0 : index
    %get3A_1025 = vector.load %arg2[%get3A_1022, %get3A_1023, %get3A_1024] : memref<1x2048x64xbf16, #tpu.memory_space<vmem>>, vector<1x256x64xbf16>
    %get3A_1026 = vector.shape_cast %get3A_1025 : vector<1x256x64xbf16> to vector<256x64xbf16>
    %dot_general3A_1027 = arith.constant dense<0.000000e+00> : vector<256x256xf32>
    %dot_general3A_1028 = tpu.matmul %get3A_849, %get3A_1026, %dot_general3A_1027 {dimension_numbers = #tpu.dot_dimension_numbers<[1], [1], [0], [0], [0, 0, 1, 0], [], []>, transpose_lhs_hint = false} : vector<256x64xbf16>, vector<256x64xbf16>, vector<256x256xf32> -> vector<256x256xf32>
    %mul3A_1029 = arith.constant 0.0416666679 : f32
    %mul3A_1030 = vector.broadcast %mul3A_1029 : f32 to vector<256x256xf32>
    %mul3A_1031 = arith.mulf %dot_general3A_1028, %mul3A_1030 : vector<256x256xf32>
    %add3A_1032 = arith.constant 0.166666672 : f32
    %add3A_1033 = vector.broadcast %add3A_1032 : f32 to vector<256x256xf32>
    %add3A_1034 = arith.addf %mul3A_1031, %add3A_1033 : vector<256x256xf32>
    %mul3A_1035 = arith.mulf %add3A_1034, %dot_general3A_1028 : vector<256x256xf32>
    %add3A_1036 = arith.constant 5.000000e-01 : f32
    %add3A_1037 = vector.broadcast %add3A_1036 : f32 to vector<256x256xf32>
    %add3A_1038 = arith.addf %mul3A_1035, %add3A_1037 : vector<256x256xf32>
    %mul3A_1039 = arith.mulf %add3A_1038, %dot_general3A_1028 : vector<256x256xf32>
    %add3A_1040 = arith.constant 1.000000e+00 : f32
    %add3A_1041 = vector.broadcast %add3A_1040 : f32 to vector<256x256xf32>
    %add3A_1042 = arith.addf %mul3A_1039, %add3A_1041 : vector<256x256xf32>
    %mul3A_1043 = arith.mulf %add3A_1042, %dot_general3A_1028 : vector<256x256xf32>
    %add3A_1044 = arith.constant 1.000000e+00 : f32
    %add3A_1045 = vector.broadcast %add3A_1044 : f32 to vector<256x256xf32>
    %add3A_1046 = arith.addf %mul3A_1043, %add3A_1045 : vector<256x256xf32>
    %get3A_1047 = arith.constant 0 : index
    %get3A_1048 = arith.constant 1280 : index
    %get3A_1049 = arith.constant 0 : index
    %get3A_1050 = vector.load %arg3[%get3A_1047, %get3A_1048, %get3A_1049] : memref<1x2048x128xbf16, #tpu.memory_space<vmem>>, vector<1x256x128xbf16>
    %get3A_1051 = vector.shape_cast %get3A_1050 : vector<1x256x128xbf16> to vector<256x128xbf16>
    %convert_element_type3A_1052 = arith.truncf %add3A_1046 : vector<256x256xf32> to vector<256x256xbf16>
    %dot_general3A_1053 = arith.constant dense<0.000000e+00> : vector<256x128xf32>
    %dot_general3A_1054 = tpu.matmul %convert_element_type3A_1052, %get3A_1051, %dot_general3A_1053 {dimension_numbers = #tpu.dot_dimension_numbers<[1], [0], [0], [1], [0, 0, 1, 1], [], []>, transpose_lhs_hint = false} : vector<256x256xbf16>, vector<256x128xbf16>, vector<256x128xf32> -> vector<256x128xf32>
    %add3A_1055 = arith.addf %add3A_1021, %dot_general3A_1054 : vector<256x128xf32>
    %get3A_1056 = arith.constant 0 : index
    %get3A_1057 = arith.constant 1536 : index
    %get3A_1058 = arith.constant 0 : index
    %get3A_1059 = vector.load %arg2[%get3A_1056, %get3A_1057, %get3A_1058] : memref<1x2048x64xbf16, #tpu.memory_space<vmem>>, vector<1x256x64xbf16>
    %get3A_1060 = vector.shape_cast %get3A_1059 : vector<1x256x64xbf16> to vector<256x64xbf16>
    %dot_general3A_1061 = arith.constant dense<0.000000e+00> : vector<256x256xf32>
    %dot_general3A_1062 = tpu.matmul %get3A_849, %get3A_1060, %dot_general3A_1061 {dimension_numbers = #tpu.dot_dimension_numbers<[1], [1], [0], [0], [0, 0, 1, 0], [], []>, transpose_lhs_hint = false} : vector<256x64xbf16>, vector<256x64xbf16>, vector<256x256xf32> -> vector<256x256xf32>
    %mul3A_1063 = arith.constant 0.0416666679 : f32
    %mul3A_1064 = vector.broadcast %mul3A_1063 : f32 to vector<256x256xf32>
    %mul3A_1065 = arith.mulf %dot_general3A_1062, %mul3A_1064 : vector<256x256xf32>
    %add3A_1066 = arith.constant 0.166666672 : f32
    %add3A_1067 = vector.broadcast %add3A_1066 : f32 to vector<256x256xf32>
    %add3A_1068 = arith.addf %mul3A_1065, %add3A_1067 : vector<256x256xf32>
    %mul3A_1069 = arith.mulf %add3A_1068, %dot_general3A_1062 : vector<256x256xf32>
    %add3A_1070 = arith.constant 5.000000e-01 : f32
    %add3A_1071 = vector.broadcast %add3A_1070 : f32 to vector<256x256xf32>
    %add3A_1072 = arith.addf %mul3A_1069, %add3A_1071 : vector<256x256xf32>
    %mul3A_1073 = arith.mulf %add3A_1072, %dot_general3A_1062 : vector<256x256xf32>
    %add3A_1074 = arith.constant 1.000000e+00 : f32
    %add3A_1075 = vector.broadcast %add3A_1074 : f32 to vector<256x256xf32>
    %add3A_1076 = arith.addf %mul3A_1073, %add3A_1075 : vector<256x256xf32>
    %mul3A_1077 = arith.mulf %add3A_1076, %dot_general3A_1062 : vector<256x256xf32>
    %add3A_1078 = arith.constant 1.000000e+00 : f32
    %add3A_1079 = vector.broadcast %add3A_1078 : f32 to vector<256x256xf32>
    %add3A_1080 = arith.addf %mul3A_1077, %add3A_1079 : vector<256x256xf32>
    %iota3A_1081 = tpu.iota {dimensions = array<i32: 0>} : vector<256x256xi32>
    %iota3A_1082 = tpu.iota {dimensions = array<i32: 1>} : vector<256x256xi32>
    %le3A_1083 = arith.cmpi sle, %iota3A_1082, %iota3A_1081 : vector<256x256xi32>
    %jit3A_1084 = arith.constant 0.000000e+00 : f32
    %broadcast_in_dim3A_1085 = vector.broadcast %jit3A_1084 : f32 to vector<256x256xf32>
    %select_n3A_1086 = arith.select %le3A_1083, %add3A_1080, %broadcast_in_dim3A_1085 : vector<256x256xi1>, vector<256x256xf32>
    %get3A_1087 = arith.constant 0 : index
    %get3A_1088 = arith.constant 1536 : index
    %get3A_1089 = arith.constant 0 : index
    %get3A_1090 = vector.load %arg3[%get3A_1087, %get3A_1088, %get3A_1089] : memref<1x2048x128xbf16, #tpu.memory_space<vmem>>, vector<1x256x128xbf16>
    %get3A_1091 = vector.shape_cast %get3A_1090 : vector<1x256x128xbf16> to vector<256x128xbf16>
    %convert_element_type3A_1092 = arith.truncf %select_n3A_1086 : vector<256x256xf32> to vector<256x256xbf16>
    %dot_general3A_1093 = arith.constant dense<0.000000e+00> : vector<256x128xf32>
    %dot_general3A_1094 = tpu.matmul %convert_element_type3A_1092, %get3A_1091, %dot_general3A_1093 {dimension_numbers = #tpu.dot_dimension_numbers<[1], [0], [0], [1], [0, 0, 1, 1], [], []>, transpose_lhs_hint = false} : vector<256x256xbf16>, vector<256x128xbf16>, vector<256x128xf32> -> vector<256x128xf32>
    %add3A_1095 = arith.addf %add3A_1055, %dot_general3A_1094 : vector<256x128xf32>
    %slice3A_1096 = vector.extract_strided_slice %add3A_1095 {offsets = [0, 0], sizes = [256, 64], strides = [1, 1]} : vector<256x128xf32> to vector<256x64xf32>
    %slice3A_1097 = vector.extract_strided_slice %add3A_1095 {offsets = [0, 64], sizes = [256, 1], strides = [1, 1]} : vector<256x128xf32> to vector<256x1xf32>
    %div3A_1098 = vector.broadcast %slice3A_1097 : vector<256x1xf32> to vector<256x64xf32>
    %div3A_1099 = arith.divf %slice3A_1096, %div3A_1098 : vector<256x64xf32>
    %convert_element_type3A_1100 = arith.truncf %div3A_1099 : vector<256x64xf32> to vector<256x64xbf16>
    %swap3A_1101 = arith.constant 0 : index
    %swap3A_1102 = arith.constant 1536 : index
    %swap3A_1103 = arith.constant 0 : index
    %swap3A_1104 = vector.load %arg4[%swap3A_1101, %swap3A_1102, %swap3A_1103] : memref<1x2048x64xbf16, #tpu.memory_space<vmem>>, vector<1x256x64xbf16>
    %swap3A_1105 = vector.shape_cast %swap3A_1104 : vector<1x256x64xbf16> to vector<256x64xbf16>
    %swap3A_1106 = vector.shape_cast %convert_element_type3A_1100 : vector<256x64xbf16> to vector<1x256x64xbf16>
    tpu.vector_store %arg4[%swap3A_1101, %swap3A_1102, %swap3A_1103], %swap3A_1106 {strides = array<i32>} : memref<1x2048x64xbf16, #tpu.memory_space<vmem>>, vector<1x256x64xbf16>,
    %get3A_1107 = arith.constant 0 : index
    %get3A_1108 = arith.constant 1792 : index
    %get3A_1109 = arith.constant 0 : index
    %get3A_1110 = vector.load %arg1[%get3A_1107, %get3A_1108, %get3A_1109] : memref<1x2048x64xbf16, #tpu.memory_space<vmem>>, vector<1x256x64xbf16>
    %get3A_1111 = vector.shape_cast %get3A_1110 : vector<1x256x64xbf16> to vector<256x64xbf16>
    %broadcast_in_dim3A_1112 = arith.constant 0.000000e+00 : f32
    %broadcast_in_dim3A_1113 = vector.broadcast %broadcast_in_dim3A_1112 : f32 to vector<256x128xf32>
    %get3A_1114 = arith.constant 0 : index
    %get3A_1115 = arith.constant 0 : index
    %get3A_1116 = arith.constant 0 : index
    %get3A_1117 = vector.load %arg2[%get3A_1114, %get3A_1115, %get3A_1116] : memref<1x2048x64xbf16, #tpu.memory_space<vmem>>, vector<1x256x64xbf16>
    %get3A_1118 = vector.shape_cast %get3A_1117 : vector<1x256x64xbf16> to vector<256x64xbf16>
    %dot_general3A_1119 = arith.constant dense<0.000000e+00> : vector<256x256xf32>
    %dot_general3A_1120 = tpu.matmul %get3A_1111, %get3A_1118, %dot_general3A_1119 {dimension_numbers = #tpu.dot_dimension_numbers<[1], [1], [0], [0], [0, 0, 1, 0], [], []>, transpose_lhs_hint = false} : vector<256x64xbf16>, vector<256x64xbf16>, vector<256x256xf32> -> vector<256x256xf32>
    %mul3A_1121 = arith.constant 0.0416666679 : f32
    %mul3A_1122 = vector.broadcast %mul3A_1121 : f32 to vector<256x256xf32>
    %mul3A_1123 = arith.mulf %dot_general3A_1120, %mul3A_1122 : vector<256x256xf32>
    %add3A_1124 = arith.constant 0.166666672 : f32
    %add3A_1125 = vector.broadcast %add3A_1124 : f32 to vector<256x256xf32>
    %add3A_1126 = arith.addf %mul3A_1123, %add3A_1125 : vector<256x256xf32>
    %mul3A_1127 = arith.mulf %add3A_1126, %dot_general3A_1120 : vector<256x256xf32>
    %add3A_1128 = arith.constant 5.000000e-01 : f32
    %add3A_1129 = vector.broadcast %add3A_1128 : f32 to vector<256x256xf32>
    %add3A_1130 = arith.addf %mul3A_1127, %add3A_1129 : vector<256x256xf32>
    %mul3A_1131 = arith.mulf %add3A_1130, %dot_general3A_1120 : vector<256x256xf32>
    %add3A_1132 = arith.constant 1.000000e+00 : f32
    %add3A_1133 = vector.broadcast %add3A_1132 : f32 to vector<256x256xf32>
    %add3A_1134 = arith.addf %mul3A_1131, %add3A_1133 : vector<256x256xf32>
    %mul3A_1135 = arith.mulf %add3A_1134, %dot_general3A_1120 : vector<256x256xf32>
    %add3A_1136 = arith.constant 1.000000e+00 : f32
    %add3A_1137 = vector.broadcast %add3A_1136 : f32 to vector<256x256xf32>
    %add3A_1138 = arith.addf %mul3A_1135, %add3A_1137 : vector<256x256xf32>
    %get3A_1139 = arith.constant 0 : index
    %get3A_1140 = arith.constant 0 : index
    %get3A_1141 = arith.constant 0 : index
    %get3A_1142 = vector.load %arg3[%get3A_1139, %get3A_1140, %get3A_1141] : memref<1x2048x128xbf16, #tpu.memory_space<vmem>>, vector<1x256x128xbf16>
    %get3A_1143 = vector.shape_cast %get3A_1142 : vector<1x256x128xbf16> to vector<256x128xbf16>
    %convert_element_type3A_1144 = arith.truncf %add3A_1138 : vector<256x256xf32> to vector<256x256xbf16>
    %dot_general3A_1145 = arith.constant dense<0.000000e+00> : vector<256x128xf32>
    %dot_general3A_1146 = tpu.matmul %convert_element_type3A_1144, %get3A_1143, %dot_general3A_1145 {dimension_numbers = #tpu.dot_dimension_numbers<[1], [0], [0], [1], [0, 0, 1, 1], [], []>, transpose_lhs_hint = false} : vector<256x256xbf16>, vector<256x128xbf16>, vector<256x128xf32> -> vector<256x128xf32>
    %add3A_1147 = arith.addf %broadcast_in_dim3A_1113, %dot_general3A_1146 : vector<256x128xf32>
    %get3A_1148 = arith.constant 0 : index
    %get3A_1149 = arith.constant 256 : index
    %get3A_1150 = arith.constant 0 : index
    %get3A_1151 = vector.load %arg2[%get3A_1148, %get3A_1149, %get3A_1150] : memref<1x2048x64xbf16, #tpu.memory_space<vmem>>, vector<1x256x64xbf16>
    %get3A_1152 = vector.shape_cast %get3A_1151 : vector<1x256x64xbf16> to vector<256x64xbf16>
    %dot_general3A_1153 = arith.constant dense<0.000000e+00> : vector<256x256xf32>
    %dot_general3A_1154 = tpu.matmul %get3A_1111, %get3A_1152, %dot_general3A_1153 {dimension_numbers = #tpu.dot_dimension_numbers<[1], [1], [0], [0], [0, 0, 1, 0], [], []>, transpose_lhs_hint = false} : vector<256x64xbf16>, vector<256x64xbf16>, vector<256x256xf32> -> vector<256x256xf32>
    %mul3A_1155 = arith.constant 0.0416666679 : f32
    %mul3A_1156 = vector.broadcast %mul3A_1155 : f32 to vector<256x256xf32>
    %mul3A_1157 = arith.mulf %dot_general3A_1154, %mul3A_1156 : vector<256x256xf32>
    %add3A_1158 = arith.constant 0.166666672 : f32
    %add3A_1159 = vector.broadcast %add3A_1158 : f32 to vector<256x256xf32>
    %add3A_1160 = arith.addf %mul3A_1157, %add3A_1159 : vector<256x256xf32>
    %mul3A_1161 = arith.mulf %add3A_1160, %dot_general3A_1154 : vector<256x256xf32>
    %add3A_1162 = arith.constant 5.000000e-01 : f32
    %add3A_1163 = vector.broadcast %add3A_1162 : f32 to vector<256x256xf32>
    %add3A_1164 = arith.addf %mul3A_1161, %add3A_1163 : vector<256x256xf32>
    %mul3A_1165 = arith.mulf %add3A_1164, %dot_general3A_1154 : vector<256x256xf32>
    %add3A_1166 = arith.constant 1.000000e+00 : f32
    %add3A_1167 = vector.broadcast %add3A_1166 : f32 to vector<256x256xf32>
    %add3A_1168 = arith.addf %mul3A_1165, %add3A_1167 : vector<256x256xf32>
    %mul3A_1169 = arith.mulf %add3A_1168, %dot_general3A_1154 : vector<256x256xf32>
    %add3A_1170 = arith.constant 1.000000e+00 : f32
    %add3A_1171 = vector.broadcast %add3A_1170 : f32 to vector<256x256xf32>
    %add3A_1172 = arith.addf %mul3A_1169, %add3A_1171 : vector<256x256xf32>
    %get3A_1173 = arith.constant 0 : index
    %get3A_1174 = arith.constant 256 : index
    %get3A_1175 = arith.constant 0 : index
    %get3A_1176 = vector.load %arg3[%get3A_1173, %get3A_1174, %get3A_1175] : memref<1x2048x128xbf16, #tpu.memory_space<vmem>>, vector<1x256x128xbf16>
    %get3A_1177 = vector.shape_cast %get3A_1176 : vector<1x256x128xbf16> to vector<256x128xbf16>
    %convert_element_type3A_1178 = arith.truncf %add3A_1172 : vector<256x256xf32> to vector<256x256xbf16>
    %dot_general3A_1179 = arith.constant dense<0.000000e+00> : vector<256x128xf32>
    %dot_general3A_1180 = tpu.matmul %convert_element_type3A_1178, %get3A_1177, %dot_general3A_1179 {dimension_numbers = #tpu.dot_dimension_numbers<[1], [0], [0], [1], [0, 0, 1, 1], [], []>, transpose_lhs_hint = false} : vector<256x256xbf16>, vector<256x128xbf16>, vector<256x128xf32> -> vector<256x128xf32>
    %add3A_1181 = arith.addf %add3A_1147, %dot_general3A_1180 : vector<256x128xf32>
    %get3A_1182 = arith.constant 0 : index
    %get3A_1183 = arith.constant 512 : index
    %get3A_1184 = arith.constant 0 : index
    %get3A_1185 = vector.load %arg2[%get3A_1182, %get3A_1183, %get3A_1184] : memref<1x2048x64xbf16, #tpu.memory_space<vmem>>, vector<1x256x64xbf16>
    %get3A_1186 = vector.shape_cast %get3A_1185 : vector<1x256x64xbf16> to vector<256x64xbf16>
    %dot_general3A_1187 = arith.constant dense<0.000000e+00> : vector<256x256xf32>
    %dot_general3A_1188 = tpu.matmul %get3A_1111, %get3A_1186, %dot_general3A_1187 {dimension_numbers = #tpu.dot_dimension_numbers<[1], [1], [0], [0], [0, 0, 1, 0], [], []>, transpose_lhs_hint = false} : vector<256x64xbf16>, vector<256x64xbf16>, vector<256x256xf32> -> vector<256x256xf32>
    %mul3A_1189 = arith.constant 0.0416666679 : f32
    %mul3A_1190 = vector.broadcast %mul3A_1189 : f32 to vector<256x256xf32>
    %mul3A_1191 = arith.mulf %dot_general3A_1188, %mul3A_1190 : vector<256x256xf32>
    %add3A_1192 = arith.constant 0.166666672 : f32
    %add3A_1193 = vector.broadcast %add3A_1192 : f32 to vector<256x256xf32>
    %add3A_1194 = arith.addf %mul3A_1191, %add3A_1193 : vector<256x256xf32>
    %mul3A_1195 = arith.mulf %add3A_1194, %dot_general3A_1188 : vector<256x256xf32>
    %add3A_1196 = arith.constant 5.000000e-01 : f32
    %add3A_1197 = vector.broadcast %add3A_1196 : f32 to vector<256x256xf32>
    %add3A_1198 = arith.addf %mul3A_1195, %add3A_1197 : vector<256x256xf32>
    %mul3A_1199 = arith.mulf %add3A_1198, %dot_general3A_1188 : vector<256x256xf32>
    %add3A_1200 = arith.constant 1.000000e+00 : f32
    %add3A_1201 = vector.broadcast %add3A_1200 : f32 to vector<256x256xf32>
    %add3A_1202 = arith.addf %mul3A_1199, %add3A_1201 : vector<256x256xf32>
    %mul3A_1203 = arith.mulf %add3A_1202, %dot_general3A_1188 : vector<256x256xf32>
    %add3A_1204 = arith.constant 1.000000e+00 : f32
    %add3A_1205 = vector.broadcast %add3A_1204 : f32 to vector<256x256xf32>
    %add3A_1206 = arith.addf %mul3A_1203, %add3A_1205 : vector<256x256xf32>
    %get3A_1207 = arith.constant 0 : index
    %get3A_1208 = arith.constant 512 : index
    %get3A_1209 = arith.constant 0 : index
    %get3A_1210 = vector.load %arg3[%get3A_1207, %get3A_1208, %get3A_1209] : memref<1x2048x128xbf16, #tpu.memory_space<vmem>>, vector<1x256x128xbf16>
    %get3A_1211 = vector.shape_cast %get3A_1210 : vector<1x256x128xbf16> to vector<256x128xbf16>
    %convert_element_type3A_1212 = arith.truncf %add3A_1206 : vector<256x256xf32> to vector<256x256xbf16>
    %dot_general3A_1213 = arith.constant dense<0.000000e+00> : vector<256x128xf32>
    %dot_general3A_1214 = tpu.matmul %convert_element_type3A_1212, %get3A_1211, %dot_general3A_1213 {dimension_numbers = #tpu.dot_dimension_numbers<[1], [0], [0], [1], [0, 0, 1, 1], [], []>, transpose_lhs_hint = false} : vector<256x256xbf16>, vector<256x128xbf16>, vector<256x128xf32> -> vector<256x128xf32>
    %add3A_1215 = arith.addf %add3A_1181, %dot_general3A_1214 : vector<256x128xf32>
    %get3A_1216 = arith.constant 0 : index
    %get3A_1217 = arith.constant 768 : index
    %get3A_1218 = arith.constant 0 : index
    %get3A_1219 = vector.load %arg2[%get3A_1216, %get3A_1217, %get3A_1218] : memref<1x2048x64xbf16, #tpu.memory_space<vmem>>, vector<1x256x64xbf16>
    %get3A_1220 = vector.shape_cast %get3A_1219 : vector<1x256x64xbf16> to vector<256x64xbf16>
    %dot_general3A_1221 = arith.constant dense<0.000000e+00> : vector<256x256xf32>
    %dot_general3A_1222 = tpu.matmul %get3A_1111, %get3A_1220, %dot_general3A_1221 {dimension_numbers = #tpu.dot_dimension_numbers<[1], [1], [0], [0], [0, 0, 1, 0], [], []>, transpose_lhs_hint = false} : vector<256x64xbf16>, vector<256x64xbf16>, vector<256x256xf32> -> vector<256x256xf32>
    %mul3A_1223 = arith.constant 0.0416666679 : f32
    %mul3A_1224 = vector.broadcast %mul3A_1223 : f32 to vector<256x256xf32>
    %mul3A_1225 = arith.mulf %dot_general3A_1222, %mul3A_1224 : vector<256x256xf32>
    %add3A_1226 = arith.constant 0.166666672 : f32
    %add3A_1227 = vector.broadcast %add3A_1226 : f32 to vector<256x256xf32>
    %add3A_1228 = arith.addf %mul3A_1225, %add3A_1227 : vector<256x256xf32>
    %mul3A_1229 = arith.mulf %add3A_1228, %dot_general3A_1222 : vector<256x256xf32>
    %add3A_1230 = arith.constant 5.000000e-01 : f32
    %add3A_1231 = vector.broadcast %add3A_1230 : f32 to vector<256x256xf32>
    %add3A_1232 = arith.addf %mul3A_1229, %add3A_1231 : vector<256x256xf32>
    %mul3A_1233 = arith.mulf %add3A_1232, %dot_general3A_1222 : vector<256x256xf32>
    %add3A_1234 = arith.constant 1.000000e+00 : f32
    %add3A_1235 = vector.broadcast %add3A_1234 : f32 to vector<256x256xf32>
    %add3A_1236 = arith.addf %mul3A_1233, %add3A_1235 : vector<256x256xf32>
    %mul3A_1237 = arith.mulf %add3A_1236, %dot_general3A_1222 : vector<256x256xf32>
    %add3A_1238 = arith.constant 1.000000e+00 : f32
    %add3A_1239 = vector.broadcast %add3A_1238 : f32 to vector<256x256xf32>
    %add3A_1240 = arith.addf %mul3A_1237, %add3A_1239 : vector<256x256xf32>
    %get3A_1241 = arith.constant 0 : index
    %get3A_1242 = arith.constant 768 : index
    %get3A_1243 = arith.constant 0 : index
    %get3A_1244 = vector.load %arg3[%get3A_1241, %get3A_1242, %get3A_1243] : memref<1x2048x128xbf16, #tpu.memory_space<vmem>>, vector<1x256x128xbf16>
    %get3A_1245 = vector.shape_cast %get3A_1244 : vector<1x256x128xbf16> to vector<256x128xbf16>
    %convert_element_type3A_1246 = arith.truncf %add3A_1240 : vector<256x256xf32> to vector<256x256xbf16>
    %dot_general3A_1247 = arith.constant dense<0.000000e+00> : vector<256x128xf32>
    %dot_general3A_1248 = tpu.matmul %convert_element_type3A_1246, %get3A_1245, %dot_general3A_1247 {dimension_numbers = #tpu.dot_dimension_numbers<[1], [0], [0], [1], [0, 0, 1, 1], [], []>, transpose_lhs_hint = false} : vector<256x256xbf16>, vector<256x128xbf16>, vector<256x128xf32> -> vector<256x128xf32>
    %add3A_1249 = arith.addf %add3A_1215, %dot_general3A_1248 : vector<256x128xf32>
    %get3A_1250 = arith.constant 0 : index
    %get3A_1251 = arith.constant 1024 : index
    %get3A_1252 = arith.constant 0 : index
    %get3A_1253 = vector.load %arg2[%get3A_1250, %get3A_1251, %get3A_1252] : memref<1x2048x64xbf16, #tpu.memory_space<vmem>>, vector<1x256x64xbf16>
    %get3A_1254 = vector.shape_cast %get3A_1253 : vector<1x256x64xbf16> to vector<256x64xbf16>
    %dot_general3A_1255 = arith.constant dense<0.000000e+00> : vector<256x256xf32>
    %dot_general3A_1256 = tpu.matmul %get3A_1111, %get3A_1254, %dot_general3A_1255 {dimension_numbers = #tpu.dot_dimension_numbers<[1], [1], [0], [0], [0, 0, 1, 0], [], []>, transpose_lhs_hint = false} : vector<256x64xbf16>, vector<256x64xbf16>, vector<256x256xf32> -> vector<256x256xf32>
    %mul3A_1257 = arith.constant 0.0416666679 : f32
    %mul3A_1258 = vector.broadcast %mul3A_1257 : f32 to vector<256x256xf32>
    %mul3A_1259 = arith.mulf %dot_general3A_1256, %mul3A_1258 : vector<256x256xf32>
    %add3A_1260 = arith.constant 0.166666672 : f32
    %add3A_1261 = vector.broadcast %add3A_1260 : f32 to vector<256x256xf32>
    %add3A_1262 = arith.addf %mul3A_1259, %add3A_1261 : vector<256x256xf32>
    %mul3A_1263 = arith.mulf %add3A_1262, %dot_general3A_1256 : vector<256x256xf32>
    %add3A_1264 = arith.constant 5.000000e-01 : f32
    %add3A_1265 = vector.broadcast %add3A_1264 : f32 to vector<256x256xf32>
    %add3A_1266 = arith.addf %mul3A_1263, %add3A_1265 : vector<256x256xf32>
    %mul3A_1267 = arith.mulf %add3A_1266, %dot_general3A_1256 : vector<256x256xf32>
    %add3A_1268 = arith.constant 1.000000e+00 : f32
    %add3A_1269 = vector.broadcast %add3A_1268 : f32 to vector<256x256xf32>
    %add3A_1270 = arith.addf %mul3A_1267, %add3A_1269 : vector<256x256xf32>
    %mul3A_1271 = arith.mulf %add3A_1270, %dot_general3A_1256 : vector<256x256xf32>
    %add3A_1272 = arith.constant 1.000000e+00 : f32
    %add3A_1273 = vector.broadcast %add3A_1272 : f32 to vector<256x256xf32>
    %add3A_1274 = arith.addf %mul3A_1271, %add3A_1273 : vector<256x256xf32>
    %get3A_1275 = arith.constant 0 : index
    %get3A_1276 = arith.constant 1024 : index
    %get3A_1277 = arith.constant 0 : index
    %get3A_1278 = vector.load %arg3[%get3A_1275, %get3A_1276, %get3A_1277] : memref<1x2048x128xbf16, #tpu.memory_space<vmem>>, vector<1x256x128xbf16>
    %get3A_1279 = vector.shape_cast %get3A_1278 : vector<1x256x128xbf16> to vector<256x128xbf16>
    %convert_element_type3A_1280 = arith.truncf %add3A_1274 : vector<256x256xf32> to vector<256x256xbf16>
    %dot_general3A_1281 = arith.constant dense<0.000000e+00> : vector<256x128xf32>
    %dot_general3A_1282 = tpu.matmul %convert_element_type3A_1280, %get3A_1279, %dot_general3A_1281 {dimension_numbers = #tpu.dot_dimension_numbers<[1], [0], [0], [1], [0, 0, 1, 1], [], []>, transpose_lhs_hint = false} : vector<256x256xbf16>, vector<256x128xbf16>, vector<256x128xf32> -> vector<256x128xf32>
    %add3A_1283 = arith.addf %add3A_1249, %dot_general3A_1282 : vector<256x128xf32>
    %get3A_1284 = arith.constant 0 : index
    %get3A_1285 = arith.constant 1280 : index
    %get3A_1286 = arith.constant 0 : index
    %get3A_1287 = vector.load %arg2[%get3A_1284, %get3A_1285, %get3A_1286] : memref<1x2048x64xbf16, #tpu.memory_space<vmem>>, vector<1x256x64xbf16>
    %get3A_1288 = vector.shape_cast %get3A_1287 : vector<1x256x64xbf16> to vector<256x64xbf16>
    %dot_general3A_1289 = arith.constant dense<0.000000e+00> : vector<256x256xf32>
    %dot_general3A_1290 = tpu.matmul %get3A_1111, %get3A_1288, %dot_general3A_1289 {dimension_numbers = #tpu.dot_dimension_numbers<[1], [1], [0], [0], [0, 0, 1, 0], [], []>, transpose_lhs_hint = false} : vector<256x64xbf16>, vector<256x64xbf16>, vector<256x256xf32> -> vector<256x256xf32>
    %mul3A_1291 = arith.constant 0.0416666679 : f32
    %mul3A_1292 = vector.broadcast %mul3A_1291 : f32 to vector<256x256xf32>
    %mul3A_1293 = arith.mulf %dot_general3A_1290, %mul3A_1292 : vector<256x256xf32>
    %add3A_1294 = arith.constant 0.166666672 : f32
    %add3A_1295 = vector.broadcast %add3A_1294 : f32 to vector<256x256xf32>
    %add3A_1296 = arith.addf %mul3A_1293, %add3A_1295 : vector<256x256xf32>
    %mul3A_1297 = arith.mulf %add3A_1296, %dot_general3A_1290 : vector<256x256xf32>
    %add3A_1298 = arith.constant 5.000000e-01 : f32
    %add3A_1299 = vector.broadcast %add3A_1298 : f32 to vector<256x256xf32>
    %add3A_1300 = arith.addf %mul3A_1297, %add3A_1299 : vector<256x256xf32>
    %mul3A_1301 = arith.mulf %add3A_1300, %dot_general3A_1290 : vector<256x256xf32>
    %add3A_1302 = arith.constant 1.000000e+00 : f32
    %add3A_1303 = vector.broadcast %add3A_1302 : f32 to vector<256x256xf32>
    %add3A_1304 = arith.addf %mul3A_1301, %add3A_1303 : vector<256x256xf32>
    %mul3A_1305 = arith.mulf %add3A_1304, %dot_general3A_1290 : vector<256x256xf32>
    %add3A_1306 = arith.constant 1.000000e+00 : f32
    %add3A_1307 = vector.broadcast %add3A_1306 : f32 to vector<256x256xf32>
    %add3A_1308 = arith.addf %mul3A_1305, %add3A_1307 : vector<256x256xf32>
    %get3A_1309 = arith.constant 0 : index
    %get3A_1310 = arith.constant 1280 : index
    %get3A_1311 = arith.constant 0 : index
    %get3A_1312 = vector.load %arg3[%get3A_1309, %get3A_1310, %get3A_1311] : memref<1x2048x128xbf16, #tpu.memory_space<vmem>>, vector<1x256x128xbf16>
    %get3A_1313 = vector.shape_cast %get3A_1312 : vector<1x256x128xbf16> to vector<256x128xbf16>
    %convert_element_type3A_1314 = arith.truncf %add3A_1308 : vector<256x256xf32> to vector<256x256xbf16>
    %dot_general3A_1315 = arith.constant dense<0.000000e+00> : vector<256x128xf32>
    %dot_general3A_1316 = tpu.matmul %convert_element_type3A_1314, %get3A_1313, %dot_general3A_1315 {dimension_numbers = #tpu.dot_dimension_numbers<[1], [0], [0], [1], [0, 0, 1, 1], [], []>, transpose_lhs_hint = false} : vector<256x256xbf16>, vector<256x128xbf16>, vector<256x128xf32> -> vector<256x128xf32>
    %add3A_1317 = arith.addf %add3A_1283, %dot_general3A_1316 : vector<256x128xf32>
    %get3A_1318 = arith.constant 0 : index
    %get3A_1319 = arith.constant 1536 : index
    %get3A_1320 = arith.constant 0 : index
    %get3A_1321 = vector.load %arg2[%get3A_1318, %get3A_1319, %get3A_1320] : memref<1x2048x64xbf16, #tpu.memory_space<vmem>>, vector<1x256x64xbf16>
    %get3A_1322 = vector.shape_cast %get3A_1321 : vector<1x256x64xbf16> to vector<256x64xbf16>
    %dot_general3A_1323 = arith.constant dense<0.000000e+00> : vector<256x256xf32>
    %dot_general3A_1324 = tpu.matmul %get3A_1111, %get3A_1322, %dot_general3A_1323 {dimension_numbers = #tpu.dot_dimension_numbers<[1], [1], [0], [0], [0, 0, 1, 0], [], []>, transpose_lhs_hint = false} : vector<256x64xbf16>, vector<256x64xbf16>, vector<256x256xf32> -> vector<256x256xf32>
    %mul3A_1325 = arith.constant 0.0416666679 : f32
    %mul3A_1326 = vector.broadcast %mul3A_1325 : f32 to vector<256x256xf32>
    %mul3A_1327 = arith.mulf %dot_general3A_1324, %mul3A_1326 : vector<256x256xf32>
    %add3A_1328 = arith.constant 0.166666672 : f32
    %add3A_1329 = vector.broadcast %add3A_1328 : f32 to vector<256x256xf32>
    %add3A_1330 = arith.addf %mul3A_1327, %add3A_1329 : vector<256x256xf32>
    %mul3A_1331 = arith.mulf %add3A_1330, %dot_general3A_1324 : vector<256x256xf32>
    %add3A_1332 = arith.constant 5.000000e-01 : f32
    %add3A_1333 = vector.broadcast %add3A_1332 : f32 to vector<256x256xf32>
    %add3A_1334 = arith.addf %mul3A_1331, %add3A_1333 : vector<256x256xf32>
    %mul3A_1335 = arith.mulf %add3A_1334, %dot_general3A_1324 : vector<256x256xf32>
    %add3A_1336 = arith.constant 1.000000e+00 : f32
    %add3A_1337 = vector.broadcast %add3A_1336 : f32 to vector<256x256xf32>
    %add3A_1338 = arith.addf %mul3A_1335, %add3A_1337 : vector<256x256xf32>
    %mul3A_1339 = arith.mulf %add3A_1338, %dot_general3A_1324 : vector<256x256xf32>
    %add3A_1340 = arith.constant 1.000000e+00 : f32
    %add3A_1341 = vector.broadcast %add3A_1340 : f32 to vector<256x256xf32>
    %add3A_1342 = arith.addf %mul3A_1339, %add3A_1341 : vector<256x256xf32>
    %get3A_1343 = arith.constant 0 : index
    %get3A_1344 = arith.constant 1536 : index
    %get3A_1345 = arith.constant 0 : index
    %get3A_1346 = vector.load %arg3[%get3A_1343, %get3A_1344, %get3A_1345] : memref<1x2048x128xbf16, #tpu.memory_space<vmem>>, vector<1x256x128xbf16>
    %get3A_1347 = vector.shape_cast %get3A_1346 : vector<1x256x128xbf16> to vector<256x128xbf16>
    %convert_element_type3A_1348 = arith.truncf %add3A_1342 : vector<256x256xf32> to vector<256x256xbf16>
    %dot_general3A_1349 = arith.constant dense<0.000000e+00> : vector<256x128xf32>
    %dot_general3A_1350 = tpu.matmul %convert_element_type3A_1348, %get3A_1347, %dot_general3A_1349 {dimension_numbers = #tpu.dot_dimension_numbers<[1], [0], [0], [1], [0, 0, 1, 1], [], []>, transpose_lhs_hint = false} : vector<256x256xbf16>, vector<256x128xbf16>, vector<256x128xf32> -> vector<256x128xf32>
    %add3A_1351 = arith.addf %add3A_1317, %dot_general3A_1350 : vector<256x128xf32>
    %get3A_1352 = arith.constant 0 : index
    %get3A_1353 = arith.constant 1792 : index
    %get3A_1354 = arith.constant 0 : index
    %get3A_1355 = vector.load %arg2[%get3A_1352, %get3A_1353, %get3A_1354] : memref<1x2048x64xbf16, #tpu.memory_space<vmem>>, vector<1x256x64xbf16>
    %get3A_1356 = vector.shape_cast %get3A_1355 : vector<1x256x64xbf16> to vector<256x64xbf16>
    %dot_general3A_1357 = arith.constant dense<0.000000e+00> : vector<256x256xf32>
    %dot_general3A_1358 = tpu.matmul %get3A_1111, %get3A_1356, %dot_general3A_1357 {dimension_numbers = #tpu.dot_dimension_numbers<[1], [1], [0], [0], [0, 0, 1, 0], [], []>, transpose_lhs_hint = false} : vector<256x64xbf16>, vector<256x64xbf16>, vector<256x256xf32> -> vector<256x256xf32>
    %mul3A_1359 = arith.constant 0.0416666679 : f32
    %mul3A_1360 = vector.broadcast %mul3A_1359 : f32 to vector<256x256xf32>
    %mul3A_1361 = arith.mulf %dot_general3A_1358, %mul3A_1360 : vector<256x256xf32>
    %add3A_1362 = arith.constant 0.166666672 : f32
    %add3A_1363 = vector.broadcast %add3A_1362 : f32 to vector<256x256xf32>
    %add3A_1364 = arith.addf %mul3A_1361, %add3A_1363 : vector<256x256xf32>
    %mul3A_1365 = arith.mulf %add3A_1364, %dot_general3A_1358 : vector<256x256xf32>
    %add3A_1366 = arith.constant 5.000000e-01 : f32
    %add3A_1367 = vector.broadcast %add3A_1366 : f32 to vector<256x256xf32>
    %add3A_1368 = arith.addf %mul3A_1365, %add3A_1367 : vector<256x256xf32>
    %mul3A_1369 = arith.mulf %add3A_1368, %dot_general3A_1358 : vector<256x256xf32>
    %add3A_1370 = arith.constant 1.000000e+00 : f32
    %add3A_1371 = vector.broadcast %add3A_1370 : f32 to vector<256x256xf32>
    %add3A_1372 = arith.addf %mul3A_1369, %add3A_1371 : vector<256x256xf32>
    %mul3A_1373 = arith.mulf %add3A_1372, %dot_general3A_1358 : vector<256x256xf32>
    %add3A_1374 = arith.constant 1.000000e+00 : f32
    %add3A_1375 = vector.broadcast %add3A_1374 : f32 to vector<256x256xf32>
    %add3A_1376 = arith.addf %mul3A_1373, %add3A_1375 : vector<256x256xf32>
    %iota3A_1377 = tpu.iota {dimensions = array<i32: 0>} : vector<256x256xi32>
    %iota3A_1378 = tpu.iota {dimensions = array<i32: 1>} : vector<256x256xi32>
    %le3A_1379 = arith.cmpi sle, %iota3A_1378, %iota3A_1377 : vector<256x256xi32>
    %jit3A_1380 = arith.constant 0.000000e+00 : f32
    %broadcast_in_dim3A_1381 = vector.broadcast %jit3A_1380 : f32 to vector<256x256xf32>
    %select_n3A_1382 = arith.select %le3A_1379, %add3A_1376, %broadcast_in_dim3A_1381 : vector<256x256xi1>, vector<256x256xf32>
    %get3A_1383 = arith.constant 0 : index
    %get3A_1384 = arith.constant 1792 : index
    %get3A_1385 = arith.constant 0 : index
    %get3A_1386 = vector.load %arg3[%get3A_1383, %get3A_1384, %get3A_1385] : memref<1x2048x128xbf16, #tpu.memory_space<vmem>>, vector<1x256x128xbf16>
    %get3A_1387 = vector.shape_cast %get3A_1386 : vector<1x256x128xbf16> to vector<256x128xbf16>
    %convert_element_type3A_1388 = arith.truncf %select_n3A_1382 : vector<256x256xf32> to vector<256x256xbf16>
    %dot_general3A_1389 = arith.constant dense<0.000000e+00> : vector<256x128xf32>
    %dot_general3A_1390 = tpu.matmul %convert_element_type3A_1388, %get3A_1387, %dot_general3A_1389 {dimension_numbers = #tpu.dot_dimension_numbers<[1], [0], [0], [1], [0, 0, 1, 1], [], []>, transpose_lhs_hint = false} : vector<256x256xbf16>, vector<256x128xbf16>, vector<256x128xf32> -> vector<256x128xf32>
    %add3A_1391 = arith.addf %add3A_1351, %dot_general3A_1390 : vector<256x128xf32>
    %slice3A_1392 = vector.extract_strided_slice %add3A_1391 {offsets = [0, 0], sizes = [256, 64], strides = [1, 1]} : vector<256x128xf32> to vector<256x64xf32>
    %slice3A_1393 = vector.extract_strided_slice %add3A_1391 {offsets = [0, 64], sizes = [256, 1], strides = [1, 1]} : vector<256x128xf32> to vector<256x1xf32>
    %div3A_1394 = vector.broadcast %slice3A_1393 : vector<256x1xf32> to vector<256x64xf32>
    %div3A_1395 = arith.divf %slice3A_1392, %div3A_1394 : vector<256x64xf32>
    %convert_element_type3A_1396 = arith.truncf %div3A_1395 : vector<256x64xf32> to vector<256x64xbf16>
    %swap3A_1397 = arith.constant 0 : index
    %swap3A_1398 = arith.constant 1792 : index
    %swap3A_1399 = arith.constant 0 : index
    %swap3A_1400 = vector.load %arg4[%swap3A_1397, %swap3A_1398, %swap3A_1399] : memref<1x2048x64xbf16, #tpu.memory_space<vmem>>, vector<1x256x64xbf16>
    %swap3A_1401 = vector.shape_cast %swap3A_1400 : vector<1x256x64xbf16> to vector<256x64xbf16>
    %swap3A_1402 = vector.shape_cast %convert_element_type3A_1396 : vector<256x64xbf16> to vector<1x256x64xbf16>
    tpu.vector_store %arg4[%swap3A_1397, %swap3A_1398, %swap3A_1399], %swap3A_1402 {strides = array<i32>} : memref<1x2048x64xbf16, #tpu.memory_space<vmem>>, vector<1x256x64xbf16>,
    return
  }
  func.func @transform_0(%arg0: i32) -> (i32, i32, i32) {
    %c0_i32 = arith.constant 0 : i32
    %c0_i32_0 = arith.constant 0 : i32
    %c0_i32_1 = arith.constant 0 : i32
    return %arg0, %c0_i32, %c0_i32_0 : i32, i32, i32
  }
  func.func @transform_1(%arg0: i32) -> (i32, i32, i32) {
    %c0_i32 = arith.constant 0 : i32
    %c0_i32_0 = arith.constant 0 : i32
    %c0_i32_1 = arith.constant 0 : i32
    return %arg0, %c0_i32, %c0_i32_0 : i32, i32, i32
  }
  func.func @transform_2(%arg0: i32) -> (i32, i32, i32) {
    %c0_i32 = arith.constant 0 : i32
    %c0_i32_0 = arith.constant 0 : i32
    %c0_i32_1 = arith.constant 0 : i32
    return %arg0, %c0_i32, %c0_i32_0 : i32, i32, i32
  }
  func.func @transform_3(%arg0: i32) -> (i32, i32, i32) {
    %c0_i32 = arith.constant 0 : i32
    %c0_i32_0 = arith.constant 0 : i32
    %c0_i32_1 = arith.constant 0 : i32
    return %arg0, %c0_i32, %c0_i32_0 : i32, i32, i32
  }
}

module attributes {stable_mosaic.version = 14 : i64} {
  func.func @_proj_res_body(%arg0: i32, %arg1: memref<256x1024xbf16, #tpu.memory_space<vmem>>, %arg2: memref<1024x1024xbf16, #tpu.memory_space<vmem>>, %arg3: memref<256x1024xf32, #tpu.memory_space<vmem>>, %arg4: memref<256x1024xf32, #tpu.memory_space<vmem>>, %arg5: memref<256x1024xf32, #tpu.memory_space<vmem>>, %arg6: memref<256x8xf32, #tpu.memory_space<vmem>>, %arg7: memref<256x1024xf32, #tpu.memory_space<vmem>>) attributes {dimension_semantics = [#tpu.dimension_semantics<arbitrary>], iteration_bounds = array<i64: 8>, scalar_prefetch = 0 : i64, scratch_operands = 0 : i64, tpu.core_type = #tpu.core_type<tc>, window_params = [{transform_indices = @transform_0, window_bounds = array<i64: 256, 1024>}, {pipeline_mode = #tpu.pipeline_mode<synchronous>, transform_indices = @transform_1, window_bounds = array<i64: 1024, 1024>}, {transform_indices = @transform_2, window_bounds = array<i64: 256, 1024>}, {transform_indices = @transform_3, window_bounds = array<i64: 256, 1024>}, {transform_indices = @transform_4, window_bounds = array<i64: 256, 1024>}, {transform_indices = @transform_5, window_bounds = array<i64: 256, 8>}, {transform_indices = @transform_6, window_bounds = array<i64: 256, 1024>}]} {
    %get3A = arith.constant 0 : index
    %get3A_0 = arith.constant 0 : index
    %get3A_1 = vector.load %arg6[%get3A, %get3A_0] : memref<256x8xf32, #tpu.memory_space<vmem>>, vector<256x8xf32>
    %slice3A = vector.extract_strided_slice %get3A_1 {offsets = [0, 0], sizes = [256, 1], strides = [1, 1]} : vector<256x8xf32> to vector<256x1xf32>
    %get3A_2 = arith.constant 0 : index
    %get3A_3 = arith.constant 0 : index
    %get3A_4 = vector.load %arg4[%get3A_2, %get3A_3] : memref<256x1024xf32, #tpu.memory_space<vmem>>, vector<256x1024xf32>
    %mul3A = vector.broadcast %slice3A : vector<256x1xf32> to vector<256x1024xf32>
    %mul3A_5 = arith.mulf %mul3A, %get3A_4 : vector<256x1024xf32>
    %slice3A_6 = vector.extract_strided_slice %get3A_1 {offsets = [0, 1], sizes = [256, 1], strides = [1, 1]} : vector<256x8xf32> to vector<256x1xf32>
    %get3A_7 = arith.constant 0 : index
    %get3A_8 = arith.constant 0 : index
    %get3A_9 = vector.load %arg5[%get3A_7, %get3A_8] : memref<256x1024xf32, #tpu.memory_space<vmem>>, vector<256x1024xf32>
    %mul3A_10 = vector.broadcast %slice3A_6 : vector<256x1xf32> to vector<256x1024xf32>
    %mul3A_11 = arith.mulf %mul3A_10, %get3A_9 : vector<256x1024xf32>
    %add3A = arith.addf %mul3A_5, %mul3A_11 : vector<256x1024xf32>
    %get3A_12 = arith.constant 0 : index
    %get3A_13 = arith.constant 0 : index
    %get3A_14 = vector.load %arg3[%get3A_12, %get3A_13] : memref<256x1024xf32, #tpu.memory_space<vmem>>, vector<256x1024xf32>
    %add3A_15 = arith.addf %get3A_14, %add3A : vector<256x1024xf32>
    %get3A_16 = arith.constant 0 : index
    %get3A_17 = arith.constant 0 : index
    %get3A_18 = vector.load %arg1[%get3A_16, %get3A_17] : memref<256x1024xbf16, #tpu.memory_space<vmem>>, vector<256x1024xbf16>
    %get3A_19 = arith.constant 0 : index
    %get3A_20 = arith.constant 0 : index
    %get3A_21 = vector.load %arg2[%get3A_19, %get3A_20] : memref<1024x1024xbf16, #tpu.memory_space<vmem>>, vector<1024x1024xbf16>
    %dot_general3A = arith.constant dense<0.000000e+00> : vector<256x1024xf32>
    %dot_general3A_22 = tpu.matmul %get3A_18, %get3A_21, %dot_general3A {dimension_numbers = #tpu.dot_dimension_numbers<[1], [0], [0], [1], [0, 0, 1, 1], [], []>, transpose_lhs_hint = false} : vector<256x1024xbf16>, vector<1024x1024xbf16>, vector<256x1024xf32> -> vector<256x1024xf32>
    %add3A_23 = arith.addf %add3A_15, %dot_general3A_22 : vector<256x1024xf32>
    %swap3A = arith.constant 0 : index
    %swap3A_24 = arith.constant 0 : index
    %swap3A_25 = vector.load %arg7[%swap3A, %swap3A_24] : memref<256x1024xf32, #tpu.memory_space<vmem>>, vector<256x1024xf32>
    tpu.vector_store %arg7[%swap3A, %swap3A_24], %add3A_23 {strides = array<i32>} : memref<256x1024xf32, #tpu.memory_space<vmem>>, vector<256x1024xf32>,
    return
  }
  func.func @transform_0(%arg0: i32) -> (i32, i32) {
    %c0_i32 = arith.constant 0 : i32
    %c0_i32_0 = arith.constant 0 : i32
    return %arg0, %c0_i32 : i32, i32
  }
  func.func @transform_1(%arg0: i32) -> (i32, i32) {
    %c0_i32 = arith.constant 0 : i32
    %c0_i32_0 = arith.constant 0 : i32
    %c0_i32_1 = arith.constant 0 : i32
    return %c0_i32, %c0_i32_0 : i32, i32
  }
  func.func @transform_2(%arg0: i32) -> (i32, i32) {
    %c0_i32 = arith.constant 0 : i32
    %c0_i32_0 = arith.constant 0 : i32
    return %arg0, %c0_i32 : i32, i32
  }
  func.func @transform_3(%arg0: i32) -> (i32, i32) {
    %c0_i32 = arith.constant 0 : i32
    %c0_i32_0 = arith.constant 0 : i32
    return %arg0, %c0_i32 : i32, i32
  }
  func.func @transform_4(%arg0: i32) -> (i32, i32) {
    %add3A = arith.constant 8 : i32
    %add3A_0 = arith.addi %arg0, %add3A : i32
    %c0_i32 = arith.constant 0 : i32
    %c0_i32_1 = arith.constant 0 : i32
    return %add3A_0, %c0_i32 : i32, i32
  }
  func.func @transform_5(%arg0: i32) -> (i32, i32) {
    %c0_i32 = arith.constant 0 : i32
    %c0_i32_0 = arith.constant 0 : i32
    return %arg0, %c0_i32 : i32, i32
  }
  func.func @transform_6(%arg0: i32) -> (i32, i32) {
    %c0_i32 = arith.constant 0 : i32
    %c0_i32_0 = arith.constant 0 : i32
    return %arg0, %c0_i32 : i32, i32
  }
}

module attributes {stable_mosaic.version = 14 : i64} {
  func.func @_proj_res_body(%arg0: i32, %arg1: memref<256x1024xbf16, #tpu.memory_space<vmem>>, %arg2: memref<1024x1024xbf16, #tpu.memory_space<vmem>>, %arg3: memref<256x1024xf32, #tpu.memory_space<vmem>>, %arg4: memref<256x1024xf32, #tpu.memory_space<vmem>>, %arg5: memref<256x1024xf32, #tpu.memory_space<vmem>>, %arg6: memref<256x8xf32, #tpu.memory_space<vmem>>, %arg7: memref<256x1024xf32, #tpu.memory_space<vmem>>) attributes {dimension_semantics = [#tpu.dimension_semantics<arbitrary>], iteration_bounds = array<i64: 8>, scalar_prefetch = 0 : i64, scratch_operands = 0 : i64, tpu.core_type = #tpu.core_type<tc>, window_params = [{transform_indices = @transform_0, window_bounds = array<i64: 256, 1024>}, {pipeline_mode = #tpu.pipeline_mode<synchronous>, transform_indices = @transform_1, window_bounds = array<i64: 1024, 1024>}, {transform_indices = @transform_2, window_bounds = array<i64: 256, 1024>}, {transform_indices = @transform_3, window_bounds = array<i64: 256, 1024>}, {transform_indices = @transform_4, window_bounds = array<i64: 256, 1024>}, {transform_indices = @transform_5, window_bounds = array<i64: 256, 8>}, {transform_indices = @transform_6, window_bounds = array<i64: 256, 1024>}]} {
    %get3A = arith.constant 0 : index
    %get3A_0 = arith.constant 0 : index
    %get3A_1 = vector.load %arg6[%get3A, %get3A_0] : memref<256x8xf32, #tpu.memory_space<vmem>>, vector<256x8xf32>
    %slice3A = vector.extract_strided_slice %get3A_1 {offsets = [0, 0], sizes = [256, 1], strides = [1, 1]} : vector<256x8xf32> to vector<256x1xf32>
    %get3A_2 = arith.constant 0 : index
    %get3A_3 = arith.constant 0 : index
    %get3A_4 = vector.load %arg4[%get3A_2, %get3A_3] : memref<256x1024xf32, #tpu.memory_space<vmem>>, vector<256x1024xf32>
    %mul3A = vector.broadcast %slice3A : vector<256x1xf32> to vector<256x1024xf32>
    %mul3A_5 = arith.mulf %mul3A, %get3A_4 : vector<256x1024xf32>
    %slice3A_6 = vector.extract_strided_slice %get3A_1 {offsets = [0, 1], sizes = [256, 1], strides = [1, 1]} : vector<256x8xf32> to vector<256x1xf32>
    %get3A_7 = arith.constant 0 : index
    %get3A_8 = arith.constant 0 : index
    %get3A_9 = vector.load %arg5[%get3A_7, %get3A_8] : memref<256x1024xf32, #tpu.memory_space<vmem>>, vector<256x1024xf32>
    %mul3A_10 = vector.broadcast %slice3A_6 : vector<256x1xf32> to vector<256x1024xf32>
    %mul3A_11 = arith.mulf %mul3A_10, %get3A_9 : vector<256x1024xf32>
    %add3A = arith.addf %mul3A_5, %mul3A_11 : vector<256x1024xf32>
    %get3A_12 = arith.constant 0 : index
    %get3A_13 = arith.constant 0 : index
    %get3A_14 = vector.load %arg3[%get3A_12, %get3A_13] : memref<256x1024xf32, #tpu.memory_space<vmem>>, vector<256x1024xf32>
    %add3A_15 = arith.addf %get3A_14, %add3A : vector<256x1024xf32>
    %get3A_16 = arith.constant 0 : index
    %get3A_17 = arith.constant 0 : index
    %get3A_18 = vector.load %arg1[%get3A_16, %get3A_17] : memref<256x1024xbf16, #tpu.memory_space<vmem>>, vector<256x1024xbf16>
    %get3A_19 = arith.constant 0 : index
    %get3A_20 = arith.constant 0 : index
    %get3A_21 = vector.load %arg2[%get3A_19, %get3A_20] : memref<1024x1024xbf16, #tpu.memory_space<vmem>>, vector<1024x1024xbf16>
    %dot_general3A = arith.constant dense<0.000000e+00> : vector<256x1024xf32>
    %dot_general3A_22 = tpu.matmul %get3A_18, %get3A_21, %dot_general3A {dimension_numbers = #tpu.dot_dimension_numbers<[1], [0], [0], [1], [0, 0, 1, 1], [], []>, transpose_lhs_hint = false} : vector<256x1024xbf16>, vector<1024x1024xbf16>, vector<256x1024xf32> -> vector<256x1024xf32>
    %add3A_23 = arith.addf %add3A_15, %dot_general3A_22 : vector<256x1024xf32>
    %swap3A = arith.constant 0 : index
    %swap3A_24 = arith.constant 0 : index
    %swap3A_25 = vector.load %arg7[%swap3A, %swap3A_24] : memref<256x1024xf32, #tpu.memory_space<vmem>>, vector<256x1024xf32>
    tpu.vector_store %arg7[%swap3A, %swap3A_24], %add3A_23 {strides = array<i32>} : memref<256x1024xf32, #tpu.memory_space<vmem>>, vector<256x1024xf32>,
    return
  }
  func.func @transform_0(%arg0: i32) -> (i32, i32) {
    %c0_i32 = arith.constant 0 : i32
    %c0_i32_0 = arith.constant 0 : i32
    return %arg0, %c0_i32 : i32, i32
  }
  func.func @transform_1(%arg0: i32) -> (i32, i32) {
    %c0_i32 = arith.constant 0 : i32
    %c0_i32_0 = arith.constant 0 : i32
    %c0_i32_1 = arith.constant 0 : i32
    return %c0_i32, %c0_i32_0 : i32, i32
  }
  func.func @transform_2(%arg0: i32) -> (i32, i32) {
    %c0_i32 = arith.constant 0 : i32
    %c0_i32_0 = arith.constant 0 : i32
    return %arg0, %c0_i32 : i32, i32
  }
  func.func @transform_3(%arg0: i32) -> (i32, i32) {
    %c0_i32 = arith.constant 0 : i32
    %c0_i32_0 = arith.constant 0 : i32
    return %arg0, %c0_i32 : i32, i32
  }
  func.func @transform_4(%arg0: i32) -> (i32, i32) {
    %add3A = arith.constant 8 : i32
    %add3A_0 = arith.addi %arg0, %add3A : i32
    %c0_i32 = arith.constant 0 : i32
    %c0_i32_1 = arith.constant 0 : i32
    return %add3A_0, %c0_i32 : i32, i32
  }
  func.func @transform_5(%arg0: i32) -> (i32, i32) {
    %c0_i32 = arith.constant 0 : i32
    %c0_i32_0 = arith.constant 0 : i32
    return %arg0, %c0_i32 : i32, i32
  }
  func.func @transform_6(%arg0: i32) -> (i32, i32) {
    %c0_i32 = arith.constant 0 : i32
    %c0_i32_0 = arith.constant 0 : i32
    return %arg0, %c0_i32 : i32, i32
  }
}

</mosaic_0001>

<sc_bundles>
// kernel: kernel.16.cloned.1.call-start
scs
__scs_entry_jumppad:
0x0: {  	(pc) =	sbr.rel $0x88, $3  }
0x1: {  	(tag) =	ssettag $0x0;
	lr =	simm.s32 $0x1  }
0x2: {  	[smem:$0x3F97] =	sst lr;
	_ =	strace $0xD0000000  }
0x3: {  	_ = 	snop  }
0x4: {  	_ = 	snop  }
0x5: {  	_ = 	snop  }
0x6: {  	_ = 	snop  }
0x7: {  	_ = 	snop  }
__scs_overlays_trampoline_lowered:
0x8: {  	[smem:$0x3FA6] =	sst s0  }
0x9: {  	[smem:$0x3FA7] =	sst s1  }
0xa: {  	[smem:$0x3FA8] =	sst s2  }
0xb: {  	[smem:$0x3FA9] =	sst s3  }
0xc: {  	[smem:$0x3FAA] =	sst s4  }
0xd: {  	[smem:$0x3FAB] =	sst s5  }
0xe: {  	[smem:$0x3FAC] =	sst s6  }
0xf: {  	[smem:$0x3FAD] =	sst s7  }
0x10: {  	[smem:$0x3FAE] =	sst s8  }
0x11: {  	[smem:$0x3FAF] =	sst s9;
	s0 =	simm.s32 @!p0 $0x0  }
0x12: {  	s1 =	sld [smem:$0x3F95];
	s0 =	simm.s32 @p0 $0x1  }
0x13: {  	[smem:$0x3FB0] =	sst s0;
	s0 =	simm.s32 @!p1 $0x0  }
0x14: {  	s2 =	sld [smem:$0x3F94];
	s0 =	simm.s32 @p1 $0x1  }
0x15: {  	[smem:$0x3FB1] =	sst s0;
	s0 =	simm.s32 @!p2 $0x0  }
0x16: {  	s3 =	sld [smem:$0x3FDB];
	s0 =	simm.s32 @p2 $0x1  }
0x17: {  	s4 =	simm.s32 $0x1BF5;
	[smem:$0x3FB3] =	sst s0  }
0x18: {  	s0 =	sld [smem:$0x3F96];
	_ =	swait.ge [sflag:s4], $0x0  }
0x19: {  	s7 =	sld [smem:$0x3F97]  }
0x1a: {  	s8 =	sadd.s32 $0xFFFFE003, lr  }
0x1b: {  	s9 =	sadd.s32 $0xFFFFFEF7, lr;
	s5 =	simm.s32 $0xFFFFFFFF;
	p2 =	slt.u32 s8, $0xFFFFF086  }
0x1c: {  	p1 =	slt.u32 s9, $0xF7A;
	s5 =	simm.s32 @!p2 $0x0  }
0x1d: {  	s5 =	simm.s32 @p1 $0x1;
	p0 =	seq.s32 s7, s2  }
0x1e: {  	s7 =	smul.u32 @!p0 $0xF7A, s2;
	p2 =	seq.s32 @!p0 s5, $0x0  }
0x1f: {  	s9 =	smul.u32 $0xF7A, s1;
	s8 =	simm.s32 @!p0 $0x1BF5;
	p2 =	por !p2, p0  }
0x20: {  	[sflag:s8] =	ssyncset.s32 @!p0 $0xFFFFF086;
	s6 =	sadd.s32 @!p0 s3, s7;
	s7 =	simm.s32 @!p0 $0x108  }
0x21: {  	s3 =	sadd.s32 s3, s9;
	s6 =	sadd.s32 @!p0 $0x88, s6;
	s7 =	simm.s32 @p2 $0x1082  }
0x22: {  	[simem:s7], [sflag:s8] =	dma.local @!p0 [hbm:s6], $0xF7A  }
0x23: {  	s9 =	sor.u32 $0xD0000000, s2;
	s6 =	simm.s32 $0x108;
	_ =	swait.ge @!p0 [sflag:s8], $0x0  }
0x24: {  	s3 =	sadd.s32 $0x88, s3;
	s6 =	simm.s32 @!p1 $0x1082;
	[sflag:s4] =	ssyncset.s32 $0xFFFFF086  }
0x25: {  	[simem:s6], [sflag:s4] =	dma.local [hbm:s3], $0xF7A  }
0x26: {  	[smem:$0x3F97] =	sst s1;
	(tag) =	ssettag s2;
	_ =	strace s9  }
0x27: {  	s1 =	sld [smem:$0x3FA7]  }
0x28: {  	s2 =	sld [smem:$0x3FA8]  }
0x29: {  	s4 =	sld [smem:$0x3FAA]  }
0x2a: {  	p0 =	seq.s32 s5, $0x0;
	s5 =	sld [smem:$0x3FAB]  }
0x2b: {  	s6 =	sld [smem:$0x3FAC]  }
0x2c: {  	s7 =	sld [smem:$0x3FAD]  }
0x2d: {  	s3 =	simm.s32 $0x108;
	s8 =	sld [smem:$0x3FAE]  }
0x2e: {  	s3 =	simm.s32 @!p0 $0x1082;
	s9 =	sld [smem:$0x3FAF]  }
0x2f: {  	lr =	sadd.s32 s0, s3;
	s0 =	sld [smem:$0x3FA6]  }
0x30: {  	s3 =	sld [smem:$0x3FA9]  }
0x31: {  	[smem:$0x3FB2] =	sst s10  }
0x32: {  	s10 =	sld [smem:$0x3FB0];
	_ =	sdelay $0x3  }
0x33: {  	p0 =	seq.s32 s10, $0x1;
	s10 =	sld [smem:$0x3FB2];
	_ =	sdelay $0x3  }
0x34: {  	[smem:$0x3FB2] =	sst s10  }
0x35: {  	s10 =	sld [smem:$0x3FB1];
	_ =	sdelay $0x3  }
0x36: {  	p1 =	seq.s32 s10, $0x1;
	s10 =	sld [smem:$0x3FB2];
	_ =	sdelay $0x3  }
0x37: {  	[smem:$0x3FB2] =	sst s10  }
0x38: {  	s10 =	sld [smem:$0x3FB3]  }
0x39: {  	_ = 	snop;
	(pc) =	sbr.ind lr, $3  }
0x3a: {  	_ = 	snop  }
0x3b: {  	_ = 	snop  }
0x3c: {  	p2 =	seq.s32 s10, $0x1;
	s10 =	sld [smem:$0x3FB2]  }
0x3d: {  	_ =	shalt  }
0x3e: {  	_ =	shalt  }
0x3f: {  	_ =	shalt  }
0x40: {  	_ =	shalt  }
0x41: {  	_ =	shalt  }
0x42: {  	_ =	shalt  }
0x43: {  	_ =	shalt  }
0x44: {  	_ =	shalt  }
0x45: {  	_ =	shalt  }
0x46: {  	_ =	shalt  }
0x47: {  	_ =	shalt  }
0x48: {  	_ =	shalt  }
0x49: {  	_ =	shalt  }
0x4a: {  	_ =	shalt  }
0x4b: {  	_ =	shalt  }
0x4c: {  	_ =	shalt  }
0x4d: {  	_ =	shalt  }
0x4e: {  	_ =	shalt  }
0x4f: {  	_ =	shalt  }
0x50: {  	_ =	shalt  }
0x51: {  	_ =	shalt  }
0x52: {  	_ =	shalt  }
0x53: {  	_ =	shalt  }
0x54: {  	_ =	shalt  }
0x55: {  	_ =	shalt  }
0x56: {  	_ =	shalt  }
0x57: {  	_ =	shalt  }
0x58: {  	_ =	shalt  }
0x59: {  	_ =	shalt  }
0x5a: {  	_ =	shalt  }
0x5b: {  	_ =	shalt  }
0x5c: {  	_ =	shalt  }
0x5d: {  	_ =	shalt  }
0x5e: {  	_ =	shalt  }
0x5f: {  	_ =	shalt  }
0x60: {  	_ =	shalt  }
0x61: {  	_ =	shalt  }
0x62: {  	_ =	shalt  }
0x63: {  	_ =	shalt  }
0x64: {  	_ =	shalt  }
0x65: {  	_ =	shalt  }
0x66: {  	_ =	shalt  }
0x67: {  	_ =	shalt  }
0x68: {  	_ =	shalt  }
0x69: {  	_ =	shalt  }
0x6a: {  	_ =	shalt  }
0x6b: {  	_ =	shalt  }
0x6c: {  	_ =	shalt  }
0x6d: {  	_ =	shalt  }
0x6e: {  	_ =	shalt  }
0x6f: {  	_ =	shalt  }
0x70: {  	_ =	shalt  }
0x71: {  	_ =	shalt  }
0x72: {  	_ =	shalt  }
0x73: {  	_ =	shalt  }
0x74: {  	_ =	shalt  }
0x75: {  	_ =	shalt  }
0x76: {  	_ =	shalt  }
0x77: {  	_ =	shalt  }
0x78: {  	_ =	shalt  }
0x79: {  	_ =	shalt  }
0x7a: {  	_ =	shalt  }
0x7b: {  	_ =	shalt  }
0x7c: {  	_ =	shalt  }
0x7d: {  	_ =	shalt  }
0x7e: {  	_ =	shalt  }
0x7f: {  	_ =	shalt  }
0x80: {  	_ =	shalt  }
0x81: {  	_ =	shalt  }
0x82: {  	_ =	shalt  }
0x83: {  	_ =	shalt  }
0x84: {  	_ =	shalt  }
0x85: {  	_ =	shalt  }
0x86: {  	_ =	shalt  }
0x87: {  	_ =	shalt  }
.Lfunc_end0:
.L_simem_size_0:
called_computation_lowered:
.L_overlay_start_0:
0x88: {  	s2 =	sld [smem:$0x3FD9]  }
0x89: {  	s3 =	sld [smem:$0x3FFE];
	_ =	sdelay $0x1  }
0x8a: {  	s1 =	srdreg.scid  }
0x8b: {  	s0 =	sand.u32 $0x1, s1  }
0x8c: {  	s17 =	sshll.u32 s0, $0xA;
	s2 =	sadd.s32 s3, s2  }
0x8d: {  	s2 =	sadd.s32 s2, s17  }
0x8e: {  	[smem:$0x3FBE] =	sst s2  }
0x8f: {  	_ = 	snop  }
0x90: {  	s2 =	sld [smem:$0x3FC9]  }
0x91: {  	s18 =	sld [smem:$0x3FD0];
	(tm) =	ssettm $0x1  }
0x92: {  	s4 =	sld [smem:$0x3FFB];
	_ =	sdelay $0x3  }
0x93: {  	_ =	strace s4  }
0x94: {  	s4 =	sld [smem:$0x3FFC];
	_ =	sdelay $0x3  }
0x95: {  	_ =	strace s4  }
0x96: {  	s4 =	sld [smem:$0x3FFD];
	_ =	sdelay $0x3  }
0x97: {  	_ =	strace s4  }
0x98: {  	_ =	strace $0x8FFFFFFF  }
0x99: {  	s19 =	sld [smem:$0x3FDB];
	_ =	sdelay $0x1  }
0x9a: {  	s5 =	simm.s32 $_scs_section_size  }
0x9b: {  	s6 =	simm.s32 $_size__tile_overlayer_lowered;
	s7 =	simm.s32 $_tile_overlayer_lowered  }
0x9c: {  	s22 =	simm.s32 $0x1BFF;
	s21 =	sshll.u32 s7, $0x1;
	s4 =	sadd.s32 s5, s19  }
0x9d: {  	s8 =	simm.s32 $0x0;
	s20 =	sshll.u32 s6, $0x1;
	s6 =	sadd.s32 s21, s4  }
0x9e: {  	[timem:s8], [sflag:s22] =	dma.local [hbm:s6], s20  }
0x9f: {  	_ =	swait.ge [sflag:s22], s20  }
0xa0: {  	s5 =	ssub.s32 $0x0, s20;
	[sflag:s22] =	ssyncset.done $0x0  }
0xa1: {  	[sflag:s22] =	ssyncadd.s32 s5;
	_ =	sdelay $0x1  }
0xa2: {  	s23 =	simm.s32 $0x1B8B  }
0xa3: {  	_ =	swait.ge [sflag:s23], $0x1  }
0xa4: {  	[sflag:s23] =	ssyncset.done $0x0  }
0xa5: {  	s25 =	simm.s32 $0x1B8E;
	s24 =	sld [smem:$0x3FFE];
	[sflag:s23] =	ssyncadd.s32 $0xFFFFFFFF  }
0xa6: {  	s26 =	simm.s32 $execute0_lowered;
	[smem:$0x3FD2] =	sst s25  }
0xa7: {  	s6 =	sshll.u32 s26, $0x1;
	_ =	strace $0x80000046;
	[dreg:$0x1] =	wrdreg $0xFFFFFFFF  }
0xa8: {  	s28 =	simm.s32 $_size_execute0_lowered;
	s4 =	sadd.s32 s4, s6;
	[dreg:$0x0] =	wrdreg $0x0  }
0xa9: {  	s6 =	sshll.u32 s28, $0x1;
	[dreg:$0x2] =	wrdreg s4  }
0xaa: {  	[dreg:$0x3] =	wrdreg s6  }
0xab: {  	[dreg:$0x4] =	wrdreg $0xC0  }
0xac: {  	_ =	task [dreg:s8], $0x5FFFF  }
0xad: {  	[dreg:$0x1] =	wrdreg $0xFFFFFFFF  }
0xae: {  	[dreg:$0x0] =	wrdreg $0x60  }
0xaf: {  	[dreg:$0x2] =	wrdreg s2  }
0xb0: {  	[dreg:$0x3] =	wrdreg s18  }
0xb1: {  	[dreg:$0x4] =	wrdreg s24  }
0xb2: {  	[dreg:$0x5] =	wrdreg $0x9  }
0xb3: {  	_ =	task.clear_ibuf [dreg:s8], $0x6FFFF;
	_ =	strace $0x90000046  }
0xb4: {  	s29 =	simm.s32 $0x9;
	_ =	strace $0x80000048  }
0xb5: {  	_ =	swait.ge [sflag:s29], $0x1  }
0xb6: {  	[sflag:s29] =	ssyncadd.s32 $0xFFFFFFFF  }
0xb7: {  	_ =	strace $0x90000048  }
0xb8: {  	_ =	sfence  }
0xb9: {  	s30 =	sld [smem:$0x0];
	_ =	sdelay $0x2  }
0xba: {  	s31 =	sshll.u32 s1, $0xD;
	s1 =	sshrl.u32 s1, $0x2  }
0xbb: {  	s3 =	sand.u32 $0x4000, s31;
	s1 =	sadd.s32 s1, s30  }
0xbc: {  	s0 =	sor.u32 s3, s0;
	s1 =	sshll.u32 s1, $0x11  }
0xbd: {  	s0 =	sor.u32 s1, s0  }
0xbe: {  	s0 =	sadd.s32 $0x8F2B, s0  }
0xbf: {  	[sflag:s0] =	ssyncadd.remote.s32 $0x1  }
0xc0: {  	_ =	sfence.sel $0xFFFF  }
0xc1: {  	[dreg:$0x0] =	wrdreg $0xFFFFFFFF;
	(pc) =	sbr.abs _section_cstart, $3  }
0xc2: {  	[dreg:$0x1] =	wrdreg $0xFFFFFFFF  }
0xc3: {  	_ =	task.clear_ibuf [dreg:s8], $0x2FFFF;
	_ =	strace $0x9FFFFFFF  }
0xc4: {  	(tm) =	ssettm $0x7FFFFFFF  }
0xc5: {  	_ =	shalt  }
tec
execute0_lowered:
.L_overlay_start_1:
0x0: {  	(tag) =	ssettag $0x1  }
0x1: {  	s0 =	srdreg.scid;
	s1 =	rddreg [dreg:$0x0]  }
0x2: {  	s2 =	stileid.u32;
	s4 =	rddreg [dreg:$0x1]  }
0x3: {  	s5 =	rddreg [dreg:$0x2];
	s3 =	simm.s32 $0x0;
	s9 =	simm.s32 $0x3  }
0x4: {  	s19 =	simm.s32 $0x1;
	s20 =	simm.s32 $0x2;
	s28 =	simm.s32 $0x2900  }
0x5: {  	s29 =	simm.s32 $0x3100;
	s30 =	simm.s32 $0x3900;
	s31 =	simm.s32 $0x4100  }
0x6: {  	s10 =	simm.s32 $0x5100;
	s11 =	simm.s32 $0x6100;
	s12 =	simm.s32 $0x6900  }
0x7: {  	s13 =	simm.s32 $0x7100;
	s14 =	simm.s32 $0x7900;
	s15 =	simm.s32 $0x8900  }
0x8: {  	s16 =	simm.s32 $0x9100;
	s0 =	sand.u32 $0x1, s0;
	s2 =	sshll.u32 s2, $0x1  }
0x9: {  	s17 =	simm.s32 $0x9900;
	s18 =	simm.s32 $0xA100;
	s2 =	sor.u32 s0, s2  }
0xa: {  	[smem:$0x7FF] =	sst s3;
	s0 =	ssub.s32 $0x2, s0;
	s6 =	smul.u32 $0x18, s2  }
0xb: {  	s5 =	sadd.s32 $0xCE600, s5;
	s7 =	smul.u32 $0x6000, s2;
	s24 =	sshrl.u32 s0, $0x1  }
0xc: {  	_ =	strace $0x80000047;
	s2 =	smul.u32 $0x30000, s2;
	s0 =	ssub.s32 s0, s24  }
0xd: {  	s24 =	simm.s32 $0x1900;
	s4 =	sadd.s32 s4, s6;
	s21 =	sadd.s32 s5, s7  }
0xe: {  	s2 =	sshrl.u32 s2, $0x3;
	s6 =	sadd.s32 $0x200, s1;
	[dreg:$0x4] =	wrdreg s4  }
0xf: {  	[dreg:$0xa] =	wrdreg s21;
	s22 =	sadd.s32 $0x1000, s21;
	s2 =	sadd.s32 s5, s2  }
0x10: {  	s7 =	sadd.s32 $0x300, s1;
	[dreg:$0x5] =	wrdreg s22;
	s23 =	sadd.s32 $0x2000, s2  }
0x11: {  	s8 =	smax.u32 s0, $0x1;
	s25 =	sadd.s32 $0x3000, s2;
	[dreg:$0x6] =	wrdreg s23  }
0x12: {  	s0 =	simm.s32 $0x8100;
	s26 =	sadd.s32 $0x4000, s2;
	[dreg:$0x7] =	wrdreg s25  }
0x13: {  	v2 =	vlaneseq.u32;
	s5 =	sadd.s32 $0x100, s1;
	s2 =	sadd.s32 $0x5000, s2;
	[dreg:$0x8] =	wrdreg s26  }
0x14: {  	vm0 =	vmmov $0xffff;
	v1 =	vshrl.u32 v2, $0x3;
	s4 =	simm.s32 $0x5900;
	s22 =	simm.s32 $0x900;
	[dreg:$0x9] =	wrdreg s2  }
0x15: {  	v0 =	vand.u32 $0x7, v2;
	v2 =	vor.u32 $0x8, v2;
	v1 =	vmul.u32 $0x8, v1;
	s26 =	simm.s32 $0x100;
	s23 =	simm.s32 $0x1100;
	s25 =	simm.s32 $0x2100  }
.LBB2_1:
0x16: {  	s21 =	rddreg [dreg:$0x4]  }
0x17: {  	[tilespmem:s3], [sflag:$0x3] =	stream.linear.gather [hbm4b:s21+s3], $0xC0, $0x38;
	[tilespmem:$0x10100] =	vst v63  }
0x18: {  	_ =	swait.ge [sflag:s9], $0xC0  }
0x19: {  	[sflag:s9] =	ssyncset.done $0x0  }
0x1a: {  	[sflag:s9] =	ssyncadd.s32 $0xFFFFFF40  }
0x1b: {  	v3 =	vld [tilespmem:$0x0];
	_ =	sdelay $0x4  }
0x1c: {  	v4 =	vshll.u32 v3, $0x3  }
0x1d: {  	v3 =	vand.u32 $0x7, v3;
	v4 =	vand.u32 $0xFFFFFFC0, v4  }
0x1e: {  	v3 =	vor.u32 v3, v4  }
0x1f: {  	v4 =	vperm.xlane v3, v0;
	_ =	sdelay $0x1  }
0x20: {  	v4 =	vadd.s32 v1, v4;
	_ =	sdelay $0x4  }
0x21: {  	[tilespmem:s26], [sflag:$0x1] =	stream.indirect_vreg.gather [hbm4b:s1+s3], $0x80, v4, vm0, $0xb8;
	[tilespmem:$0x10100] =	vst v63  }
0x22: {  	v3 =	vperm.xlane v3, v2  }
0x23: {  	[tilespmem:s22], [sflag:$0x1] =	stream.indirect_vreg.gather [hbm4b:s5+s3], $0x80, v4, vm0, $0xb8;
	[tilespmem:$0x10100] =	vst v63  }
0x24: {  	v3 =	vadd.s32 v1, v3  }
0x25: {  	[tilespmem:s23], [sflag:$0x1] =	stream.indirect_vreg.gather [hbm4b:s6+s3], $0x80, v4, vm0, $0xb8;
	[tilespmem:$0x10100] =	vst v63  }
0x26: {  	_ = 	snop  }
0x27: {  	[tilespmem:s24], [sflag:$0x1] =	stream.indirect_vreg.gather [hbm4b:s7+s3], $0x80, v4, vm0, $0xb8;
	[tilespmem:$0x10100] =	vst v63  }
0x28: {  	_ = 	snop  }
0x29: {  	[tilespmem:s25], [sflag:$0x1] =	stream.indirect_vreg.gather [hbm4b:s1+s3], $0x80, v3, vm0, $0xb8;
	[tilespmem:$0x10100] =	vst v63  }
0x2a: {  	_ = 	snop  }
0x2b: {  	[tilespmem:s28], [sflag:$0x1] =	stream.indirect_vreg.gather [hbm4b:s5+s3], $0x80, v3, vm0, $0xb8;
	[tilespmem:$0x10100] =	vst v63  }
0x2c: {  	_ = 	snop  }
0x2d: {  	[tilespmem:s29], [sflag:$0x1] =	stream.indirect_vreg.gather [hbm4b:s6+s3], $0x80, v3, vm0, $0xb8;
	[tilespmem:$0x10100] =	vst v63  }
0x2e: {  	_ = 	snop  }
0x2f: {  	[tilespmem:s30], [sflag:$0x1] =	stream.indirect_vreg.gather [hbm4b:s7+s3], $0x80, v3, vm0, $0xb8;
	[tilespmem:$0x10100] =	vst v63  }
0x30: {  	v3 =	vld [tilespmem:$0x10];
	_ =	sdelay $0x4  }
0x31: {  	v53 =	vshll.u32 v3, $0x3  }
0x32: {  	v3 =	vand.u32 $0x7, v3;
	v4 =	vand.u32 $0xFFFFFFC0, v53  }
0x33: {  	v3 =	vor.u32 v3, v4  }
0x34: {  	v4 =	vperm.xlane v3, v0;
	_ =	sdelay $0x1  }
0x35: {  	v4 =	vadd.s32 v1, v4;
	_ =	sdelay $0x4  }
0x36: {  	[tilespmem:s31], [sflag:$0x1] =	stream.indirect_vreg.gather [hbm4b:s1+s3], $0x80, v4, vm0, $0xb8;
	[tilespmem:$0x10100] =	vst v63  }
0x37: {  	s2 =	simm.s32 $0x4900;
	v3 =	vperm.xlane v3, v2  }
0x38: {  	[tilespmem:s2], [sflag:$0x1] =	stream.indirect_vreg.gather [hbm4b:s5+s3], $0x80, v4, vm0, $0xb8;
	[tilespmem:$0x10100] =	vst v63  }
0x39: {  	v3 =	vadd.s32 v1, v3  }
0x3a: {  	[tilespmem:s10], [sflag:$0x1] =	stream.indirect_vreg.gather [hbm4b:s6+s3], $0x80, v4, vm0, $0xb8;
	[tilespmem:$0x10100] =	vst v63  }
0x3b: {  	_ = 	snop  }
0x3c: {  	[tilespmem:s4], [sflag:$0x1] =	stream.indirect_vreg.gather [hbm4b:s7+s3], $0x80, v4, vm0, $0xb8;
	[tilespmem:$0x10100] =	vst v63  }
0x3d: {  	_ = 	snop  }
0x3e: {  	[tilespmem:s11], [sflag:$0x1] =	stream.indirect_vreg.gather [hbm4b:s1+s3], $0x80, v3, vm0, $0xb8;
	[tilespmem:$0x10100] =	vst v63  }
0x3f: {  	_ = 	snop  }
0x40: {  	[tilespmem:s12], [sflag:$0x1] =	stream.indirect_vreg.gather [hbm4b:s5+s3], $0x80, v3, vm0, $0xb8;
	[tilespmem:$0x10100] =	vst v63  }
0x41: {  	_ = 	snop  }
0x42: {  	[tilespmem:s13], [sflag:$0x1] =	stream.indirect_vreg.gather [hbm4b:s6+s3], $0x80, v3, vm0, $0xb8;
	[tilespmem:$0x10100] =	vst v63  }
0x43: {  	_ = 	snop  }
0x44: {  	[tilespmem:s14], [sflag:$0x1] =	stream.indirect_vreg.gather [hbm4b:s7+s3], $0x80, v3, vm0, $0xb8;
	[tilespmem:$0x10100] =	vst v63  }
0x45: {  	v3 =	vld [tilespmem:$0x20];
	_ =	sdelay $0x4  }
0x46: {  	v54 =	vshll.u32 v3, $0x3  }
0x47: {  	v3 =	vand.u32 $0x7, v3;
	v4 =	vand.u32 $0xFFFFFFC0, v54  }
0x48: {  	v3 =	vor.u32 v3, v4  }
0x49: {  	v4 =	vperm.xlane v3, v0;
	_ =	sdelay $0x1  }
0x4a: {  	v4 =	vadd.s32 v1, v4;
	_ =	sdelay $0x4  }
0x4b: {  	[tilespmem:s0], [sflag:$0x2] =	stream.indirect_vreg.gather [hbm4b:s1+s3], $0x80, v4, vm0, $0xb8;
	[tilespmem:$0x10100] =	vst v63  }
0x4c: {  	v3 =	vperm.xlane v3, v2  }
0x4d: {  	[tilespmem:s15], [sflag:$0x2] =	stream.indirect_vreg.gather [hbm4b:s5+s3], $0x80, v4, vm0, $0xb8;
	[tilespmem:$0x10100] =	vst v63  }
0x4e: {  	v3 =	vadd.s32 v1, v3  }
0x4f: {  	[tilespmem:s16], [sflag:$0x2] =	stream.indirect_vreg.gather [hbm4b:s6+s3], $0x80, v4, vm0, $0xb8;
	[tilespmem:$0x10100] =	vst v63  }
0x50: {  	_ = 	snop  }
0x51: {  	[tilespmem:s17], [sflag:$0x2] =	stream.indirect_vreg.gather [hbm4b:s7+s3], $0x80, v4, vm0, $0xb8;
	[tilespmem:$0x10100] =	vst v63  }
0x52: {  	_ = 	snop  }
0x53: {  	[tilespmem:s18], [sflag:$0x2] =	stream.indirect_vreg.gather [hbm4b:s1+s3], $0x80, v3, vm0, $0xb8;
	[tilespmem:$0x10100] =	vst v63  }
0x54: {  	s21 =	simm.s32 $0xA900  }
0x55: {  	[tilespmem:s21], [sflag:$0x2] =	stream.indirect_vreg.gather [hbm4b:s5+s3], $0x80, v3, vm0, $0xb8;
	[tilespmem:$0x10100] =	vst v63  }
0x56: {  	s21 =	simm.s32 $0xB100  }
0x57: {  	[tilespmem:s21], [sflag:$0x2] =	stream.indirect_vreg.gather [hbm4b:s6+s3], $0x80, v3, vm0, $0xb8;
	[tilespmem:$0x10100] =	vst v63  }
0x58: {  	s21 =	simm.s32 $0xB900  }
0x59: {  	[tilespmem:s21], [sflag:$0x2] =	stream.indirect_vreg.gather [hbm4b:s7+s3], $0x80, v3, vm0, $0xb8;
	[tilespmem:$0x10100] =	vst v63  }
0x5a: {  	v3 =	vld [tilespmem:$0x30];
	_ =	sdelay $0x4  }
0x5b: {  	v55 =	vshll.u32 v3, $0x3  }
0x5c: {  	v3 =	vand.u32 $0x7, v3;
	v4 =	vand.u32 $0xFFFFFFC0, v55  }
0x5d: {  	v3 =	vor.u32 v3, v4  }
0x5e: {  	v4 =	vperm.xlane v3, v0;
	_ =	sdelay $0x1  }
0x5f: {  	v4 =	vadd.s32 v1, v4;
	_ =	sdelay $0x3  }
0x60: {  	s21 =	simm.s32 $0xC100  }
0x61: {  	[tilespmem:s21], [sflag:$0x2] =	stream.indirect_vreg.gather [hbm4b:s1+s3], $0x80, v4, vm0, $0xb8;
	[tilespmem:$0x10100] =	vst v63  }
0x62: {  	v3 =	vperm.xlane v3, v2;
	s21 =	simm.s32 $0xC900  }
0x63: {  	[tilespmem:s21], [sflag:$0x2] =	stream.indirect_vreg.gather [hbm4b:s5+s3], $0x80, v4, vm0, $0xb8;
	[tilespmem:$0x10100] =	vst v63  }
0x64: {  	v3 =	vadd.s32 v1, v3;
	s21 =	simm.s32 $0xD100  }
0x65: {  	[tilespmem:s21], [sflag:$0x2] =	stream.indirect_vreg.gather [hbm4b:s6+s3], $0x80, v4, vm0, $0xb8;
	[tilespmem:$0x10100] =	vst v63  }
0x66: {  	s21 =	simm.s32 $0xD900  }
0x67: {  	[tilespmem:s21], [sflag:$0x2] =	stream.indirect_vreg.gather [hbm4b:s7+s3], $0x80, v4, vm0, $0xb8;
	[tilespmem:$0x10100] =	vst v63  }
0x68: {  	s21 =	simm.s32 $0xE100  }
0x69: {  	[tilespmem:s21], [sflag:$0x2] =	stream.indirect_vreg.gather [hbm4b:s1+s3], $0x80, v3, vm0, $0xb8;
	[tilespmem:$0x10100] =	vst v63  }
0x6a: {  	s21 =	simm.s32 $0xE900  }
0x6b: {  	[tilespmem:s21], [sflag:$0x2] =	stream.indirect_vreg.gather [hbm4b:s5+s3], $0x80, v3, vm0, $0xb8;
	[tilespmem:$0x10100] =	vst v63  }
0x6c: {  	s21 =	simm.s32 $0xF100  }
0x6d: {  	[tilespmem:s21], [sflag:$0x2] =	stream.indirect_vreg.gather [hbm4b:s6+s3], $0x80, v3, vm0, $0xb8;
	[tilespmem:$0x10100] =	vst v63  }
0x6e: {  	s21 =	simm.s32 $0xF900  }
0x6f: {  	[tilespmem:s21], [sflag:$0x2] =	stream.indirect_vreg.gather [hbm4b:s7+s3], $0x80, v3, vm0, $0xb8;
	[tilespmem:$0x10100] =	vst v63  }
0x70: {  	_ =	swait.ge [sflag:s19], $0x8000  }
0x71: {  	[sflag:s19] =	ssyncset.done $0x0  }
0x72: {  	s21 =	rddreg [dreg:$0xa];
	[sflag:s19] =	ssyncadd.s32 $0xFFFF8000  }
0x73: {  	[hbm4b:s21+s3] =	stream.linear.scatter [tilespmem:s26], [sflag:$0x3], $0x8000, $0x38;
	[tilespmem:$0x10100] =	vst v63  }
0x74: {  	_ =	swait.ge [sflag:s9], $0x8000  }
0x75: {  	[sflag:s9] =	ssyncset.done $0x0  }
0x76: {  	[sflag:s9] =	ssyncadd.s32 $0xFFFF8000  }
0x77: {  	v3 =	vld [tilespmem:$0x40];
	_ =	sdelay $0x4  }
0x78: {  	v56 =	vshll.u32 v3, $0x3  }
0x79: {  	v3 =	vand.u32 $0x7, v3;
	v4 =	vand.u32 $0xFFFFFFC0, v56  }
0x7a: {  	v3 =	vor.u32 v3, v4  }
0x7b: {  	v4 =	vperm.xlane v3, v0;
	_ =	sdelay $0x1  }
0x7c: {  	v4 =	vadd.s32 v1, v4;
	_ =	sdelay $0x4  }
0x7d: {  	[tilespmem:s26], [sflag:$0x1] =	stream.indirect_vreg.gather [hbm4b:s1+s3], $0x80, v4, vm0, $0xb8;
	[tilespmem:$0x10100] =	vst v63  }
0x7e: {  	v3 =	vperm.xlane v3, v2  }
0x7f: {  	[tilespmem:s22], [sflag:$0x1] =	stream.indirect_vreg.gather [hbm4b:s5+s3], $0x80, v4, vm0, $0xb8;
	[tilespmem:$0x10100] =	vst v63  }
0x80: {  	v3 =	vadd.s32 v1, v3  }
0x81: {  	[tilespmem:s23], [sflag:$0x1] =	stream.indirect_vreg.gather [hbm4b:s6+s3], $0x80, v4, vm0, $0xb8;
	[tilespmem:$0x10100] =	vst v63  }
0x82: {  	_ = 	snop  }
0x83: {  	[tilespmem:s24], [sflag:$0x1] =	stream.indirect_vreg.gather [hbm4b:s7+s3], $0x80, v4, vm0, $0xb8;
	[tilespmem:$0x10100] =	vst v63  }
0x84: {  	_ = 	snop  }
0x85: {  	[tilespmem:s25], [sflag:$0x1] =	stream.indirect_vreg.gather [hbm4b:s1+s3], $0x80, v3, vm0, $0xb8;
	[tilespmem:$0x10100] =	vst v63  }
0x86: {  	_ = 	snop  }
0x87: {  	[tilespmem:s28], [sflag:$0x1] =	stream.indirect_vreg.gather [hbm4b:s5+s3], $0x80, v3, vm0, $0xb8;
	[tilespmem:$0x10100] =	vst v63  }
0x88: {  	_ = 	snop  }
0x89: {  	[tilespmem:s29], [sflag:$0x1] =	stream.indirect_vreg.gather [hbm4b:s6+s3], $0x80, v3, vm0, $0xb8;
	[tilespmem:$0x10100] =	vst v63  }
0x8a: {  	_ = 	snop  }
0x8b: {  	[tilespmem:s30], [sflag:$0x1] =	stream.indirect_vreg.gather [hbm4b:s7+s3], $0x80, v3, vm0, $0xb8;
	[tilespmem:$0x10100] =	vst v63  }
0x8c: {  	v3 =	vld [tilespmem:$0x50];
	_ =	sdelay $0x4  }
0x8d: {  	v57 =	vshll.u32 v3, $0x3  }
0x8e: {  	v3 =	vand.u32 $0x7, v3;
	v4 =	vand.u32 $0xFFFFFFC0, v57  }
0x8f: {  	v3 =	vor.u32 v3, v4  }
0x90: {  	v4 =	vperm.xlane v3, v0;
	_ =	sdelay $0x1  }
0x91: {  	v4 =	vadd.s32 v1, v4;
	_ =	sdelay $0x4  }
0x92: {  	[tilespmem:s31], [sflag:$0x1] =	stream.indirect_vreg.gather [hbm4b:s1+s3], $0x80, v4, vm0, $0xb8;
	[tilespmem:$0x10100] =	vst v63  }
0x93: {  	v3 =	vperm.xlane v3, v2  }
0x94: {  	[tilespmem:s2], [sflag:$0x1] =	stream.indirect_vreg.gather [hbm4b:s5+s3], $0x80, v4, vm0, $0xb8;
	[tilespmem:$0x10100] =	vst v63  }
0x95: {  	v3 =	vadd.s32 v1, v3  }
0x96: {  	[tilespmem:s10], [sflag:$0x1] =	stream.indirect_vreg.gather [hbm4b:s6+s3], $0x80, v4, vm0, $0xb8;
	[tilespmem:$0x10100] =	vst v63  }
0x97: {  	_ = 	snop  }
0x98: {  	[tilespmem:s4], [sflag:$0x1] =	stream.indirect_vreg.gather [hbm4b:s7+s3], $0x80, v4, vm0, $0xb8;
	[tilespmem:$0x10100] =	vst v63  }
0x99: {  	_ = 	snop  }
0x9a: {  	[tilespmem:s11], [sflag:$0x1] =	stream.indirect_vreg.gather [hbm4b:s1+s3], $0x80, v3, vm0, $0xb8;
	[tilespmem:$0x10100] =	vst v63  }
0x9b: {  	_ = 	snop  }
0x9c: {  	[tilespmem:s12], [sflag:$0x1] =	stream.indirect_vreg.gather [hbm4b:s5+s3], $0x80, v3, vm0, $0xb8;
	[tilespmem:$0x10100] =	vst v63  }
0x9d: {  	_ = 	snop  }
0x9e: {  	[tilespmem:s13], [sflag:$0x1] =	stream.indirect_vreg.gather [hbm4b:s6+s3], $0x80, v3, vm0, $0xb8;
	[tilespmem:$0x10100] =	vst v63  }
0x9f: {  	_ = 	snop  }
0xa0: {  	[tilespmem:s14], [sflag:$0x1] =	stream.indirect_vreg.gather [hbm4b:s7+s3], $0x80, v3, vm0, $0xb8;
	[tilespmem:$0x10100] =	vst v63  }
0xa1: {  	_ =	swait.ge [sflag:s20], $0x8000  }
0xa2: {  	[sflag:s20] =	ssyncset.done $0x0  }
0xa3: {  	s21 =	rddreg [dreg:$0x5];
	[sflag:s20] =	ssyncadd.s32 $0xFFFF8000  }
0xa4: {  	[hbm4b:s21+s3] =	stream.linear.scatter [tilespmem:s0], [sflag:$0x3], $0x8000, $0x38;
	[tilespmem:$0x10100] =	vst v63  }
0xa5: {  	_ =	swait.ge [sflag:s9], $0x8000  }
0xa6: {  	[sflag:s9] =	ssyncset.done $0x0  }
0xa7: {  	[sflag:s9] =	ssyncadd.s32 $0xFFFF8000  }
0xa8: {  	v3 =	vld [tilespmem:$0x60];
	_ =	sdelay $0x4  }
0xa9: {  	v58 =	vshll.u32 v3, $0x3  }
0xaa: {  	v3 =	vand.u32 $0x7, v3;
	v4 =	vand.u32 $0xFFFFFFC0, v58  }
0xab: {  	v3 =	vor.u32 v3, v4  }
0xac: {  	v4 =	vperm.xlane v3, v0;
	_ =	sdelay $0x1  }
0xad: {  	v4 =	vadd.s32 v1, v4;
	_ =	sdelay $0x4  }
0xae: {  	[tilespmem:s0], [sflag:$0x2] =	stream.indirect_vreg.gather [hbm4b:s1+s3], $0x80, v4, vm0, $0xb8;
	[tilespmem:$0x10100] =	vst v63  }
0xaf: {  	v3 =	vperm.xlane v3, v2  }
0xb0: {  	[tilespmem:s15], [sflag:$0x2] =	stream.indirect_vreg.gather [hbm4b:s5+s3], $0x80, v4, vm0, $0xb8;
	[tilespmem:$0x10100] =	vst v63  }
0xb1: {  	v3 =	vadd.s32 v1, v3  }
0xb2: {  	[tilespmem:s16], [sflag:$0x2] =	stream.indirect_vreg.gather [hbm4b:s6+s3], $0x80, v4, vm0, $0xb8;
	[tilespmem:$0x10100] =	vst v63  }
0xb3: {  	_ = 	snop  }
0xb4: {  	[tilespmem:s17], [sflag:$0x2] =	stream.indirect_vreg.gather [hbm4b:s7+s3], $0x80, v4, vm0, $0xb8;
	[tilespmem:$0x10100] =	vst v63  }
0xb5: {  	_ = 	snop  }
0xb6: {  	[tilespmem:s18], [sflag:$0x2] =	stream.indirect_vreg.gather [hbm4b:s1+s3], $0x80, v3, vm0, $0xb8;
	[tilespmem:$0x10100] =	vst v63  }
0xb7: {  	s21 =	simm.s32 $0xA900  }
0xb8: {  	[tilespmem:s21], [sflag:$0x2] =	stream.indirect_vreg.gather [hbm4b:s5+s3], $0x80, v3, vm0, $0xb8;
	[tilespmem:$0x10100] =	vst v63  }
0xb9: {  	s21 =	simm.s32 $0xB100  }
0xba: {  	[tilespmem:s21], [sflag:$0x2] =	stream.indirect_vreg.gather [hbm4b:s6+s3], $0x80, v3, vm0, $0xb8;
	[tilespmem:$0x10100] =	vst v63  }
0xbb: {  	s21 =	simm.s32 $0xB900  }
0xbc: {  	[tilespmem:s21], [sflag:$0x2] =	stream.indirect_vreg.gather [hbm4b:s7+s3], $0x80, v3, vm0, $0xb8;
	[tilespmem:$0x10100] =	vst v63  }
0xbd: {  	v3 =	vld [tilespmem:$0x70];
	_ =	sdelay $0x4  }
0xbe: {  	v59 =	vshll.u32 v3, $0x3  }
0xbf: {  	v3 =	vand.u32 $0x7, v3;
	v4 =	vand.u32 $0xFFFFFFC0, v59  }
0xc0: {  	v3 =	vor.u32 v3, v4  }
0xc1: {  	v4 =	vperm.xlane v3, v0;
	_ =	sdelay $0x1  }
0xc2: {  	v4 =	vadd.s32 v1, v4;
	_ =	sdelay $0x3  }
0xc3: {  	s21 =	simm.s32 $0xC100  }
0xc4: {  	[tilespmem:s21], [sflag:$0x2] =	stream.indirect_vreg.gather [hbm4b:s1+s3], $0x80, v4, vm0, $0xb8;
	[tilespmem:$0x10100] =	vst v63  }
0xc5: {  	v3 =	vperm.xlane v3, v2;
	s21 =	simm.s32 $0xC900  }
0xc6: {  	[tilespmem:s21], [sflag:$0x2] =	stream.indirect_vreg.gather [hbm4b:s5+s3], $0x80, v4, vm0, $0xb8;
	[tilespmem:$0x10100] =	vst v63  }
0xc7: {  	v3 =	vadd.s32 v1, v3;
	s21 =	simm.s32 $0xD100  }
0xc8: {  	[tilespmem:s21], [sflag:$0x2] =	stream.indirect_vreg.gather [hbm4b:s6+s3], $0x80, v4, vm0, $0xb8;
	[tilespmem:$0x10100] =	vst v63  }
0xc9: {  	s21 =	simm.s32 $0xD900  }
0xca: {  	[tilespmem:s21], [sflag:$0x2] =	stream.indirect_vreg.gather [hbm4b:s7+s3], $0x80, v4, vm0, $0xb8;
	[tilespmem:$0x10100] =	vst v63  }
0xcb: {  	s21 =	simm.s32 $0xE100  }
0xcc: {  	[tilespmem:s21], [sflag:$0x2] =	stream.indirect_vreg.gather [hbm4b:s1+s3], $0x80, v3, vm0, $0xb8;
	[tilespmem:$0x10100] =	vst v63  }
0xcd: {  	s21 =	simm.s32 $0xE900  }
0xce: {  	[tilespmem:s21], [sflag:$0x2] =	stream.indirect_vreg.gather [hbm4b:s5+s3], $0x80, v3, vm0, $0xb8;
	[tilespmem:$0x10100] =	vst v63  }
0xcf: {  	s21 =	simm.s32 $0xF100  }
0xd0: {  	[tilespmem:s21], [sflag:$0x2] =	stream.indirect_vreg.gather [hbm4b:s6+s3], $0x80, v3, vm0, $0xb8;
	[tilespmem:$0x10100] =	vst v63  }
0xd1: {  	s21 =	simm.s32 $0xF900  }
0xd2: {  	[tilespmem:s21], [sflag:$0x2] =	stream.indirect_vreg.gather [hbm4b:s7+s3], $0x80, v3, vm0, $0xb8;
	[tilespmem:$0x10100] =	vst v63  }
0xd3: {  	_ =	swait.ge [sflag:s19], $0x8000  }
0xd4: {  	[sflag:s19] =	ssyncset.done $0x0  }
0xd5: {  	s21 =	rddreg [dreg:$0x6];
	[sflag:s19] =	ssyncadd.s32 $0xFFFF8000  }
0xd6: {  	[hbm4b:s21+s3] =	stream.linear.scatter [tilespmem:s26], [sflag:$0x3], $0x8000, $0x38;
	[tilespmem:$0x10100] =	vst v63  }
0xd7: {  	_ =	swait.ge [sflag:s9], $0x8000  }
0xd8: {  	[sflag:s9] =	ssyncset.done $0x0  }
0xd9: {  	[sflag:s9] =	ssyncadd.s32 $0xFFFF8000  }
0xda: {  	v3 =	vld [tilespmem:$0x80];
	_ =	sdelay $0x4  }
0xdb: {  	v60 =	vshll.u32 v3, $0x3  }
0xdc: {  	v3 =	vand.u32 $0x7, v3;
	v4 =	vand.u32 $0xFFFFFFC0, v60  }
0xdd: {  	v3 =	vor.u32 v3, v4  }
0xde: {  	v4 =	vperm.xlane v3, v0;
	_ =	sdelay $0x1  }
0xdf: {  	v4 =	vadd.s32 v1, v4;
	_ =	sdelay $0x4  }
0xe0: {  	[tilespmem:s26], [sflag:$0x1] =	stream.indirect_vreg.gather [hbm4b:s1+s3], $0x80, v4, vm0, $0xb8;
	[tilespmem:$0x10100] =	vst v63  }
0xe1: {  	v3 =	vperm.xlane v3, v2  }
0xe2: {  	[tilespmem:s22], [sflag:$0x1] =	stream.indirect_vreg.gather [hbm4b:s5+s3], $0x80, v4, vm0, $0xb8;
	[tilespmem:$0x10100] =	vst v63  }
0xe3: {  	v3 =	vadd.s32 v1, v3  }
0xe4: {  	[tilespmem:s23], [sflag:$0x1] =	stream.indirect_vreg.gather [hbm4b:s6+s3], $0x80, v4, vm0, $0xb8;
	[tilespmem:$0x10100] =	vst v63  }
0xe5: {  	_ = 	snop  }
0xe6: {  	[tilespmem:s24], [sflag:$0x1] =	stream.indirect_vreg.gather [hbm4b:s7+s3], $0x80, v4, vm0, $0xb8;
	[tilespmem:$0x10100] =	vst v63  }
0xe7: {  	_ = 	snop  }
0xe8: {  	[tilespmem:s25], [sflag:$0x1] =	stream.indirect_vreg.gather [hbm4b:s1+s3], $0x80, v3, vm0, $0xb8;
	[tilespmem:$0x10100] =	vst v63  }
0xe9: {  	_ = 	snop  }
0xea: {  	[tilespmem:s28], [sflag:$0x1] =	stream.indirect_vreg.gather [hbm4b:s5+s3], $0x80, v3, vm0, $0xb8;
	[tilespmem:$0x10100] =	vst v63  }
0xeb: {  	_ = 	snop  }
0xec: {  	[tilespmem:s29], [sflag:$0x1] =	stream.indirect_vreg.gather [hbm4b:s6+s3], $0x80, v3, vm0, $0xb8;
	[tilespmem:$0x10100] =	vst v63  }
0xed: {  	_ = 	snop  }
0xee: {  	[tilespmem:s30], [sflag:$0x1] =	stream.indirect_vreg.gather [hbm4b:s7+s3], $0x80, v3, vm0, $0xb8;
	[tilespmem:$0x10100] =	vst v63  }
0xef: {  	v3 =	vld [tilespmem:$0x90];
	_ =	sdelay $0x4  }
0xf0: {  	v61 =	vshll.u32 v3, $0x3  }
0xf1: {  	v3 =	vand.u32 $0x7, v3;
	v4 =	vand.u32 $0xFFFFFFC0, v61  }
0xf2: {  	v3 =	vor.u32 v3, v4  }
0xf3: {  	v4 =	vperm.xlane v3, v0;
	_ =	sdelay $0x1  }
0xf4: {  	v4 =	vadd.s32 v1, v4;
	_ =	sdelay $0x4  }
0xf5: {  	[tilespmem:s31], [sflag:$0x1] =	stream.indirect_vreg.gather [hbm4b:s1+s3], $0x80, v4, vm0, $0xb8;
	[tilespmem:$0x10100] =	vst v63  }
0xf6: {  	v3 =	vperm.xlane v3, v2  }
0xf7: {  	[tilespmem:s2], [sflag:$0x1] =	stream.indirect_vreg.gather [hbm4b:s5+s3], $0x80, v4, vm0, $0xb8;
	[tilespmem:$0x10100] =	vst v63  }
0xf8: {  	v3 =	vadd.s32 v1, v3  }
0xf9: {  	[tilespmem:s10], [sflag:$0x1] =	stream.indirect_vreg.gather [hbm4b:s6+s3], $0x80, v4, vm0, $0xb8;
	[tilespmem:$0x10100] =	vst v63  }
0xfa: {  	_ = 	snop  }
0xfb: {  	[tilespmem:s4], [sflag:$0x1] =	stream.indirect_vreg.gather [hbm4b:s7+s3], $0x80, v4, vm0, $0xb8;
	[tilespmem:$0x10100] =	vst v63  }
0xfc: {  	_ = 	snop  }
0xfd: {  	[tilespmem:s11], [sflag:$0x1] =	stream.indirect_vreg.gather [hbm4b:s1+s3], $0x80, v3, vm0, $0xb8;
	[tilespmem:$0x10100] =	vst v63  }
0xfe: {  	_ = 	snop  }
0xff: {  	[tilespmem:s12], [sflag:$0x1] =	stream.indirect_vreg.gather [hbm4b:s5+s3], $0x80, v3, vm0, $0xb8;
	[tilespmem:$0x10100] =	vst v63  }
0x100: {  	_ = 	snop  }
0x101: {  	[tilespmem:s13], [sflag:$0x1] =	stream.indirect_vreg.gather [hbm4b:s6+s3], $0x80, v3, vm0, $0xb8;
	[tilespmem:$0x10100] =	vst v63  }
0x102: {  	_ = 	snop  }
0x103: {  	[tilespmem:s14], [sflag:$0x1] =	stream.indirect_vreg.gather [hbm4b:s7+s3], $0x80, v3, vm0, $0xb8;
	[tilespmem:$0x10100] =	vst v63  }
0x104: {  	_ =	swait.ge [sflag:s20], $0x8000  }
0x105: {  	[sflag:s20] =	ssyncset.done $0x0  }
0x106: {  	s2 =	rddreg [dreg:$0x7];
	[sflag:s20] =	ssyncadd.s32 $0xFFFF8000  }
0x107: {  	[hbm4b:s2+s3] =	stream.linear.scatter [tilespmem:s0], [sflag:$0x3], $0x8000, $0x38;
	[tilespmem:$0x10100] =	vst v63  }
0x108: {  	_ =	swait.ge [sflag:s9], $0x8000  }
0x109: {  	[sflag:s9] =	ssyncset.done $0x0  }
0x10a: {  	[sflag:s9] =	ssyncadd.s32 $0xFFFF8000  }
0x10b: {  	v3 =	vld [tilespmem:$0xA0];
	_ =	sdelay $0x4  }
0x10c: {  	v62 =	vshll.u32 v3, $0x3  }
0x10d: {  	v3 =	vand.u32 $0x7, v3;
	v4 =	vand.u32 $0xFFFFFFC0, v62  }
0x10e: {  	v3 =	vor.u32 v3, v4  }
0x10f: {  	v4 =	vperm.xlane v3, v0;
	_ =	sdelay $0x1  }
0x110: {  	v4 =	vadd.s32 v1, v4;
	_ =	sdelay $0x4  }
0x111: {  	[tilespmem:s0], [sflag:$0x2] =	stream.indirect_vreg.gather [hbm4b:s1+s3], $0x80, v4, vm0, $0xb8;
	[tilespmem:$0x10100] =	vst v63  }
0x112: {  	v3 =	vperm.xlane v3, v2  }
0x113: {  	[tilespmem:s15], [sflag:$0x2] =	stream.indirect_vreg.gather [hbm4b:s5+s3], $0x80, v4, vm0, $0xb8;
	[tilespmem:$0x10100] =	vst v63  }
0x114: {  	v3 =	vadd.s32 v1, v3  }
0x115: {  	[tilespmem:s16], [sflag:$0x2] =	stream.indirect_vreg.gather [hbm4b:s6+s3], $0x80, v4, vm0, $0xb8;
	[tilespmem:$0x10100] =	vst v63  }
0x116: {  	_ = 	snop  }
0x117: {  	[tilespmem:s17], [sflag:$0x2] =	stream.indirect_vreg.gather [hbm4b:s7+s3], $0x80, v4, vm0, $0xb8;
	[tilespmem:$0x10100] =	vst v63  }
0x118: {  	_ = 	snop  }
0x119: {  	[tilespmem:s18], [sflag:$0x2] =	stream.indirect_vreg.gather [hbm4b:s1+s3], $0x80, v3, vm0, $0xb8;
	[tilespmem:$0x10100] =	vst v63  }
0x11a: {  	s21 =	simm.s32 $0xA900  }
0x11b: {  	[tilespmem:s21], [sflag:$0x2] =	stream.indirect_vreg.gather [hbm4b:s5+s3], $0x80, v3, vm0, $0xb8;
	[tilespmem:$0x10100] =	vst v63  }
0x11c: {  	s21 =	simm.s32 $0xB100  }
0x11d: {  	[tilespmem:s21], [sflag:$0x2] =	stream.indirect_vreg.gather [hbm4b:s6+s3], $0x80, v3, vm0, $0xb8;
	[tilespmem:$0x10100] =	vst v63  }
0x11e: {  	s21 =	simm.s32 $0xB900  }
0x11f: {  	[tilespmem:s21], [sflag:$0x2] =	stream.indirect_vreg.gather [hbm4b:s7+s3], $0x80, v3, vm0, $0xb8;
	[tilespmem:$0x10100] =	vst v63  }
0x120: {  	v3 =	vld [tilespmem:$0xB0];
	_ =	sdelay $0x4  }
0x121: {  	v63 =	vshll.u32 v3, $0x3  }
0x122: {  	v3 =	vand.u32 $0x7, v3;
	v4 =	vand.u32 $0xFFFFFFC0, v63  }
0x123: {  	v3 =	vor.u32 v3, v4  }
0x124: {  	v4 =	vperm.xlane v3, v0;
	_ =	sdelay $0x1  }
0x125: {  	v4 =	vadd.s32 v1, v4;
	_ =	sdelay $0x3  }
0x126: {  	s21 =	simm.s32 $0xC100  }
0x127: {  	[tilespmem:s21], [sflag:$0x2] =	stream.indirect_vreg.gather [hbm4b:s1+s3], $0x80, v4, vm0, $0xb8;
	[tilespmem:$0x10100] =	vst v63  }
0x128: {  	v3 =	vperm.xlane v3, v2;
	s21 =	simm.s32 $0xC900  }
0x129: {  	[tilespmem:s21], [sflag:$0x2] =	stream.indirect_vreg.gather [hbm4b:s5+s3], $0x80, v4, vm0, $0xb8;
	[tilespmem:$0x10100] =	vst v63  }
0x12a: {  	v3 =	vadd.s32 v1, v3;
	s21 =	simm.s32 $0xD100  }
0x12b: {  	[tilespmem:s21], [sflag:$0x2] =	stream.indirect_vreg.gather [hbm4b:s6+s3], $0x80, v4, vm0, $0xb8;
	[tilespmem:$0x10100] =	vst v63  }
0x12c: {  	s21 =	simm.s32 $0xD900  }
0x12d: {  	[tilespmem:s21], [sflag:$0x2] =	stream.indirect_vreg.gather [hbm4b:s7+s3], $0x80, v4, vm0, $0xb8;
	[tilespmem:$0x10100] =	vst v63  }
0x12e: {  	s21 =	simm.s32 $0xE100  }
0x12f: {  	[tilespmem:s21], [sflag:$0x2] =	stream.indirect_vreg.gather [hbm4b:s1+s3], $0x80, v3, vm0, $0xb8;
	[tilespmem:$0x10100] =	vst v63  }
0x130: {  	s21 =	simm.s32 $0xE900  }
0x131: {  	[tilespmem:s21], [sflag:$0x2] =	stream.indirect_vreg.gather [hbm4b:s5+s3], $0x80, v3, vm0, $0xb8;
	[tilespmem:$0x10100] =	vst v63  }
0x132: {  	s21 =	simm.s32 $0xF100  }
0x133: {  	[tilespmem:s21], [sflag:$0x2] =	stream.indirect_vreg.gather [hbm4b:s6+s3], $0x80, v3, vm0, $0xb8;
	[tilespmem:$0x10100] =	vst v63  }
0x134: {  	s21 =	simm.s32 $0xF900  }
0x135: {  	[tilespmem:s21], [sflag:$0x2] =	stream.indirect_vreg.gather [hbm4b:s7+s3], $0x80, v3, vm0, $0xb8;
	[tilespmem:$0x10100] =	vst v63  }
0x136: {  	_ =	swait.ge [sflag:s19], $0x8000  }
0x137: {  	[sflag:s19] =	ssyncset.done $0x0  }
0x138: {  	s2 =	rddreg [dreg:$0x8];
	[sflag:s19] =	ssyncadd.s32 $0xFFFF8000  }
0x139: {  	[hbm4b:s2+s3] =	stream.linear.scatter [tilespmem:s26], [sflag:$0x3], $0x8000, $0x38;
	[tilespmem:$0x10100] =	vst v63  }
0x13a: {  	_ =	swait.ge [sflag:s9], $0x8000  }
0x13b: {  	[sflag:s9] =	ssyncset.done $0x0  }
0x13c: {  	[sflag:s9] =	ssyncadd.s32 $0xFFFF8000  }
0x13d: {  	_ =	swait.ge [sflag:s20], $0x8000  }
0x13e: {  	p0 =	sne.s32 s8, $0x1;
	[sflag:s20] =	ssyncset.done $0x0  }
.Ltmp0:
0x13f: {  	s2 =	rddreg [dreg:$0x9];
	[sflag:s20] =	ssyncadd.s32 $0xFFFF8000;
	(pc) =	sbr.rel @p0 .LBB2_1-.Ltmp0, $4  }
0x140: {  	[hbm4b:s2+s3] =	stream.linear.scatter [tilespmem:s0], [sflag:$0x3], $0x8000, $0x38;
	[tilespmem:$0x10100] =	vst v63  }
0x141: {  	_ =	swait.ge [sflag:s9], $0x8000  }
0x142: {  	[sflag:s9] =	ssyncset.done $0x0  }
0x143: {  	s8 =	sadd.s32 $0xFFFFFFFF, s8;
	[sflag:s9] =	ssyncadd.s32 $0xFFFF8000  }
0x144: {  	_ =	sfence.sel $0x180000  }
0x145: {  	[bflag:$0x0] =	sbarrier.arrive $0xFFFF  }
0x146: {  	_ =	strace $0x90000047  }
0x147: {  	s0 =	stileid.u32;
	[bflag:$0x2] =	sbarrier.arrive $0xFFFF  }
0x148: {  	p0 =	sne.s32 s0, $0x0;
	s0 =	rddreg [dreg:$0x3]  }
0x149: {  	s0 =	sadd.s32 @!p0 $0x100000, s0  }
0x14a: {  	[sflag:s0] =	ssyncadd.tile.s32 @!p0 $0x1;
	_ =	shalt  }
.Lfunc_end2:
_tile_overlayer_lowered:
.L_overlay_start_2:
0x14b: {  	(tag) =	ssettag $0x2  }
0x14c: {  	s0 =	rddreg [dreg:$0x0];
	s2 =	stileid.u32  }
0x14d: {  	s1 =	rddreg [dreg:$0x1];
	p0 =	sne.s32 s2, $0x0  }
0x14e: {  	s3 =	rddreg [dreg:$0x2];
	[bflag:$0x3] =	sbarrier.arrive $0xFFFF;
	s2 =	simm.s32 @!p0 $0x1C03  }
0x14f: {  	[timem:s3], [sflag:s2] =	dma.local @!p0 [hbm:s0], s1  }
0x150: {  	s0 =	simm.s32 @!p0 $0x3  }
0x151: {  	_ =	swait.ge @!p0 [sflag:s0], s1  }
0x152: {  	s1 =	ssub.s32 @!p0 $0x0, s1;
	[sflag:s0] =	ssyncset.done @!p0 $0x0  }
0x153: {  	[sflag:s0] =	ssyncadd.s32 @!p0 s1  }
0x154: {  	[bflag:$0x3] =	sbarrier.arrive $0xFFFF  }
0x155: {  	_ =	shalt  }

// kernel: kernel.19.cloned.1.call-start
scs
__scs_entry_jumppad:
0x0: {  	(pc) =	sbr.rel $0x88, $3  }
0x1: {  	(tag) =	ssettag $0x0;
	lr =	simm.s32 $0x1  }
0x2: {  	[smem:$0x3F97] =	sst lr;
	_ =	strace $0xD0000000  }
0x3: {  	_ = 	snop  }
0x4: {  	_ = 	snop  }
0x5: {  	_ = 	snop  }
0x6: {  	_ = 	snop  }
0x7: {  	_ = 	snop  }
__scs_overlays_trampoline_lowered:
0x8: {  	[smem:$0x3FA6] =	sst s0  }
0x9: {  	[smem:$0x3FA7] =	sst s1  }
0xa: {  	[smem:$0x3FA8] =	sst s2  }
0xb: {  	[smem:$0x3FA9] =	sst s3  }
0xc: {  	[smem:$0x3FAA] =	sst s4  }
0xd: {  	[smem:$0x3FAB] =	sst s5  }
0xe: {  	[smem:$0x3FAC] =	sst s6  }
0xf: {  	[smem:$0x3FAD] =	sst s7  }
0x10: {  	[smem:$0x3FAE] =	sst s8  }
0x11: {  	[smem:$0x3FAF] =	sst s9;
	s0 =	simm.s32 @!p0 $0x0  }
0x12: {  	s1 =	sld [smem:$0x3F95];
	s0 =	simm.s32 @p0 $0x1  }
0x13: {  	[smem:$0x3FB0] =	sst s0;
	s0 =	simm.s32 @!p1 $0x0  }
0x14: {  	s2 =	sld [smem:$0x3F94];
	s0 =	simm.s32 @p1 $0x1  }
0x15: {  	[smem:$0x3FB1] =	sst s0;
	s0 =	simm.s32 @!p2 $0x0  }
0x16: {  	s3 =	sld [smem:$0x3FDB];
	s0 =	simm.s32 @p2 $0x1  }
0x17: {  	s4 =	simm.s32 $0x1BF5;
	[smem:$0x3FB3] =	sst s0  }
0x18: {  	s0 =	sld [smem:$0x3F96];
	_ =	swait.ge [sflag:s4], $0x0  }
0x19: {  	s7 =	sld [smem:$0x3F97]  }
0x1a: {  	s8 =	sadd.s32 $0xFFFFE003, lr  }
0x1b: {  	s9 =	sadd.s32 $0xFFFFFEF7, lr;
	s5 =	simm.s32 $0xFFFFFFFF;
	p2 =	slt.u32 s8, $0xFFFFF086  }
0x1c: {  	p1 =	slt.u32 s9, $0xF7A;
	s5 =	simm.s32 @!p2 $0x0  }
0x1d: {  	s5 =	simm.s32 @p1 $0x1;
	p0 =	seq.s32 s7, s2  }
0x1e: {  	s7 =	smul.u32 @!p0 $0xF7A, s2;
	p2 =	seq.s32 @!p0 s5, $0x0  }
0x1f: {  	s9 =	smul.u32 $0xF7A, s1;
	s8 =	simm.s32 @!p0 $0x1BF5;
	p2 =	por !p2, p0  }
0x20: {  	[sflag:s8] =	ssyncset.s32 @!p0 $0xFFFFF086;
	s6 =	sadd.s32 @!p0 s3, s7;
	s7 =	simm.s32 @!p0 $0x108  }
0x21: {  	s3 =	sadd.s32 s3, s9;
	s6 =	sadd.s32 @!p0 $0x88, s6;
	s7 =	simm.s32 @p2 $0x1082  }
0x22: {  	[simem:s7], [sflag:s8] =	dma.local @!p0 [hbm:s6], $0xF7A  }
0x23: {  	s9 =	sor.u32 $0xD0000000, s2;
	s6 =	simm.s32 $0x108;
	_ =	swait.ge @!p0 [sflag:s8], $0x0  }
0x24: {  	s3 =	sadd.s32 $0x88, s3;
	s6 =	simm.s32 @!p1 $0x1082;
	[sflag:s4] =	ssyncset.s32 $0xFFFFF086  }
0x25: {  	[simem:s6], [sflag:s4] =	dma.local [hbm:s3], $0xF7A  }
0x26: {  	[smem:$0x3F97] =	sst s1;
	(tag) =	ssettag s2;
	_ =	strace s9  }
0x27: {  	s1 =	sld [smem:$0x3FA7]  }
0x28: {  	s2 =	sld [smem:$0x3FA8]  }
0x29: {  	s4 =	sld [smem:$0x3FAA]  }
0x2a: {  	p0 =	seq.s32 s5, $0x0;
	s5 =	sld [smem:$0x3FAB]  }
0x2b: {  	s6 =	sld [smem:$0x3FAC]  }
0x2c: {  	s7 =	sld [smem:$0x3FAD]  }
0x2d: {  	s3 =	simm.s32 $0x108;
	s8 =	sld [smem:$0x3FAE]  }
0x2e: {  	s3 =	simm.s32 @!p0 $0x1082;
	s9 =	sld [smem:$0x3FAF]  }
0x2f: {  	lr =	sadd.s32 s0, s3;
	s0 =	sld [smem:$0x3FA6]  }
0x30: {  	s3 =	sld [smem:$0x3FA9]  }
0x31: {  	[smem:$0x3FB2] =	sst s10  }
0x32: {  	s10 =	sld [smem:$0x3FB0];
	_ =	sdelay $0x3  }
0x33: {  	p0 =	seq.s32 s10, $0x1;
	s10 =	sld [smem:$0x3FB2];
	_ =	sdelay $0x3  }
0x34: {  	[smem:$0x3FB2] =	sst s10  }
0x35: {  	s10 =	sld [smem:$0x3FB1];
	_ =	sdelay $0x3  }
0x36: {  	p1 =	seq.s32 s10, $0x1;
	s10 =	sld [smem:$0x3FB2];
	_ =	sdelay $0x3  }
0x37: {  	[smem:$0x3FB2] =	sst s10  }
0x38: {  	s10 =	sld [smem:$0x3FB3]  }
0x39: {  	_ = 	snop;
	(pc) =	sbr.ind lr, $3  }
0x3a: {  	_ = 	snop  }
0x3b: {  	_ = 	snop  }
0x3c: {  	p2 =	seq.s32 s10, $0x1;
	s10 =	sld [smem:$0x3FB2]  }
0x3d: {  	_ =	shalt  }
0x3e: {  	_ =	shalt  }
0x3f: {  	_ =	shalt  }
0x40: {  	_ =	shalt  }
0x41: {  	_ =	shalt  }
0x42: {  	_ =	shalt  }
0x43: {  	_ =	shalt  }
0x44: {  	_ =	shalt  }
0x45: {  	_ =	shalt  }
0x46: {  	_ =	shalt  }
0x47: {  	_ =	shalt  }
0x48: {  	_ =	shalt  }
0x49: {  	_ =	shalt  }
0x4a: {  	_ =	shalt  }
0x4b: {  	_ =	shalt  }
0x4c: {  	_ =	shalt  }
0x4d: {  	_ =	shalt  }
0x4e: {  	_ =	shalt  }
0x4f: {  	_ =	shalt  }
0x50: {  	_ =	shalt  }
0x51: {  	_ =	shalt  }
0x52: {  	_ =	shalt  }
0x53: {  	_ =	shalt  }
0x54: {  	_ =	shalt  }
0x55: {  	_ =	shalt  }
0x56: {  	_ =	shalt  }
0x57: {  	_ =	shalt  }
0x58: {  	_ =	shalt  }
0x59: {  	_ =	shalt  }
0x5a: {  	_ =	shalt  }
0x5b: {  	_ =	shalt  }
0x5c: {  	_ =	shalt  }
0x5d: {  	_ =	shalt  }
0x5e: {  	_ =	shalt  }
0x5f: {  	_ =	shalt  }
0x60: {  	_ =	shalt  }
0x61: {  	_ =	shalt  }
0x62: {  	_ =	shalt  }
0x63: {  	_ =	shalt  }
0x64: {  	_ =	shalt  }
0x65: {  	_ =	shalt  }
0x66: {  	_ =	shalt  }
0x67: {  	_ =	shalt  }
0x68: {  	_ =	shalt  }
0x69: {  	_ =	shalt  }
0x6a: {  	_ =	shalt  }
0x6b: {  	_ =	shalt  }
0x6c: {  	_ =	shalt  }
0x6d: {  	_ =	shalt  }
0x6e: {  	_ =	shalt  }
0x6f: {  	_ =	shalt  }
0x70: {  	_ =	shalt  }
0x71: {  	_ =	shalt  }
0x72: {  	_ =	shalt  }
0x73: {  	_ =	shalt  }
0x74: {  	_ =	shalt  }
0x75: {  	_ =	shalt  }
0x76: {  	_ =	shalt  }
0x77: {  	_ =	shalt  }
0x78: {  	_ =	shalt  }
0x79: {  	_ =	shalt  }
0x7a: {  	_ =	shalt  }
0x7b: {  	_ =	shalt  }
0x7c: {  	_ =	shalt  }
0x7d: {  	_ =	shalt  }
0x7e: {  	_ =	shalt  }
0x7f: {  	_ =	shalt  }
0x80: {  	_ =	shalt  }
0x81: {  	_ =	shalt  }
0x82: {  	_ =	shalt  }
0x83: {  	_ =	shalt  }
0x84: {  	_ =	shalt  }
0x85: {  	_ =	shalt  }
0x86: {  	_ =	shalt  }
0x87: {  	_ =	shalt  }
.Lfunc_end0:
.L_simem_size_0:
called_computation.1_lowered:
.L_overlay_start_0:
0x88: {  	s2 =	sld [smem:$0x3FD9]  }
0x89: {  	s3 =	sld [smem:$0x3FFE];
	_ =	sdelay $0x1  }
0x8a: {  	s1 =	srdreg.scid  }
0x8b: {  	s0 =	sand.u32 $0x1, s1  }
0x8c: {  	s16 =	sshll.u32 s0, $0xA;
	s2 =	sadd.s32 s3, s2  }
0x8d: {  	s2 =	sadd.s32 s2, s16  }
0x8e: {  	[smem:$0x3FBE] =	sst s2  }
0x8f: {  	_ = 	snop  }
0x90: {  	(tm) =	ssettm $0x1  }
0x91: {  	s17 =	sld [smem:$0x3FFB];
	_ =	sdelay $0x3  }
0x92: {  	_ =	strace s17  }
0x93: {  	s2 =	sld [smem:$0x3FFC];
	_ =	sdelay $0x3  }
0x94: {  	_ =	strace s2  }
0x95: {  	s2 =	sld [smem:$0x3FFD];
	_ =	sdelay $0x3  }
0x96: {  	_ =	strace s2  }
0x97: {  	_ =	strace $0x8FFFFFFF  }
0x98: {  	s18 =	sld [smem:$0x3FDB];
	_ =	sdelay $0x1  }
0x99: {  	s19 =	simm.s32 $_scs_section_size  }
0x9a: {  	s4 =	simm.s32 $_size__tile_overlayer_lowered;
	s5 =	simm.s32 $_tile_overlayer_lowered  }
0x9b: {  	s22 =	simm.s32 $0x1BFF;
	s21 =	sshll.u32 s5, $0x1;
	s2 =	sadd.s32 s19, s18  }
0x9c: {  	s6 =	simm.s32 $0x0;
	s20 =	sshll.u32 s4, $0x1;
	s4 =	sadd.s32 s21, s2  }
0x9d: {  	[timem:s6], [sflag:s22] =	dma.local [hbm:s4], s20  }
0x9e: {  	_ =	swait.ge [sflag:s22], s20  }
0x9f: {  	s3 =	ssub.s32 $0x0, s20;
	[sflag:s22] =	ssyncset.done $0x0  }
0xa0: {  	[sflag:s22] =	ssyncadd.s32 s3;
	_ =	sdelay $0x1  }
0xa1: {  	s23 =	simm.s32 $0x1B8B  }
0xa2: {  	_ =	swait.ge [sflag:s23], $0x1  }
0xa3: {  	[sflag:s23] =	ssyncset.done $0x0  }
0xa4: {  	s25 =	simm.s32 $0x1B8E;
	s24 =	sld [smem:$0x3FFE];
	[sflag:s23] =	ssyncadd.s32 $0xFFFFFFFF  }
0xa5: {  	s26 =	simm.s32 $execute0_lowered;
	[smem:$0x3FD2] =	sst s25  }
0xa6: {  	s4 =	sshll.u32 s26, $0x1;
	_ =	strace $0x80000049;
	[dreg:$0x1] =	wrdreg $0xFFFFFFFF  }
0xa7: {  	s28 =	simm.s32 $_size_execute0_lowered;
	s2 =	sadd.s32 s2, s4;
	[dreg:$0x0] =	wrdreg $0x0  }
0xa8: {  	s4 =	sshll.u32 s28, $0x1;
	[dreg:$0x2] =	wrdreg s2  }
0xa9: {  	[dreg:$0x3] =	wrdreg s4  }
0xaa: {  	[dreg:$0x4] =	wrdreg $0xC0  }
0xab: {  	_ =	task [dreg:s6], $0x5FFFF  }
0xac: {  	[dreg:$0x1] =	wrdreg $0xFFFFFFFF  }
0xad: {  	[dreg:$0x0] =	wrdreg $0x60  }
0xae: {  	[dreg:$0x2] =	wrdreg s24  }
0xaf: {  	[dreg:$0x3] =	wrdreg $0x9  }
0xb0: {  	_ =	task.clear_ibuf [dreg:s6], $0x4FFFF;
	_ =	strace $0x90000049  }
0xb1: {  	s29 =	simm.s32 $0x9;
	_ =	strace $0x8000004B  }
0xb2: {  	_ =	swait.ge [sflag:s29], $0x1  }
0xb3: {  	[sflag:s29] =	ssyncadd.s32 $0xFFFFFFFF  }
0xb4: {  	_ =	strace $0x9000004B  }
0xb5: {  	_ =	sfence  }
0xb6: {  	s30 =	sld [smem:$0x0];
	_ =	sdelay $0x2  }
0xb7: {  	s31 =	sshll.u32 s1, $0xD;
	s1 =	sshrl.u32 s1, $0x2  }
0xb8: {  	s3 =	sand.u32 $0x4000, s31;
	s1 =	sadd.s32 s1, s30  }
0xb9: {  	s0 =	sor.u32 s3, s0;
	s1 =	sshll.u32 s1, $0x11  }
0xba: {  	s0 =	sor.u32 s1, s0  }
0xbb: {  	s0 =	sadd.s32 $0x8F2B, s0  }
0xbc: {  	[sflag:s0] =	ssyncadd.remote.s32 $0x1  }
0xbd: {  	_ =	sfence.sel $0xFFFF  }
0xbe: {  	[dreg:$0x0] =	wrdreg $0xFFFFFFFF;
	(pc) =	sbr.abs _section_cstart, $3  }
0xbf: {  	[dreg:$0x1] =	wrdreg $0xFFFFFFFF  }
0xc0: {  	_ =	task.clear_ibuf [dreg:s6], $0x2FFFF;
	_ =	strace $0x9FFFFFFF  }
0xc1: {  	(tm) =	ssettm $0x7FFFFFFF  }
tec
execute0_lowered:
.L_overlay_start_1:
0x0: {  	(tag) =	ssettag $0x1  }
0x1: {  	s0 =	srdreg.scid  }
0x2: {  	s2 =	stileid.u32;
	s1 =	rddreg [dreg:$0x0];
	s8 =	simm.s32 $0x3  }
0x3: {  	s9 =	simm.s32 $0x1;
	s19 =	simm.s32 $0x2;
	s21 =	simm.s32 $0x880  }
0x4: {  	s22 =	simm.s32 $0x1080;
	s23 =	simm.s32 $0x1880;
	s28 =	simm.s32 $0x3080  }
0x5: {  	s29 =	simm.s32 $0x3880;
	s30 =	simm.s32 $0x4080;
	s31 =	simm.s32 $0x4880  }
0x6: {  	s10 =	simm.s32 $0x6080;
	s11 =	simm.s32 $0x6880;
	s12 =	simm.s32 $0x7080  }
0x7: {  	s13 =	simm.s32 $0x7880;
	s18 =	simm.s32 $0x8080;
	s14 =	simm.s32 $0x8880  }
0x8: {  	s15 =	simm.s32 $0x9080;
	s16 =	simm.s32 $0x9880;
	s0 =	sand.u32 $0x1, s0  }
0x9: {  	s3 =	sshll.u32 s2, $0x8;
	s2 =	simm.s32 $0x0;
	s4 =	sshll.u32 s0, $0x7  }
0xa: {  	s17 =	simm.s32 $0xA080;
	[smem:$0x7FF] =	sst s2;
	s3 =	sor.u32 s4, s3  }
0xb: {  	s0 =	ssub.s32 $0x2, s0;
	_ =	strace $0x8000004A;
	s4 =	sshrl.u32 s3, $0x3  }
0xc: {  	s6 =	sshrl.u32 s0, $0x1;
	s5 =	sshll.u32 s3, $0x7;
	s4 =	sadd.s32 s4, s1  }
0xd: {  	s3 =	sadd.s32 $0x58E600, s1;
	s5 =	sadd.s32 s5, s1;
	s4 =	sadd.s32 $0xE600, s4  }
0xe: {  	s0 =	ssub.s32 s0, s6;
	s24 =	sadd.s32 $0xCE600, s5;
	[dreg:$0x2] =	wrdreg s4  }
0xf: {  	s6 =	sadd.s32 $0x58E900, s1;
	s25 =	sadd.s32 $0xCF600, s5;
	[dreg:$0x3] =	wrdreg s24  }
0x10: {  	s26 =	sadd.s32 $0xD0600, s5;
	s7 =	sadd.s32 $0xD1600, s5;
	[dreg:$0x4] =	wrdreg s25  }
0x11: {  	v2 =	vlaneseq.u32;
	s5 =	sadd.s32 $0x58E800, s1;
	s4 =	sadd.s32 $0x58E700, s1;
	[dreg:$0x5] =	wrdreg s26  }
0x12: {  	vm0 =	vmmov $0xffff;
	v1 =	vshrl.u32 v2, $0x3;
	[dreg:$0x6] =	wrdreg s7;
	s7 =	smax.u32 s0, $0x1;
	s25 =	simm.s32 $0x80  }
0x13: {  	v0 =	vand.u32 $0x7, v2;
	v2 =	vor.u32 $0x8, v2;
	v1 =	vmul.u32 $0x8, v1;
	s24 =	simm.s32 $0x2080;
	s26 =	simm.s32 $0x2880;
	s1 =	simm.s32 $0x5080  }
.LBB2_1:
0x14: {  	s20 =	rddreg [dreg:$0x2]  }
0x15: {  	[tilespmem:s2], [sflag:$0x3] =	stream.linear.gather [hbm4b:s20+s2], $0x80, $0x38;
	[tilespmem:$0x10080] =	vst v63  }
0x16: {  	_ =	swait.ge [sflag:s8], $0x80  }
0x17: {  	[sflag:s8] =	ssyncset.done $0x0  }
0x18: {  	[sflag:s8] =	ssyncadd.s32 $0xFFFFFF80  }
0x19: {  	v3 =	vld [tilespmem:$0x0];
	_ =	sdelay $0x4  }
0x1a: {  	v4 =	vshll.u32 v3, $0x3  }
0x1b: {  	v3 =	vand.u32 $0x7, v3;
	v4 =	vand.u32 $0xFFFFFFC0, v4  }
0x1c: {  	v3 =	vor.u32 v3, v4  }
0x1d: {  	v4 =	vperm.xlane v3, v0;
	_ =	sdelay $0x1  }
0x1e: {  	v4 =	vadd.s32 v1, v4;
	_ =	sdelay $0x4  }
0x1f: {  	[tilespmem:s25], [sflag:$0x1] =	stream.indirect_vreg.gather [hbm4b:s3+s2], $0x80, v4, vm0, $0xb8;
	[tilespmem:$0x10080] =	vst v63  }
0x20: {  	v3 =	vperm.xlane v3, v2  }
0x21: {  	[tilespmem:s21], [sflag:$0x1] =	stream.indirect_vreg.gather [hbm4b:s4+s2], $0x80, v4, vm0, $0xb8;
	[tilespmem:$0x10080] =	vst v63  }
0x22: {  	v3 =	vadd.s32 v1, v3  }
0x23: {  	[tilespmem:s22], [sflag:$0x1] =	stream.indirect_vreg.gather [hbm4b:s5+s2], $0x80, v4, vm0, $0xb8;
	[tilespmem:$0x10080] =	vst v63  }
0x24: {  	_ = 	snop  }
0x25: {  	[tilespmem:s23], [sflag:$0x1] =	stream.indirect_vreg.gather [hbm4b:s6+s2], $0x80, v4, vm0, $0xb8;
	[tilespmem:$0x10080] =	vst v63  }
0x26: {  	_ = 	snop  }
0x27: {  	[tilespmem:s24], [sflag:$0x1] =	stream.indirect_vreg.gather [hbm4b:s3+s2], $0x80, v3, vm0, $0xb8;
	[tilespmem:$0x10080] =	vst v63  }
0x28: {  	_ = 	snop  }
0x29: {  	[tilespmem:s26], [sflag:$0x1] =	stream.indirect_vreg.gather [hbm4b:s4+s2], $0x80, v3, vm0, $0xb8;
	[tilespmem:$0x10080] =	vst v63  }
0x2a: {  	_ = 	snop  }
0x2b: {  	[tilespmem:s28], [sflag:$0x1] =	stream.indirect_vreg.gather [hbm4b:s5+s2], $0x80, v3, vm0, $0xb8;
	[tilespmem:$0x10080] =	vst v63  }
0x2c: {  	_ = 	snop  }
0x2d: {  	[tilespmem:s29], [sflag:$0x1] =	stream.indirect_vreg.gather [hbm4b:s6+s2], $0x80, v3, vm0, $0xb8;
	[tilespmem:$0x10080] =	vst v63  }
0x2e: {  	v3 =	vld [tilespmem:$0x10];
	_ =	sdelay $0x4  }
0x2f: {  	v57 =	vshll.u32 v3, $0x3  }
0x30: {  	v3 =	vand.u32 $0x7, v3;
	v4 =	vand.u32 $0xFFFFFFC0, v57  }
0x31: {  	v3 =	vor.u32 v3, v4  }
0x32: {  	v4 =	vperm.xlane v3, v0;
	_ =	sdelay $0x1  }
0x33: {  	v4 =	vadd.s32 v1, v4;
	_ =	sdelay $0x4  }
0x34: {  	[tilespmem:s30], [sflag:$0x1] =	stream.indirect_vreg.gather [hbm4b:s3+s2], $0x80, v4, vm0, $0xb8;
	[tilespmem:$0x10080] =	vst v63  }
0x35: {  	v3 =	vperm.xlane v3, v2  }
0x36: {  	[tilespmem:s31], [sflag:$0x1] =	stream.indirect_vreg.gather [hbm4b:s4+s2], $0x80, v4, vm0, $0xb8;
	[tilespmem:$0x10080] =	vst v63  }
0x37: {  	v3 =	vadd.s32 v1, v3  }
0x38: {  	[tilespmem:s1], [sflag:$0x1] =	stream.indirect_vreg.gather [hbm4b:s5+s2], $0x80, v4, vm0, $0xb8;
	[tilespmem:$0x10080] =	vst v63  }
0x39: {  	s0 =	simm.s32 $0x5880  }
0x3a: {  	[tilespmem:s0], [sflag:$0x1] =	stream.indirect_vreg.gather [hbm4b:s6+s2], $0x80, v4, vm0, $0xb8;
	[tilespmem:$0x10080] =	vst v63  }
0x3b: {  	_ = 	snop  }
0x3c: {  	[tilespmem:s10], [sflag:$0x1] =	stream.indirect_vreg.gather [hbm4b:s3+s2], $0x80, v3, vm0, $0xb8;
	[tilespmem:$0x10080] =	vst v63  }
0x3d: {  	_ = 	snop  }
0x3e: {  	[tilespmem:s11], [sflag:$0x1] =	stream.indirect_vreg.gather [hbm4b:s4+s2], $0x80, v3, vm0, $0xb8;
	[tilespmem:$0x10080] =	vst v63  }
0x3f: {  	_ = 	snop  }
0x40: {  	[tilespmem:s12], [sflag:$0x1] =	stream.indirect_vreg.gather [hbm4b:s5+s2], $0x80, v3, vm0, $0xb8;
	[tilespmem:$0x10080] =	vst v63  }
0x41: {  	_ = 	snop  }
0x42: {  	[tilespmem:s13], [sflag:$0x1] =	stream.indirect_vreg.gather [hbm4b:s6+s2], $0x80, v3, vm0, $0xb8;
	[tilespmem:$0x10080] =	vst v63  }
0x43: {  	v3 =	vld [tilespmem:$0x20];
	_ =	sdelay $0x4  }
0x44: {  	v58 =	vshll.u32 v3, $0x3  }
0x45: {  	v3 =	vand.u32 $0x7, v3;
	v4 =	vand.u32 $0xFFFFFFC0, v58  }
0x46: {  	v3 =	vor.u32 v3, v4  }
0x47: {  	v4 =	vperm.xlane v3, v0;
	_ =	sdelay $0x1  }
0x48: {  	v4 =	vadd.s32 v1, v4;
	_ =	sdelay $0x4  }
0x49: {  	[tilespmem:s18], [sflag:$0x2] =	stream.indirect_vreg.gather [hbm4b:s3+s2], $0x80, v4, vm0, $0xb8;
	[tilespmem:$0x10080] =	vst v63  }
0x4a: {  	v3 =	vperm.xlane v3, v2  }
0x4b: {  	[tilespmem:s14], [sflag:$0x2] =	stream.indirect_vreg.gather [hbm4b:s4+s2], $0x80, v4, vm0, $0xb8;
	[tilespmem:$0x10080] =	vst v63  }
0x4c: {  	v3 =	vadd.s32 v1, v3  }
0x4d: {  	[tilespmem:s15], [sflag:$0x2] =	stream.indirect_vreg.gather [hbm4b:s5+s2], $0x80, v4, vm0, $0xb8;
	[tilespmem:$0x10080] =	vst v63  }
0x4e: {  	_ = 	snop  }
0x4f: {  	[tilespmem:s16], [sflag:$0x2] =	stream.indirect_vreg.gather [hbm4b:s6+s2], $0x80, v4, vm0, $0xb8;
	[tilespmem:$0x10080] =	vst v63  }
0x50: {  	_ = 	snop  }
0x51: {  	[tilespmem:s17], [sflag:$0x2] =	stream.indirect_vreg.gather [hbm4b:s3+s2], $0x80, v3, vm0, $0xb8;
	[tilespmem:$0x10080] =	vst v63  }
0x52: {  	s20 =	simm.s32 $0xA880  }
0x53: {  	[tilespmem:s20], [sflag:$0x2] =	stream.indirect_vreg.gather [hbm4b:s4+s2], $0x80, v3, vm0, $0xb8;
	[tilespmem:$0x10080] =	vst v63  }
0x54: {  	s20 =	simm.s32 $0xB080  }
0x55: {  	[tilespmem:s20], [sflag:$0x2] =	stream.indirect_vreg.gather [hbm4b:s5+s2], $0x80, v3, vm0, $0xb8;
	[tilespmem:$0x10080] =	vst v63  }
0x56: {  	s20 =	simm.s32 $0xB880  }
0x57: {  	[tilespmem:s20], [sflag:$0x2] =	stream.indirect_vreg.gather [hbm4b:s6+s2], $0x80, v3, vm0, $0xb8;
	[tilespmem:$0x10080] =	vst v63  }
0x58: {  	v3 =	vld [tilespmem:$0x30];
	_ =	sdelay $0x4  }
0x59: {  	v59 =	vshll.u32 v3, $0x3  }
0x5a: {  	v3 =	vand.u32 $0x7, v3;
	v4 =	vand.u32 $0xFFFFFFC0, v59  }
0x5b: {  	v3 =	vor.u32 v3, v4  }
0x5c: {  	v4 =	vperm.xlane v3, v0;
	_ =	sdelay $0x1  }
0x5d: {  	v4 =	vadd.s32 v1, v4;
	_ =	sdelay $0x3  }
0x5e: {  	s20 =	simm.s32 $0xC080  }
0x5f: {  	[tilespmem:s20], [sflag:$0x2] =	stream.indirect_vreg.gather [hbm4b:s3+s2], $0x80, v4, vm0, $0xb8;
	[tilespmem:$0x10080] =	vst v63  }
0x60: {  	v3 =	vperm.xlane v3, v2;
	s20 =	simm.s32 $0xC880  }
0x61: {  	[tilespmem:s20], [sflag:$0x2] =	stream.indirect_vreg.gather [hbm4b:s4+s2], $0x80, v4, vm0, $0xb8;
	[tilespmem:$0x10080] =	vst v63  }
0x62: {  	v3 =	vadd.s32 v1, v3;
	s20 =	simm.s32 $0xD080  }
0x63: {  	[tilespmem:s20], [sflag:$0x2] =	stream.indirect_vreg.gather [hbm4b:s5+s2], $0x80, v4, vm0, $0xb8;
	[tilespmem:$0x10080] =	vst v63  }
0x64: {  	s20 =	simm.s32 $0xD880  }
0x65: {  	[tilespmem:s20], [sflag:$0x2] =	stream.indirect_vreg.gather [hbm4b:s6+s2], $0x80, v4, vm0, $0xb8;
	[tilespmem:$0x10080] =	vst v63  }
0x66: {  	s20 =	simm.s32 $0xE080  }
0x67: {  	[tilespmem:s20], [sflag:$0x2] =	stream.indirect_vreg.gather [hbm4b:s3+s2], $0x80, v3, vm0, $0xb8;
	[tilespmem:$0x10080] =	vst v63  }
0x68: {  	s20 =	simm.s32 $0xE880  }
0x69: {  	[tilespmem:s20], [sflag:$0x2] =	stream.indirect_vreg.gather [hbm4b:s4+s2], $0x80, v3, vm0, $0xb8;
	[tilespmem:$0x10080] =	vst v63  }
0x6a: {  	s20 =	simm.s32 $0xF080  }
0x6b: {  	[tilespmem:s20], [sflag:$0x2] =	stream.indirect_vreg.gather [hbm4b:s5+s2], $0x80, v3, vm0, $0xb8;
	[tilespmem:$0x10080] =	vst v63  }
0x6c: {  	s20 =	simm.s32 $0xF880  }
0x6d: {  	[tilespmem:s20], [sflag:$0x2] =	stream.indirect_vreg.gather [hbm4b:s6+s2], $0x80, v3, vm0, $0xb8;
	[tilespmem:$0x10080] =	vst v63  }
0x6e: {  	_ =	swait.ge [sflag:s9], $0x8000  }
0x6f: {  	[sflag:s9] =	ssyncset.done $0x0  }
0x70: {  	s20 =	rddreg [dreg:$0x3];
	[sflag:s9] =	ssyncadd.s32 $0xFFFF8000  }
0x71: {  	[hbm4b:s20+s2] =	stream.linear.scatter [tilespmem:s25], [sflag:$0x3], $0x8000, $0x38;
	[tilespmem:$0x10080] =	vst v63  }
0x72: {  	_ =	swait.ge [sflag:s8], $0x8000  }
0x73: {  	[sflag:s8] =	ssyncset.done $0x0  }
0x74: {  	[sflag:s8] =	ssyncadd.s32 $0xFFFF8000  }
0x75: {  	v3 =	vld [tilespmem:$0x40];
	_ =	sdelay $0x4  }
0x76: {  	v60 =	vshll.u32 v3, $0x3  }
0x77: {  	v3 =	vand.u32 $0x7, v3;
	v4 =	vand.u32 $0xFFFFFFC0, v60  }
0x78: {  	v3 =	vor.u32 v3, v4  }
0x79: {  	v4 =	vperm.xlane v3, v0;
	_ =	sdelay $0x1  }
0x7a: {  	v4 =	vadd.s32 v1, v4;
	_ =	sdelay $0x4  }
0x7b: {  	[tilespmem:s25], [sflag:$0x1] =	stream.indirect_vreg.gather [hbm4b:s3+s2], $0x80, v4, vm0, $0xb8;
	[tilespmem:$0x10080] =	vst v63  }
0x7c: {  	v3 =	vperm.xlane v3, v2  }
0x7d: {  	[tilespmem:s21], [sflag:$0x1] =	stream.indirect_vreg.gather [hbm4b:s4+s2], $0x80, v4, vm0, $0xb8;
	[tilespmem:$0x10080] =	vst v63  }
0x7e: {  	v3 =	vadd.s32 v1, v3  }
0x7f: {  	[tilespmem:s22], [sflag:$0x1] =	stream.indirect_vreg.gather [hbm4b:s5+s2], $0x80, v4, vm0, $0xb8;
	[tilespmem:$0x10080] =	vst v63  }
0x80: {  	_ = 	snop  }
0x81: {  	[tilespmem:s23], [sflag:$0x1] =	stream.indirect_vreg.gather [hbm4b:s6+s2], $0x80, v4, vm0, $0xb8;
	[tilespmem:$0x10080] =	vst v63  }
0x82: {  	_ = 	snop  }
0x83: {  	[tilespmem:s24], [sflag:$0x1] =	stream.indirect_vreg.gather [hbm4b:s3+s2], $0x80, v3, vm0, $0xb8;
	[tilespmem:$0x10080] =	vst v63  }
0x84: {  	_ = 	snop  }
0x85: {  	[tilespmem:s26], [sflag:$0x1] =	stream.indirect_vreg.gather [hbm4b:s4+s2], $0x80, v3, vm0, $0xb8;
	[tilespmem:$0x10080] =	vst v63  }
0x86: {  	_ = 	snop  }
0x87: {  	[tilespmem:s28], [sflag:$0x1] =	stream.indirect_vreg.gather [hbm4b:s5+s2], $0x80, v3, vm0, $0xb8;
	[tilespmem:$0x10080] =	vst v63  }
0x88: {  	_ = 	snop  }
0x89: {  	[tilespmem:s29], [sflag:$0x1] =	stream.indirect_vreg.gather [hbm4b:s6+s2], $0x80, v3, vm0, $0xb8;
	[tilespmem:$0x10080] =	vst v63  }
0x8a: {  	v3 =	vld [tilespmem:$0x50];
	_ =	sdelay $0x4  }
0x8b: {  	v61 =	vshll.u32 v3, $0x3  }
0x8c: {  	v3 =	vand.u32 $0x7, v3;
	v4 =	vand.u32 $0xFFFFFFC0, v61  }
0x8d: {  	v3 =	vor.u32 v3, v4  }
0x8e: {  	v4 =	vperm.xlane v3, v0;
	_ =	sdelay $0x1  }
0x8f: {  	v4 =	vadd.s32 v1, v4;
	_ =	sdelay $0x4  }
0x90: {  	[tilespmem:s30], [sflag:$0x1] =	stream.indirect_vreg.gather [hbm4b:s3+s2], $0x80, v4, vm0, $0xb8;
	[tilespmem:$0x10080] =	vst v63  }
0x91: {  	v3 =	vperm.xlane v3, v2  }
0x92: {  	[tilespmem:s31], [sflag:$0x1] =	stream.indirect_vreg.gather [hbm4b:s4+s2], $0x80, v4, vm0, $0xb8;
	[tilespmem:$0x10080] =	vst v63  }
0x93: {  	v3 =	vadd.s32 v1, v3  }
0x94: {  	[tilespmem:s1], [sflag:$0x1] =	stream.indirect_vreg.gather [hbm4b:s5+s2], $0x80, v4, vm0, $0xb8;
	[tilespmem:$0x10080] =	vst v63  }
0x95: {  	_ = 	snop  }
0x96: {  	[tilespmem:s0], [sflag:$0x1] =	stream.indirect_vreg.gather [hbm4b:s6+s2], $0x80, v4, vm0, $0xb8;
	[tilespmem:$0x10080] =	vst v63  }
0x97: {  	_ = 	snop  }
0x98: {  	[tilespmem:s10], [sflag:$0x1] =	stream.indirect_vreg.gather [hbm4b:s3+s2], $0x80, v3, vm0, $0xb8;
	[tilespmem:$0x10080] =	vst v63  }
0x99: {  	_ = 	snop  }
0x9a: {  	[tilespmem:s11], [sflag:$0x1] =	stream.indirect_vreg.gather [hbm4b:s4+s2], $0x80, v3, vm0, $0xb8;
	[tilespmem:$0x10080] =	vst v63  }
0x9b: {  	_ = 	snop  }
0x9c: {  	[tilespmem:s12], [sflag:$0x1] =	stream.indirect_vreg.gather [hbm4b:s5+s2], $0x80, v3, vm0, $0xb8;
	[tilespmem:$0x10080] =	vst v63  }
0x9d: {  	_ = 	snop  }
0x9e: {  	[tilespmem:s13], [sflag:$0x1] =	stream.indirect_vreg.gather [hbm4b:s6+s2], $0x80, v3, vm0, $0xb8;
	[tilespmem:$0x10080] =	vst v63  }
0x9f: {  	_ =	swait.ge [sflag:s19], $0x8000  }
0xa0: {  	[sflag:s19] =	ssyncset.done $0x0  }
0xa1: {  	s0 =	rddreg [dreg:$0x4];
	[sflag:s19] =	ssyncadd.s32 $0xFFFF8000  }
0xa2: {  	[hbm4b:s0+s2] =	stream.linear.scatter [tilespmem:s18], [sflag:$0x3], $0x8000, $0x38;
	[tilespmem:$0x10080] =	vst v63  }
0xa3: {  	_ =	swait.ge [sflag:s8], $0x8000  }
0xa4: {  	[sflag:s8] =	ssyncset.done $0x0  }
0xa5: {  	[sflag:s8] =	ssyncadd.s32 $0xFFFF8000  }
0xa6: {  	v3 =	vld [tilespmem:$0x60];
	_ =	sdelay $0x4  }
0xa7: {  	v62 =	vshll.u32 v3, $0x3  }
0xa8: {  	v3 =	vand.u32 $0x7, v3;
	v4 =	vand.u32 $0xFFFFFFC0, v62  }
0xa9: {  	v3 =	vor.u32 v3, v4  }
0xaa: {  	v4 =	vperm.xlane v3, v0;
	_ =	sdelay $0x1  }
0xab: {  	v4 =	vadd.s32 v1, v4;
	_ =	sdelay $0x4  }
0xac: {  	[tilespmem:s18], [sflag:$0x2] =	stream.indirect_vreg.gather [hbm4b:s3+s2], $0x80, v4, vm0, $0xb8;
	[tilespmem:$0x10080] =	vst v63  }
0xad: {  	v3 =	vperm.xlane v3, v2  }
0xae: {  	[tilespmem:s14], [sflag:$0x2] =	stream.indirect_vreg.gather [hbm4b:s4+s2], $0x80, v4, vm0, $0xb8;
	[tilespmem:$0x10080] =	vst v63  }
0xaf: {  	v3 =	vadd.s32 v1, v3  }
0xb0: {  	[tilespmem:s15], [sflag:$0x2] =	stream.indirect_vreg.gather [hbm4b:s5+s2], $0x80, v4, vm0, $0xb8;
	[tilespmem:$0x10080] =	vst v63  }
0xb1: {  	_ = 	snop  }
0xb2: {  	[tilespmem:s16], [sflag:$0x2] =	stream.indirect_vreg.gather [hbm4b:s6+s2], $0x80, v4, vm0, $0xb8;
	[tilespmem:$0x10080] =	vst v63  }
0xb3: {  	_ = 	snop  }
0xb4: {  	[tilespmem:s17], [sflag:$0x2] =	stream.indirect_vreg.gather [hbm4b:s3+s2], $0x80, v3, vm0, $0xb8;
	[tilespmem:$0x10080] =	vst v63  }
0xb5: {  	s20 =	simm.s32 $0xA880  }
0xb6: {  	[tilespmem:s20], [sflag:$0x2] =	stream.indirect_vreg.gather [hbm4b:s4+s2], $0x80, v3, vm0, $0xb8;
	[tilespmem:$0x10080] =	vst v63  }
0xb7: {  	s20 =	simm.s32 $0xB080  }
0xb8: {  	[tilespmem:s20], [sflag:$0x2] =	stream.indirect_vreg.gather [hbm4b:s5+s2], $0x80, v3, vm0, $0xb8;
	[tilespmem:$0x10080] =	vst v63  }
0xb9: {  	s20 =	simm.s32 $0xB880  }
0xba: {  	[tilespmem:s20], [sflag:$0x2] =	stream.indirect_vreg.gather [hbm4b:s6+s2], $0x80, v3, vm0, $0xb8;
	[tilespmem:$0x10080] =	vst v63  }
0xbb: {  	v3 =	vld [tilespmem:$0x70];
	_ =	sdelay $0x4  }
0xbc: {  	v63 =	vshll.u32 v3, $0x3  }
0xbd: {  	v3 =	vand.u32 $0x7, v3;
	v4 =	vand.u32 $0xFFFFFFC0, v63  }
0xbe: {  	v3 =	vor.u32 v3, v4  }
0xbf: {  	v4 =	vperm.xlane v3, v0;
	_ =	sdelay $0x1  }
0xc0: {  	v4 =	vadd.s32 v1, v4;
	_ =	sdelay $0x3  }
0xc1: {  	s20 =	simm.s32 $0xC080  }
0xc2: {  	[tilespmem:s20], [sflag:$0x2] =	stream.indirect_vreg.gather [hbm4b:s3+s2], $0x80, v4, vm0, $0xb8;
	[tilespmem:$0x10080] =	vst v63  }
0xc3: {  	v3 =	vperm.xlane v3, v2;
	s20 =	simm.s32 $0xC880  }
0xc4: {  	[tilespmem:s20], [sflag:$0x2] =	stream.indirect_vreg.gather [hbm4b:s4+s2], $0x80, v4, vm0, $0xb8;
	[tilespmem:$0x10080] =	vst v63  }
0xc5: {  	v3 =	vadd.s32 v1, v3;
	s20 =	simm.s32 $0xD080  }
0xc6: {  	[tilespmem:s20], [sflag:$0x2] =	stream.indirect_vreg.gather [hbm4b:s5+s2], $0x80, v4, vm0, $0xb8;
	[tilespmem:$0x10080] =	vst v63  }
0xc7: {  	s20 =	simm.s32 $0xD880  }
0xc8: {  	[tilespmem:s20], [sflag:$0x2] =	stream.indirect_vreg.gather [hbm4b:s6+s2], $0x80, v4, vm0, $0xb8;
	[tilespmem:$0x10080] =	vst v63  }
0xc9: {  	s20 =	simm.s32 $0xE080  }
0xca: {  	[tilespmem:s20], [sflag:$0x2] =	stream.indirect_vreg.gather [hbm4b:s3+s2], $0x80, v3, vm0, $0xb8;
	[tilespmem:$0x10080] =	vst v63  }
0xcb: {  	s20 =	simm.s32 $0xE880  }
0xcc: {  	[tilespmem:s20], [sflag:$0x2] =	stream.indirect_vreg.gather [hbm4b:s4+s2], $0x80, v3, vm0, $0xb8;
	[tilespmem:$0x10080] =	vst v63  }
0xcd: {  	s20 =	simm.s32 $0xF080  }
0xce: {  	[tilespmem:s20], [sflag:$0x2] =	stream.indirect_vreg.gather [hbm4b:s5+s2], $0x80, v3, vm0, $0xb8;
	[tilespmem:$0x10080] =	vst v63  }
0xcf: {  	s20 =	simm.s32 $0xF880  }
0xd0: {  	[tilespmem:s20], [sflag:$0x2] =	stream.indirect_vreg.gather [hbm4b:s6+s2], $0x80, v3, vm0, $0xb8;
	[tilespmem:$0x10080] =	vst v63  }
0xd1: {  	_ =	swait.ge [sflag:s9], $0x8000  }
0xd2: {  	[sflag:s9] =	ssyncset.done $0x0  }
0xd3: {  	s0 =	rddreg [dreg:$0x5];
	[sflag:s9] =	ssyncadd.s32 $0xFFFF8000  }
0xd4: {  	[hbm4b:s0+s2] =	stream.linear.scatter [tilespmem:s25], [sflag:$0x3], $0x8000, $0x38;
	[tilespmem:$0x10080] =	vst v63  }
0xd5: {  	_ =	swait.ge [sflag:s8], $0x8000  }
0xd6: {  	[sflag:s8] =	ssyncset.done $0x0  }
0xd7: {  	[sflag:s8] =	ssyncadd.s32 $0xFFFF8000  }
0xd8: {  	_ =	swait.ge [sflag:s19], $0x8000  }
0xd9: {  	p0 =	sne.s32 s7, $0x1;
	[sflag:s19] =	ssyncset.done $0x0  }
.Ltmp0:
0xda: {  	s0 =	rddreg [dreg:$0x6];
	[sflag:s19] =	ssyncadd.s32 $0xFFFF8000;
	(pc) =	sbr.rel @p0 .LBB2_1-.Ltmp0, $4  }
0xdb: {  	[hbm4b:s0+s2] =	stream.linear.scatter [tilespmem:s18], [sflag:$0x3], $0x8000, $0x38;
	[tilespmem:$0x10080] =	vst v63  }
0xdc: {  	_ =	swait.ge [sflag:s8], $0x8000  }
0xdd: {  	[sflag:s8] =	ssyncset.done $0x0  }
0xde: {  	s7 =	sadd.s32 $0xFFFFFFFF, s7;
	[sflag:s8] =	ssyncadd.s32 $0xFFFF8000  }
0xdf: {  	_ =	sfence.sel $0x180000  }
0xe0: {  	[bflag:$0x0] =	sbarrier.arrive $0xFFFF  }
0xe1: {  	_ =	strace $0x9000004A  }
0xe2: {  	s0 =	stileid.u32;
	[bflag:$0x2] =	sbarrier.arrive $0xFFFF  }
0xe3: {  	p0 =	sne.s32 s0, $0x0;
	s0 =	rddreg [dreg:$0x1]  }
0xe4: {  	s0 =	sadd.s32 @!p0 $0x100000, s0  }
0xe5: {  	[sflag:s0] =	ssyncadd.tile.s32 @!p0 $0x1;
	_ =	shalt  }
.Lfunc_end2:
_tile_overlayer_lowered:
.L_overlay_start_2:
0xe6: {  	(tag) =	ssettag $0x2  }
0xe7: {  	s0 =	rddreg [dreg:$0x0];
	s2 =	stileid.u32  }
0xe8: {  	s1 =	rddreg [dreg:$0x1];
	p0 =	sne.s32 s2, $0x0  }
0xe9: {  	s3 =	rddreg [dreg:$0x2];
	[bflag:$0x3] =	sbarrier.arrive $0xFFFF;
	s2 =	simm.s32 @!p0 $0x1C03  }
0xea: {  	[timem:s3], [sflag:s2] =	dma.local @!p0 [hbm:s0], s1  }
0xeb: {  	s0 =	simm.s32 @!p0 $0x3  }
0xec: {  	_ =	swait.ge @!p0 [sflag:s0], s1  }
0xed: {  	s1 =	ssub.s32 @!p0 $0x0, s1;
	[sflag:s0] =	ssyncset.done @!p0 $0x0  }
0xee: {  	[sflag:s0] =	ssyncadd.s32 @!p0 s1  }
0xef: {  	[bflag:$0x3] =	sbarrier.arrive $0xFFFF  }
0xf0: {  	_ =	shalt  }

// kernel: kernel.22.cloned.1.call-start
scs
__scs_entry_jumppad:
0x0: {  	(pc) =	sbr.rel $0x88, $3  }
0x1: {  	(tag) =	ssettag $0x0;
	lr =	simm.s32 $0x1  }
0x2: {  	[smem:$0x3F97] =	sst lr;
	_ =	strace $0xD0000000  }
0x3: {  	_ = 	snop  }
0x4: {  	_ = 	snop  }
0x5: {  	_ = 	snop  }
0x6: {  	_ = 	snop  }
0x7: {  	_ = 	snop  }
__scs_overlays_trampoline_lowered:
0x8: {  	[smem:$0x3FA6] =	sst s0  }
0x9: {  	[smem:$0x3FA7] =	sst s1  }
0xa: {  	[smem:$0x3FA8] =	sst s2  }
0xb: {  	[smem:$0x3FA9] =	sst s3  }
0xc: {  	[smem:$0x3FAA] =	sst s4  }
0xd: {  	[smem:$0x3FAB] =	sst s5  }
0xe: {  	[smem:$0x3FAC] =	sst s6  }
0xf: {  	[smem:$0x3FAD] =	sst s7  }
0x10: {  	[smem:$0x3FAE] =	sst s8  }
0x11: {  	[smem:$0x3FAF] =	sst s9;
	s0 =	simm.s32 @!p0 $0x0  }
0x12: {  	s1 =	sld [smem:$0x3F95];
	s0 =	simm.s32 @p0 $0x1  }
0x13: {  	[smem:$0x3FB0] =	sst s0;
	s0 =	simm.s32 @!p1 $0x0  }
0x14: {  	s2 =	sld [smem:$0x3F94];
	s0 =	simm.s32 @p1 $0x1  }
0x15: {  	[smem:$0x3FB1] =	sst s0;
	s0 =	simm.s32 @!p2 $0x0  }
0x16: {  	s3 =	sld [smem:$0x3FDB];
	s0 =	simm.s32 @p2 $0x1  }
0x17: {  	s4 =	simm.s32 $0x1BF5;
	[smem:$0x3FB3] =	sst s0  }
0x18: {  	s0 =	sld [smem:$0x3F96];
	_ =	swait.ge [sflag:s4], $0x0  }
0x19: {  	s7 =	sld [smem:$0x3F97]  }
0x1a: {  	s8 =	sadd.s32 $0xFFFFE003, lr  }
0x1b: {  	s9 =	sadd.s32 $0xFFFFFEF7, lr;
	s5 =	simm.s32 $0xFFFFFFFF;
	p2 =	slt.u32 s8, $0xFFFFF086  }
0x1c: {  	p1 =	slt.u32 s9, $0xF7A;
	s5 =	simm.s32 @!p2 $0x0  }
0x1d: {  	s5 =	simm.s32 @p1 $0x1;
	p0 =	seq.s32 s7, s2  }
0x1e: {  	s7 =	smul.u32 @!p0 $0xF7A, s2;
	p2 =	seq.s32 @!p0 s5, $0x0  }
0x1f: {  	s9 =	smul.u32 $0xF7A, s1;
	s8 =	simm.s32 @!p0 $0x1BF5;
	p2 =	por !p2, p0  }
0x20: {  	[sflag:s8] =	ssyncset.s32 @!p0 $0xFFFFF086;
	s6 =	sadd.s32 @!p0 s3, s7;
	s7 =	simm.s32 @!p0 $0x108  }
0x21: {  	s3 =	sadd.s32 s3, s9;
	s6 =	sadd.s32 @!p0 $0x88, s6;
	s7 =	simm.s32 @p2 $0x1082  }
0x22: {  	[simem:s7], [sflag:s8] =	dma.local @!p0 [hbm:s6], $0xF7A  }
0x23: {  	s9 =	sor.u32 $0xD0000000, s2;
	s6 =	simm.s32 $0x108;
	_ =	swait.ge @!p0 [sflag:s8], $0x0  }
0x24: {  	s3 =	sadd.s32 $0x88, s3;
	s6 =	simm.s32 @!p1 $0x1082;
	[sflag:s4] =	ssyncset.s32 $0xFFFFF086  }
0x25: {  	[simem:s6], [sflag:s4] =	dma.local [hbm:s3], $0xF7A  }
0x26: {  	[smem:$0x3F97] =	sst s1;
	(tag) =	ssettag s2;
	_ =	strace s9  }
0x27: {  	s1 =	sld [smem:$0x3FA7]  }
0x28: {  	s2 =	sld [smem:$0x3FA8]  }
0x29: {  	s4 =	sld [smem:$0x3FAA]  }
0x2a: {  	p0 =	seq.s32 s5, $0x0;
	s5 =	sld [smem:$0x3FAB]  }
0x2b: {  	s6 =	sld [smem:$0x3FAC]  }
0x2c: {  	s7 =	sld [smem:$0x3FAD]  }
0x2d: {  	s3 =	simm.s32 $0x108;
	s8 =	sld [smem:$0x3FAE]  }
0x2e: {  	s3 =	simm.s32 @!p0 $0x1082;
	s9 =	sld [smem:$0x3FAF]  }
0x2f: {  	lr =	sadd.s32 s0, s3;
	s0 =	sld [smem:$0x3FA6]  }
0x30: {  	s3 =	sld [smem:$0x3FA9]  }
0x31: {  	[smem:$0x3FB2] =	sst s10  }
0x32: {  	s10 =	sld [smem:$0x3FB0];
	_ =	sdelay $0x3  }
0x33: {  	p0 =	seq.s32 s10, $0x1;
	s10 =	sld [smem:$0x3FB2];
	_ =	sdelay $0x3  }
0x34: {  	[smem:$0x3FB2] =	sst s10  }
0x35: {  	s10 =	sld [smem:$0x3FB1];
	_ =	sdelay $0x3  }
0x36: {  	p1 =	seq.s32 s10, $0x1;
	s10 =	sld [smem:$0x3FB2];
	_ =	sdelay $0x3  }
0x37: {  	[smem:$0x3FB2] =	sst s10  }
0x38: {  	s10 =	sld [smem:$0x3FB3]  }
0x39: {  	_ = 	snop;
	(pc) =	sbr.ind lr, $3  }
0x3a: {  	_ = 	snop  }
0x3b: {  	_ = 	snop  }
0x3c: {  	p2 =	seq.s32 s10, $0x1;
	s10 =	sld [smem:$0x3FB2]  }
0x3d: {  	_ =	shalt  }
0x3e: {  	_ =	shalt  }
0x3f: {  	_ =	shalt  }
0x40: {  	_ =	shalt  }
0x41: {  	_ =	shalt  }
0x42: {  	_ =	shalt  }
0x43: {  	_ =	shalt  }
0x44: {  	_ =	shalt  }
0x45: {  	_ =	shalt  }
0x46: {  	_ =	shalt  }
0x47: {  	_ =	shalt  }
0x48: {  	_ =	shalt  }
0x49: {  	_ =	shalt  }
0x4a: {  	_ =	shalt  }
0x4b: {  	_ =	shalt  }
0x4c: {  	_ =	shalt  }
0x4d: {  	_ =	shalt  }
0x4e: {  	_ =	shalt  }
0x4f: {  	_ =	shalt  }
0x50: {  	_ =	shalt  }
0x51: {  	_ =	shalt  }
0x52: {  	_ =	shalt  }
0x53: {  	_ =	shalt  }
0x54: {  	_ =	shalt  }
0x55: {  	_ =	shalt  }
0x56: {  	_ =	shalt  }
0x57: {  	_ =	shalt  }
0x58: {  	_ =	shalt  }
0x59: {  	_ =	shalt  }
0x5a: {  	_ =	shalt  }
0x5b: {  	_ =	shalt  }
0x5c: {  	_ =	shalt  }
0x5d: {  	_ =	shalt  }
0x5e: {  	_ =	shalt  }
0x5f: {  	_ =	shalt  }
0x60: {  	_ =	shalt  }
0x61: {  	_ =	shalt  }
0x62: {  	_ =	shalt  }
0x63: {  	_ =	shalt  }
0x64: {  	_ =	shalt  }
0x65: {  	_ =	shalt  }
0x66: {  	_ =	shalt  }
0x67: {  	_ =	shalt  }
0x68: {  	_ =	shalt  }
0x69: {  	_ =	shalt  }
0x6a: {  	_ =	shalt  }
0x6b: {  	_ =	shalt  }
0x6c: {  	_ =	shalt  }
0x6d: {  	_ =	shalt  }
0x6e: {  	_ =	shalt  }
0x6f: {  	_ =	shalt  }
0x70: {  	_ =	shalt  }
0x71: {  	_ =	shalt  }
0x72: {  	_ =	shalt  }
0x73: {  	_ =	shalt  }
0x74: {  	_ =	shalt  }
0x75: {  	_ =	shalt  }
0x76: {  	_ =	shalt  }
0x77: {  	_ =	shalt  }
0x78: {  	_ =	shalt  }
0x79: {  	_ =	shalt  }
0x7a: {  	_ =	shalt  }
0x7b: {  	_ =	shalt  }
0x7c: {  	_ =	shalt  }
0x7d: {  	_ =	shalt  }
0x7e: {  	_ =	shalt  }
0x7f: {  	_ =	shalt  }
0x80: {  	_ =	shalt  }
0x81: {  	_ =	shalt  }
0x82: {  	_ =	shalt  }
0x83: {  	_ =	shalt  }
0x84: {  	_ =	shalt  }
0x85: {  	_ =	shalt  }
0x86: {  	_ =	shalt  }
0x87: {  	_ =	shalt  }
.Lfunc_end0:
.L_simem_size_0:
called_computation.2_lowered:
.L_overlay_start_0:
0x88: {  	s2 =	sld [smem:$0x3FD9]  }
0x89: {  	s3 =	sld [smem:$0x3FFE];
	_ =	sdelay $0x1  }
0x8a: {  	s1 =	srdreg.scid  }
0x8b: {  	s0 =	sand.u32 $0x1, s1  }
0x8c: {  	s17 =	sshll.u32 s0, $0xA;
	s2 =	sadd.s32 s3, s2  }
0x8d: {  	s2 =	sadd.s32 s2, s17  }
0x8e: {  	[smem:$0x3FBE] =	sst s2  }
0x8f: {  	_ = 	snop  }
0x90: {  	s2 =	sld [smem:$0x3FD0];
	(tm) =	ssettm $0x1  }
0x91: {  	s18 =	sld [smem:$0x3FFB];
	_ =	sdelay $0x3  }
0x92: {  	_ =	strace s18  }
0x93: {  	s3 =	sld [smem:$0x3FFC];
	_ =	sdelay $0x3  }
0x94: {  	_ =	strace s3  }
0x95: {  	s3 =	sld [smem:$0x3FFD];
	_ =	sdelay $0x3  }
0x96: {  	_ =	strace s3  }
0x97: {  	_ =	strace $0x8FFFFFFF  }
0x98: {  	s19 =	sld [smem:$0x3FDB];
	_ =	sdelay $0x1  }
0x99: {  	s4 =	simm.s32 $_scs_section_size  }
0x9a: {  	s5 =	simm.s32 $_size__tile_overlayer_lowered;
	s6 =	simm.s32 $_tile_overlayer_lowered  }
0x9b: {  	s22 =	simm.s32 $0x1BFF;
	s21 =	sshll.u32 s6, $0x1;
	s3 =	sadd.s32 s4, s19  }
0x9c: {  	s7 =	simm.s32 $0x0;
	s20 =	sshll.u32 s5, $0x1;
	s5 =	sadd.s32 s21, s3  }
0x9d: {  	[timem:s7], [sflag:s22] =	dma.local [hbm:s5], s20  }
0x9e: {  	_ =	swait.ge [sflag:s22], s20  }
0x9f: {  	s4 =	ssub.s32 $0x0, s20;
	[sflag:s22] =	ssyncset.done $0x0  }
0xa0: {  	[sflag:s22] =	ssyncadd.s32 s4;
	_ =	sdelay $0x1  }
0xa1: {  	s23 =	simm.s32 $0x1B8B  }
0xa2: {  	_ =	swait.ge [sflag:s23], $0x1  }
0xa3: {  	[sflag:s23] =	ssyncset.done $0x0  }
0xa4: {  	s25 =	simm.s32 $0x1B8E;
	s24 =	sld [smem:$0x3FFE];
	[sflag:s23] =	ssyncadd.s32 $0xFFFFFFFF  }
0xa5: {  	s26 =	simm.s32 $execute0_lowered;
	[smem:$0x3FD2] =	sst s25  }
0xa6: {  	s5 =	sshll.u32 s26, $0x1;
	_ =	strace $0x8000004C;
	[dreg:$0x1] =	wrdreg $0xFFFFFFFF  }
0xa7: {  	s28 =	simm.s32 $_size_execute0_lowered;
	s3 =	sadd.s32 s3, s5;
	[dreg:$0x0] =	wrdreg $0x0  }
0xa8: {  	s5 =	sshll.u32 s28, $0x1;
	[dreg:$0x2] =	wrdreg s3  }
0xa9: {  	[dreg:$0x3] =	wrdreg s5  }
0xaa: {  	[dreg:$0x4] =	wrdreg $0xC0  }
0xab: {  	_ =	task [dreg:s7], $0x5FFFF  }
0xac: {  	[dreg:$0x1] =	wrdreg $0xFFFFFFFF  }
0xad: {  	[dreg:$0x0] =	wrdreg $0x60  }
0xae: {  	[dreg:$0x2] =	wrdreg s24  }
0xaf: {  	[dreg:$0x3] =	wrdreg s2  }
0xb0: {  	[dreg:$0x4] =	wrdreg $0x9  }
0xb1: {  	_ =	task.clear_ibuf [dreg:s7], $0x5FFFF;
	_ =	strace $0x9000004C  }
0xb2: {  	s29 =	simm.s32 $0x9;
	_ =	strace $0x8000004E  }
0xb3: {  	_ =	swait.ge [sflag:s29], $0x1  }
0xb4: {  	[sflag:s29] =	ssyncadd.s32 $0xFFFFFFFF  }
0xb5: {  	_ =	strace $0x9000004E  }
0xb6: {  	_ =	sfence  }
0xb7: {  	s30 =	sld [smem:$0x0];
	_ =	sdelay $0x2  }
0xb8: {  	s31 =	sshll.u32 s1, $0xD;
	s1 =	sshrl.u32 s1, $0x2  }
0xb9: {  	s3 =	sand.u32 $0x4000, s31;
	s1 =	sadd.s32 s1, s30  }
0xba: {  	s0 =	sor.u32 s3, s0;
	s1 =	sshll.u32 s1, $0x11  }
0xbb: {  	s0 =	sor.u32 s1, s0  }
0xbc: {  	s0 =	sadd.s32 $0x8F2B, s0  }
0xbd: {  	[sflag:s0] =	ssyncadd.remote.s32 $0x1  }
0xbe: {  	_ =	sfence.sel $0xFFFF  }
0xbf: {  	[dreg:$0x0] =	wrdreg $0xFFFFFFFF;
	(pc) =	sbr.abs _section_cstart, $3  }
0xc0: {  	[dreg:$0x1] =	wrdreg $0xFFFFFFFF  }
0xc1: {  	_ =	task.clear_ibuf [dreg:s7], $0x2FFFF;
	_ =	strace $0x9FFFFFFF  }
0xc2: {  	(tm) =	ssettm $0x7FFFFFFF  }
0xc3: {  	_ =	shalt  }
tec
execute0_lowered:
.L_overlay_start_1:
0x0: {  	(tag) =	ssettag $0x1  }
0x1: {  	s0 =	srdreg.scid;
	s1 =	rddreg [dreg:$0x0]  }
0x2: {  	s2 =	stileid.u32;
	s4 =	rddreg [dreg:$0x1]  }
0x3: {  	s9 =	simm.s32 $0x3;
	s28 =	simm.s32 $0x2900;
	s29 =	simm.s32 $0x3100  }
0x4: {  	s30 =	simm.s32 $0x3900;
	s31 =	simm.s32 $0x4100;
	s10 =	simm.s32 $0x5100  }
0x5: {  	s11 =	simm.s32 $0x6100;
	s12 =	simm.s32 $0x6900;
	s13 =	simm.s32 $0x7100  }
0x6: {  	s14 =	simm.s32 $0x7900;
	s0 =	sand.u32 $0x1, s0;
	s2 =	sshll.u32 s2, $0x1  }
0x7: {  	s15 =	simm.s32 $0x8900;
	s16 =	simm.s32 $0x9100;
	s3 =	sor.u32 s0, s2  }
0x8: {  	s17 =	simm.s32 $0x9900;
	s18 =	simm.s32 $0xA100;
	s5 =	smul.u32 $0x18, s3  }
0x9: {  	s8 =	sadd.s32 $0x10E600, s1;
	s2 =	simm.s32 $0x0;
	s6 =	smul.u32 $0x6000, s3  }
0xa: {  	s0 =	ssub.s32 $0x2, s0;
	[smem:$0x7FF] =	sst s2;
	s7 =	smul.u32 $0x30000, s3  }
0xb: {  	s3 =	sadd.s32 $0x6E600, s1;
	s23 =	sshrl.u32 s0, $0x1;
	_ =	strace $0x8000004D  }
0xc: {  	s0 =	ssub.s32 s0, s23;
	s23 =	simm.s32 $0x1100;
	s4 =	sadd.s32 s4, s5  }
0xd: {  	s6 =	sadd.s32 s8, s6;
	s19 =	sshrl.u32 s7, $0x3;
	[dreg:$0x3] =	wrdreg s4  }
0xe: {  	s5 =	sadd.s32 $0x6E700, s1;
	s7 =	sadd.s32 $0x6E900, s1;
	[dreg:$0x9] =	wrdreg s6  }
0xf: {  	s20 =	sadd.s32 $0x1000, s6;
	s21 =	sadd.s32 s8, s19;
	s6 =	sadd.s32 $0x6E800, s1  }
0x10: {  	s8 =	smax.u32 s0, $0x1;
	[dreg:$0x4] =	wrdreg s20;
	s22 =	sadd.s32 $0x2000, s21  }
0x11: {  	s19 =	simm.s32 $0x1;
	s24 =	sadd.s32 $0x3000, s21;
	[dreg:$0x5] =	wrdreg s22  }
0x12: {  	s4 =	simm.s32 $0x5900;
	s25 =	sadd.s32 $0x4000, s21;
	[dreg:$0x6] =	wrdreg s24  }
0x13: {  	v2 =	vlaneseq.u32;
	s0 =	simm.s32 $0x8100;
	s26 =	sadd.s32 $0x5000, s21;
	[dreg:$0x7] =	wrdreg s25  }
0x14: {  	vm0 =	vmmov $0xffff;
	v1 =	vshrl.u32 v2, $0x3;
	s20 =	simm.s32 $0x2;
	[dreg:$0x8] =	wrdreg s26;
	s26 =	simm.s32 $0x100  }
0x15: {  	v0 =	vand.u32 $0x7, v2;
	v2 =	vor.u32 $0x8, v2;
	v1 =	vmul.u32 $0x8, v1;
	s22 =	simm.s32 $0x900;
	s24 =	simm.s32 $0x1900;
	s25 =	simm.s32 $0x2100  }
.LBB2_1:
0x16: {  	s21 =	rddreg [dreg:$0x3]  }
0x17: {  	[tilespmem:s2], [sflag:$0x3] =	stream.linear.gather [hbm4b:s21+s2], $0xC0, $0x38;
	[tilespmem:$0x10100] =	vst v63  }
0x18: {  	_ =	swait.ge [sflag:s9], $0xC0  }
0x19: {  	[sflag:s9] =	ssyncset.done $0x0  }
0x1a: {  	[sflag:s9] =	ssyncadd.s32 $0xFFFFFF40  }
0x1b: {  	v3 =	vld [tilespmem:$0x0];
	_ =	sdelay $0x4  }
0x1c: {  	v4 =	vshll.u32 v3, $0x3  }
0x1d: {  	v3 =	vand.u32 $0x7, v3;
	v4 =	vand.u32 $0xFFFFFFC0, v4  }
0x1e: {  	v3 =	vor.u32 v3, v4  }
0x1f: {  	v4 =	vperm.xlane v3, v0;
	_ =	sdelay $0x1  }
0x20: {  	v4 =	vadd.s32 v1, v4;
	_ =	sdelay $0x4  }
0x21: {  	[tilespmem:s26], [sflag:$0x1] =	stream.indirect_vreg.gather [hbm4b:s3+s2], $0x80, v4, vm0, $0xb8;
	[tilespmem:$0x10100] =	vst v63  }
0x22: {  	v3 =	vperm.xlane v3, v2  }
0x23: {  	[tilespmem:s22], [sflag:$0x1] =	stream.indirect_vreg.gather [hbm4b:s5+s2], $0x80, v4, vm0, $0xb8;
	[tilespmem:$0x10100] =	vst v63  }
0x24: {  	v3 =	vadd.s32 v1, v3  }
0x25: {  	[tilespmem:s23], [sflag:$0x1] =	stream.indirect_vreg.gather [hbm4b:s6+s2], $0x80, v4, vm0, $0xb8;
	[tilespmem:$0x10100] =	vst v63  }
0x26: {  	_ = 	snop  }
0x27: {  	[tilespmem:s24], [sflag:$0x1] =	stream.indirect_vreg.gather [hbm4b:s7+s2], $0x80, v4, vm0, $0xb8;
	[tilespmem:$0x10100] =	vst v63  }
0x28: {  	_ = 	snop  }
0x29: {  	[tilespmem:s25], [sflag:$0x1] =	stream.indirect_vreg.gather [hbm4b:s3+s2], $0x80, v3, vm0, $0xb8;
	[tilespmem:$0x10100] =	vst v63  }
0x2a: {  	_ = 	snop  }
0x2b: {  	[tilespmem:s28], [sflag:$0x1] =	stream.indirect_vreg.gather [hbm4b:s5+s2], $0x80, v3, vm0, $0xb8;
	[tilespmem:$0x10100] =	vst v63  }
0x2c: {  	_ = 	snop  }
0x2d: {  	[tilespmem:s29], [sflag:$0x1] =	stream.indirect_vreg.gather [hbm4b:s6+s2], $0x80, v3, vm0, $0xb8;
	[tilespmem:$0x10100] =	vst v63  }
0x2e: {  	_ = 	snop  }
0x2f: {  	[tilespmem:s30], [sflag:$0x1] =	stream.indirect_vreg.gather [hbm4b:s7+s2], $0x80, v3, vm0, $0xb8;
	[tilespmem:$0x10100] =	vst v63  }
0x30: {  	v3 =	vld [tilespmem:$0x10];
	_ =	sdelay $0x4  }
0x31: {  	v53 =	vshll.u32 v3, $0x3  }
0x32: {  	v3 =	vand.u32 $0x7, v3;
	v4 =	vand.u32 $0xFFFFFFC0, v53  }
0x33: {  	v3 =	vor.u32 v3, v4  }
0x34: {  	v4 =	vperm.xlane v3, v0;
	_ =	sdelay $0x1  }
0x35: {  	v4 =	vadd.s32 v1, v4;
	_ =	sdelay $0x4  }
0x36: {  	[tilespmem:s31], [sflag:$0x1] =	stream.indirect_vreg.gather [hbm4b:s3+s2], $0x80, v4, vm0, $0xb8;
	[tilespmem:$0x10100] =	vst v63  }
0x37: {  	s1 =	simm.s32 $0x4900;
	v3 =	vperm.xlane v3, v2  }
0x38: {  	[tilespmem:s1], [sflag:$0x1] =	stream.indirect_vreg.gather [hbm4b:s5+s2], $0x80, v4, vm0, $0xb8;
	[tilespmem:$0x10100] =	vst v63  }
0x39: {  	v3 =	vadd.s32 v1, v3  }
0x3a: {  	[tilespmem:s10], [sflag:$0x1] =	stream.indirect_vreg.gather [hbm4b:s6+s2], $0x80, v4, vm0, $0xb8;
	[tilespmem:$0x10100] =	vst v63  }
0x3b: {  	_ = 	snop  }
0x3c: {  	[tilespmem:s4], [sflag:$0x1] =	stream.indirect_vreg.gather [hbm4b:s7+s2], $0x80, v4, vm0, $0xb8;
	[tilespmem:$0x10100] =	vst v63  }
0x3d: {  	_ = 	snop  }
0x3e: {  	[tilespmem:s11], [sflag:$0x1] =	stream.indirect_vreg.gather [hbm4b:s3+s2], $0x80, v3, vm0, $0xb8;
	[tilespmem:$0x10100] =	vst v63  }
0x3f: {  	_ = 	snop  }
0x40: {  	[tilespmem:s12], [sflag:$0x1] =	stream.indirect_vreg.gather [hbm4b:s5+s2], $0x80, v3, vm0, $0xb8;
	[tilespmem:$0x10100] =	vst v63  }
0x41: {  	_ = 	snop  }
0x42: {  	[tilespmem:s13], [sflag:$0x1] =	stream.indirect_vreg.gather [hbm4b:s6+s2], $0x80, v3, vm0, $0xb8;
	[tilespmem:$0x10100] =	vst v63  }
0x43: {  	_ = 	snop  }
0x44: {  	[tilespmem:s14], [sflag:$0x1] =	stream.indirect_vreg.gather [hbm4b:s7+s2], $0x80, v3, vm0, $0xb8;
	[tilespmem:$0x10100] =	vst v63  }
0x45: {  	v3 =	vld [tilespmem:$0x20];
	_ =	sdelay $0x4  }
0x46: {  	v54 =	vshll.u32 v3, $0x3  }
0x47: {  	v3 =	vand.u32 $0x7, v3;
	v4 =	vand.u32 $0xFFFFFFC0, v54  }
0x48: {  	v3 =	vor.u32 v3, v4  }
0x49: {  	v4 =	vperm.xlane v3, v0;
	_ =	sdelay $0x1  }
0x4a: {  	v4 =	vadd.s32 v1, v4;
	_ =	sdelay $0x4  }
0x4b: {  	[tilespmem:s0], [sflag:$0x2] =	stream.indirect_vreg.gather [hbm4b:s3+s2], $0x80, v4, vm0, $0xb8;
	[tilespmem:$0x10100] =	vst v63  }
0x4c: {  	v3 =	vperm.xlane v3, v2  }
0x4d: {  	[tilespmem:s15], [sflag:$0x2] =	stream.indirect_vreg.gather [hbm4b:s5+s2], $0x80, v4, vm0, $0xb8;
	[tilespmem:$0x10100] =	vst v63  }
0x4e: {  	v3 =	vadd.s32 v1, v3  }
0x4f: {  	[tilespmem:s16], [sflag:$0x2] =	stream.indirect_vreg.gather [hbm4b:s6+s2], $0x80, v4, vm0, $0xb8;
	[tilespmem:$0x10100] =	vst v63  }
0x50: {  	_ = 	snop  }
0x51: {  	[tilespmem:s17], [sflag:$0x2] =	stream.indirect_vreg.gather [hbm4b:s7+s2], $0x80, v4, vm0, $0xb8;
	[tilespmem:$0x10100] =	vst v63  }
0x52: {  	_ = 	snop  }
0x53: {  	[tilespmem:s18], [sflag:$0x2] =	stream.indirect_vreg.gather [hbm4b:s3+s2], $0x80, v3, vm0, $0xb8;
	[tilespmem:$0x10100] =	vst v63  }
0x54: {  	s21 =	simm.s32 $0xA900  }
0x55: {  	[tilespmem:s21], [sflag:$0x2] =	stream.indirect_vreg.gather [hbm4b:s5+s2], $0x80, v3, vm0, $0xb8;
	[tilespmem:$0x10100] =	vst v63  }
0x56: {  	s21 =	simm.s32 $0xB100  }
0x57: {  	[tilespmem:s21], [sflag:$0x2] =	stream.indirect_vreg.gather [hbm4b:s6+s2], $0x80, v3, vm0, $0xb8;
	[tilespmem:$0x10100] =	vst v63  }
0x58: {  	s21 =	simm.s32 $0xB900  }
0x59: {  	[tilespmem:s21], [sflag:$0x2] =	stream.indirect_vreg.gather [hbm4b:s7+s2], $0x80, v3, vm0, $0xb8;
	[tilespmem:$0x10100] =	vst v63  }
0x5a: {  	v3 =	vld [tilespmem:$0x30];
	_ =	sdelay $0x4  }
0x5b: {  	v55 =	vshll.u32 v3, $0x3  }
0x5c: {  	v3 =	vand.u32 $0x7, v3;
	v4 =	vand.u32 $0xFFFFFFC0, v55  }
0x5d: {  	v3 =	vor.u32 v3, v4  }
0x5e: {  	v4 =	vperm.xlane v3, v0;
	_ =	sdelay $0x1  }
0x5f: {  	v4 =	vadd.s32 v1, v4;
	_ =	sdelay $0x3  }
0x60: {  	s21 =	simm.s32 $0xC100  }
0x61: {  	[tilespmem:s21], [sflag:$0x2] =	stream.indirect_vreg.gather [hbm4b:s3+s2], $0x80, v4, vm0, $0xb8;
	[tilespmem:$0x10100] =	vst v63  }
0x62: {  	v3 =	vperm.xlane v3, v2;
	s21 =	simm.s32 $0xC900  }
0x63: {  	[tilespmem:s21], [sflag:$0x2] =	stream.indirect_vreg.gather [hbm4b:s5+s2], $0x80, v4, vm0, $0xb8;
	[tilespmem:$0x10100] =	vst v63  }
0x64: {  	v3 =	vadd.s32 v1, v3;
	s21 =	simm.s32 $0xD100  }
0x65: {  	[tilespmem:s21], [sflag:$0x2] =	stream.indirect_vreg.gather [hbm4b:s6+s2], $0x80, v4, vm0, $0xb8;
	[tilespmem:$0x10100] =	vst v63  }
0x66: {  	s21 =	simm.s32 $0xD900  }
0x67: {  	[tilespmem:s21], [sflag:$0x2] =	stream.indirect_vreg.gather [hbm4b:s7+s2], $0x80, v4, vm0, $0xb8;
	[tilespmem:$0x10100] =	vst v63  }
0x68: {  	s21 =	simm.s32 $0xE100  }
0x69: {  	[tilespmem:s21], [sflag:$0x2] =	stream.indirect_vreg.gather [hbm4b:s3+s2], $0x80, v3, vm0, $0xb8;
	[tilespmem:$0x10100] =	vst v63  }
0x6a: {  	s21 =	simm.s32 $0xE900  }
0x6b: {  	[tilespmem:s21], [sflag:$0x2] =	stream.indirect_vreg.gather [hbm4b:s5+s2], $0x80, v3, vm0, $0xb8;
	[tilespmem:$0x10100] =	vst v63  }
0x6c: {  	s21 =	simm.s32 $0xF100  }
0x6d: {  	[tilespmem:s21], [sflag:$0x2] =	stream.indirect_vreg.gather [hbm4b:s6+s2], $0x80, v3, vm0, $0xb8;
	[tilespmem:$0x10100] =	vst v63  }
0x6e: {  	s21 =	simm.s32 $0xF900  }
0x6f: {  	[tilespmem:s21], [sflag:$0x2] =	stream.indirect_vreg.gather [hbm4b:s7+s2], $0x80, v3, vm0, $0xb8;
	[tilespmem:$0x10100] =	vst v63  }
0x70: {  	_ =	swait.ge [sflag:s19], $0x8000  }
0x71: {  	[sflag:s19] =	ssyncset.done $0x0  }
0x72: {  	s21 =	rddreg [dreg:$0x9];
	[sflag:s19] =	ssyncadd.s32 $0xFFFF8000  }
0x73: {  	[hbm4b:s21+s2] =	stream.linear.scatter [tilespmem:s26], [sflag:$0x3], $0x8000, $0x38;
	[tilespmem:$0x10100] =	vst v63  }
0x74: {  	_ =	swait.ge [sflag:s9], $0x8000  }
0x75: {  	[sflag:s9] =	ssyncset.done $0x0  }
0x76: {  	[sflag:s9] =	ssyncadd.s32 $0xFFFF8000  }
0x77: {  	v3 =	vld [tilespmem:$0x40];
	_ =	sdelay $0x4  }
0x78: {  	v56 =	vshll.u32 v3, $0x3  }
0x79: {  	v3 =	vand.u32 $0x7, v3;
	v4 =	vand.u32 $0xFFFFFFC0, v56  }
0x7a: {  	v3 =	vor.u32 v3, v4  }
0x7b: {  	v4 =	vperm.xlane v3, v0;
	_ =	sdelay $0x1  }
0x7c: {  	v4 =	vadd.s32 v1, v4;
	_ =	sdelay $0x4  }
0x7d: {  	[tilespmem:s26], [sflag:$0x1] =	stream.indirect_vreg.gather [hbm4b:s3+s2], $0x80, v4, vm0, $0xb8;
	[tilespmem:$0x10100] =	vst v63  }
0x7e: {  	v3 =	vperm.xlane v3, v2  }
0x7f: {  	[tilespmem:s22], [sflag:$0x1] =	stream.indirect_vreg.gather [hbm4b:s5+s2], $0x80, v4, vm0, $0xb8;
	[tilespmem:$0x10100] =	vst v63  }
0x80: {  	v3 =	vadd.s32 v1, v3  }
0x81: {  	[tilespmem:s23], [sflag:$0x1] =	stream.indirect_vreg.gather [hbm4b:s6+s2], $0x80, v4, vm0, $0xb8;
	[tilespmem:$0x10100] =	vst v63  }
0x82: {  	_ = 	snop  }
0x83: {  	[tilespmem:s24], [sflag:$0x1] =	stream.indirect_vreg.gather [hbm4b:s7+s2], $0x80, v4, vm0, $0xb8;
	[tilespmem:$0x10100] =	vst v63  }
0x84: {  	_ = 	snop  }
0x85: {  	[tilespmem:s25], [sflag:$0x1] =	stream.indirect_vreg.gather [hbm4b:s3+s2], $0x80, v3, vm0, $0xb8;
	[tilespmem:$0x10100] =	vst v63  }
0x86: {  	_ = 	snop  }
0x87: {  	[tilespmem:s28], [sflag:$0x1] =	stream.indirect_vreg.gather [hbm4b:s5+s2], $0x80, v3, vm0, $0xb8;
	[tilespmem:$0x10100] =	vst v63  }
0x88: {  	_ = 	snop  }
0x89: {  	[tilespmem:s29], [sflag:$0x1] =	stream.indirect_vreg.gather [hbm4b:s6+s2], $0x80, v3, vm0, $0xb8;
	[tilespmem:$0x10100] =	vst v63  }
0x8a: {  	_ = 	snop  }
0x8b: {  	[tilespmem:s30], [sflag:$0x1] =	stream.indirect_vreg.gather [hbm4b:s7+s2], $0x80, v3, vm0, $0xb8;
	[tilespmem:$0x10100] =	vst v63  }
0x8c: {  	v3 =	vld [tilespmem:$0x50];
	_ =	sdelay $0x4  }
0x8d: {  	v57 =	vshll.u32 v3, $0x3  }
0x8e: {  	v3 =	vand.u32 $0x7, v3;
	v4 =	vand.u32 $0xFFFFFFC0, v57  }
0x8f: {  	v3 =	vor.u32 v3, v4  }
0x90: {  	v4 =	vperm.xlane v3, v0;
	_ =	sdelay $0x1  }
0x91: {  	v4 =	vadd.s32 v1, v4;
	_ =	sdelay $0x4  }
0x92: {  	[tilespmem:s31], [sflag:$0x1] =	stream.indirect_vreg.gather [hbm4b:s3+s2], $0x80, v4, vm0, $0xb8;
	[tilespmem:$0x10100] =	vst v63  }
0x93: {  	v3 =	vperm.xlane v3, v2  }
0x94: {  	[tilespmem:s1], [sflag:$0x1] =	stream.indirect_vreg.gather [hbm4b:s5+s2], $0x80, v4, vm0, $0xb8;
	[tilespmem:$0x10100] =	vst v63  }
0x95: {  	v3 =	vadd.s32 v1, v3  }
0x96: {  	[tilespmem:s10], [sflag:$0x1] =	stream.indirect_vreg.gather [hbm4b:s6+s2], $0x80, v4, vm0, $0xb8;
	[tilespmem:$0x10100] =	vst v63  }
0x97: {  	_ = 	snop  }
0x98: {  	[tilespmem:s4], [sflag:$0x1] =	stream.indirect_vreg.gather [hbm4b:s7+s2], $0x80, v4, vm0, $0xb8;
	[tilespmem:$0x10100] =	vst v63  }
0x99: {  	_ = 	snop  }
0x9a: {  	[tilespmem:s11], [sflag:$0x1] =	stream.indirect_vreg.gather [hbm4b:s3+s2], $0x80, v3, vm0, $0xb8;
	[tilespmem:$0x10100] =	vst v63  }
0x9b: {  	_ = 	snop  }
0x9c: {  	[tilespmem:s12], [sflag:$0x1] =	stream.indirect_vreg.gather [hbm4b:s5+s2], $0x80, v3, vm0, $0xb8;
	[tilespmem:$0x10100] =	vst v63  }
0x9d: {  	_ = 	snop  }
0x9e: {  	[tilespmem:s13], [sflag:$0x1] =	stream.indirect_vreg.gather [hbm4b:s6+s2], $0x80, v3, vm0, $0xb8;
	[tilespmem:$0x10100] =	vst v63  }
0x9f: {  	_ = 	snop  }
0xa0: {  	[tilespmem:s14], [sflag:$0x1] =	stream.indirect_vreg.gather [hbm4b:s7+s2], $0x80, v3, vm0, $0xb8;
	[tilespmem:$0x10100] =	vst v63  }
0xa1: {  	_ =	swait.ge [sflag:s20], $0x8000  }
0xa2: {  	[sflag:s20] =	ssyncset.done $0x0  }
0xa3: {  	s21 =	rddreg [dreg:$0x4];
	[sflag:s20] =	ssyncadd.s32 $0xFFFF8000  }
0xa4: {  	[hbm4b:s21+s2] =	stream.linear.scatter [tilespmem:s0], [sflag:$0x3], $0x8000, $0x38;
	[tilespmem:$0x10100] =	vst v63  }
0xa5: {  	_ =	swait.ge [sflag:s9], $0x8000  }
0xa6: {  	[sflag:s9] =	ssyncset.done $0x0  }
0xa7: {  	[sflag:s9] =	ssyncadd.s32 $0xFFFF8000  }
0xa8: {  	v3 =	vld [tilespmem:$0x60];
	_ =	sdelay $0x4  }
0xa9: {  	v58 =	vshll.u32 v3, $0x3  }
0xaa: {  	v3 =	vand.u32 $0x7, v3;
	v4 =	vand.u32 $0xFFFFFFC0, v58  }
0xab: {  	v3 =	vor.u32 v3, v4  }
0xac: {  	v4 =	vperm.xlane v3, v0;
	_ =	sdelay $0x1  }
0xad: {  	v4 =	vadd.s32 v1, v4;
	_ =	sdelay $0x4  }
0xae: {  	[tilespmem:s0], [sflag:$0x2] =	stream.indirect_vreg.gather [hbm4b:s3+s2], $0x80, v4, vm0, $0xb8;
	[tilespmem:$0x10100] =	vst v63  }
0xaf: {  	v3 =	vperm.xlane v3, v2  }
0xb0: {  	[tilespmem:s15], [sflag:$0x2] =	stream.indirect_vreg.gather [hbm4b:s5+s2], $0x80, v4, vm0, $0xb8;
	[tilespmem:$0x10100] =	vst v63  }
0xb1: {  	v3 =	vadd.s32 v1, v3  }
0xb2: {  	[tilespmem:s16], [sflag:$0x2] =	stream.indirect_vreg.gather [hbm4b:s6+s2], $0x80, v4, vm0, $0xb8;
	[tilespmem:$0x10100] =	vst v63  }
0xb3: {  	_ = 	snop  }
0xb4: {  	[tilespmem:s17], [sflag:$0x2] =	stream.indirect_vreg.gather [hbm4b:s7+s2], $0x80, v4, vm0, $0xb8;
	[tilespmem:$0x10100] =	vst v63  }
0xb5: {  	_ = 	snop  }
0xb6: {  	[tilespmem:s18], [sflag:$0x2] =	stream.indirect_vreg.gather [hbm4b:s3+s2], $0x80, v3, vm0, $0xb8;
	[tilespmem:$0x10100] =	vst v63  }
0xb7: {  	s21 =	simm.s32 $0xA900  }
0xb8: {  	[tilespmem:s21], [sflag:$0x2] =	stream.indirect_vreg.gather [hbm4b:s5+s2], $0x80, v3, vm0, $0xb8;
	[tilespmem:$0x10100] =	vst v63  }
0xb9: {  	s21 =	simm.s32 $0xB100  }
0xba: {  	[tilespmem:s21], [sflag:$0x2] =	stream.indirect_vreg.gather [hbm4b:s6+s2], $0x80, v3, vm0, $0xb8;
	[tilespmem:$0x10100] =	vst v63  }
0xbb: {  	s21 =	simm.s32 $0xB900  }
0xbc: {  	[tilespmem:s21], [sflag:$0x2] =	stream.indirect_vreg.gather [hbm4b:s7+s2], $0x80, v3, vm0, $0xb8;
	[tilespmem:$0x10100] =	vst v63  }
0xbd: {  	v3 =	vld [tilespmem:$0x70];
	_ =	sdelay $0x4  }
0xbe: {  	v59 =	vshll.u32 v3, $0x3  }
0xbf: {  	v3 =	vand.u32 $0x7, v3;
	v4 =	vand.u32 $0xFFFFFFC0, v59  }
0xc0: {  	v3 =	vor.u32 v3, v4  }
0xc1: {  	v4 =	vperm.xlane v3, v0;
	_ =	sdelay $0x1  }
0xc2: {  	v4 =	vadd.s32 v1, v4;
	_ =	sdelay $0x3  }
0xc3: {  	s21 =	simm.s32 $0xC100  }
0xc4: {  	[tilespmem:s21], [sflag:$0x2] =	stream.indirect_vreg.gather [hbm4b:s3+s2], $0x80, v4, vm0, $0xb8;
	[tilespmem:$0x10100] =	vst v63  }
0xc5: {  	v3 =	vperm.xlane v3, v2;
	s21 =	simm.s32 $0xC900  }
0xc6: {  	[tilespmem:s21], [sflag:$0x2] =	stream.indirect_vreg.gather [hbm4b:s5+s2], $0x80, v4, vm0, $0xb8;
	[tilespmem:$0x10100] =	vst v63  }
0xc7: {  	v3 =	vadd.s32 v1, v3;
	s21 =	simm.s32 $0xD100  }
0xc8: {  	[tilespmem:s21], [sflag:$0x2] =	stream.indirect_vreg.gather [hbm4b:s6+s2], $0x80, v4, vm0, $0xb8;
	[tilespmem:$0x10100] =	vst v63  }
0xc9: {  	s21 =	simm.s32 $0xD900  }
0xca: {  	[tilespmem:s21], [sflag:$0x2] =	stream.indirect_vreg.gather [hbm4b:s7+s2], $0x80, v4, vm0, $0xb8;
	[tilespmem:$0x10100] =	vst v63  }
0xcb: {  	s21 =	simm.s32 $0xE100  }
0xcc: {  	[tilespmem:s21], [sflag:$0x2] =	stream.indirect_vreg.gather [hbm4b:s3+s2], $0x80, v3, vm0, $0xb8;
	[tilespmem:$0x10100] =	vst v63  }
0xcd: {  	s21 =	simm.s32 $0xE900  }
0xce: {  	[tilespmem:s21], [sflag:$0x2] =	stream.indirect_vreg.gather [hbm4b:s5+s2], $0x80, v3, vm0, $0xb8;
	[tilespmem:$0x10100] =	vst v63  }
0xcf: {  	s21 =	simm.s32 $0xF100  }
0xd0: {  	[tilespmem:s21], [sflag:$0x2] =	stream.indirect_vreg.gather [hbm4b:s6+s2], $0x80, v3, vm0, $0xb8;
	[tilespmem:$0x10100] =	vst v63  }
0xd1: {  	s21 =	simm.s32 $0xF900  }
0xd2: {  	[tilespmem:s21], [sflag:$0x2] =	stream.indirect_vreg.gather [hbm4b:s7+s2], $0x80, v3, vm0, $0xb8;
	[tilespmem:$0x10100] =	vst v63  }
0xd3: {  	_ =	swait.ge [sflag:s19], $0x8000  }
0xd4: {  	[sflag:s19] =	ssyncset.done $0x0  }
0xd5: {  	s21 =	rddreg [dreg:$0x5];
	[sflag:s19] =	ssyncadd.s32 $0xFFFF8000  }
0xd6: {  	[hbm4b:s21+s2] =	stream.linear.scatter [tilespmem:s26], [sflag:$0x3], $0x8000, $0x38;
	[tilespmem:$0x10100] =	vst v63  }
0xd7: {  	_ =	swait.ge [sflag:s9], $0x8000  }
0xd8: {  	[sflag:s9] =	ssyncset.done $0x0  }
0xd9: {  	[sflag:s9] =	ssyncadd.s32 $0xFFFF8000  }
0xda: {  	v3 =	vld [tilespmem:$0x80];
	_ =	sdelay $0x4  }
0xdb: {  	v60 =	vshll.u32 v3, $0x3  }
0xdc: {  	v3 =	vand.u32 $0x7, v3;
	v4 =	vand.u32 $0xFFFFFFC0, v60  }
0xdd: {  	v3 =	vor.u32 v3, v4  }
0xde: {  	v4 =	vperm.xlane v3, v0;
	_ =	sdelay $0x1  }
0xdf: {  	v4 =	vadd.s32 v1, v4;
	_ =	sdelay $0x4  }
0xe0: {  	[tilespmem:s26], [sflag:$0x1] =	stream.indirect_vreg.gather [hbm4b:s3+s2], $0x80, v4, vm0, $0xb8;
	[tilespmem:$0x10100] =	vst v63  }
0xe1: {  	v3 =	vperm.xlane v3, v2  }
0xe2: {  	[tilespmem:s22], [sflag:$0x1] =	stream.indirect_vreg.gather [hbm4b:s5+s2], $0x80, v4, vm0, $0xb8;
	[tilespmem:$0x10100] =	vst v63  }
0xe3: {  	v3 =	vadd.s32 v1, v3  }
0xe4: {  	[tilespmem:s23], [sflag:$0x1] =	stream.indirect_vreg.gather [hbm4b:s6+s2], $0x80, v4, vm0, $0xb8;
	[tilespmem:$0x10100] =	vst v63  }
0xe5: {  	_ = 	snop  }
0xe6: {  	[tilespmem:s24], [sflag:$0x1] =	stream.indirect_vreg.gather [hbm4b:s7+s2], $0x80, v4, vm0, $0xb8;
	[tilespmem:$0x10100] =	vst v63  }
0xe7: {  	_ = 	snop  }
0xe8: {  	[tilespmem:s25], [sflag:$0x1] =	stream.indirect_vreg.gather [hbm4b:s3+s2], $0x80, v3, vm0, $0xb8;
	[tilespmem:$0x10100] =	vst v63  }
0xe9: {  	_ = 	snop  }
0xea: {  	[tilespmem:s28], [sflag:$0x1] =	stream.indirect_vreg.gather [hbm4b:s5+s2], $0x80, v3, vm0, $0xb8;
	[tilespmem:$0x10100] =	vst v63  }
0xeb: {  	_ = 	snop  }
0xec: {  	[tilespmem:s29], [sflag:$0x1] =	stream.indirect_vreg.gather [hbm4b:s6+s2], $0x80, v3, vm0, $0xb8;
	[tilespmem:$0x10100] =	vst v63  }
0xed: {  	_ = 	snop  }
0xee: {  	[tilespmem:s30], [sflag:$0x1] =	stream.indirect_vreg.gather [hbm4b:s7+s2], $0x80, v3, vm0, $0xb8;
	[tilespmem:$0x10100] =	vst v63  }
0xef: {  	v3 =	vld [tilespmem:$0x90];
	_ =	sdelay $0x4  }
0xf0: {  	v61 =	vshll.u32 v3, $0x3  }
0xf1: {  	v3 =	vand.u32 $0x7, v3;
	v4 =	vand.u32 $0xFFFFFFC0, v61  }
0xf2: {  	v3 =	vor.u32 v3, v4  }
0xf3: {  	v4 =	vperm.xlane v3, v0;
	_ =	sdelay $0x1  }
0xf4: {  	v4 =	vadd.s32 v1, v4;
	_ =	sdelay $0x4  }
0xf5: {  	[tilespmem:s31], [sflag:$0x1] =	stream.indirect_vreg.gather [hbm4b:s3+s2], $0x80, v4, vm0, $0xb8;
	[tilespmem:$0x10100] =	vst v63  }
0xf6: {  	v3 =	vperm.xlane v3, v2  }
0xf7: {  	[tilespmem:s1], [sflag:$0x1] =	stream.indirect_vreg.gather [hbm4b:s5+s2], $0x80, v4, vm0, $0xb8;
	[tilespmem:$0x10100] =	vst v63  }
0xf8: {  	v3 =	vadd.s32 v1, v3  }
0xf9: {  	[tilespmem:s10], [sflag:$0x1] =	stream.indirect_vreg.gather [hbm4b:s6+s2], $0x80, v4, vm0, $0xb8;
	[tilespmem:$0x10100] =	vst v63  }
0xfa: {  	_ = 	snop  }
0xfb: {  	[tilespmem:s4], [sflag:$0x1] =	stream.indirect_vreg.gather [hbm4b:s7+s2], $0x80, v4, vm0, $0xb8;
	[tilespmem:$0x10100] =	vst v63  }
0xfc: {  	_ = 	snop  }
0xfd: {  	[tilespmem:s11], [sflag:$0x1] =	stream.indirect_vreg.gather [hbm4b:s3+s2], $0x80, v3, vm0, $0xb8;
	[tilespmem:$0x10100] =	vst v63  }
0xfe: {  	_ = 	snop  }
0xff: {  	[tilespmem:s12], [sflag:$0x1] =	stream.indirect_vreg.gather [hbm4b:s5+s2], $0x80, v3, vm0, $0xb8;
	[tilespmem:$0x10100] =	vst v63  }
0x100: {  	_ = 	snop  }
0x101: {  	[tilespmem:s13], [sflag:$0x1] =	stream.indirect_vreg.gather [hbm4b:s6+s2], $0x80, v3, vm0, $0xb8;
	[tilespmem:$0x10100] =	vst v63  }
0x102: {  	_ = 	snop  }
0x103: {  	[tilespmem:s14], [sflag:$0x1] =	stream.indirect_vreg.gather [hbm4b:s7+s2], $0x80, v3, vm0, $0xb8;
	[tilespmem:$0x10100] =	vst v63  }
0x104: {  	_ =	swait.ge [sflag:s20], $0x8000  }
0x105: {  	[sflag:s20] =	ssyncset.done $0x0  }
0x106: {  	s1 =	rddreg [dreg:$0x6];
	[sflag:s20] =	ssyncadd.s32 $0xFFFF8000  }
0x107: {  	[hbm4b:s1+s2] =	stream.linear.scatter [tilespmem:s0], [sflag:$0x3], $0x8000, $0x38;
	[tilespmem:$0x10100] =	vst v63  }
0x108: {  	_ =	swait.ge [sflag:s9], $0x8000  }
0x109: {  	[sflag:s9] =	ssyncset.done $0x0  }
0x10a: {  	[sflag:s9] =	ssyncadd.s32 $0xFFFF8000  }
0x10b: {  	v3 =	vld [tilespmem:$0xA0];
	_ =	sdelay $0x4  }
0x10c: {  	v62 =	vshll.u32 v3, $0x3  }
0x10d: {  	v3 =	vand.u32 $0x7, v3;
	v4 =	vand.u32 $0xFFFFFFC0, v62  }
0x10e: {  	v3 =	vor.u32 v3, v4  }
0x10f: {  	v4 =	vperm.xlane v3, v0;
	_ =	sdelay $0x1  }
0x110: {  	v4 =	vadd.s32 v1, v4;
	_ =	sdelay $0x4  }
0x111: {  	[tilespmem:s0], [sflag:$0x2] =	stream.indirect_vreg.gather [hbm4b:s3+s2], $0x80, v4, vm0, $0xb8;
	[tilespmem:$0x10100] =	vst v63  }
0x112: {  	v3 =	vperm.xlane v3, v2  }
0x113: {  	[tilespmem:s15], [sflag:$0x2] =	stream.indirect_vreg.gather [hbm4b:s5+s2], $0x80, v4, vm0, $0xb8;
	[tilespmem:$0x10100] =	vst v63  }
0x114: {  	v3 =	vadd.s32 v1, v3  }
0x115: {  	[tilespmem:s16], [sflag:$0x2] =	stream.indirect_vreg.gather [hbm4b:s6+s2], $0x80, v4, vm0, $0xb8;
	[tilespmem:$0x10100] =	vst v63  }
0x116: {  	_ = 	snop  }
0x117: {  	[tilespmem:s17], [sflag:$0x2] =	stream.indirect_vreg.gather [hbm4b:s7+s2], $0x80, v4, vm0, $0xb8;
	[tilespmem:$0x10100] =	vst v63  }
0x118: {  	_ = 	snop  }
0x119: {  	[tilespmem:s18], [sflag:$0x2] =	stream.indirect_vreg.gather [hbm4b:s3+s2], $0x80, v3, vm0, $0xb8;
	[tilespmem:$0x10100] =	vst v63  }
0x11a: {  	s21 =	simm.s32 $0xA900  }
0x11b: {  	[tilespmem:s21], [sflag:$0x2] =	stream.indirect_vreg.gather [hbm4b:s5+s2], $0x80, v3, vm0, $0xb8;
	[tilespmem:$0x10100] =	vst v63  }
0x11c: {  	s21 =	simm.s32 $0xB100  }
0x11d: {  	[tilespmem:s21], [sflag:$0x2] =	stream.indirect_vreg.gather [hbm4b:s6+s2], $0x80, v3, vm0, $0xb8;
	[tilespmem:$0x10100] =	vst v63  }
0x11e: {  	s21 =	simm.s32 $0xB900  }
0x11f: {  	[tilespmem:s21], [sflag:$0x2] =	stream.indirect_vreg.gather [hbm4b:s7+s2], $0x80, v3, vm0, $0xb8;
	[tilespmem:$0x10100] =	vst v63  }
0x120: {  	v3 =	vld [tilespmem:$0xB0];
	_ =	sdelay $0x4  }
0x121: {  	v63 =	vshll.u32 v3, $0x3  }
0x122: {  	v3 =	vand.u32 $0x7, v3;
	v4 =	vand.u32 $0xFFFFFFC0, v63  }
0x123: {  	v3 =	vor.u32 v3, v4  }
0x124: {  	v4 =	vperm.xlane v3, v0;
	_ =	sdelay $0x1  }
0x125: {  	v4 =	vadd.s32 v1, v4;
	_ =	sdelay $0x3  }
0x126: {  	s21 =	simm.s32 $0xC100  }
0x127: {  	[tilespmem:s21], [sflag:$0x2] =	stream.indirect_vreg.gather [hbm4b:s3+s2], $0x80, v4, vm0, $0xb8;
	[tilespmem:$0x10100] =	vst v63  }
0x128: {  	v3 =	vperm.xlane v3, v2;
	s21 =	simm.s32 $0xC900  }
0x129: {  	[tilespmem:s21], [sflag:$0x2] =	stream.indirect_vreg.gather [hbm4b:s5+s2], $0x80, v4, vm0, $0xb8;
	[tilespmem:$0x10100] =	vst v63  }
0x12a: {  	v3 =	vadd.s32 v1, v3;
	s21 =	simm.s32 $0xD100  }
0x12b: {  	[tilespmem:s21], [sflag:$0x2] =	stream.indirect_vreg.gather [hbm4b:s6+s2], $0x80, v4, vm0, $0xb8;
	[tilespmem:$0x10100] =	vst v63  }
0x12c: {  	s21 =	simm.s32 $0xD900  }
0x12d: {  	[tilespmem:s21], [sflag:$0x2] =	stream.indirect_vreg.gather [hbm4b:s7+s2], $0x80, v4, vm0, $0xb8;
	[tilespmem:$0x10100] =	vst v63  }
0x12e: {  	s21 =	simm.s32 $0xE100  }
0x12f: {  	[tilespmem:s21], [sflag:$0x2] =	stream.indirect_vreg.gather [hbm4b:s3+s2], $0x80, v3, vm0, $0xb8;
	[tilespmem:$0x10100] =	vst v63  }
0x130: {  	s21 =	simm.s32 $0xE900  }
0x131: {  	[tilespmem:s21], [sflag:$0x2] =	stream.indirect_vreg.gather [hbm4b:s5+s2], $0x80, v3, vm0, $0xb8;
	[tilespmem:$0x10100] =	vst v63  }
0x132: {  	s21 =	simm.s32 $0xF100  }
0x133: {  	[tilespmem:s21], [sflag:$0x2] =	stream.indirect_vreg.gather [hbm4b:s6+s2], $0x80, v3, vm0, $0xb8;
	[tilespmem:$0x10100] =	vst v63  }
0x134: {  	s21 =	simm.s32 $0xF900  }
0x135: {  	[tilespmem:s21], [sflag:$0x2] =	stream.indirect_vreg.gather [hbm4b:s7+s2], $0x80, v3, vm0, $0xb8;
	[tilespmem:$0x10100] =	vst v63  }
0x136: {  	_ =	swait.ge [sflag:s19], $0x8000  }
0x137: {  	[sflag:s19] =	ssyncset.done $0x0  }
0x138: {  	s1 =	rddreg [dreg:$0x7];
	[sflag:s19] =	ssyncadd.s32 $0xFFFF8000  }
0x139: {  	[hbm4b:s1+s2] =	stream.linear.scatter [tilespmem:s26], [sflag:$0x3], $0x8000, $0x38;
	[tilespmem:$0x10100] =	vst v63  }
0x13a: {  	_ =	swait.ge [sflag:s9], $0x8000  }
0x13b: {  	[sflag:s9] =	ssyncset.done $0x0  }
0x13c: {  	[sflag:s9] =	ssyncadd.s32 $0xFFFF8000  }
0x13d: {  	_ =	swait.ge [sflag:s20], $0x8000  }
0x13e: {  	p0 =	sne.s32 s8, $0x1;
	[sflag:s20] =	ssyncset.done $0x0  }
.Ltmp0:
0x13f: {  	s1 =	rddreg [dreg:$0x8];
	[sflag:s20] =	ssyncadd.s32 $0xFFFF8000;
	(pc) =	sbr.rel @p0 .LBB2_1-.Ltmp0, $4  }
0x140: {  	[hbm4b:s1+s2] =	stream.linear.scatter [tilespmem:s0], [sflag:$0x3], $0x8000, $0x38;
	[tilespmem:$0x10100] =	vst v63  }
0x141: {  	_ =	swait.ge [sflag:s9], $0x8000  }
0x142: {  	[sflag:s9] =	ssyncset.done $0x0  }
0x143: {  	s8 =	sadd.s32 $0xFFFFFFFF, s8;
	[sflag:s9] =	ssyncadd.s32 $0xFFFF8000  }
0x144: {  	_ =	sfence.sel $0x180000  }
0x145: {  	[bflag:$0x0] =	sbarrier.arrive $0xFFFF  }
0x146: {  	_ =	strace $0x9000004D  }
0x147: {  	s0 =	stileid.u32;
	[bflag:$0x2] =	sbarrier.arrive $0xFFFF  }
0x148: {  	p0 =	sne.s32 s0, $0x0;
	s0 =	rddreg [dreg:$0x2]  }
0x149: {  	s0 =	sadd.s32 @!p0 $0x100000, s0  }
0x14a: {  	[sflag:s0] =	ssyncadd.tile.s32 @!p0 $0x1;
	_ =	shalt  }
.Lfunc_end2:
_tile_overlayer_lowered:
.L_overlay_start_2:
0x14b: {  	(tag) =	ssettag $0x2  }
0x14c: {  	s0 =	rddreg [dreg:$0x0];
	s2 =	stileid.u32  }
0x14d: {  	s1 =	rddreg [dreg:$0x1];
	p0 =	sne.s32 s2, $0x0  }
0x14e: {  	s3 =	rddreg [dreg:$0x2];
	[bflag:$0x3] =	sbarrier.arrive $0xFFFF;
	s2 =	simm.s32 @!p0 $0x1C03  }
0x14f: {  	[timem:s3], [sflag:s2] =	dma.local @!p0 [hbm:s0], s1  }
0x150: {  	s0 =	simm.s32 @!p0 $0x3  }
0x151: {  	_ =	swait.ge @!p0 [sflag:s0], s1  }
0x152: {  	s1 =	ssub.s32 @!p0 $0x0, s1;
	[sflag:s0] =	ssyncset.done @!p0 $0x0  }
0x153: {  	[sflag:s0] =	ssyncadd.s32 @!p0 s1  }
0x154: {  	[bflag:$0x3] =	sbarrier.arrive $0xFFFF  }
0x155: {  	_ =	shalt  }

// kernel: kernel.25.cloned.1.call-start
scs
__scs_entry_jumppad:
0x0: {  	(pc) =	sbr.rel $0x88, $3  }
0x1: {  	(tag) =	ssettag $0x0;
	lr =	simm.s32 $0x1  }
0x2: {  	[smem:$0x3F97] =	sst lr;
	_ =	strace $0xD0000000  }
0x3: {  	_ = 	snop  }
0x4: {  	_ = 	snop  }
0x5: {  	_ = 	snop  }
0x6: {  	_ = 	snop  }
0x7: {  	_ = 	snop  }
__scs_overlays_trampoline_lowered:
0x8: {  	[smem:$0x3FA6] =	sst s0  }
0x9: {  	[smem:$0x3FA7] =	sst s1  }
0xa: {  	[smem:$0x3FA8] =	sst s2  }
0xb: {  	[smem:$0x3FA9] =	sst s3  }
0xc: {  	[smem:$0x3FAA] =	sst s4  }
0xd: {  	[smem:$0x3FAB] =	sst s5  }
0xe: {  	[smem:$0x3FAC] =	sst s6  }
0xf: {  	[smem:$0x3FAD] =	sst s7  }
0x10: {  	[smem:$0x3FAE] =	sst s8  }
0x11: {  	[smem:$0x3FAF] =	sst s9;
	s0 =	simm.s32 @!p0 $0x0  }
0x12: {  	s1 =	sld [smem:$0x3F95];
	s0 =	simm.s32 @p0 $0x1  }
0x13: {  	[smem:$0x3FB0] =	sst s0;
	s0 =	simm.s32 @!p1 $0x0  }
0x14: {  	s2 =	sld [smem:$0x3F94];
	s0 =	simm.s32 @p1 $0x1  }
0x15: {  	[smem:$0x3FB1] =	sst s0;
	s0 =	simm.s32 @!p2 $0x0  }
0x16: {  	s3 =	sld [smem:$0x3FDB];
	s0 =	simm.s32 @p2 $0x1  }
0x17: {  	s4 =	simm.s32 $0x1BF5;
	[smem:$0x3FB3] =	sst s0  }
0x18: {  	s0 =	sld [smem:$0x3F96];
	_ =	swait.ge [sflag:s4], $0x0  }
0x19: {  	s7 =	sld [smem:$0x3F97]  }
0x1a: {  	s8 =	sadd.s32 $0xFFFFE003, lr  }
0x1b: {  	s9 =	sadd.s32 $0xFFFFFEF7, lr;
	s5 =	simm.s32 $0xFFFFFFFF;
	p2 =	slt.u32 s8, $0xFFFFF086  }
0x1c: {  	p1 =	slt.u32 s9, $0xF7A;
	s5 =	simm.s32 @!p2 $0x0  }
0x1d: {  	s5 =	simm.s32 @p1 $0x1;
	p0 =	seq.s32 s7, s2  }
0x1e: {  	s7 =	smul.u32 @!p0 $0xF7A, s2;
	p2 =	seq.s32 @!p0 s5, $0x0  }
0x1f: {  	s9 =	smul.u32 $0xF7A, s1;
	s8 =	simm.s32 @!p0 $0x1BF5;
	p2 =	por !p2, p0  }
0x20: {  	[sflag:s8] =	ssyncset.s32 @!p0 $0xFFFFF086;
	s6 =	sadd.s32 @!p0 s3, s7;
	s7 =	simm.s32 @!p0 $0x108  }
0x21: {  	s3 =	sadd.s32 s3, s9;
	s6 =	sadd.s32 @!p0 $0x88, s6;
	s7 =	simm.s32 @p2 $0x1082  }
0x22: {  	[simem:s7], [sflag:s8] =	dma.local @!p0 [hbm:s6], $0xF7A  }
0x23: {  	s9 =	sor.u32 $0xD0000000, s2;
	s6 =	simm.s32 $0x108;
	_ =	swait.ge @!p0 [sflag:s8], $0x0  }
0x24: {  	s3 =	sadd.s32 $0x88, s3;
	s6 =	simm.s32 @!p1 $0x1082;
	[sflag:s4] =	ssyncset.s32 $0xFFFFF086  }
0x25: {  	[simem:s6], [sflag:s4] =	dma.local [hbm:s3], $0xF7A  }
0x26: {  	[smem:$0x3F97] =	sst s1;
	(tag) =	ssettag s2;
	_ =	strace s9  }
0x27: {  	s1 =	sld [smem:$0x3FA7]  }
0x28: {  	s2 =	sld [smem:$0x3FA8]  }
0x29: {  	s4 =	sld [smem:$0x3FAA]  }
0x2a: {  	p0 =	seq.s32 s5, $0x0;
	s5 =	sld [smem:$0x3FAB]  }
0x2b: {  	s6 =	sld [smem:$0x3FAC]  }
0x2c: {  	s7 =	sld [smem:$0x3FAD]  }
0x2d: {  	s3 =	simm.s32 $0x108;
	s8 =	sld [smem:$0x3FAE]  }
0x2e: {  	s3 =	simm.s32 @!p0 $0x1082;
	s9 =	sld [smem:$0x3FAF]  }
0x2f: {  	lr =	sadd.s32 s0, s3;
	s0 =	sld [smem:$0x3FA6]  }
0x30: {  	s3 =	sld [smem:$0x3FA9]  }
0x31: {  	[smem:$0x3FB2] =	sst s10  }
0x32: {  	s10 =	sld [smem:$0x3FB0];
	_ =	sdelay $0x3  }
0x33: {  	p0 =	seq.s32 s10, $0x1;
	s10 =	sld [smem:$0x3FB2];
	_ =	sdelay $0x3  }
0x34: {  	[smem:$0x3FB2] =	sst s10  }
0x35: {  	s10 =	sld [smem:$0x3FB1];
	_ =	sdelay $0x3  }
0x36: {  	p1 =	seq.s32 s10, $0x1;
	s10 =	sld [smem:$0x3FB2];
	_ =	sdelay $0x3  }
0x37: {  	[smem:$0x3FB2] =	sst s10  }
0x38: {  	s10 =	sld [smem:$0x3FB3]  }
0x39: {  	_ = 	snop;
	(pc) =	sbr.ind lr, $3  }
0x3a: {  	_ = 	snop  }
0x3b: {  	_ = 	snop  }
0x3c: {  	p2 =	seq.s32 s10, $0x1;
	s10 =	sld [smem:$0x3FB2]  }
0x3d: {  	_ =	shalt  }
0x3e: {  	_ =	shalt  }
0x3f: {  	_ =	shalt  }
0x40: {  	_ =	shalt  }
0x41: {  	_ =	shalt  }
0x42: {  	_ =	shalt  }
0x43: {  	_ =	shalt  }
0x44: {  	_ =	shalt  }
0x45: {  	_ =	shalt  }
0x46: {  	_ =	shalt  }
0x47: {  	_ =	shalt  }
0x48: {  	_ =	shalt  }
0x49: {  	_ =	shalt  }
0x4a: {  	_ =	shalt  }
0x4b: {  	_ =	shalt  }
0x4c: {  	_ =	shalt  }
0x4d: {  	_ =	shalt  }
0x4e: {  	_ =	shalt  }
0x4f: {  	_ =	shalt  }
0x50: {  	_ =	shalt  }
0x51: {  	_ =	shalt  }
0x52: {  	_ =	shalt  }
0x53: {  	_ =	shalt  }
0x54: {  	_ =	shalt  }
0x55: {  	_ =	shalt  }
0x56: {  	_ =	shalt  }
0x57: {  	_ =	shalt  }
0x58: {  	_ =	shalt  }
0x59: {  	_ =	shalt  }
0x5a: {  	_ =	shalt  }
0x5b: {  	_ =	shalt  }
0x5c: {  	_ =	shalt  }
0x5d: {  	_ =	shalt  }
0x5e: {  	_ =	shalt  }
0x5f: {  	_ =	shalt  }
0x60: {  	_ =	shalt  }
0x61: {  	_ =	shalt  }
0x62: {  	_ =	shalt  }
0x63: {  	_ =	shalt  }
0x64: {  	_ =	shalt  }
0x65: {  	_ =	shalt  }
0x66: {  	_ =	shalt  }
0x67: {  	_ =	shalt  }
0x68: {  	_ =	shalt  }
0x69: {  	_ =	shalt  }
0x6a: {  	_ =	shalt  }
0x6b: {  	_ =	shalt  }
0x6c: {  	_ =	shalt  }
0x6d: {  	_ =	shalt  }
0x6e: {  	_ =	shalt  }
0x6f: {  	_ =	shalt  }
0x70: {  	_ =	shalt  }
0x71: {  	_ =	shalt  }
0x72: {  	_ =	shalt  }
0x73: {  	_ =	shalt  }
0x74: {  	_ =	shalt  }
0x75: {  	_ =	shalt  }
0x76: {  	_ =	shalt  }
0x77: {  	_ =	shalt  }
0x78: {  	_ =	shalt  }
0x79: {  	_ =	shalt  }
0x7a: {  	_ =	shalt  }
0x7b: {  	_ =	shalt  }
0x7c: {  	_ =	shalt  }
0x7d: {  	_ =	shalt  }
0x7e: {  	_ =	shalt  }
0x7f: {  	_ =	shalt  }
0x80: {  	_ =	shalt  }
0x81: {  	_ =	shalt  }
0x82: {  	_ =	shalt  }
0x83: {  	_ =	shalt  }
0x84: {  	_ =	shalt  }
0x85: {  	_ =	shalt  }
0x86: {  	_ =	shalt  }
0x87: {  	_ =	shalt  }
.Lfunc_end0:
.L_simem_size_0:
called_computation.3_lowered:
.L_overlay_start_0:
0x88: {  	s2 =	sld [smem:$0x3FD9]  }
0x89: {  	s3 =	sld [smem:$0x3FFE];
	_ =	sdelay $0x1  }
0x8a: {  	s1 =	srdreg.scid  }
0x8b: {  	s0 =	sand.u32 $0x1, s1  }
0x8c: {  	s16 =	sshll.u32 s0, $0xA;
	s2 =	sadd.s32 s3, s2  }
0x8d: {  	s2 =	sadd.s32 s2, s16  }
0x8e: {  	[smem:$0x3FBE] =	sst s2  }
0x8f: {  	_ = 	snop  }
0x90: {  	(tm) =	ssettm $0x1  }
0x91: {  	s17 =	sld [smem:$0x3FFB];
	_ =	sdelay $0x3  }
0x92: {  	_ =	strace s17  }
0x93: {  	s2 =	sld [smem:$0x3FFC];
	_ =	sdelay $0x3  }
0x94: {  	_ =	strace s2  }
0x95: {  	s2 =	sld [smem:$0x3FFD];
	_ =	sdelay $0x3  }
0x96: {  	_ =	strace s2  }
0x97: {  	_ =	strace $0x8FFFFFFF  }
0x98: {  	s18 =	sld [smem:$0x3FDB];
	_ =	sdelay $0x1  }
0x99: {  	s19 =	simm.s32 $_scs_section_size  }
0x9a: {  	s4 =	simm.s32 $_size__tile_overlayer_lowered;
	s5 =	simm.s32 $_tile_overlayer_lowered  }
0x9b: {  	s22 =	simm.s32 $0x1BFF;
	s21 =	sshll.u32 s5, $0x1;
	s2 =	sadd.s32 s19, s18  }
0x9c: {  	s6 =	simm.s32 $0x0;
	s20 =	sshll.u32 s4, $0x1;
	s4 =	sadd.s32 s21, s2  }
0x9d: {  	[timem:s6], [sflag:s22] =	dma.local [hbm:s4], s20  }
0x9e: {  	_ =	swait.ge [sflag:s22], s20  }
0x9f: {  	s3 =	ssub.s32 $0x0, s20;
	[sflag:s22] =	ssyncset.done $0x0  }
0xa0: {  	[sflag:s22] =	ssyncadd.s32 s3;
	_ =	sdelay $0x1  }
0xa1: {  	s23 =	simm.s32 $0x1B8B  }
0xa2: {  	_ =	swait.ge [sflag:s23], $0x1  }
0xa3: {  	[sflag:s23] =	ssyncset.done $0x0  }
0xa4: {  	s25 =	simm.s32 $0x1B8E;
	s24 =	sld [smem:$0x3FFE];
	[sflag:s23] =	ssyncadd.s32 $0xFFFFFFFF  }
0xa5: {  	s26 =	simm.s32 $execute0_lowered;
	[smem:$0x3FD2] =	sst s25  }
0xa6: {  	s4 =	sshll.u32 s26, $0x1;
	_ =	strace $0x8000004F;
	[dreg:$0x1] =	wrdreg $0xFFFFFFFF  }
0xa7: {  	s28 =	simm.s32 $_size_execute0_lowered;
	s2 =	sadd.s32 s2, s4;
	[dreg:$0x0] =	wrdreg $0x0  }
0xa8: {  	s4 =	sshll.u32 s28, $0x1;
	[dreg:$0x2] =	wrdreg s2  }
0xa9: {  	[dreg:$0x3] =	wrdreg s4  }
0xaa: {  	[dreg:$0x4] =	wrdreg $0xC0  }
0xab: {  	_ =	task [dreg:s6], $0x5FFFF  }
0xac: {  	[dreg:$0x1] =	wrdreg $0xFFFFFFFF  }
0xad: {  	[dreg:$0x0] =	wrdreg $0x60  }
0xae: {  	[dreg:$0x2] =	wrdreg s24  }
0xaf: {  	[dreg:$0x3] =	wrdreg $0x9  }
0xb0: {  	_ =	task.clear_ibuf [dreg:s6], $0x4FFFF;
	_ =	strace $0x9000004F  }
0xb1: {  	s29 =	simm.s32 $0x9;
	_ =	strace $0x80000051  }
0xb2: {  	_ =	swait.ge [sflag:s29], $0x1  }
0xb3: {  	[sflag:s29] =	ssyncadd.s32 $0xFFFFFFFF  }
0xb4: {  	_ =	strace $0x90000051  }
0xb5: {  	_ =	sfence  }
0xb6: {  	s30 =	sld [smem:$0x0];
	_ =	sdelay $0x2  }
0xb7: {  	s31 =	sshll.u32 s1, $0xD;
	s1 =	sshrl.u32 s1, $0x2  }
0xb8: {  	s3 =	sand.u32 $0x4000, s31;
	s1 =	sadd.s32 s1, s30  }
0xb9: {  	s0 =	sor.u32 s3, s0;
	s1 =	sshll.u32 s1, $0x11  }
0xba: {  	s0 =	sor.u32 s1, s0  }
0xbb: {  	s0 =	sadd.s32 $0x8F2B, s0  }
0xbc: {  	[sflag:s0] =	ssyncadd.remote.s32 $0x1  }
0xbd: {  	_ =	sfence.sel $0xFFFF  }
0xbe: {  	[dreg:$0x0] =	wrdreg $0xFFFFFFFF;
	(pc) =	sbr.abs _section_cstart, $3  }
0xbf: {  	[dreg:$0x1] =	wrdreg $0xFFFFFFFF  }
0xc0: {  	_ =	task.clear_ibuf [dreg:s6], $0x2FFFF;
	_ =	strace $0x9FFFFFFF  }
0xc1: {  	(tm) =	ssettm $0x7FFFFFFF  }
tec
execute0_lowered:
.L_overlay_start_1:
0x0: {  	(tag) =	ssettag $0x1  }
0x1: {  	s0 =	srdreg.scid  }
0x2: {  	s2 =	stileid.u32;
	s1 =	rddreg [dreg:$0x0];
	s8 =	simm.s32 $0x3  }
0x3: {  	s9 =	simm.s32 $0x1;
	s19 =	simm.s32 $0x2;
	s21 =	simm.s32 $0x880  }
0x4: {  	s22 =	simm.s32 $0x1080;
	s23 =	simm.s32 $0x1880;
	s28 =	simm.s32 $0x3080  }
0x5: {  	s29 =	simm.s32 $0x3880;
	s30 =	simm.s32 $0x4080;
	s31 =	simm.s32 $0x4880  }
0x6: {  	s10 =	simm.s32 $0x6080;
	s11 =	simm.s32 $0x6880;
	s12 =	simm.s32 $0x7080  }
0x7: {  	s13 =	simm.s32 $0x7880;
	s18 =	simm.s32 $0x8080;
	s14 =	simm.s32 $0x8880  }
0x8: {  	s15 =	simm.s32 $0x9080;
	s16 =	simm.s32 $0x9880;
	s0 =	sand.u32 $0x1, s0  }
0x9: {  	s3 =	sshll.u32 s2, $0x8;
	s2 =	simm.s32 $0x0;
	s4 =	sshll.u32 s0, $0x7  }
0xa: {  	s17 =	simm.s32 $0xA080;
	[smem:$0x7FF] =	sst s2;
	s3 =	sor.u32 s4, s3  }
0xb: {  	s0 =	ssub.s32 $0x2, s0;
	_ =	strace $0x80000050;
	s4 =	sshrl.u32 s3, $0x3  }
0xc: {  	s6 =	sshrl.u32 s0, $0x1;
	s5 =	sshll.u32 s3, $0x7;
	s4 =	sadd.s32 s4, s1  }
0xd: {  	s3 =	sadd.s32 $0x1CE600, s1;
	s5 =	sadd.s32 s5, s1;
	s4 =	sadd.s32 $0xE200, s4  }
0xe: {  	s0 =	ssub.s32 s0, s6;
	s24 =	sadd.s32 $0x10E600, s5;
	[dreg:$0x2] =	wrdreg s4  }
0xf: {  	s6 =	sadd.s32 $0x1CE900, s1;
	s25 =	sadd.s32 $0x10F600, s5;
	[dreg:$0x3] =	wrdreg s24  }
0x10: {  	s26 =	sadd.s32 $0x110600, s5;
	s7 =	sadd.s32 $0x111600, s5;
	[dreg:$0x4] =	wrdreg s25  }
0x11: {  	v2 =	vlaneseq.u32;
	s5 =	sadd.s32 $0x1CE800, s1;
	s4 =	sadd.s32 $0x1CE700, s1;
	[dreg:$0x5] =	wrdreg s26  }
0x12: {  	vm0 =	vmmov $0xffff;
	v1 =	vshrl.u32 v2, $0x3;
	[dreg:$0x6] =	wrdreg s7;
	s7 =	smax.u32 s0, $0x1;
	s25 =	simm.s32 $0x80  }
0x13: {  	v0 =	vand.u32 $0x7, v2;
	v2 =	vor.u32 $0x8, v2;
	v1 =	vmul.u32 $0x8, v1;
	s24 =	simm.s32 $0x2080;
	s26 =	simm.s32 $0x2880;
	s1 =	simm.s32 $0x5080  }
.LBB2_1:
0x14: {  	s20 =	rddreg [dreg:$0x2]  }
0x15: {  	[tilespmem:s2], [sflag:$0x3] =	stream.linear.gather [hbm4b:s20+s2], $0x80, $0x38;
	[tilespmem:$0x10080] =	vst v63  }
0x16: {  	_ =	swait.ge [sflag:s8], $0x80  }
0x17: {  	[sflag:s8] =	ssyncset.done $0x0  }
0x18: {  	[sflag:s8] =	ssyncadd.s32 $0xFFFFFF80  }
0x19: {  	v3 =	vld [tilespmem:$0x0];
	_ =	sdelay $0x4  }
0x1a: {  	v4 =	vshll.u32 v3, $0x3  }
0x1b: {  	v3 =	vand.u32 $0x7, v3;
	v4 =	vand.u32 $0xFFFFFFC0, v4  }
0x1c: {  	v3 =	vor.u32 v3, v4  }
0x1d: {  	v4 =	vperm.xlane v3, v0;
	_ =	sdelay $0x1  }
0x1e: {  	v4 =	vadd.s32 v1, v4;
	_ =	sdelay $0x4  }
0x1f: {  	[tilespmem:s25], [sflag:$0x1] =	stream.indirect_vreg.gather [hbm4b:s3+s2], $0x80, v4, vm0, $0xb8;
	[tilespmem:$0x10080] =	vst v63  }
0x20: {  	v3 =	vperm.xlane v3, v2  }
0x21: {  	[tilespmem:s21], [sflag:$0x1] =	stream.indirect_vreg.gather [hbm4b:s4+s2], $0x80, v4, vm0, $0xb8;
	[tilespmem:$0x10080] =	vst v63  }
0x22: {  	v3 =	vadd.s32 v1, v3  }
0x23: {  	[tilespmem:s22], [sflag:$0x1] =	stream.indirect_vreg.gather [hbm4b:s5+s2], $0x80, v4, vm0, $0xb8;
	[tilespmem:$0x10080] =	vst v63  }
0x24: {  	_ = 	snop  }
0x25: {  	[tilespmem:s23], [sflag:$0x1] =	stream.indirect_vreg.gather [hbm4b:s6+s2], $0x80, v4, vm0, $0xb8;
	[tilespmem:$0x10080] =	vst v63  }
0x26: {  	_ = 	snop  }
0x27: {  	[tilespmem:s24], [sflag:$0x1] =	stream.indirect_vreg.gather [hbm4b:s3+s2], $0x80, v3, vm0, $0xb8;
	[tilespmem:$0x10080] =	vst v63  }
0x28: {  	_ = 	snop  }
0x29: {  	[tilespmem:s26], [sflag:$0x1] =	stream.indirect_vreg.gather [hbm4b:s4+s2], $0x80, v3, vm0, $0xb8;
	[tilespmem:$0x10080] =	vst v63  }
0x2a: {  	_ = 	snop  }
0x2b: {  	[tilespmem:s28], [sflag:$0x1] =	stream.indirect_vreg.gather [hbm4b:s5+s2], $0x80, v3, vm0, $0xb8;
	[tilespmem:$0x10080] =	vst v63  }
0x2c: {  	_ = 	snop  }
0x2d: {  	[tilespmem:s29], [sflag:$0x1] =	stream.indirect_vreg.gather [hbm4b:s6+s2], $0x80, v3, vm0, $0xb8;
	[tilespmem:$0x10080] =	vst v63  }
0x2e: {  	v3 =	vld [tilespmem:$0x10];
	_ =	sdelay $0x4  }
0x2f: {  	v57 =	vshll.u32 v3, $0x3  }
0x30: {  	v3 =	vand.u32 $0x7, v3;
	v4 =	vand.u32 $0xFFFFFFC0, v57  }
0x31: {  	v3 =	vor.u32 v3, v4  }
0x32: {  	v4 =	vperm.xlane v3, v0;
	_ =	sdelay $0x1  }
0x33: {  	v4 =	vadd.s32 v1, v4;
	_ =	sdelay $0x4  }
0x34: {  	[tilespmem:s30], [sflag:$0x1] =	stream.indirect_vreg.gather [hbm4b:s3+s2], $0x80, v4, vm0, $0xb8;
	[tilespmem:$0x10080] =	vst v63  }
0x35: {  	v3 =	vperm.xlane v3, v2  }
0x36: {  	[tilespmem:s31], [sflag:$0x1] =	stream.indirect_vreg.gather [hbm4b:s4+s2], $0x80, v4, vm0, $0xb8;
	[tilespmem:$0x10080] =	vst v63  }
0x37: {  	v3 =	vadd.s32 v1, v3  }
0x38: {  	[tilespmem:s1], [sflag:$0x1] =	stream.indirect_vreg.gather [hbm4b:s5+s2], $0x80, v4, vm0, $0xb8;
	[tilespmem:$0x10080] =	vst v63  }
0x39: {  	s0 =	simm.s32 $0x5880  }
0x3a: {  	[tilespmem:s0], [sflag:$0x1] =	stream.indirect_vreg.gather [hbm4b:s6+s2], $0x80, v4, vm0, $0xb8;
	[tilespmem:$0x10080] =	vst v63  }
0x3b: {  	_ = 	snop  }
0x3c: {  	[tilespmem:s10], [sflag:$0x1] =	stream.indirect_vreg.gather [hbm4b:s3+s2], $0x80, v3, vm0, $0xb8;
	[tilespmem:$0x10080] =	vst v63  }
0x3d: {  	_ = 	snop  }
0x3e: {  	[tilespmem:s11], [sflag:$0x1] =	stream.indirect_vreg.gather [hbm4b:s4+s2], $0x80, v3, vm0, $0xb8;
	[tilespmem:$0x10080] =	vst v63  }
0x3f: {  	_ = 	snop  }
0x40: {  	[tilespmem:s12], [sflag:$0x1] =	stream.indirect_vreg.gather [hbm4b:s5+s2], $0x80, v3, vm0, $0xb8;
	[tilespmem:$0x10080] =	vst v63  }
0x41: {  	_ = 	snop  }
0x42: {  	[tilespmem:s13], [sflag:$0x1] =	stream.indirect_vreg.gather [hbm4b:s6+s2], $0x80, v3, vm0, $0xb8;
	[tilespmem:$0x10080] =	vst v63  }
0x43: {  	v3 =	vld [tilespmem:$0x20];
	_ =	sdelay $0x4  }
0x44: {  	v58 =	vshll.u32 v3, $0x3  }
0x45: {  	v3 =	vand.u32 $0x7, v3;
	v4 =	vand.u32 $0xFFFFFFC0, v58  }
0x46: {  	v3 =	vor.u32 v3, v4  }
0x47: {  	v4 =	vperm.xlane v3, v0;
	_ =	sdelay $0x1  }
0x48: {  	v4 =	vadd.s32 v1, v4;
	_ =	sdelay $0x4  }
0x49: {  	[tilespmem:s18], [sflag:$0x2] =	stream.indirect_vreg.gather [hbm4b:s3+s2], $0x80, v4, vm0, $0xb8;
	[tilespmem:$0x10080] =	vst v63  }
0x4a: {  	v3 =	vperm.xlane v3, v2  }
0x4b: {  	[tilespmem:s14], [sflag:$0x2] =	stream.indirect_vreg.gather [hbm4b:s4+s2], $0x80, v4, vm0, $0xb8;
	[tilespmem:$0x10080] =	vst v63  }
0x4c: {  	v3 =	vadd.s32 v1, v3  }
0x4d: {  	[tilespmem:s15], [sflag:$0x2] =	stream.indirect_vreg.gather [hbm4b:s5+s2], $0x80, v4, vm0, $0xb8;
	[tilespmem:$0x10080] =	vst v63  }
0x4e: {  	_ = 	snop  }
0x4f: {  	[tilespmem:s16], [sflag:$0x2] =	stream.indirect_vreg.gather [hbm4b:s6+s2], $0x80, v4, vm0, $0xb8;
	[tilespmem:$0x10080] =	vst v63  }
0x50: {  	_ = 	snop  }
0x51: {  	[tilespmem:s17], [sflag:$0x2] =	stream.indirect_vreg.gather [hbm4b:s3+s2], $0x80, v3, vm0, $0xb8;
	[tilespmem:$0x10080] =	vst v63  }
0x52: {  	s20 =	simm.s32 $0xA880  }
0x53: {  	[tilespmem:s20], [sflag:$0x2] =	stream.indirect_vreg.gather [hbm4b:s4+s2], $0x80, v3, vm0, $0xb8;
	[tilespmem:$0x10080] =	vst v63  }
0x54: {  	s20 =	simm.s32 $0xB080  }
0x55: {  	[tilespmem:s20], [sflag:$0x2] =	stream.indirect_vreg.gather [hbm4b:s5+s2], $0x80, v3, vm0, $0xb8;
	[tilespmem:$0x10080] =	vst v63  }
0x56: {  	s20 =	simm.s32 $0xB880  }
0x57: {  	[tilespmem:s20], [sflag:$0x2] =	stream.indirect_vreg.gather [hbm4b:s6+s2], $0x80, v3, vm0, $0xb8;
	[tilespmem:$0x10080] =	vst v63  }
0x58: {  	v3 =	vld [tilespmem:$0x30];
	_ =	sdelay $0x4  }
0x59: {  	v59 =	vshll.u32 v3, $0x3  }
0x5a: {  	v3 =	vand.u32 $0x7, v3;
	v4 =	vand.u32 $0xFFFFFFC0, v59  }
0x5b: {  	v3 =	vor.u32 v3, v4  }
0x5c: {  	v4 =	vperm.xlane v3, v0;
	_ =	sdelay $0x1  }
0x5d: {  	v4 =	vadd.s32 v1, v4;
	_ =	sdelay $0x3  }
0x5e: {  	s20 =	simm.s32 $0xC080  }
0x5f: {  	[tilespmem:s20], [sflag:$0x2] =	stream.indirect_vreg.gather [hbm4b:s3+s2], $0x80, v4, vm0, $0xb8;
	[tilespmem:$0x10080] =	vst v63  }
0x60: {  	v3 =	vperm.xlane v3, v2;
	s20 =	simm.s32 $0xC880  }
0x61: {  	[tilespmem:s20], [sflag:$0x2] =	stream.indirect_vreg.gather [hbm4b:s4+s2], $0x80, v4, vm0, $0xb8;
	[tilespmem:$0x10080] =	vst v63  }
0x62: {  	v3 =	vadd.s32 v1, v3;
	s20 =	simm.s32 $0xD080  }
0x63: {  	[tilespmem:s20], [sflag:$0x2] =	stream.indirect_vreg.gather [hbm4b:s5+s2], $0x80, v4, vm0, $0xb8;
	[tilespmem:$0x10080] =	vst v63  }
0x64: {  	s20 =	simm.s32 $0xD880  }
0x65: {  	[tilespmem:s20], [sflag:$0x2] =	stream.indirect_vreg.gather [hbm4b:s6+s2], $0x80, v4, vm0, $0xb8;
	[tilespmem:$0x10080] =	vst v63  }
0x66: {  	s20 =	simm.s32 $0xE080  }
0x67: {  	[tilespmem:s20], [sflag:$0x2] =	stream.indirect_vreg.gather [hbm4b:s3+s2], $0x80, v3, vm0, $0xb8;
	[tilespmem:$0x10080] =	vst v63  }
0x68: {  	s20 =	simm.s32 $0xE880  }
0x69: {  	[tilespmem:s20], [sflag:$0x2] =	stream.indirect_vreg.gather [hbm4b:s4+s2], $0x80, v3, vm0, $0xb8;
	[tilespmem:$0x10080] =	vst v63  }
0x6a: {  	s20 =	simm.s32 $0xF080  }
0x6b: {  	[tilespmem:s20], [sflag:$0x2] =	stream.indirect_vreg.gather [hbm4b:s5+s2], $0x80, v3, vm0, $0xb8;
	[tilespmem:$0x10080] =	vst v63  }
0x6c: {  	s20 =	simm.s32 $0xF880  }
0x6d: {  	[tilespmem:s20], [sflag:$0x2] =	stream.indirect_vreg.gather [hbm4b:s6+s2], $0x80, v3, vm0, $0xb8;
	[tilespmem:$0x10080] =	vst v63  }
0x6e: {  	_ =	swait.ge [sflag:s9], $0x8000  }
0x6f: {  	[sflag:s9] =	ssyncset.done $0x0  }
0x70: {  	s20 =	rddreg [dreg:$0x3];
	[sflag:s9] =	ssyncadd.s32 $0xFFFF8000  }
0x71: {  	[hbm4b:s20+s2] =	stream.linear.scatter [tilespmem:s25], [sflag:$0x3], $0x8000, $0x38;
	[tilespmem:$0x10080] =	vst v63  }
0x72: {  	_ =	swait.ge [sflag:s8], $0x8000  }
0x73: {  	[sflag:s8] =	ssyncset.done $0x0  }
0x74: {  	[sflag:s8] =	ssyncadd.s32 $0xFFFF8000  }
0x75: {  	v3 =	vld [tilespmem:$0x40];
	_ =	sdelay $0x4  }
0x76: {  	v60 =	vshll.u32 v3, $0x3  }
0x77: {  	v3 =	vand.u32 $0x7, v3;
	v4 =	vand.u32 $0xFFFFFFC0, v60  }
0x78: {  	v3 =	vor.u32 v3, v4  }
0x79: {  	v4 =	vperm.xlane v3, v0;
	_ =	sdelay $0x1  }
0x7a: {  	v4 =	vadd.s32 v1, v4;
	_ =	sdelay $0x4  }
0x7b: {  	[tilespmem:s25], [sflag:$0x1] =	stream.indirect_vreg.gather [hbm4b:s3+s2], $0x80, v4, vm0, $0xb8;
	[tilespmem:$0x10080] =	vst v63  }
0x7c: {  	v3 =	vperm.xlane v3, v2  }
0x7d: {  	[tilespmem:s21], [sflag:$0x1] =	stream.indirect_vreg.gather [hbm4b:s4+s2], $0x80, v4, vm0, $0xb8;
	[tilespmem:$0x10080] =	vst v63  }
0x7e: {  	v3 =	vadd.s32 v1, v3  }
0x7f: {  	[tilespmem:s22], [sflag:$0x1] =	stream.indirect_vreg.gather [hbm4b:s5+s2], $0x80, v4, vm0, $0xb8;
	[tilespmem:$0x10080] =	vst v63  }
0x80: {  	_ = 	snop  }
0x81: {  	[tilespmem:s23], [sflag:$0x1] =	stream.indirect_vreg.gather [hbm4b:s6+s2], $0x80, v4, vm0, $0xb8;
	[tilespmem:$0x10080] =	vst v63  }
0x82: {  	_ = 	snop  }
0x83: {  	[tilespmem:s24], [sflag:$0x1] =	stream.indirect_vreg.gather [hbm4b:s3+s2], $0x80, v3, vm0, $0xb8;
	[tilespmem:$0x10080] =	vst v63  }
0x84: {  	_ = 	snop  }
0x85: {  	[tilespmem:s26], [sflag:$0x1] =	stream.indirect_vreg.gather [hbm4b:s4+s2], $0x80, v3, vm0, $0xb8;
	[tilespmem:$0x10080] =	vst v63  }
0x86: {  	_ = 	snop  }
0x87: {  	[tilespmem:s28], [sflag:$0x1] =	stream.indirect_vreg.gather [hbm4b:s5+s2], $0x80, v3, vm0, $0xb8;
	[tilespmem:$0x10080] =	vst v63  }
0x88: {  	_ = 	snop  }
0x89: {  	[tilespmem:s29], [sflag:$0x1] =	stream.indirect_vreg.gather [hbm4b:s6+s2], $0x80, v3, vm0, $0xb8;
	[tilespmem:$0x10080] =	vst v63  }
0x8a: {  	v3 =	vld [tilespmem:$0x50];
	_ =	sdelay $0x4  }
0x8b: {  	v61 =	vshll.u32 v3, $0x3  }
0x8c: {  	v3 =	vand.u32 $0x7, v3;
	v4 =	vand.u32 $0xFFFFFFC0, v61  }
0x8d: {  	v3 =	vor.u32 v3, v4  }
0x8e: {  	v4 =	vperm.xlane v3, v0;
	_ =	sdelay $0x1  }
0x8f: {  	v4 =	vadd.s32 v1, v4;
	_ =	sdelay $0x4  }
0x90: {  	[tilespmem:s30], [sflag:$0x1] =	stream.indirect_vreg.gather [hbm4b:s3+s2], $0x80, v4, vm0, $0xb8;
	[tilespmem:$0x10080] =	vst v63  }
0x91: {  	v3 =	vperm.xlane v3, v2  }
0x92: {  	[tilespmem:s31], [sflag:$0x1] =	stream.indirect_vreg.gather [hbm4b:s4+s2], $0x80, v4, vm0, $0xb8;
	[tilespmem:$0x10080] =	vst v63  }
0x93: {  	v3 =	vadd.s32 v1, v3  }
0x94: {  	[tilespmem:s1], [sflag:$0x1] =	stream.indirect_vreg.gather [hbm4b:s5+s2], $0x80, v4, vm0, $0xb8;
	[tilespmem:$0x10080] =	vst v63  }
0x95: {  	_ = 	snop  }
0x96: {  	[tilespmem:s0], [sflag:$0x1] =	stream.indirect_vreg.gather [hbm4b:s6+s2], $0x80, v4, vm0, $0xb8;
	[tilespmem:$0x10080] =	vst v63  }
0x97: {  	_ = 	snop  }
0x98: {  	[tilespmem:s10], [sflag:$0x1] =	stream.indirect_vreg.gather [hbm4b:s3+s2], $0x80, v3, vm0, $0xb8;
	[tilespmem:$0x10080] =	vst v63  }
0x99: {  	_ = 	snop  }
0x9a: {  	[tilespmem:s11], [sflag:$0x1] =	stream.indirect_vreg.gather [hbm4b:s4+s2], $0x80, v3, vm0, $0xb8;
	[tilespmem:$0x10080] =	vst v63  }
0x9b: {  	_ = 	snop  }
0x9c: {  	[tilespmem:s12], [sflag:$0x1] =	stream.indirect_vreg.gather [hbm4b:s5+s2], $0x80, v3, vm0, $0xb8;
	[tilespmem:$0x10080] =	vst v63  }
0x9d: {  	_ = 	snop  }
0x9e: {  	[tilespmem:s13], [sflag:$0x1] =	stream.indirect_vreg.gather [hbm4b:s6+s2], $0x80, v3, vm0, $0xb8;
	[tilespmem:$0x10080] =	vst v63  }
0x9f: {  	_ =	swait.ge [sflag:s19], $0x8000  }
0xa0: {  	[sflag:s19] =	ssyncset.done $0x0  }
0xa1: {  	s0 =	rddreg [dreg:$0x4];
	[sflag:s19] =	ssyncadd.s32 $0xFFFF8000  }
0xa2: {  	[hbm4b:s0+s2] =	stream.linear.scatter [tilespmem:s18], [sflag:$0x3], $0x8000, $0x38;
	[tilespmem:$0x10080] =	vst v63  }
0xa3: {  	_ =	swait.ge [sflag:s8], $0x8000  }
0xa4: {  	[sflag:s8] =	ssyncset.done $0x0  }
0xa5: {  	[sflag:s8] =	ssyncadd.s32 $0xFFFF8000  }
0xa6: {  	v3 =	vld [tilespmem:$0x60];
	_ =	sdelay $0x4  }
0xa7: {  	v62 =	vshll.u32 v3, $0x3  }
0xa8: {  	v3 =	vand.u32 $0x7, v3;
	v4 =	vand.u32 $0xFFFFFFC0, v62  }
0xa9: {  	v3 =	vor.u32 v3, v4  }
0xaa: {  	v4 =	vperm.xlane v3, v0;
	_ =	sdelay $0x1  }
0xab: {  	v4 =	vadd.s32 v1, v4;
	_ =	sdelay $0x4  }
0xac: {  	[tilespmem:s18], [sflag:$0x2] =	stream.indirect_vreg.gather [hbm4b:s3+s2], $0x80, v4, vm0, $0xb8;
	[tilespmem:$0x10080] =	vst v63  }
0xad: {  	v3 =	vperm.xlane v3, v2  }
0xae: {  	[tilespmem:s14], [sflag:$0x2] =	stream.indirect_vreg.gather [hbm4b:s4+s2], $0x80, v4, vm0, $0xb8;
	[tilespmem:$0x10080] =	vst v63  }
0xaf: {  	v3 =	vadd.s32 v1, v3  }
0xb0: {  	[tilespmem:s15], [sflag:$0x2] =	stream.indirect_vreg.gather [hbm4b:s5+s2], $0x80, v4, vm0, $0xb8;
	[tilespmem:$0x10080] =	vst v63  }
0xb1: {  	_ = 	snop  }
0xb2: {  	[tilespmem:s16], [sflag:$0x2] =	stream.indirect_vreg.gather [hbm4b:s6+s2], $0x80, v4, vm0, $0xb8;
	[tilespmem:$0x10080] =	vst v63  }
0xb3: {  	_ = 	snop  }
0xb4: {  	[tilespmem:s17], [sflag:$0x2] =	stream.indirect_vreg.gather [hbm4b:s3+s2], $0x80, v3, vm0, $0xb8;
	[tilespmem:$0x10080] =	vst v63  }
0xb5: {  	s20 =	simm.s32 $0xA880  }
0xb6: {  	[tilespmem:s20], [sflag:$0x2] =	stream.indirect_vreg.gather [hbm4b:s4+s2], $0x80, v3, vm0, $0xb8;
	[tilespmem:$0x10080] =	vst v63  }
0xb7: {  	s20 =	simm.s32 $0xB080  }
0xb8: {  	[tilespmem:s20], [sflag:$0x2] =	stream.indirect_vreg.gather [hbm4b:s5+s2], $0x80, v3, vm0, $0xb8;
	[tilespmem:$0x10080] =	vst v63  }
0xb9: {  	s20 =	simm.s32 $0xB880  }
0xba: {  	[tilespmem:s20], [sflag:$0x2] =	stream.indirect_vreg.gather [hbm4b:s6+s2], $0x80, v3, vm0, $0xb8;
	[tilespmem:$0x10080] =	vst v63  }
0xbb: {  	v3 =	vld [tilespmem:$0x70];
	_ =	sdelay $0x4  }
0xbc: {  	v63 =	vshll.u32 v3, $0x3  }
0xbd: {  	v3 =	vand.u32 $0x7, v3;
	v4 =	vand.u32 $0xFFFFFFC0, v63  }
0xbe: {  	v3 =	vor.u32 v3, v4  }
0xbf: {  	v4 =	vperm.xlane v3, v0;
	_ =	sdelay $0x1  }
0xc0: {  	v4 =	vadd.s32 v1, v4;
	_ =	sdelay $0x3  }
0xc1: {  	s20 =	simm.s32 $0xC080  }
0xc2: {  	[tilespmem:s20], [sflag:$0x2] =	stream.indirect_vreg.gather [hbm4b:s3+s2], $0x80, v4, vm0, $0xb8;
	[tilespmem:$0x10080] =	vst v63  }
0xc3: {  	v3 =	vperm.xlane v3, v2;
	s20 =	simm.s32 $0xC880  }
0xc4: {  	[tilespmem:s20], [sflag:$0x2] =	stream.indirect_vreg.gather [hbm4b:s4+s2], $0x80, v4, vm0, $0xb8;
	[tilespmem:$0x10080] =	vst v63  }
0xc5: {  	v3 =	vadd.s32 v1, v3;
	s20 =	simm.s32 $0xD080  }
0xc6: {  	[tilespmem:s20], [sflag:$0x2] =	stream.indirect_vreg.gather [hbm4b:s5+s2], $0x80, v4, vm0, $0xb8;
	[tilespmem:$0x10080] =	vst v63  }
0xc7: {  	s20 =	simm.s32 $0xD880  }
0xc8: {  	[tilespmem:s20], [sflag:$0x2] =	stream.indirect_vreg.gather [hbm4b:s6+s2], $0x80, v4, vm0, $0xb8;
	[tilespmem:$0x10080] =	vst v63  }
0xc9: {  	s20 =	simm.s32 $0xE080  }
0xca: {  	[tilespmem:s20], [sflag:$0x2] =	stream.indirect_vreg.gather [hbm4b:s3+s2], $0x80, v3, vm0, $0xb8;
	[tilespmem:$0x10080] =	vst v63  }
0xcb: {  	s20 =	simm.s32 $0xE880  }
0xcc: {  	[tilespmem:s20], [sflag:$0x2] =	stream.indirect_vreg.gather [hbm4b:s4+s2], $0x80, v3, vm0, $0xb8;
	[tilespmem:$0x10080] =	vst v63  }
0xcd: {  	s20 =	simm.s32 $0xF080  }
0xce: {  	[tilespmem:s20], [sflag:$0x2] =	stream.indirect_vreg.gather [hbm4b:s5+s2], $0x80, v3, vm0, $0xb8;
	[tilespmem:$0x10080] =	vst v63  }
0xcf: {  	s20 =	simm.s32 $0xF880  }
0xd0: {  	[tilespmem:s20], [sflag:$0x2] =	stream.indirect_vreg.gather [hbm4b:s6+s2], $0x80, v3, vm0, $0xb8;
	[tilespmem:$0x10080] =	vst v63  }
0xd1: {  	_ =	swait.ge [sflag:s9], $0x8000  }
0xd2: {  	[sflag:s9] =	ssyncset.done $0x0  }
0xd3: {  	s0 =	rddreg [dreg:$0x5];
	[sflag:s9] =	ssyncadd.s32 $0xFFFF8000  }
0xd4: {  	[hbm4b:s0+s2] =	stream.linear.scatter [tilespmem:s25], [sflag:$0x3], $0x8000, $0x38;
	[tilespmem:$0x10080] =	vst v63  }
0xd5: {  	_ =	swait.ge [sflag:s8], $0x8000  }
0xd6: {  	[sflag:s8] =	ssyncset.done $0x0  }
0xd7: {  	[sflag:s8] =	ssyncadd.s32 $0xFFFF8000  }
0xd8: {  	_ =	swait.ge [sflag:s19], $0x8000  }
0xd9: {  	p0 =	sne.s32 s7, $0x1;
	[sflag:s19] =	ssyncset.done $0x0  }
.Ltmp0:
0xda: {  	s0 =	rddreg [dreg:$0x6];
	[sflag:s19] =	ssyncadd.s32 $0xFFFF8000;
	(pc) =	sbr.rel @p0 .LBB2_1-.Ltmp0, $4  }
0xdb: {  	[hbm4b:s0+s2] =	stream.linear.scatter [tilespmem:s18], [sflag:$0x3], $0x8000, $0x38;
	[tilespmem:$0x10080] =	vst v63  }
0xdc: {  	_ =	swait.ge [sflag:s8], $0x8000  }
0xdd: {  	[sflag:s8] =	ssyncset.done $0x0  }
0xde: {  	s7 =	sadd.s32 $0xFFFFFFFF, s7;
	[sflag:s8] =	ssyncadd.s32 $0xFFFF8000  }
0xdf: {  	_ =	sfence.sel $0x180000  }
0xe0: {  	[bflag:$0x0] =	sbarrier.arrive $0xFFFF  }
0xe1: {  	_ =	strace $0x90000050  }
0xe2: {  	s0 =	stileid.u32;
	[bflag:$0x2] =	sbarrier.arrive $0xFFFF  }
0xe3: {  	p0 =	sne.s32 s0, $0x0;
	s0 =	rddreg [dreg:$0x1]  }
0xe4: {  	s0 =	sadd.s32 @!p0 $0x100000, s0  }
0xe5: {  	[sflag:s0] =	ssyncadd.tile.s32 @!p0 $0x1;
	_ =	shalt  }
.Lfunc_end2:
_tile_overlayer_lowered:
.L_overlay_start_2:
0xe6: {  	(tag) =	ssettag $0x2  }
0xe7: {  	s0 =	rddreg [dreg:$0x0];
	s2 =	stileid.u32  }
0xe8: {  	s1 =	rddreg [dreg:$0x1];
	p0 =	sne.s32 s2, $0x0  }
0xe9: {  	s3 =	rddreg [dreg:$0x2];
	[bflag:$0x3] =	sbarrier.arrive $0xFFFF;
	s2 =	simm.s32 @!p0 $0x1C03  }
0xea: {  	[timem:s3], [sflag:s2] =	dma.local @!p0 [hbm:s0], s1  }
0xeb: {  	s0 =	simm.s32 @!p0 $0x3  }
0xec: {  	_ =	swait.ge @!p0 [sflag:s0], s1  }
0xed: {  	s1 =	ssub.s32 @!p0 $0x0, s1;
	[sflag:s0] =	ssyncset.done @!p0 $0x0  }
0xee: {  	[sflag:s0] =	ssyncadd.s32 @!p0 s1  }
0xef: {  	[bflag:$0x3] =	sbarrier.arrive $0xFFFF  }
0xf0: {  	_ =	shalt  }

</sc_bundles>
